<compile_context>
chip_gen: v7x
topology: tpu7x:2x2x1
jax: 0.10.2.dev20260603
libtpu: 0.0.44.dev20260713+nightly
codegen_flags: <defaults>
</compile_context>

<pallas_src>
import functools

import jax
import jax.numpy as jnp
from jax import lax
from jax.experimental import pallas as pl
from jax.experimental.pallas import tpu as pltpu
from jax.experimental.pallas import tpu_sc as plsc

_NUM_CORES = 2
_NUM_SUBCORES = 16
_NUM_WORKERS = _NUM_CORES * _NUM_SUBCORES
_L = 16

_V = 100000
_D = 64
_B = 4096
_RANGE = 640
_NBUCK = (_V + _RANGE - 1) // _RANGE
_NPASS = -(-_NBUCK // _NUM_WORKERS)
_WS_LAST = 782 * 128 - _RANGE
_MAGIC = 52429
_PAD_N = 1 << 17
_FLUSH = 32
_ICHUNK = 2048


def _splat_lane(vec, r):
    return lax.gather(
        vec,
        jnp.full((_L, 1), r, jnp.int32),
        dimension_numbers=lax.GatherDimensionNumbers(
            offset_dims=(), collapsed_slice_dims=(0,), start_index_map=(0,)),
        slice_sizes=(1,),
        mode=lax.GatherScatterMode.PROMISE_IN_BOUNDS)


def _bucket_of(v):
    return lax.shift_right_logical(
        lax.shift_right_logical(v, 7) * _MAGIC, 18)


def _impl(dataT, idx):
    mesh = plsc.VectorSubcoreMesh(core_axis_name="c", subcore_axis_name="s")

    @functools.partial(
        pl.kernel,
        mesh=mesh,
        out_type=jax.ShapeDtypeStruct((_B, 2 * _D), jnp.float32),
        scratch_types=[
            pltpu.VMEM((_ICHUNK,), jnp.int32),
            pltpu.VMEM((_ICHUNK,), jnp.int32),
            pltpu.VMEM((_B + _L,), jnp.int32),
            pltpu.VMEM((_B + _L,), jnp.int32),
            pltpu.VMEM((_B + _FLUSH,), jnp.int32),
            pltpu.VMEM((_B + _FLUSH,), jnp.int32),
            pltpu.VMEM((_D, _RANGE), jnp.float32),
            pltpu.VMEM((_D, _RANGE), jnp.float32),
            pltpu.VMEM((_FLUSH, 2 * _D), jnp.float32),
            pltpu.VMEM((_FLUSH, 2 * _D), jnp.float32),
            pltpu.VMEM((_B // _FLUSH + _NPASS + 1, _FLUSH), jnp.int32),
            pltpu.SemaphoreType.DMA,
            pltpu.SemaphoreType.DMA,
            pltpu.SemaphoreType.DMA,
            pltpu.SemaphoreType.DMA,
            pltpu.SemaphoreType.DMA,
        ],
        compiler_params=pltpu.CompilerParams(needs_layout_passes=False),
    )
    def k(tab_hbm, idx_hbm, scr_hbm, idxc0, idxc1, nA, jA, nB, jB, win0,
          win1, src_v, src2_v, jrow_v, sem, sem2, wsem0, wsem1, isem):
        wid = lax.axis_index("s") * _NUM_CORES + lax.axis_index("c")
        iota = lax.iota(jnp.int32, _L)
        wins = (win0, win1)
        wsems = (wsem0, wsem1)
        idxcs = (idxc0, idxc1)

        def wstart(p):
            lo = (wid + p * _NUM_WORKERS) * _RANGE
            ws = pl.multiple_of(jnp.minimum(lo, _WS_LAST), 128)
            return pltpu.async_copy(
                tab_hbm.at[:, pl.ds(ws, _RANGE)], wins[p % 2], wsems[p % 2])

        wcp = {0: wstart(0)}

        icps = [
            pltpu.async_copy(
                idx_hbm.at[pl.ds(c * _ICHUNK, _ICHUNK)], idxcs[c], isem)
            for c in range(_B // _ICHUNK)
        ]
        cntA = jnp.int32(0)
        for c in range(_B // _ICHUNK):
            icps[c].wait()
            idxc_v = idxcs[c]

            def scan_body(g, cnt, c=c, idxc_v=idxc_v):
                cnt0 = cnt
                for u in range(2):
                    gg = g * 2 + u
                    v = idxc_v[pl.ds(gg * _L, _L)]
                    jv = c * _ICHUNK + gg * _L + iota
                    m = (_bucket_of(v) & (_NUM_WORKERS - 1)) == wid
                    plsc.store_compressed(nA.at[pl.ds(cnt0, _L)], v, mask=m)
                    plsc.store_compressed(jA.at[pl.ds(cnt0, _L)], jv, mask=m)
                    cnt0 = cnt0 + jnp.sum(m.astype(jnp.int32))
                return cnt0

            cntA = lax.fori_loop(0, _ICHUNK // _L // 2, scan_body, cntA)
        nA[pl.ds(cntA, _L)] = jnp.full((_L,), _PAD_N, jnp.int32)

        scp_prev = None
        for p in range(_NPASS):
            if p + 1 < _NPASS:
                wcp[p + 1] = wstart(p + 1)

            lo = (wid + p * _NUM_WORKERS) * _RANGE
            ws = jnp.minimum(lo, _WS_LAST)
            win = wins[p % 2]

            def sel_body(g, cnt, p=p):
                v = nA[pl.ds(g * _L, _L)]
                jv = jA[pl.ds(g * _L, _L)]
                m = lax.shift_right_logical(_bucket_of(v), 5) == p
                plsc.store_compressed(nB.at[pl.ds(cnt, _L)], v, mask=m)
                plsc.store_compressed(jB.at[pl.ds(cnt, _L)], jv, mask=m)
                return cnt + jnp.sum(m.astype(jnp.int32))

            ngrp = (cntA + _L) // _L
            cnt = lax.fori_loop(0, ngrp, sel_body, jnp.int32(0))

            for t in range(_FLUSH // _L):
                jB[pl.ds(cnt + t * _L, _L)] = jnp.full((_L,), -1, jnp.int32)
                nB[pl.ds(cnt + t * _L, _L)] = jnp.broadcast_to(ws, (_L,))

            wcp[p].wait()
            if scp_prev is not None:
                scp_prev.wait()

            def ext_row(r, carry, win=win, ws=ws, dst=src_v, base=0):
                i = base + r
                grp = lax.shift_left(lax.shift_right_logical(i, 4), 4)
                nsegv = nB[pl.ds(grp, _L)] - ws
                nn = lax.gather(
                    nsegv,
                    jnp.broadcast_to(
                        lax.bitwise_and(i, _L - 1), (_L, 1)),
                    dimension_numbers=lax.GatherDimensionNumbers(
                        offset_dims=(), collapsed_slice_dims=(0,),
                        start_index_map=(0,)),
                    slice_sizes=(1,),
                    mode=lax.GatherScatterMode.PROMISE_IN_BOUNDS)
                for kk in range(_D // _L):
                    dst[r, pl.ds(kk * _L, _L)] = plsc.load_gather(
                        win, [iota + kk * _L, nn])
                return carry

            for t in range(_FLUSH // _L):
                jrow_v[p, pl.ds(t * _L, _L)] = jB[pl.ds(t * _L, _L)]
            lax.fori_loop(0, _FLUSH, functools.partial(ext_row), jnp.int32(0))
            scp_prev = pltpu.async_copy(
                src_v,
                scr_hbm.at[plsc.Indices(jrow_v.at[p], ignored_value=-1)],
                sem)

            def over_body(f, carry, p=p, win=win, ws=ws):
                for t in range(_FLUSH // _L):
                    jrow_v[_NPASS + f - 1, pl.ds(t * _L, _L)] = (
                        jB[pl.ds(f * _FLUSH + t * _L, _L)])
                lax.fori_loop(
                    0, _FLUSH,
                    functools.partial(ext_row, win=win, ws=ws, dst=src2_v,
                                      base=f * _FLUSH),
                    jnp.int32(0))
                pltpu.async_copy(
                    src2_v,
                    scr_hbm.at[
                        plsc.Indices(jrow_v.at[_NPASS + f - 1],
                                     ignored_value=-1)],
                    sem2).wait()
                return carry

            nflush = (cnt + _FLUSH - 1) // _FLUSH
            lax.fori_loop(1, nflush, over_body, jnp.int32(0))

        scp_prev.wait()

    return k(dataT, idx)


def kernel(data, channelindex):
    dataT = data.T
    idx = channelindex.astype(jnp.int32)
    scr = _impl(dataT, idx)
    return scr[:, :_D]

# --- scband reference (transcript-rebuilt; emitter-appended) ---
"""Pipeline reference for scband-static-array-spectrum-94489281424 (READ-ONLY COPY).

The authoritative reference and input builder live on the scoring server;
editing this copy changes nothing except your own understanding.
"""

import jax, jax.numpy as jnp
import numpy as np


def setup_inputs(seed: int = 0) -> dict:
    key = jax.random.key(seed)
    k1, k2 = jax.random.split(key)
    data = jax.random.normal(k1, (100000, 64), dtype=jnp.float32)
    channelindex = jax.random.randint(k2, (4096,), 0, 100000, dtype=jnp.int64)
    return {"data": data, "channelindex": channelindex}


def reference(data, channelindex):
    # StaticArraySpectrum.__call__: return self.data[self.channelindex]
    return jnp.take(data, channelindex, axis=0)

if __name__ == "__main__":
    import jax
    _d = setup_inputs()
    print(jax.jit(kernel)(*tuple(_d.values())))

</pallas_src>

<mosaic_0001>
#map = affine_map<(d0, d1) -> (0, 0)>
#map1 = affine_map<(d0, d1) -> (0)>
module attributes {stable_mosaic.version = 14 : i64} {
  func.func @k(%arg0: i32, %arg1: i32, %arg2: memref<64x100000xf32, #tpu.memory_space<hbm>>, %arg3: memref<4096xi32, #tpu.memory_space<hbm>>, %arg4: memref<4096x128xf32, #tpu.memory_space<hbm>>, %arg5: memref<2048xi32, #tpu.memory_space<vmem>>, %arg6: memref<2048xi32, #tpu.memory_space<vmem>>, %arg7: memref<4112xi32, #tpu.memory_space<vmem>>, %arg8: memref<4112xi32, #tpu.memory_space<vmem>>, %arg9: memref<4128xi32, #tpu.memory_space<vmem>>, %arg10: memref<4128xi32, #tpu.memory_space<vmem>>, %arg11: memref<64x640xf32, #tpu.memory_space<vmem>>, %arg12: memref<64x640xf32, #tpu.memory_space<vmem>>, %arg13: memref<32x128xf32, #tpu.memory_space<vmem>>, %arg14: memref<32x128xf32, #tpu.memory_space<vmem>>, %arg15: memref<134x32xi32, #tpu.memory_space<vmem>>, %arg16: memref<!tpu.dma_semaphore, #tpu.memory_space<semaphore_mem>>, %arg17: memref<!tpu.dma_semaphore, #tpu.memory_space<semaphore_mem>>, %arg18: memref<!tpu.dma_semaphore, #tpu.memory_space<semaphore_mem>>, %arg19: memref<!tpu.dma_semaphore, #tpu.memory_space<semaphore_mem>>, %arg20: memref<!tpu.dma_semaphore, #tpu.memory_space<semaphore_mem>>) attributes {dimension_semantics = [#tpu.dimension_semantics<core_parallel>, #tpu.dimension_semantics<subcore_parallel>], iteration_bounds = array<i64: 2, 16>, scalar_prefetch = 0 : i64, scratch_operands = 16 : i64, tpu.core_type = #tpu.core_type<sc_vector_subcore>, window_params = [{transform_indices = #map}, {transform_indices = #map1}, {transform_indices = #map}]} {
    %mul3A = arith.constant 2 : i32
    %mul3A_0 = arith.muli %arg1, %mul3A : i32
    %add3A = arith.addi %mul3A_0, %arg0 : i32
    %iota3A = tpu.iota {dimensions = array<i32: 0>} : vector<16xi32>
    %add3A_1 = arith.constant 0 : i32
    %add3A_2 = arith.addi %add3A, %add3A_1 : i32
    %mul3A_3 = arith.constant 640 : i32
    %mul3A_4 = arith.muli %add3A_2, %mul3A_3 : i32
    %min3A = arith.constant 99456 : i32
    %min3A_5 = arith.minsi %mul3A_4, %min3A : i32
    %multiple_of3A = tpu.assume_multiple %min3A_5, 128 : i32
    %dma_start3A = arith.constant 0 : i32
    %dma_start3A_6 = tpu.memref_slice %arg2[%dma_start3A, %multiple_of3A] : memref<64x100000xf32, #tpu.memory_space<hbm>> -> memref<64x640xf32, #tpu.memory_space<hbm>>
    %dma_start3A_7 = arith.constant 0 : i32
    %dma_start3A_8 = tpu.memref_slice %arg2[%dma_start3A_7, %multiple_of3A] : memref<64x100000xf32, #tpu.memory_space<hbm>> -> memref<64x640xf32, #tpu.memory_space<hbm>>
    tpu.enqueue_dma source(%dma_start3A_8 : memref<64x640xf32, #tpu.memory_space<hbm>>) target(%arg11 : memref<64x640xf32, #tpu.memory_space<vmem>>) target_semaphore(%arg18 : memref<!tpu.dma_semaphore, #tpu.memory_space<semaphore_mem>>)
    %dma_start3A_9 = arith.constant 0 : i32
    %dma_start3A_10 = tpu.memref_slice %arg3[%dma_start3A_9] : memref<4096xi32, #tpu.memory_space<hbm>> -> memref<2048xi32, #tpu.memory_space<hbm>>
    %dma_start3A_11 = arith.constant 0 : i32
    %dma_start3A_12 = tpu.memref_slice %arg3[%dma_start3A_11] : memref<4096xi32, #tpu.memory_space<hbm>> -> memref<2048xi32, #tpu.memory_space<hbm>>
    tpu.enqueue_dma source(%dma_start3A_12 : memref<2048xi32, #tpu.memory_space<hbm>>) target(%arg5 : memref<2048xi32, #tpu.memory_space<vmem>>) target_semaphore(%arg20 : memref<!tpu.dma_semaphore, #tpu.memory_space<semaphore_mem>>)
    %dma_start3A_13 = arith.constant 2048 : i32
    %dma_start3A_14 = tpu.memref_slice %arg3[%dma_start3A_13] : memref<4096xi32, #tpu.memory_space<hbm>> -> memref<2048xi32, #tpu.memory_space<hbm>>
    %dma_start3A_15 = arith.constant 2048 : i32
    %dma_start3A_16 = tpu.memref_slice %arg3[%dma_start3A_15] : memref<4096xi32, #tpu.memory_space<hbm>> -> memref<2048xi32, #tpu.memory_space<hbm>>
    tpu.enqueue_dma source(%dma_start3A_16 : memref<2048xi32, #tpu.memory_space<hbm>>) target(%arg6 : memref<2048xi32, #tpu.memory_space<vmem>>) target_semaphore(%arg20 : memref<!tpu.dma_semaphore, #tpu.memory_space<semaphore_mem>>)
    %dma_wait3A = arith.constant 0 : i32
    %dma_wait3A_17 = tpu.memref_slice %arg3[%dma_wait3A] : memref<4096xi32, #tpu.memory_space<hbm>> -> memref<2048xi32, #tpu.memory_space<hbm>>
    %dma_wait3A_18 = arith.constant 0 : i32
    %dma_wait3A_19 = tpu.memref_slice %arg3[%dma_wait3A_18] : memref<4096xi32, #tpu.memory_space<hbm>> -> memref<2048xi32, #tpu.memory_space<hbm>>
    tpu.wait_dma2 semaphore(%arg20 : memref<!tpu.dma_semaphore, #tpu.memory_space<semaphore_mem>>) src(%dma_wait3A_19 : memref<2048xi32, #tpu.memory_space<hbm>>) dst(%arg5 : memref<2048xi32, #tpu.memory_space<vmem>>)
    %scan3A = arith.constant 0 : i32
    %scan3A_20 = arith.constant 0 : i32
    %scan3A_21 = arith.constant 64 : i32
    %scan3A_22 = arith.addi %scan3A_20, %scan3A_21 : i32
    %scan3A_23 = arith.constant 1 : i32
    %scan3A_24 = scf.for %scan3A_777 = %scan3A_20 to %scan3A_22 step %scan3A_23 iter_args(%scan3A_778 = %scan3A) -> (i32)  : i32 {
      %mul3A_779 = arith.constant 2 : i32
      %mul3A_780 = arith.muli %scan3A_777, %mul3A_779 : i32
      %add3A_781 = arith.constant 0 : i32
      %add3A_782 = arith.addi %mul3A_780, %add3A_781 : i32
      %mul3A_783 = arith.constant 16 : i32
      %mul3A_784 = arith.muli %add3A_782, %mul3A_783 : i32
      %get3A_785 = arith.index_cast %mul3A_784 : i32 to index
      %get3A_786 = tpu.vector_load %arg5[%get3A_785] {strides = array<i32>} : memref<2048xi32, #tpu.memory_space<vmem>>, vector<16xi32>,
      %mul3A_787 = arith.constant 16 : i32
      %mul3A_788 = arith.muli %add3A_782, %mul3A_787 : i32
      %add3A_789 = arith.constant 0 : i32
      %add3A_790 = arith.addi %add3A_789, %mul3A_788 : i32
      %add3A_791 = vector.broadcast %add3A_790 : i32 to vector<16xi32>
      %add3A_792 = arith.addi %add3A_791, %iota3A : vector<16xi32>
      %shift_right_logical3A = arith.constant 7 : i32
      %shift_right_logical3A_793 = vector.broadcast %shift_right_logical3A : i32 to vector<16xi32>
      %shift_right_logical3A_794 = arith.shrui %get3A_786, %shift_right_logical3A_793 : vector<16xi32>
      %mul3A_795 = arith.constant 52429 : i32
      %mul3A_796 = vector.broadcast %mul3A_795 : i32 to vector<16xi32>
      %mul3A_797 = arith.muli %shift_right_logical3A_794, %mul3A_796 : vector<16xi32>
      %shift_right_logical3A_798 = arith.constant 18 : i32
      %shift_right_logical3A_799 = vector.broadcast %shift_right_logical3A_798 : i32 to vector<16xi32>
      %shift_right_logical3A_800 = arith.shrui %mul3A_797, %shift_right_logical3A_799 : vector<16xi32>
      %and3A_801 = arith.constant 31 : i32
      %and3A_802 = vector.broadcast %and3A_801 : i32 to vector<16xi32>
      %and3A_803 = arith.andi %shift_right_logical3A_800, %and3A_802 : vector<16xi32>
      %eq3A = vector.broadcast %add3A : i32 to vector<16xi32>
      %eq3A_804 = arith.cmpi eq, %and3A_803, %eq3A : vector<16xi32>
      %swap3A_805 = arith.index_cast %scan3A_778 : i32 to index
      %swap3A_806 = tpu.vector_load %arg7[%swap3A_805] masked %eq3A_804 {strides = array<i32>} : memref<4112xi32, #tpu.memory_space<vmem>>, vector<16xi32>, vector<16xi1>
      tpu.vector_store %arg7[%swap3A_805], %get3A_786 masked %eq3A_804 {strides = array<i32>} : memref<4112xi32, #tpu.memory_space<vmem>>, vector<16xi32>, vector<16xi1>
      %swap3A_807 = arith.index_cast %scan3A_778 : i32 to index
      %swap3A_808 = tpu.vector_load %arg8[%swap3A_807] masked %eq3A_804 {strides = array<i32>} : memref<4112xi32, #tpu.memory_space<vmem>>, vector<16xi32>, vector<16xi1>
      tpu.vector_store %arg8[%swap3A_807], %add3A_792 masked %eq3A_804 {strides = array<i32>} : memref<4112xi32, #tpu.memory_space<vmem>>, vector<16xi32>, vector<16xi1>
      %convert_element_type3A = arith.extui %eq3A_804 : vector<16xi1> to vector<16xi32>
      %reduce_sum3A = arith.constant true
      %reduce_sum3A_809 = vector.broadcast %reduce_sum3A : i1 to vector<16xi1>
      %reduce_sum3A_810 = tpu.scan <sum>, %convert_element_type3A masked %reduce_sum3A_809 : vector<16xi32>, vector<16xi1> -> vector<16xi32>
      %reduce_sum3A_811 = vector.extract %reduce_sum3A_810[15] : i32 from vector<16xi32>
      %add3A_812 = arith.addi %scan3A_778, %reduce_sum3A_811 : i32
      %mul3A_813 = arith.constant 2 : i32
      %mul3A_814 = arith.muli %scan3A_777, %mul3A_813 : i32
      %add3A_815 = arith.constant 1 : i32
      %add3A_816 = arith.addi %mul3A_814, %add3A_815 : i32
      %mul3A_817 = arith.constant 16 : i32
      %mul3A_818 = arith.muli %add3A_816, %mul3A_817 : i32
      %get3A_819 = arith.index_cast %mul3A_818 : i32 to index
      %get3A_820 = tpu.vector_load %arg5[%get3A_819] {strides = array<i32>} : memref<2048xi32, #tpu.memory_space<vmem>>, vector<16xi32>,
      %mul3A_821 = arith.constant 16 : i32
      %mul3A_822 = arith.muli %add3A_816, %mul3A_821 : i32
      %add3A_823 = arith.constant 0 : i32
      %add3A_824 = arith.addi %add3A_823, %mul3A_822 : i32
      %add3A_825 = vector.broadcast %add3A_824 : i32 to vector<16xi32>
      %add3A_826 = arith.addi %add3A_825, %iota3A : vector<16xi32>
      %shift_right_logical3A_827 = arith.constant 7 : i32
      %shift_right_logical3A_828 = vector.broadcast %shift_right_logical3A_827 : i32 to vector<16xi32>
      %shift_right_logical3A_829 = arith.shrui %get3A_820, %shift_right_logical3A_828 : vector<16xi32>
      %mul3A_830 = arith.constant 52429 : i32
      %mul3A_831 = vector.broadcast %mul3A_830 : i32 to vector<16xi32>
      %mul3A_832 = arith.muli %shift_right_logical3A_829, %mul3A_831 : vector<16xi32>
      %shift_right_logical3A_833 = arith.constant 18 : i32
      %shift_right_logical3A_834 = vector.broadcast %shift_right_logical3A_833 : i32 to vector<16xi32>
      %shift_right_logical3A_835 = arith.shrui %mul3A_832, %shift_right_logical3A_834 : vector<16xi32>
      %and3A_836 = arith.constant 31 : i32
      %and3A_837 = vector.broadcast %and3A_836 : i32 to vector<16xi32>
      %and3A_838 = arith.andi %shift_right_logical3A_835, %and3A_837 : vector<16xi32>
      %eq3A_839 = vector.broadcast %add3A : i32 to vector<16xi32>
      %eq3A_840 = arith.cmpi eq, %and3A_838, %eq3A_839 : vector<16xi32>
      %swap3A_841 = arith.index_cast %add3A_812 : i32 to index
      %swap3A_842 = tpu.vector_load %arg7[%swap3A_841] masked %eq3A_840 {strides = array<i32>} : memref<4112xi32, #tpu.memory_space<vmem>>, vector<16xi32>, vector<16xi1>
      tpu.vector_store %arg7[%swap3A_841], %get3A_820 masked %eq3A_840 {strides = array<i32>} : memref<4112xi32, #tpu.memory_space<vmem>>, vector<16xi32>, vector<16xi1>
      %swap3A_843 = arith.index_cast %add3A_812 : i32 to index
      %swap3A_844 = tpu.vector_load %arg8[%swap3A_843] masked %eq3A_840 {strides = array<i32>} : memref<4112xi32, #tpu.memory_space<vmem>>, vector<16xi32>, vector<16xi1>
      tpu.vector_store %arg8[%swap3A_843], %add3A_826 masked %eq3A_840 {strides = array<i32>} : memref<4112xi32, #tpu.memory_space<vmem>>, vector<16xi32>, vector<16xi1>
      %convert_element_type3A_845 = arith.extui %eq3A_840 : vector<16xi1> to vector<16xi32>
      %reduce_sum3A_846 = arith.constant true
      %reduce_sum3A_847 = vector.broadcast %reduce_sum3A_846 : i1 to vector<16xi1>
      %reduce_sum3A_848 = tpu.scan <sum>, %convert_element_type3A_845 masked %reduce_sum3A_847 : vector<16xi32>, vector<16xi1> -> vector<16xi32>
      %reduce_sum3A_849 = vector.extract %reduce_sum3A_848[15] : i32 from vector<16xi32>
      %add3A_850 = arith.addi %add3A_812, %reduce_sum3A_849 : i32
      scf.yield %add3A_850 : i32
    }
    %scan3A_25 = arith.constant 64 : i32
    %dma_wait3A_26 = arith.constant 2048 : i32
    %dma_wait3A_27 = tpu.memref_slice %arg3[%dma_wait3A_26] : memref<4096xi32, #tpu.memory_space<hbm>> -> memref<2048xi32, #tpu.memory_space<hbm>>
    %dma_wait3A_28 = arith.constant 2048 : i32
    %dma_wait3A_29 = tpu.memref_slice %arg3[%dma_wait3A_28] : memref<4096xi32, #tpu.memory_space<hbm>> -> memref<2048xi32, #tpu.memory_space<hbm>>
    tpu.wait_dma2 semaphore(%arg20 : memref<!tpu.dma_semaphore, #tpu.memory_space<semaphore_mem>>) src(%dma_wait3A_29 : memref<2048xi32, #tpu.memory_space<hbm>>) dst(%arg6 : memref<2048xi32, #tpu.memory_space<vmem>>)
    %scan3A_30 = arith.constant 0 : i32
    %scan3A_31 = arith.constant 64 : i32
    %scan3A_32 = arith.addi %scan3A_30, %scan3A_31 : i32
    %scan3A_33 = arith.constant 1 : i32
    %scan3A_34 = scf.for %scan3A_777 = %scan3A_30 to %scan3A_32 step %scan3A_33 iter_args(%scan3A_778 = %scan3A_24) -> (i32)  : i32 {
      %mul3A_779 = arith.constant 2 : i32
      %mul3A_780 = arith.muli %scan3A_777, %mul3A_779 : i32
      %add3A_781 = arith.constant 0 : i32
      %add3A_782 = arith.addi %mul3A_780, %add3A_781 : i32
      %mul3A_783 = arith.constant 16 : i32
      %mul3A_784 = arith.muli %add3A_782, %mul3A_783 : i32
      %get3A_785 = arith.index_cast %mul3A_784 : i32 to index
      %get3A_786 = tpu.vector_load %arg6[%get3A_785] {strides = array<i32>} : memref<2048xi32, #tpu.memory_space<vmem>>, vector<16xi32>,
      %mul3A_787 = arith.constant 16 : i32
      %mul3A_788 = arith.muli %add3A_782, %mul3A_787 : i32
      %add3A_789 = arith.constant 2048 : i32
      %add3A_790 = arith.addi %add3A_789, %mul3A_788 : i32
      %add3A_791 = vector.broadcast %add3A_790 : i32 to vector<16xi32>
      %add3A_792 = arith.addi %add3A_791, %iota3A : vector<16xi32>
      %shift_right_logical3A = arith.constant 7 : i32
      %shift_right_logical3A_793 = vector.broadcast %shift_right_logical3A : i32 to vector<16xi32>
      %shift_right_logical3A_794 = arith.shrui %get3A_786, %shift_right_logical3A_793 : vector<16xi32>
      %mul3A_795 = arith.constant 52429 : i32
      %mul3A_796 = vector.broadcast %mul3A_795 : i32 to vector<16xi32>
      %mul3A_797 = arith.muli %shift_right_logical3A_794, %mul3A_796 : vector<16xi32>
      %shift_right_logical3A_798 = arith.constant 18 : i32
      %shift_right_logical3A_799 = vector.broadcast %shift_right_logical3A_798 : i32 to vector<16xi32>
      %shift_right_logical3A_800 = arith.shrui %mul3A_797, %shift_right_logical3A_799 : vector<16xi32>
      %and3A_801 = arith.constant 31 : i32
      %and3A_802 = vector.broadcast %and3A_801 : i32 to vector<16xi32>
      %and3A_803 = arith.andi %shift_right_logical3A_800, %and3A_802 : vector<16xi32>
      %eq3A = vector.broadcast %add3A : i32 to vector<16xi32>
      %eq3A_804 = arith.cmpi eq, %and3A_803, %eq3A : vector<16xi32>
      %swap3A_805 = arith.index_cast %scan3A_778 : i32 to index
      %swap3A_806 = tpu.vector_load %arg7[%swap3A_805] masked %eq3A_804 {strides = array<i32>} : memref<4112xi32, #tpu.memory_space<vmem>>, vector<16xi32>, vector<16xi1>
      tpu.vector_store %arg7[%swap3A_805], %get3A_786 masked %eq3A_804 {strides = array<i32>} : memref<4112xi32, #tpu.memory_space<vmem>>, vector<16xi32>, vector<16xi1>
      %swap3A_807 = arith.index_cast %scan3A_778 : i32 to index
      %swap3A_808 = tpu.vector_load %arg8[%swap3A_807] masked %eq3A_804 {strides = array<i32>} : memref<4112xi32, #tpu.memory_space<vmem>>, vector<16xi32>, vector<16xi1>
      tpu.vector_store %arg8[%swap3A_807], %add3A_792 masked %eq3A_804 {strides = array<i32>} : memref<4112xi32, #tpu.memory_space<vmem>>, vector<16xi32>, vector<16xi1>
      %convert_element_type3A = arith.extui %eq3A_804 : vector<16xi1> to vector<16xi32>
      %reduce_sum3A = arith.constant true
      %reduce_sum3A_809 = vector.broadcast %reduce_sum3A : i1 to vector<16xi1>
      %reduce_sum3A_810 = tpu.scan <sum>, %convert_element_type3A masked %reduce_sum3A_809 : vector<16xi32>, vector<16xi1> -> vector<16xi32>
      %reduce_sum3A_811 = vector.extract %reduce_sum3A_810[15] : i32 from vector<16xi32>
      %add3A_812 = arith.addi %scan3A_778, %reduce_sum3A_811 : i32
      %mul3A_813 = arith.constant 2 : i32
      %mul3A_814 = arith.muli %scan3A_777, %mul3A_813 : i32
      %add3A_815 = arith.constant 1 : i32
      %add3A_816 = arith.addi %mul3A_814, %add3A_815 : i32
      %mul3A_817 = arith.constant 16 : i32
      %mul3A_818 = arith.muli %add3A_816, %mul3A_817 : i32
      %get3A_819 = arith.index_cast %mul3A_818 : i32 to index
      %get3A_820 = tpu.vector_load %arg6[%get3A_819] {strides = array<i32>} : memref<2048xi32, #tpu.memory_space<vmem>>, vector<16xi32>,
      %mul3A_821 = arith.constant 16 : i32
      %mul3A_822 = arith.muli %add3A_816, %mul3A_821 : i32
      %add3A_823 = arith.constant 2048 : i32
      %add3A_824 = arith.addi %add3A_823, %mul3A_822 : i32
      %add3A_825 = vector.broadcast %add3A_824 : i32 to vector<16xi32>
      %add3A_826 = arith.addi %add3A_825, %iota3A : vector<16xi32>
      %shift_right_logical3A_827 = arith.constant 7 : i32
      %shift_right_logical3A_828 = vector.broadcast %shift_right_logical3A_827 : i32 to vector<16xi32>
      %shift_right_logical3A_829 = arith.shrui %get3A_820, %shift_right_logical3A_828 : vector<16xi32>
      %mul3A_830 = arith.constant 52429 : i32
      %mul3A_831 = vector.broadcast %mul3A_830 : i32 to vector<16xi32>
      %mul3A_832 = arith.muli %shift_right_logical3A_829, %mul3A_831 : vector<16xi32>
      %shift_right_logical3A_833 = arith.constant 18 : i32
      %shift_right_logical3A_834 = vector.broadcast %shift_right_logical3A_833 : i32 to vector<16xi32>
      %shift_right_logical3A_835 = arith.shrui %mul3A_832, %shift_right_logical3A_834 : vector<16xi32>
      %and3A_836 = arith.constant 31 : i32
      %and3A_837 = vector.broadcast %and3A_836 : i32 to vector<16xi32>
      %and3A_838 = arith.andi %shift_right_logical3A_835, %and3A_837 : vector<16xi32>
      %eq3A_839 = vector.broadcast %add3A : i32 to vector<16xi32>
      %eq3A_840 = arith.cmpi eq, %and3A_838, %eq3A_839 : vector<16xi32>
      %swap3A_841 = arith.index_cast %add3A_812 : i32 to index
      %swap3A_842 = tpu.vector_load %arg7[%swap3A_841] masked %eq3A_840 {strides = array<i32>} : memref<4112xi32, #tpu.memory_space<vmem>>, vector<16xi32>, vector<16xi1>
      tpu.vector_store %arg7[%swap3A_841], %get3A_820 masked %eq3A_840 {strides = array<i32>} : memref<4112xi32, #tpu.memory_space<vmem>>, vector<16xi32>, vector<16xi1>
      %swap3A_843 = arith.index_cast %add3A_812 : i32 to index
      %swap3A_844 = tpu.vector_load %arg8[%swap3A_843] masked %eq3A_840 {strides = array<i32>} : memref<4112xi32, #tpu.memory_space<vmem>>, vector<16xi32>, vector<16xi1>
      tpu.vector_store %arg8[%swap3A_843], %add3A_826 masked %eq3A_840 {strides = array<i32>} : memref<4112xi32, #tpu.memory_space<vmem>>, vector<16xi32>, vector<16xi1>
      %convert_element_type3A_845 = arith.extui %eq3A_840 : vector<16xi1> to vector<16xi32>
      %reduce_sum3A_846 = arith.constant true
      %reduce_sum3A_847 = vector.broadcast %reduce_sum3A_846 : i1 to vector<16xi1>
      %reduce_sum3A_848 = tpu.scan <sum>, %convert_element_type3A_845 masked %reduce_sum3A_847 : vector<16xi32>, vector<16xi1> -> vector<16xi32>
      %reduce_sum3A_849 = vector.extract %reduce_sum3A_848[15] : i32 from vector<16xi32>
      %add3A_850 = arith.addi %add3A_812, %reduce_sum3A_849 : i32
      scf.yield %add3A_850 : i32
    }
    %scan3A_35 = arith.constant 64 : i32
    %broadcast_in_dim3A = arith.constant 131072 : i32
    %broadcast_in_dim3A_36 = vector.broadcast %broadcast_in_dim3A : i32 to vector<16xi32>
    %swap3A = arith.index_cast %scan3A_34 : i32 to index
    %swap3A_37 = tpu.vector_load %arg7[%swap3A] {strides = array<i32>} : memref<4112xi32, #tpu.memory_space<vmem>>, vector<16xi32>,
    tpu.vector_store %arg7[%swap3A], %broadcast_in_dim3A_36 {strides = array<i32>} : memref<4112xi32, #tpu.memory_space<vmem>>, vector<16xi32>,
    %add3A_38 = arith.constant 32 : i32
    %add3A_39 = arith.addi %add3A, %add3A_38 : i32
    %mul3A_40 = arith.constant 640 : i32
    %mul3A_41 = arith.muli %add3A_39, %mul3A_40 : i32
    %min3A_42 = arith.constant 99456 : i32
    %min3A_43 = arith.minsi %mul3A_41, %min3A_42 : i32
    %multiple_of3A_44 = tpu.assume_multiple %min3A_43, 128 : i32
    %dma_start3A_45 = arith.constant 0 : i32
    %dma_start3A_46 = tpu.memref_slice %arg2[%dma_start3A_45, %multiple_of3A_44] : memref<64x100000xf32, #tpu.memory_space<hbm>> -> memref<64x640xf32, #tpu.memory_space<hbm>>
    %dma_start3A_47 = arith.constant 0 : i32
    %dma_start3A_48 = tpu.memref_slice %arg2[%dma_start3A_47, %multiple_of3A_44] : memref<64x100000xf32, #tpu.memory_space<hbm>> -> memref<64x640xf32, #tpu.memory_space<hbm>>
    tpu.enqueue_dma source(%dma_start3A_48 : memref<64x640xf32, #tpu.memory_space<hbm>>) target(%arg12 : memref<64x640xf32, #tpu.memory_space<vmem>>) target_semaphore(%arg19 : memref<!tpu.dma_semaphore, #tpu.memory_space<semaphore_mem>>)
    %add3A_49 = arith.constant 0 : i32
    %add3A_50 = arith.addi %add3A, %add3A_49 : i32
    %mul3A_51 = arith.constant 640 : i32
    %mul3A_52 = arith.muli %add3A_50, %mul3A_51 : i32
    %min3A_53 = arith.constant 99456 : i32
    %min3A_54 = arith.minsi %mul3A_52, %min3A_53 : i32
    %add3A_55 = arith.constant 16 : i32
    %add3A_56 = arith.addi %scan3A_34, %add3A_55 : i32
    %jit3A = arith.constant 16 : i32
    %div3A = arith.divsi %add3A_56, %jit3A : i32
    %sign3A = arith.constant 0 : i32
    %sign3A_57 = arith.cmpi sgt, %add3A_56, %sign3A : i32
    %sign3A_58 = arith.extui %sign3A_57 : i1 to i32
    %sign3A_59 = arith.constant 0 : i32
    %sign3A_60 = arith.cmpi slt, %add3A_56, %sign3A_59 : i32
    %sign3A_61 = arith.extui %sign3A_60 : i1 to i32
    %sign3A_62 = arith.subi %sign3A_58, %sign3A_61 : i32
    %sign3A_63 = arith.constant 0 : i32
    %sign3A_64 = arith.cmpi sgt, %jit3A, %sign3A_63 : i32
    %sign3A_65 = arith.extui %sign3A_64 : i1 to i32
    %sign3A_66 = arith.constant 0 : i32
    %sign3A_67 = arith.cmpi slt, %jit3A, %sign3A_66 : i32
    %sign3A_68 = arith.extui %sign3A_67 : i1 to i32
    %sign3A_69 = arith.subi %sign3A_65, %sign3A_68 : i32
    %ne3A = arith.cmpi ne, %sign3A_62, %sign3A_69 : i32
    %rem3A = arith.remsi %add3A_56, %jit3A : i32
    %ne3A_70 = arith.constant 0 : i32
    %ne3A_71 = arith.cmpi ne, %rem3A, %ne3A_70 : i32
    %and3A = arith.andi %ne3A, %ne3A_71 : i1
    %sub3A = arith.constant 1 : i32
    %sub3A_72 = arith.subi %div3A, %sub3A : i32
    %select_n3A = arith.select %and3A, %sub3A_72, %div3A : i32
    %while3A = arith.constant 0 : i32
    %while3A_73 = arith.constant 0 : i32
    %while3A_74 = arith.subi %select_n3A, %while3A : i32
    %while3A_75 = arith.addi %while3A, %while3A_74 : i32
    %while3A_76 = arith.constant 1 : i32
    %while3A_77 = arith.divsi %while3A_74, %while3A_76 : i32
    %while3A_78 = arith.muli %while3A_77, %while3A_76 : i32
    %while3A_79 = arith.addi %while3A, %while3A_78 : i32
    %while3A_80 = arith.constant 1 : i32
    %while3A_81 = scf.for %while3A_777 = %while3A to %while3A_79 step %while3A_80 iter_args(%while3A_778 = %while3A_73) -> (i32)  : i32 {
      %mul3A_779 = arith.constant 16 : i32
      %mul3A_780 = arith.muli %while3A_777, %mul3A_779 : i32
      %get3A_781 = arith.index_cast %mul3A_780 : i32 to index
      %get3A_782 = tpu.vector_load %arg7[%get3A_781] {strides = array<i32>} : memref<4112xi32, #tpu.memory_space<vmem>>, vector<16xi32>,
      %mul3A_783 = arith.constant 16 : i32
      %mul3A_784 = arith.muli %while3A_777, %mul3A_783 : i32
      %get3A_785 = arith.index_cast %mul3A_784 : i32 to index
      %get3A_786 = tpu.vector_load %arg8[%get3A_785] {strides = array<i32>} : memref<4112xi32, #tpu.memory_space<vmem>>, vector<16xi32>,
      %shift_right_logical3A = arith.constant 7 : i32
      %shift_right_logical3A_787 = vector.broadcast %shift_right_logical3A : i32 to vector<16xi32>
      %shift_right_logical3A_788 = arith.shrui %get3A_782, %shift_right_logical3A_787 : vector<16xi32>
      %mul3A_789 = arith.constant 52429 : i32
      %mul3A_790 = vector.broadcast %mul3A_789 : i32 to vector<16xi32>
      %mul3A_791 = arith.muli %shift_right_logical3A_788, %mul3A_790 : vector<16xi32>
      %shift_right_logical3A_792 = arith.constant 18 : i32
      %shift_right_logical3A_793 = vector.broadcast %shift_right_logical3A_792 : i32 to vector<16xi32>
      %shift_right_logical3A_794 = arith.shrui %mul3A_791, %shift_right_logical3A_793 : vector<16xi32>
      %shift_right_logical3A_795 = arith.constant 5 : i32
      %shift_right_logical3A_796 = vector.broadcast %shift_right_logical3A_795 : i32 to vector<16xi32>
      %shift_right_logical3A_797 = arith.shrui %shift_right_logical3A_794, %shift_right_logical3A_796 : vector<16xi32>
      %eq3A = arith.constant 0 : i32
      %eq3A_798 = vector.broadcast %eq3A : i32 to vector<16xi32>
      %eq3A_799 = arith.cmpi eq, %shift_right_logical3A_797, %eq3A_798 : vector<16xi32>
      %swap3A_800 = arith.index_cast %while3A_778 : i32 to index
      %swap3A_801 = tpu.vector_load %arg9[%swap3A_800] masked %eq3A_799 {strides = array<i32>} : memref<4128xi32, #tpu.memory_space<vmem>>, vector<16xi32>, vector<16xi1>
      tpu.vector_store %arg9[%swap3A_800], %get3A_782 masked %eq3A_799 {strides = array<i32>} : memref<4128xi32, #tpu.memory_space<vmem>>, vector<16xi32>, vector<16xi1>
      %swap3A_802 = arith.index_cast %while3A_778 : i32 to index
      %swap3A_803 = tpu.vector_load %arg10[%swap3A_802] masked %eq3A_799 {strides = array<i32>} : memref<4128xi32, #tpu.memory_space<vmem>>, vector<16xi32>, vector<16xi1>
      tpu.vector_store %arg10[%swap3A_802], %get3A_786 masked %eq3A_799 {strides = array<i32>} : memref<4128xi32, #tpu.memory_space<vmem>>, vector<16xi32>, vector<16xi1>
      %convert_element_type3A = arith.extui %eq3A_799 : vector<16xi1> to vector<16xi32>
      %reduce_sum3A = arith.constant true
      %reduce_sum3A_804 = vector.broadcast %reduce_sum3A : i1 to vector<16xi1>
      %reduce_sum3A_805 = tpu.scan <sum>, %convert_element_type3A masked %reduce_sum3A_804 : vector<16xi32>, vector<16xi1> -> vector<16xi32>
      %reduce_sum3A_806 = vector.extract %reduce_sum3A_805[15] : i32 from vector<16xi32>
      %add3A_807 = arith.addi %while3A_778, %reduce_sum3A_806 : i32
      scf.yield %add3A_807 : i32
    }
    %while3A_82 = arith.constant 1 : i32
    %while3A_83 = scf.for %while3A_777 = %while3A_79 to %while3A_75 step %while3A_82 iter_args(%while3A_778 = %while3A_81) -> (i32)  : i32 {
      %mul3A_779 = arith.constant 16 : i32
      %mul3A_780 = arith.muli %while3A_777, %mul3A_779 : i32
      %get3A_781 = arith.index_cast %mul3A_780 : i32 to index
      %get3A_782 = tpu.vector_load %arg7[%get3A_781] {strides = array<i32>} : memref<4112xi32, #tpu.memory_space<vmem>>, vector<16xi32>,
      %mul3A_783 = arith.constant 16 : i32
      %mul3A_784 = arith.muli %while3A_777, %mul3A_783 : i32
      %get3A_785 = arith.index_cast %mul3A_784 : i32 to index
      %get3A_786 = tpu.vector_load %arg8[%get3A_785] {strides = array<i32>} : memref<4112xi32, #tpu.memory_space<vmem>>, vector<16xi32>,
      %shift_right_logical3A = arith.constant 7 : i32
      %shift_right_logical3A_787 = vector.broadcast %shift_right_logical3A : i32 to vector<16xi32>
      %shift_right_logical3A_788 = arith.shrui %get3A_782, %shift_right_logical3A_787 : vector<16xi32>
      %mul3A_789 = arith.constant 52429 : i32
      %mul3A_790 = vector.broadcast %mul3A_789 : i32 to vector<16xi32>
      %mul3A_791 = arith.muli %shift_right_logical3A_788, %mul3A_790 : vector<16xi32>
      %shift_right_logical3A_792 = arith.constant 18 : i32
      %shift_right_logical3A_793 = vector.broadcast %shift_right_logical3A_792 : i32 to vector<16xi32>
      %shift_right_logical3A_794 = arith.shrui %mul3A_791, %shift_right_logical3A_793 : vector<16xi32>
      %shift_right_logical3A_795 = arith.constant 5 : i32
      %shift_right_logical3A_796 = vector.broadcast %shift_right_logical3A_795 : i32 to vector<16xi32>
      %shift_right_logical3A_797 = arith.shrui %shift_right_logical3A_794, %shift_right_logical3A_796 : vector<16xi32>
      %eq3A = arith.constant 0 : i32
      %eq3A_798 = vector.broadcast %eq3A : i32 to vector<16xi32>
      %eq3A_799 = arith.cmpi eq, %shift_right_logical3A_797, %eq3A_798 : vector<16xi32>
      %swap3A_800 = arith.index_cast %while3A_778 : i32 to index
      %swap3A_801 = tpu.vector_load %arg9[%swap3A_800] masked %eq3A_799 {strides = array<i32>} : memref<4128xi32, #tpu.memory_space<vmem>>, vector<16xi32>, vector<16xi1>
      tpu.vector_store %arg9[%swap3A_800], %get3A_782 masked %eq3A_799 {strides = array<i32>} : memref<4128xi32, #tpu.memory_space<vmem>>, vector<16xi32>, vector<16xi1>
      %swap3A_802 = arith.index_cast %while3A_778 : i32 to index
      %swap3A_803 = tpu.vector_load %arg10[%swap3A_802] masked %eq3A_799 {strides = array<i32>} : memref<4128xi32, #tpu.memory_space<vmem>>, vector<16xi32>, vector<16xi1>
      tpu.vector_store %arg10[%swap3A_802], %get3A_786 masked %eq3A_799 {strides = array<i32>} : memref<4128xi32, #tpu.memory_space<vmem>>, vector<16xi32>, vector<16xi1>
      %convert_element_type3A = arith.extui %eq3A_799 : vector<16xi1> to vector<16xi32>
      %reduce_sum3A = arith.constant true
      %reduce_sum3A_804 = vector.broadcast %reduce_sum3A : i1 to vector<16xi1>
      %reduce_sum3A_805 = tpu.scan <sum>, %convert_element_type3A masked %reduce_sum3A_804 : vector<16xi32>, vector<16xi1> -> vector<16xi32>
      %reduce_sum3A_806 = vector.extract %reduce_sum3A_805[15] : i32 from vector<16xi32>
      %add3A_807 = arith.addi %while3A_778, %reduce_sum3A_806 : i32
      scf.yield %add3A_807 : i32
    }
    %broadcast_in_dim3A_84 = arith.constant -1 : i32
    %broadcast_in_dim3A_85 = vector.broadcast %broadcast_in_dim3A_84 : i32 to vector<16xi32>
    %add3A_86 = arith.constant 0 : i32
    %add3A_87 = arith.addi %while3A_83, %add3A_86 : i32
    %swap3A_88 = arith.index_cast %add3A_87 : i32 to index
    %swap3A_89 = tpu.vector_load %arg10[%swap3A_88] {strides = array<i32>} : memref<4128xi32, #tpu.memory_space<vmem>>, vector<16xi32>,
    tpu.vector_store %arg10[%swap3A_88], %broadcast_in_dim3A_85 {strides = array<i32>} : memref<4128xi32, #tpu.memory_space<vmem>>, vector<16xi32>,
    %broadcast_in_dim3A_90 = vector.broadcast %min3A_54 : i32 to vector<16xi32>
    %add3A_91 = arith.constant 0 : i32
    %add3A_92 = arith.addi %while3A_83, %add3A_91 : i32
    %swap3A_93 = arith.index_cast %add3A_92 : i32 to index
    %swap3A_94 = tpu.vector_load %arg9[%swap3A_93] {strides = array<i32>} : memref<4128xi32, #tpu.memory_space<vmem>>, vector<16xi32>,
    tpu.vector_store %arg9[%swap3A_93], %broadcast_in_dim3A_90 {strides = array<i32>} : memref<4128xi32, #tpu.memory_space<vmem>>, vector<16xi32>,
    %broadcast_in_dim3A_95 = arith.constant -1 : i32
    %broadcast_in_dim3A_96 = vector.broadcast %broadcast_in_dim3A_95 : i32 to vector<16xi32>
    %add3A_97 = arith.constant 16 : i32
    %add3A_98 = arith.addi %while3A_83, %add3A_97 : i32
    %swap3A_99 = arith.index_cast %add3A_98 : i32 to index
    %swap3A_100 = tpu.vector_load %arg10[%swap3A_99] {strides = array<i32>} : memref<4128xi32, #tpu.memory_space<vmem>>, vector<16xi32>,
    tpu.vector_store %arg10[%swap3A_99], %broadcast_in_dim3A_96 {strides = array<i32>} : memref<4128xi32, #tpu.memory_space<vmem>>, vector<16xi32>,
    %broadcast_in_dim3A_101 = vector.broadcast %min3A_54 : i32 to vector<16xi32>
    %add3A_102 = arith.constant 16 : i32
    %add3A_103 = arith.addi %while3A_83, %add3A_102 : i32
    %swap3A_104 = arith.index_cast %add3A_103 : i32 to index
    %swap3A_105 = tpu.vector_load %arg9[%swap3A_104] {strides = array<i32>} : memref<4128xi32, #tpu.memory_space<vmem>>, vector<16xi32>,
    tpu.vector_store %arg9[%swap3A_104], %broadcast_in_dim3A_101 {strides = array<i32>} : memref<4128xi32, #tpu.memory_space<vmem>>, vector<16xi32>,
    %dma_wait3A_106 = arith.constant 0 : i32
    %dma_wait3A_107 = tpu.memref_slice %arg2[%dma_wait3A_106, %multiple_of3A] : memref<64x100000xf32, #tpu.memory_space<hbm>> -> memref<64x640xf32, #tpu.memory_space<hbm>>
    %dma_wait3A_108 = arith.constant 0 : i32
    %dma_wait3A_109 = tpu.memref_slice %arg2[%dma_wait3A_108, %multiple_of3A] : memref<64x100000xf32, #tpu.memory_space<hbm>> -> memref<64x640xf32, #tpu.memory_space<hbm>>
    tpu.wait_dma2 semaphore(%arg18 : memref<!tpu.dma_semaphore, #tpu.memory_space<semaphore_mem>>) src(%dma_wait3A_109 : memref<64x640xf32, #tpu.memory_space<hbm>>) dst(%arg11 : memref<64x640xf32, #tpu.memory_space<vmem>>)
    %get3A = arith.constant 0 : index
    %get3A_110 = tpu.vector_load %arg10[%get3A] {strides = array<i32>} : memref<4128xi32, #tpu.memory_space<vmem>>, vector<16xi32>,
    %swap3A_111 = arith.constant 0 : i32
    %swap3A_112 = arith.index_cast %swap3A_111 : i32 to index
    %swap3A_113 = arith.constant 0 : index
    %swap3A_114 = tpu.vector_load %arg15[%swap3A_112, %swap3A_113] {strides = array<i32>} : memref<134x32xi32, #tpu.memory_space<vmem>>, vector<16xi32>,
    tpu.vector_store %arg15[%swap3A_112, %swap3A_113], %get3A_110 {strides = array<i32>} : memref<134x32xi32, #tpu.memory_space<vmem>>, vector<16xi32>,
    %get3A_115 = arith.constant 16 : index
    %get3A_116 = tpu.vector_load %arg10[%get3A_115] {strides = array<i32>} : memref<4128xi32, #tpu.memory_space<vmem>>, vector<16xi32>,
    %swap3A_117 = arith.constant 0 : i32
    %swap3A_118 = arith.index_cast %swap3A_117 : i32 to index
    %swap3A_119 = arith.constant 16 : index
    %swap3A_120 = tpu.vector_load %arg15[%swap3A_118, %swap3A_119] {strides = array<i32>} : memref<134x32xi32, #tpu.memory_space<vmem>>, vector<16xi32>,
    tpu.vector_store %arg15[%swap3A_118, %swap3A_119], %get3A_116 {strides = array<i32>} : memref<134x32xi32, #tpu.memory_space<vmem>>, vector<16xi32>,
    %scan3A_121 = arith.constant 0 : i32
    %scan3A_122 = arith.constant 0 : i32
    %scan3A_123 = arith.constant 32 : i32
    %scan3A_124 = arith.addi %scan3A_122, %scan3A_123 : i32
    %scan3A_125 = arith.constant 1 : i32
    scf.for %scan3A_777 = %scan3A_122 to %scan3A_124 step %scan3A_125  : i32 {
      %add3A_778 = arith.constant 0 : i32
      %add3A_779 = arith.addi %add3A_778, %scan3A_777 : i32
      %shift_right_logical3A = arith.constant 4 : i32
      %shift_right_logical3A_780 = arith.shrui %add3A_779, %shift_right_logical3A : i32
      %shift_left3A = arith.constant 4 : i32
      %shift_left3A_781 = arith.shli %shift_right_logical3A_780, %shift_left3A : i32
      %get3A_782 = arith.index_cast %shift_left3A_781 : i32 to index
      %get3A_783 = tpu.vector_load %arg9[%get3A_782] {strides = array<i32>} : memref<4128xi32, #tpu.memory_space<vmem>>, vector<16xi32>,
      %sub3A_784 = vector.broadcast %min3A_54 : i32 to vector<16xi32>
      %sub3A_785 = arith.subi %get3A_783, %sub3A_784 : vector<16xi32>
      %and3A_786 = arith.constant 15 : i32
      %and3A_787 = arith.andi %add3A_779, %and3A_786 : i32
      %broadcast_in_dim3A_788 = vector.broadcast %and3A_787 : i32 to vector<16x1xi32>
      %gather3A = vector.shape_cast %broadcast_in_dim3A_788 : vector<16x1xi32> to vector<16xi32>
      %gather3A_789 = tpu.dynamic_gather %sub3A_785[%gather3A] in [0] : vector<16xi32>, vector<16xi32> -> vector<16xi32>
      %add3A_790 = arith.constant 0 : i32
      %add3A_791 = vector.broadcast %add3A_790 : i32 to vector<16xi32>
      %add3A_792 = arith.addi %iota3A, %add3A_791 : vector<16xi32>
      %gather3A_793 = tpu.vector_load_idx %arg11[%add3A_792, %gather3A_789] : memref<64x640xf32, #tpu.memory_space<vmem>>[vector<16xi32>, vector<16xi32>], vector<16xf32>,
      %swap3A_794 = arith.index_cast %scan3A_777 : i32 to index
      %swap3A_795 = arith.constant 0 : index
      %swap3A_796 = tpu.vector_load %arg13[%swap3A_794, %swap3A_795] {strides = array<i32>} : memref<32x128xf32, #tpu.memory_space<vmem>>, vector<16xf32>,
      tpu.vector_store %arg13[%swap3A_794, %swap3A_795], %gather3A_793 {strides = array<i32>} : memref<32x128xf32, #tpu.memory_space<vmem>>, vector<16xf32>,
      %add3A_797 = arith.constant 16 : i32
      %add3A_798 = vector.broadcast %add3A_797 : i32 to vector<16xi32>
      %add3A_799 = arith.addi %iota3A, %add3A_798 : vector<16xi32>
      %gather3A_800 = tpu.vector_load_idx %arg11[%add3A_799, %gather3A_789] : memref<64x640xf32, #tpu.memory_space<vmem>>[vector<16xi32>, vector<16xi32>], vector<16xf32>,
      %swap3A_801 = arith.index_cast %scan3A_777 : i32 to index
      %swap3A_802 = arith.constant 16 : index
      %swap3A_803 = tpu.vector_load %arg13[%swap3A_801, %swap3A_802] {strides = array<i32>} : memref<32x128xf32, #tpu.memory_space<vmem>>, vector<16xf32>,
      tpu.vector_store %arg13[%swap3A_801, %swap3A_802], %gather3A_800 {strides = array<i32>} : memref<32x128xf32, #tpu.memory_space<vmem>>, vector<16xf32>,
      %add3A_804 = arith.constant 32 : i32
      %add3A_805 = vector.broadcast %add3A_804 : i32 to vector<16xi32>
      %add3A_806 = arith.addi %iota3A, %add3A_805 : vector<16xi32>
      %gather3A_807 = tpu.vector_load_idx %arg11[%add3A_806, %gather3A_789] : memref<64x640xf32, #tpu.memory_space<vmem>>[vector<16xi32>, vector<16xi32>], vector<16xf32>,
      %swap3A_808 = arith.index_cast %scan3A_777 : i32 to index
      %swap3A_809 = arith.constant 32 : index
      %swap3A_810 = tpu.vector_load %arg13[%swap3A_808, %swap3A_809] {strides = array<i32>} : memref<32x128xf32, #tpu.memory_space<vmem>>, vector<16xf32>,
      tpu.vector_store %arg13[%swap3A_808, %swap3A_809], %gather3A_807 {strides = array<i32>} : memref<32x128xf32, #tpu.memory_space<vmem>>, vector<16xf32>,
      %add3A_811 = arith.constant 48 : i32
      %add3A_812 = vector.broadcast %add3A_811 : i32 to vector<16xi32>
      %add3A_813 = arith.addi %iota3A, %add3A_812 : vector<16xi32>
      %gather3A_814 = tpu.vector_load_idx %arg11[%add3A_813, %gather3A_789] : memref<64x640xf32, #tpu.memory_space<vmem>>[vector<16xi32>, vector<16xi32>], vector<16xf32>,
      %swap3A_815 = arith.index_cast %scan3A_777 : i32 to index
      %swap3A_816 = arith.constant 48 : index
      %swap3A_817 = tpu.vector_load %arg13[%swap3A_815, %swap3A_816] {strides = array<i32>} : memref<32x128xf32, #tpu.memory_space<vmem>>, vector<16xf32>,
      tpu.vector_store %arg13[%swap3A_815, %swap3A_816], %gather3A_814 {strides = array<i32>} : memref<32x128xf32, #tpu.memory_space<vmem>>, vector<16xf32>,
    }
    %scan3A_126 = arith.constant 32 : i32
    %dma_start3A_127 = arith.constant 0 : i32
    %dma_start3A_128 = arith.constant 0 : i32
    %dma_start3A_129 = tpu.memref_slice %arg15[%dma_start3A_127, %dma_start3A_128] : memref<134x32xi32, #tpu.memory_space<vmem>> -> memref<1x32xi32, #tpu.memory_space<vmem>>
    %dma_start3A_130 = tpu.memref_squeeze %dma_start3A_129 : memref<1x32xi32, #tpu.memory_space<vmem>> -> memref<32xi32, #tpu.memory_space<vmem>>
    %dma_start3A_131 = arith.constant 0 : i32
    %dma_start3A_132 = arith.constant 0 : i32
    %dma_start3A_133 = tpu.memref_slice %arg4[%dma_start3A_131, %dma_start3A_132] : memref<4096x128xf32, #tpu.memory_space<hbm>> -> memref<4096x128xf32, #tpu.memory_space<hbm>>
    %dma_start3A_134 = arith.constant -1 : i32
    tpu.enqueue_indirect_dma source(%arg13 : memref<32x128xf32, #tpu.memory_space<vmem>>) target(%dma_start3A_133 : memref<4096x128xf32, #tpu.memory_space<hbm>>) offsets(%dma_start3A_130 : memref<32xi32, #tpu.memory_space<vmem>>) offset_filter(%dma_start3A_134) semaphore(%arg16 : memref<!tpu.dma_semaphore, #tpu.memory_space<semaphore_mem>>)
    %add3A_135 = arith.constant 32 : i32
    %add3A_136 = arith.addi %while3A_83, %add3A_135 : i32
    %sub3A_137 = arith.constant 1 : i32
    %sub3A_138 = arith.subi %add3A_136, %sub3A_137 : i32
    %jit3A_139 = arith.constant 32 : i32
    %div3A_140 = arith.divsi %sub3A_138, %jit3A_139 : i32
    %sign3A_141 = arith.constant 0 : i32
    %sign3A_142 = arith.cmpi sgt, %sub3A_138, %sign3A_141 : i32
    %sign3A_143 = arith.extui %sign3A_142 : i1 to i32
    %sign3A_144 = arith.constant 0 : i32
    %sign3A_145 = arith.cmpi slt, %sub3A_138, %sign3A_144 : i32
    %sign3A_146 = arith.extui %sign3A_145 : i1 to i32
    %sign3A_147 = arith.subi %sign3A_143, %sign3A_146 : i32
    %sign3A_148 = arith.constant 0 : i32
    %sign3A_149 = arith.cmpi sgt, %jit3A_139, %sign3A_148 : i32
    %sign3A_150 = arith.extui %sign3A_149 : i1 to i32
    %sign3A_151 = arith.constant 0 : i32
    %sign3A_152 = arith.cmpi slt, %jit3A_139, %sign3A_151 : i32
    %sign3A_153 = arith.extui %sign3A_152 : i1 to i32
    %sign3A_154 = arith.subi %sign3A_150, %sign3A_153 : i32
    %ne3A_155 = arith.cmpi ne, %sign3A_147, %sign3A_154 : i32
    %rem3A_156 = arith.remsi %sub3A_138, %jit3A_139 : i32
    %ne3A_157 = arith.constant 0 : i32
    %ne3A_158 = arith.cmpi ne, %rem3A_156, %ne3A_157 : i32
    %and3A_159 = arith.andi %ne3A_155, %ne3A_158 : i1
    %sub3A_160 = arith.constant 1 : i32
    %sub3A_161 = arith.subi %div3A_140, %sub3A_160 : i32
    %select_n3A_162 = arith.select %and3A_159, %sub3A_161, %div3A_140 : i32
    %while3A_163 = arith.constant 0 : i32
    %while3A_164 = arith.constant 1 : i32
    %while3A_165 = arith.subi %select_n3A_162, %while3A_164 : i32
    %while3A_166 = arith.addi %while3A_164, %while3A_165 : i32
    %while3A_167 = arith.constant 1 : i32
    %while3A_168 = arith.divsi %while3A_165, %while3A_167 : i32
    %while3A_169 = arith.muli %while3A_168, %while3A_167 : i32
    %while3A_170 = arith.addi %while3A_164, %while3A_169 : i32
    %while3A_171 = arith.constant 1 : i32
    scf.for %while3A_777 = %while3A_164 to %while3A_170 step %while3A_171  : i32 {
      %mul3A_778 = arith.constant 32 : i32
      %mul3A_779 = arith.muli %while3A_777, %mul3A_778 : i32
      %add3A_780 = arith.constant 0 : i32
      %add3A_781 = arith.addi %mul3A_779, %add3A_780 : i32
      %get3A_782 = arith.index_cast %add3A_781 : i32 to index
      %get3A_783 = tpu.vector_load %arg10[%get3A_782] {strides = array<i32>} : memref<4128xi32, #tpu.memory_space<vmem>>, vector<16xi32>,
      %add3A_784 = arith.constant 5 : i32
      %add3A_785 = arith.addi %add3A_784, %while3A_777 : i32
      %sub3A_786 = arith.constant 1 : i32
      %sub3A_787 = arith.subi %add3A_785, %sub3A_786 : i32
      %swap3A_788 = arith.index_cast %sub3A_787 : i32 to index
      %swap3A_789 = arith.constant 0 : index
      %swap3A_790 = tpu.vector_load %arg15[%swap3A_788, %swap3A_789] {strides = array<i32>} : memref<134x32xi32, #tpu.memory_space<vmem>>, vector<16xi32>,
      tpu.vector_store %arg15[%swap3A_788, %swap3A_789], %get3A_783 {strides = array<i32>} : memref<134x32xi32, #tpu.memory_space<vmem>>, vector<16xi32>,
      %mul3A_791 = arith.constant 32 : i32
      %mul3A_792 = arith.muli %while3A_777, %mul3A_791 : i32
      %add3A_793 = arith.constant 16 : i32
      %add3A_794 = arith.addi %mul3A_792, %add3A_793 : i32
      %get3A_795 = arith.index_cast %add3A_794 : i32 to index
      %get3A_796 = tpu.vector_load %arg10[%get3A_795] {strides = array<i32>} : memref<4128xi32, #tpu.memory_space<vmem>>, vector<16xi32>,
      %add3A_797 = arith.constant 5 : i32
      %add3A_798 = arith.addi %add3A_797, %while3A_777 : i32
      %sub3A_799 = arith.constant 1 : i32
      %sub3A_800 = arith.subi %add3A_798, %sub3A_799 : i32
      %swap3A_801 = arith.index_cast %sub3A_800 : i32 to index
      %swap3A_802 = arith.constant 16 : index
      %swap3A_803 = tpu.vector_load %arg15[%swap3A_801, %swap3A_802] {strides = array<i32>} : memref<134x32xi32, #tpu.memory_space<vmem>>, vector<16xi32>,
      tpu.vector_store %arg15[%swap3A_801, %swap3A_802], %get3A_796 {strides = array<i32>} : memref<134x32xi32, #tpu.memory_space<vmem>>, vector<16xi32>,
      %mul3A_804 = arith.constant 32 : i32
      %mul3A_805 = arith.muli %while3A_777, %mul3A_804 : i32
      %scan3A_806 = arith.constant 0 : i32
      %scan3A_807 = arith.constant 0 : i32
      %scan3A_808 = arith.constant 32 : i32
      %scan3A_809 = arith.addi %scan3A_807, %scan3A_808 : i32
      %scan3A_810 = arith.constant 1 : i32
      scf.for %scan3A_829 = %scan3A_807 to %scan3A_809 step %scan3A_810  : i32 {
        %add3A_830 = arith.addi %mul3A_805, %scan3A_829 : i32
        %shift_right_logical3A = arith.constant 4 : i32
        %shift_right_logical3A_831 = arith.shrui %add3A_830, %shift_right_logical3A : i32
        %shift_left3A = arith.constant 4 : i32
        %shift_left3A_832 = arith.shli %shift_right_logical3A_831, %shift_left3A : i32
        %get3A_833 = arith.index_cast %shift_left3A_832 : i32 to index
        %get3A_834 = tpu.vector_load %arg9[%get3A_833] {strides = array<i32>} : memref<4128xi32, #tpu.memory_space<vmem>>, vector<16xi32>,
        %sub3A_835 = vector.broadcast %min3A_54 : i32 to vector<16xi32>
        %sub3A_836 = arith.subi %get3A_834, %sub3A_835 : vector<16xi32>
        %and3A_837 = arith.constant 15 : i32
        %and3A_838 = arith.andi %add3A_830, %and3A_837 : i32
        %broadcast_in_dim3A_839 = vector.broadcast %and3A_838 : i32 to vector<16x1xi32>
        %gather3A = vector.shape_cast %broadcast_in_dim3A_839 : vector<16x1xi32> to vector<16xi32>
        %gather3A_840 = tpu.dynamic_gather %sub3A_836[%gather3A] in [0] : vector<16xi32>, vector<16xi32> -> vector<16xi32>
        %add3A_841 = arith.constant 0 : i32
        %add3A_842 = vector.broadcast %add3A_841 : i32 to vector<16xi32>
        %add3A_843 = arith.addi %iota3A, %add3A_842 : vector<16xi32>
        %gather3A_844 = tpu.vector_load_idx %arg11[%add3A_843, %gather3A_840] : memref<64x640xf32, #tpu.memory_space<vmem>>[vector<16xi32>, vector<16xi32>], vector<16xf32>,
        %swap3A_845 = arith.index_cast %scan3A_829 : i32 to index
        %swap3A_846 = arith.constant 0 : index
        %swap3A_847 = tpu.vector_load %arg14[%swap3A_845, %swap3A_846] {strides = array<i32>} : memref<32x128xf32, #tpu.memory_space<vmem>>, vector<16xf32>,
        tpu.vector_store %arg14[%swap3A_845, %swap3A_846], %gather3A_844 {strides = array<i32>} : memref<32x128xf32, #tpu.memory_space<vmem>>, vector<16xf32>,
        %add3A_848 = arith.constant 16 : i32
        %add3A_849 = vector.broadcast %add3A_848 : i32 to vector<16xi32>
        %add3A_850 = arith.addi %iota3A, %add3A_849 : vector<16xi32>
        %gather3A_851 = tpu.vector_load_idx %arg11[%add3A_850, %gather3A_840] : memref<64x640xf32, #tpu.memory_space<vmem>>[vector<16xi32>, vector<16xi32>], vector<16xf32>,
        %swap3A_852 = arith.index_cast %scan3A_829 : i32 to index
        %swap3A_853 = arith.constant 16 : index
        %swap3A_854 = tpu.vector_load %arg14[%swap3A_852, %swap3A_853] {strides = array<i32>} : memref<32x128xf32, #tpu.memory_space<vmem>>, vector<16xf32>,
        tpu.vector_store %arg14[%swap3A_852, %swap3A_853], %gather3A_851 {strides = array<i32>} : memref<32x128xf32, #tpu.memory_space<vmem>>, vector<16xf32>,
        %add3A_855 = arith.constant 32 : i32
        %add3A_856 = vector.broadcast %add3A_855 : i32 to vector<16xi32>
        %add3A_857 = arith.addi %iota3A, %add3A_856 : vector<16xi32>
        %gather3A_858 = tpu.vector_load_idx %arg11[%add3A_857, %gather3A_840] : memref<64x640xf32, #tpu.memory_space<vmem>>[vector<16xi32>, vector<16xi32>], vector<16xf32>,
        %swap3A_859 = arith.index_cast %scan3A_829 : i32 to index
        %swap3A_860 = arith.constant 32 : index
        %swap3A_861 = tpu.vector_load %arg14[%swap3A_859, %swap3A_860] {strides = array<i32>} : memref<32x128xf32, #tpu.memory_space<vmem>>, vector<16xf32>,
        tpu.vector_store %arg14[%swap3A_859, %swap3A_860], %gather3A_858 {strides = array<i32>} : memref<32x128xf32, #tpu.memory_space<vmem>>, vector<16xf32>,
        %add3A_862 = arith.constant 48 : i32
        %add3A_863 = vector.broadcast %add3A_862 : i32 to vector<16xi32>
        %add3A_864 = arith.addi %iota3A, %add3A_863 : vector<16xi32>
        %gather3A_865 = tpu.vector_load_idx %arg11[%add3A_864, %gather3A_840] : memref<64x640xf32, #tpu.memory_space<vmem>>[vector<16xi32>, vector<16xi32>], vector<16xf32>,
        %swap3A_866 = arith.index_cast %scan3A_829 : i32 to index
        %swap3A_867 = arith.constant 48 : index
        %swap3A_868 = tpu.vector_load %arg14[%swap3A_866, %swap3A_867] {strides = array<i32>} : memref<32x128xf32, #tpu.memory_space<vmem>>, vector<16xf32>,
        tpu.vector_store %arg14[%swap3A_866, %swap3A_867], %gather3A_865 {strides = array<i32>} : memref<32x128xf32, #tpu.memory_space<vmem>>, vector<16xf32>,
      }
      %scan3A_811 = arith.constant 32 : i32
      %add3A_812 = arith.constant 5 : i32
      %add3A_813 = arith.addi %add3A_812, %while3A_777 : i32
      %sub3A_814 = arith.constant 1 : i32
      %sub3A_815 = arith.subi %add3A_813, %sub3A_814 : i32
      %dma_start3A_816 = arith.constant 0 : i32
      %dma_start3A_817 = tpu.memref_slice %arg15[%sub3A_815, %dma_start3A_816] : memref<134x32xi32, #tpu.memory_space<vmem>> -> memref<1x32xi32, #tpu.memory_space<vmem>>
      %dma_start3A_818 = tpu.memref_squeeze %dma_start3A_817 : memref<1x32xi32, #tpu.memory_space<vmem>> -> memref<32xi32, #tpu.memory_space<vmem>>
      %dma_start3A_819 = arith.constant 0 : i32
      %dma_start3A_820 = arith.constant 0 : i32
      %dma_start3A_821 = tpu.memref_slice %arg4[%dma_start3A_819, %dma_start3A_820] : memref<4096x128xf32, #tpu.memory_space<hbm>> -> memref<4096x128xf32, #tpu.memory_space<hbm>>
      %dma_start3A_822 = arith.constant -1 : i32
      tpu.enqueue_indirect_dma source(%arg14 : memref<32x128xf32, #tpu.memory_space<vmem>>) target(%dma_start3A_821 : memref<4096x128xf32, #tpu.memory_space<hbm>>) offsets(%dma_start3A_818 : memref<32xi32, #tpu.memory_space<vmem>>) offset_filter(%dma_start3A_822) semaphore(%arg17 : memref<!tpu.dma_semaphore, #tpu.memory_space<semaphore_mem>>)
      %dma_wait3A_823 = arith.constant 0 : i32
      %dma_wait3A_824 = tpu.memref_slice %arg15[%sub3A_815, %dma_wait3A_823] : memref<134x32xi32, #tpu.memory_space<vmem>> -> memref<1x32xi32, #tpu.memory_space<vmem>>
      %dma_wait3A_825 = tpu.memref_squeeze %dma_wait3A_824 : memref<1x32xi32, #tpu.memory_space<vmem>> -> memref<32xi32, #tpu.memory_space<vmem>>
      %dma_wait3A_826 = arith.constant 0 : i32
      %dma_wait3A_827 = arith.constant 0 : i32
      %dma_wait3A_828 = tpu.memref_slice %arg4[%dma_wait3A_826, %dma_wait3A_827] : memref<4096x128xf32, #tpu.memory_space<hbm>> -> memref<4096x128xf32, #tpu.memory_space<hbm>>
      tpu.wait_indirect_dma semaphore(%arg17 : memref<!tpu.dma_semaphore, #tpu.memory_space<semaphore_mem>>) src(%arg14 : memref<32x128xf32, #tpu.memory_space<vmem>>) dst(%dma_wait3A_828 : memref<4096x128xf32, #tpu.memory_space<hbm>>)
    }
    %while3A_172 = arith.constant 1 : i32
    scf.for %while3A_777 = %while3A_170 to %while3A_166 step %while3A_172  : i32 {
      %mul3A_778 = arith.constant 32 : i32
      %mul3A_779 = arith.muli %while3A_777, %mul3A_778 : i32
      %add3A_780 = arith.constant 0 : i32
      %add3A_781 = arith.addi %mul3A_779, %add3A_780 : i32
      %get3A_782 = arith.index_cast %add3A_781 : i32 to index
      %get3A_783 = tpu.vector_load %arg10[%get3A_782] {strides = array<i32>} : memref<4128xi32, #tpu.memory_space<vmem>>, vector<16xi32>,
      %add3A_784 = arith.constant 5 : i32
      %add3A_785 = arith.addi %add3A_784, %while3A_777 : i32
      %sub3A_786 = arith.constant 1 : i32
      %sub3A_787 = arith.subi %add3A_785, %sub3A_786 : i32
      %swap3A_788 = arith.index_cast %sub3A_787 : i32 to index
      %swap3A_789 = arith.constant 0 : index
      %swap3A_790 = tpu.vector_load %arg15[%swap3A_788, %swap3A_789] {strides = array<i32>} : memref<134x32xi32, #tpu.memory_space<vmem>>, vector<16xi32>,
      tpu.vector_store %arg15[%swap3A_788, %swap3A_789], %get3A_783 {strides = array<i32>} : memref<134x32xi32, #tpu.memory_space<vmem>>, vector<16xi32>,
      %mul3A_791 = arith.constant 32 : i32
      %mul3A_792 = arith.muli %while3A_777, %mul3A_791 : i32
      %add3A_793 = arith.constant 16 : i32
      %add3A_794 = arith.addi %mul3A_792, %add3A_793 : i32
      %get3A_795 = arith.index_cast %add3A_794 : i32 to index
      %get3A_796 = tpu.vector_load %arg10[%get3A_795] {strides = array<i32>} : memref<4128xi32, #tpu.memory_space<vmem>>, vector<16xi32>,
      %add3A_797 = arith.constant 5 : i32
      %add3A_798 = arith.addi %add3A_797, %while3A_777 : i32
      %sub3A_799 = arith.constant 1 : i32
      %sub3A_800 = arith.subi %add3A_798, %sub3A_799 : i32
      %swap3A_801 = arith.index_cast %sub3A_800 : i32 to index
      %swap3A_802 = arith.constant 16 : index
      %swap3A_803 = tpu.vector_load %arg15[%swap3A_801, %swap3A_802] {strides = array<i32>} : memref<134x32xi32, #tpu.memory_space<vmem>>, vector<16xi32>,
      tpu.vector_store %arg15[%swap3A_801, %swap3A_802], %get3A_796 {strides = array<i32>} : memref<134x32xi32, #tpu.memory_space<vmem>>, vector<16xi32>,
      %mul3A_804 = arith.constant 32 : i32
      %mul3A_805 = arith.muli %while3A_777, %mul3A_804 : i32
      %scan3A_806 = arith.constant 0 : i32
      %scan3A_807 = arith.constant 0 : i32
      %scan3A_808 = arith.constant 32 : i32
      %scan3A_809 = arith.addi %scan3A_807, %scan3A_808 : i32
      %scan3A_810 = arith.constant 1 : i32
      scf.for %scan3A_829 = %scan3A_807 to %scan3A_809 step %scan3A_810  : i32 {
        %add3A_830 = arith.addi %mul3A_805, %scan3A_829 : i32
        %shift_right_logical3A = arith.constant 4 : i32
        %shift_right_logical3A_831 = arith.shrui %add3A_830, %shift_right_logical3A : i32
        %shift_left3A = arith.constant 4 : i32
        %shift_left3A_832 = arith.shli %shift_right_logical3A_831, %shift_left3A : i32
        %get3A_833 = arith.index_cast %shift_left3A_832 : i32 to index
        %get3A_834 = tpu.vector_load %arg9[%get3A_833] {strides = array<i32>} : memref<4128xi32, #tpu.memory_space<vmem>>, vector<16xi32>,
        %sub3A_835 = vector.broadcast %min3A_54 : i32 to vector<16xi32>
        %sub3A_836 = arith.subi %get3A_834, %sub3A_835 : vector<16xi32>
        %and3A_837 = arith.constant 15 : i32
        %and3A_838 = arith.andi %add3A_830, %and3A_837 : i32
        %broadcast_in_dim3A_839 = vector.broadcast %and3A_838 : i32 to vector<16x1xi32>
        %gather3A = vector.shape_cast %broadcast_in_dim3A_839 : vector<16x1xi32> to vector<16xi32>
        %gather3A_840 = tpu.dynamic_gather %sub3A_836[%gather3A] in [0] : vector<16xi32>, vector<16xi32> -> vector<16xi32>
        %add3A_841 = arith.constant 0 : i32
        %add3A_842 = vector.broadcast %add3A_841 : i32 to vector<16xi32>
        %add3A_843 = arith.addi %iota3A, %add3A_842 : vector<16xi32>
        %gather3A_844 = tpu.vector_load_idx %arg11[%add3A_843, %gather3A_840] : memref<64x640xf32, #tpu.memory_space<vmem>>[vector<16xi32>, vector<16xi32>], vector<16xf32>,
        %swap3A_845 = arith.index_cast %scan3A_829 : i32 to index
        %swap3A_846 = arith.constant 0 : index
        %swap3A_847 = tpu.vector_load %arg14[%swap3A_845, %swap3A_846] {strides = array<i32>} : memref<32x128xf32, #tpu.memory_space<vmem>>, vector<16xf32>,
        tpu.vector_store %arg14[%swap3A_845, %swap3A_846], %gather3A_844 {strides = array<i32>} : memref<32x128xf32, #tpu.memory_space<vmem>>, vector<16xf32>,
        %add3A_848 = arith.constant 16 : i32
        %add3A_849 = vector.broadcast %add3A_848 : i32 to vector<16xi32>
        %add3A_850 = arith.addi %iota3A, %add3A_849 : vector<16xi32>
        %gather3A_851 = tpu.vector_load_idx %arg11[%add3A_850, %gather3A_840] : memref<64x640xf32, #tpu.memory_space<vmem>>[vector<16xi32>, vector<16xi32>], vector<16xf32>,
        %swap3A_852 = arith.index_cast %scan3A_829 : i32 to index
        %swap3A_853 = arith.constant 16 : index
        %swap3A_854 = tpu.vector_load %arg14[%swap3A_852, %swap3A_853] {strides = array<i32>} : memref<32x128xf32, #tpu.memory_space<vmem>>, vector<16xf32>,
        tpu.vector_store %arg14[%swap3A_852, %swap3A_853], %gather3A_851 {strides = array<i32>} : memref<32x128xf32, #tpu.memory_space<vmem>>, vector<16xf32>,
        %add3A_855 = arith.constant 32 : i32
        %add3A_856 = vector.broadcast %add3A_855 : i32 to vector<16xi32>
        %add3A_857 = arith.addi %iota3A, %add3A_856 : vector<16xi32>
        %gather3A_858 = tpu.vector_load_idx %arg11[%add3A_857, %gather3A_840] : memref<64x640xf32, #tpu.memory_space<vmem>>[vector<16xi32>, vector<16xi32>], vector<16xf32>,
        %swap3A_859 = arith.index_cast %scan3A_829 : i32 to index
        %swap3A_860 = arith.constant 32 : index
        %swap3A_861 = tpu.vector_load %arg14[%swap3A_859, %swap3A_860] {strides = array<i32>} : memref<32x128xf32, #tpu.memory_space<vmem>>, vector<16xf32>,
        tpu.vector_store %arg14[%swap3A_859, %swap3A_860], %gather3A_858 {strides = array<i32>} : memref<32x128xf32, #tpu.memory_space<vmem>>, vector<16xf32>,
        %add3A_862 = arith.constant 48 : i32
        %add3A_863 = vector.broadcast %add3A_862 : i32 to vector<16xi32>
        %add3A_864 = arith.addi %iota3A, %add3A_863 : vector<16xi32>
        %gather3A_865 = tpu.vector_load_idx %arg11[%add3A_864, %gather3A_840] : memref<64x640xf32, #tpu.memory_space<vmem>>[vector<16xi32>, vector<16xi32>], vector<16xf32>,
        %swap3A_866 = arith.index_cast %scan3A_829 : i32 to index
        %swap3A_867 = arith.constant 48 : index
        %swap3A_868 = tpu.vector_load %arg14[%swap3A_866, %swap3A_867] {strides = array<i32>} : memref<32x128xf32, #tpu.memory_space<vmem>>, vector<16xf32>,
        tpu.vector_store %arg14[%swap3A_866, %swap3A_867], %gather3A_865 {strides = array<i32>} : memref<32x128xf32, #tpu.memory_space<vmem>>, vector<16xf32>,
      }
      %scan3A_811 = arith.constant 32 : i32
      %add3A_812 = arith.constant 5 : i32
      %add3A_813 = arith.addi %add3A_812, %while3A_777 : i32
      %sub3A_814 = arith.constant 1 : i32
      %sub3A_815 = arith.subi %add3A_813, %sub3A_814 : i32
      %dma_start3A_816 = arith.constant 0 : i32
      %dma_start3A_817 = tpu.memref_slice %arg15[%sub3A_815, %dma_start3A_816] : memref<134x32xi32, #tpu.memory_space<vmem>> -> memref<1x32xi32, #tpu.memory_space<vmem>>
      %dma_start3A_818 = tpu.memref_squeeze %dma_start3A_817 : memref<1x32xi32, #tpu.memory_space<vmem>> -> memref<32xi32, #tpu.memory_space<vmem>>
      %dma_start3A_819 = arith.constant 0 : i32
      %dma_start3A_820 = arith.constant 0 : i32
      %dma_start3A_821 = tpu.memref_slice %arg4[%dma_start3A_819, %dma_start3A_820] : memref<4096x128xf32, #tpu.memory_space<hbm>> -> memref<4096x128xf32, #tpu.memory_space<hbm>>
      %dma_start3A_822 = arith.constant -1 : i32
      tpu.enqueue_indirect_dma source(%arg14 : memref<32x128xf32, #tpu.memory_space<vmem>>) target(%dma_start3A_821 : memref<4096x128xf32, #tpu.memory_space<hbm>>) offsets(%dma_start3A_818 : memref<32xi32, #tpu.memory_space<vmem>>) offset_filter(%dma_start3A_822) semaphore(%arg17 : memref<!tpu.dma_semaphore, #tpu.memory_space<semaphore_mem>>)
      %dma_wait3A_823 = arith.constant 0 : i32
      %dma_wait3A_824 = tpu.memref_slice %arg15[%sub3A_815, %dma_wait3A_823] : memref<134x32xi32, #tpu.memory_space<vmem>> -> memref<1x32xi32, #tpu.memory_space<vmem>>
      %dma_wait3A_825 = tpu.memref_squeeze %dma_wait3A_824 : memref<1x32xi32, #tpu.memory_space<vmem>> -> memref<32xi32, #tpu.memory_space<vmem>>
      %dma_wait3A_826 = arith.constant 0 : i32
      %dma_wait3A_827 = arith.constant 0 : i32
      %dma_wait3A_828 = tpu.memref_slice %arg4[%dma_wait3A_826, %dma_wait3A_827] : memref<4096x128xf32, #tpu.memory_space<hbm>> -> memref<4096x128xf32, #tpu.memory_space<hbm>>
      tpu.wait_indirect_dma semaphore(%arg17 : memref<!tpu.dma_semaphore, #tpu.memory_space<semaphore_mem>>) src(%arg14 : memref<32x128xf32, #tpu.memory_space<vmem>>) dst(%dma_wait3A_828 : memref<4096x128xf32, #tpu.memory_space<hbm>>)
    }
    %add3A_173 = arith.constant 64 : i32
    %add3A_174 = arith.addi %add3A, %add3A_173 : i32
    %mul3A_175 = arith.constant 640 : i32
    %mul3A_176 = arith.muli %add3A_174, %mul3A_175 : i32
    %min3A_177 = arith.constant 99456 : i32
    %min3A_178 = arith.minsi %mul3A_176, %min3A_177 : i32
    %multiple_of3A_179 = tpu.assume_multiple %min3A_178, 128 : i32
    %dma_start3A_180 = arith.constant 0 : i32
    %dma_start3A_181 = tpu.memref_slice %arg2[%dma_start3A_180, %multiple_of3A_179] : memref<64x100000xf32, #tpu.memory_space<hbm>> -> memref<64x640xf32, #tpu.memory_space<hbm>>
    %dma_start3A_182 = arith.constant 0 : i32
    %dma_start3A_183 = tpu.memref_slice %arg2[%dma_start3A_182, %multiple_of3A_179] : memref<64x100000xf32, #tpu.memory_space<hbm>> -> memref<64x640xf32, #tpu.memory_space<hbm>>
    tpu.enqueue_dma source(%dma_start3A_183 : memref<64x640xf32, #tpu.memory_space<hbm>>) target(%arg11 : memref<64x640xf32, #tpu.memory_space<vmem>>) target_semaphore(%arg18 : memref<!tpu.dma_semaphore, #tpu.memory_space<semaphore_mem>>)
    %add3A_184 = arith.constant 32 : i32
    %add3A_185 = arith.addi %add3A, %add3A_184 : i32
    %mul3A_186 = arith.constant 640 : i32
    %mul3A_187 = arith.muli %add3A_185, %mul3A_186 : i32
    %min3A_188 = arith.constant 99456 : i32
    %min3A_189 = arith.minsi %mul3A_187, %min3A_188 : i32
    %add3A_190 = arith.constant 16 : i32
    %add3A_191 = arith.addi %scan3A_34, %add3A_190 : i32
    %jit3A_192 = arith.constant 16 : i32
    %div3A_193 = arith.divsi %add3A_191, %jit3A_192 : i32
    %sign3A_194 = arith.constant 0 : i32
    %sign3A_195 = arith.cmpi sgt, %add3A_191, %sign3A_194 : i32
    %sign3A_196 = arith.extui %sign3A_195 : i1 to i32
    %sign3A_197 = arith.constant 0 : i32
    %sign3A_198 = arith.cmpi slt, %add3A_191, %sign3A_197 : i32
    %sign3A_199 = arith.extui %sign3A_198 : i1 to i32
    %sign3A_200 = arith.subi %sign3A_196, %sign3A_199 : i32
    %sign3A_201 = arith.constant 0 : i32
    %sign3A_202 = arith.cmpi sgt, %jit3A_192, %sign3A_201 : i32
    %sign3A_203 = arith.extui %sign3A_202 : i1 to i32
    %sign3A_204 = arith.constant 0 : i32
    %sign3A_205 = arith.cmpi slt, %jit3A_192, %sign3A_204 : i32
    %sign3A_206 = arith.extui %sign3A_205 : i1 to i32
    %sign3A_207 = arith.subi %sign3A_203, %sign3A_206 : i32
    %ne3A_208 = arith.cmpi ne, %sign3A_200, %sign3A_207 : i32
    %rem3A_209 = arith.remsi %add3A_191, %jit3A_192 : i32
    %ne3A_210 = arith.constant 0 : i32
    %ne3A_211 = arith.cmpi ne, %rem3A_209, %ne3A_210 : i32
    %and3A_212 = arith.andi %ne3A_208, %ne3A_211 : i1
    %sub3A_213 = arith.constant 1 : i32
    %sub3A_214 = arith.subi %div3A_193, %sub3A_213 : i32
    %select_n3A_215 = arith.select %and3A_212, %sub3A_214, %div3A_193 : i32
    %while3A_216 = arith.constant 0 : i32
    %while3A_217 = arith.constant 0 : i32
    %while3A_218 = arith.subi %select_n3A_215, %while3A_216 : i32
    %while3A_219 = arith.addi %while3A_216, %while3A_218 : i32
    %while3A_220 = arith.constant 1 : i32
    %while3A_221 = arith.divsi %while3A_218, %while3A_220 : i32
    %while3A_222 = arith.muli %while3A_221, %while3A_220 : i32
    %while3A_223 = arith.addi %while3A_216, %while3A_222 : i32
    %while3A_224 = arith.constant 1 : i32
    %while3A_225 = scf.for %while3A_777 = %while3A_216 to %while3A_223 step %while3A_224 iter_args(%while3A_778 = %while3A_217) -> (i32)  : i32 {
      %mul3A_779 = arith.constant 16 : i32
      %mul3A_780 = arith.muli %while3A_777, %mul3A_779 : i32
      %get3A_781 = arith.index_cast %mul3A_780 : i32 to index
      %get3A_782 = tpu.vector_load %arg7[%get3A_781] {strides = array<i32>} : memref<4112xi32, #tpu.memory_space<vmem>>, vector<16xi32>,
      %mul3A_783 = arith.constant 16 : i32
      %mul3A_784 = arith.muli %while3A_777, %mul3A_783 : i32
      %get3A_785 = arith.index_cast %mul3A_784 : i32 to index
      %get3A_786 = tpu.vector_load %arg8[%get3A_785] {strides = array<i32>} : memref<4112xi32, #tpu.memory_space<vmem>>, vector<16xi32>,
      %shift_right_logical3A = arith.constant 7 : i32
      %shift_right_logical3A_787 = vector.broadcast %shift_right_logical3A : i32 to vector<16xi32>
      %shift_right_logical3A_788 = arith.shrui %get3A_782, %shift_right_logical3A_787 : vector<16xi32>
      %mul3A_789 = arith.constant 52429 : i32
      %mul3A_790 = vector.broadcast %mul3A_789 : i32 to vector<16xi32>
      %mul3A_791 = arith.muli %shift_right_logical3A_788, %mul3A_790 : vector<16xi32>
      %shift_right_logical3A_792 = arith.constant 18 : i32
      %shift_right_logical3A_793 = vector.broadcast %shift_right_logical3A_792 : i32 to vector<16xi32>
      %shift_right_logical3A_794 = arith.shrui %mul3A_791, %shift_right_logical3A_793 : vector<16xi32>
      %shift_right_logical3A_795 = arith.constant 5 : i32
      %shift_right_logical3A_796 = vector.broadcast %shift_right_logical3A_795 : i32 to vector<16xi32>
      %shift_right_logical3A_797 = arith.shrui %shift_right_logical3A_794, %shift_right_logical3A_796 : vector<16xi32>
      %eq3A = arith.constant 1 : i32
      %eq3A_798 = vector.broadcast %eq3A : i32 to vector<16xi32>
      %eq3A_799 = arith.cmpi eq, %shift_right_logical3A_797, %eq3A_798 : vector<16xi32>
      %swap3A_800 = arith.index_cast %while3A_778 : i32 to index
      %swap3A_801 = tpu.vector_load %arg9[%swap3A_800] masked %eq3A_799 {strides = array<i32>} : memref<4128xi32, #tpu.memory_space<vmem>>, vector<16xi32>, vector<16xi1>
      tpu.vector_store %arg9[%swap3A_800], %get3A_782 masked %eq3A_799 {strides = array<i32>} : memref<4128xi32, #tpu.memory_space<vmem>>, vector<16xi32>, vector<16xi1>
      %swap3A_802 = arith.index_cast %while3A_778 : i32 to index
      %swap3A_803 = tpu.vector_load %arg10[%swap3A_802] masked %eq3A_799 {strides = array<i32>} : memref<4128xi32, #tpu.memory_space<vmem>>, vector<16xi32>, vector<16xi1>
      tpu.vector_store %arg10[%swap3A_802], %get3A_786 masked %eq3A_799 {strides = array<i32>} : memref<4128xi32, #tpu.memory_space<vmem>>, vector<16xi32>, vector<16xi1>
      %convert_element_type3A = arith.extui %eq3A_799 : vector<16xi1> to vector<16xi32>
      %reduce_sum3A = arith.constant true
      %reduce_sum3A_804 = vector.broadcast %reduce_sum3A : i1 to vector<16xi1>
      %reduce_sum3A_805 = tpu.scan <sum>, %convert_element_type3A masked %reduce_sum3A_804 : vector<16xi32>, vector<16xi1> -> vector<16xi32>
      %reduce_sum3A_806 = vector.extract %reduce_sum3A_805[15] : i32 from vector<16xi32>
      %add3A_807 = arith.addi %while3A_778, %reduce_sum3A_806 : i32
      scf.yield %add3A_807 : i32
    }
    %while3A_226 = arith.constant 1 : i32
    %while3A_227 = scf.for %while3A_777 = %while3A_223 to %while3A_219 step %while3A_226 iter_args(%while3A_778 = %while3A_225) -> (i32)  : i32 {
      %mul3A_779 = arith.constant 16 : i32
      %mul3A_780 = arith.muli %while3A_777, %mul3A_779 : i32
      %get3A_781 = arith.index_cast %mul3A_780 : i32 to index
      %get3A_782 = tpu.vector_load %arg7[%get3A_781] {strides = array<i32>} : memref<4112xi32, #tpu.memory_space<vmem>>, vector<16xi32>,
      %mul3A_783 = arith.constant 16 : i32
      %mul3A_784 = arith.muli %while3A_777, %mul3A_783 : i32
      %get3A_785 = arith.index_cast %mul3A_784 : i32 to index
      %get3A_786 = tpu.vector_load %arg8[%get3A_785] {strides = array<i32>} : memref<4112xi32, #tpu.memory_space<vmem>>, vector<16xi32>,
      %shift_right_logical3A = arith.constant 7 : i32
      %shift_right_logical3A_787 = vector.broadcast %shift_right_logical3A : i32 to vector<16xi32>
      %shift_right_logical3A_788 = arith.shrui %get3A_782, %shift_right_logical3A_787 : vector<16xi32>
      %mul3A_789 = arith.constant 52429 : i32
      %mul3A_790 = vector.broadcast %mul3A_789 : i32 to vector<16xi32>
      %mul3A_791 = arith.muli %shift_right_logical3A_788, %mul3A_790 : vector<16xi32>
      %shift_right_logical3A_792 = arith.constant 18 : i32
      %shift_right_logical3A_793 = vector.broadcast %shift_right_logical3A_792 : i32 to vector<16xi32>
      %shift_right_logical3A_794 = arith.shrui %mul3A_791, %shift_right_logical3A_793 : vector<16xi32>
      %shift_right_logical3A_795 = arith.constant 5 : i32
      %shift_right_logical3A_796 = vector.broadcast %shift_right_logical3A_795 : i32 to vector<16xi32>
      %shift_right_logical3A_797 = arith.shrui %shift_right_logical3A_794, %shift_right_logical3A_796 : vector<16xi32>
      %eq3A = arith.constant 1 : i32
      %eq3A_798 = vector.broadcast %eq3A : i32 to vector<16xi32>
      %eq3A_799 = arith.cmpi eq, %shift_right_logical3A_797, %eq3A_798 : vector<16xi32>
      %swap3A_800 = arith.index_cast %while3A_778 : i32 to index
      %swap3A_801 = tpu.vector_load %arg9[%swap3A_800] masked %eq3A_799 {strides = array<i32>} : memref<4128xi32, #tpu.memory_space<vmem>>, vector<16xi32>, vector<16xi1>
      tpu.vector_store %arg9[%swap3A_800], %get3A_782 masked %eq3A_799 {strides = array<i32>} : memref<4128xi32, #tpu.memory_space<vmem>>, vector<16xi32>, vector<16xi1>
      %swap3A_802 = arith.index_cast %while3A_778 : i32 to index
      %swap3A_803 = tpu.vector_load %arg10[%swap3A_802] masked %eq3A_799 {strides = array<i32>} : memref<4128xi32, #tpu.memory_space<vmem>>, vector<16xi32>, vector<16xi1>
      tpu.vector_store %arg10[%swap3A_802], %get3A_786 masked %eq3A_799 {strides = array<i32>} : memref<4128xi32, #tpu.memory_space<vmem>>, vector<16xi32>, vector<16xi1>
      %convert_element_type3A = arith.extui %eq3A_799 : vector<16xi1> to vector<16xi32>
      %reduce_sum3A = arith.constant true
      %reduce_sum3A_804 = vector.broadcast %reduce_sum3A : i1 to vector<16xi1>
      %reduce_sum3A_805 = tpu.scan <sum>, %convert_element_type3A masked %reduce_sum3A_804 : vector<16xi32>, vector<16xi1> -> vector<16xi32>
      %reduce_sum3A_806 = vector.extract %reduce_sum3A_805[15] : i32 from vector<16xi32>
      %add3A_807 = arith.addi %while3A_778, %reduce_sum3A_806 : i32
      scf.yield %add3A_807 : i32
    }
    %broadcast_in_dim3A_228 = arith.constant -1 : i32
    %broadcast_in_dim3A_229 = vector.broadcast %broadcast_in_dim3A_228 : i32 to vector<16xi32>
    %add3A_230 = arith.constant 0 : i32
    %add3A_231 = arith.addi %while3A_227, %add3A_230 : i32
    %swap3A_232 = arith.index_cast %add3A_231 : i32 to index
    %swap3A_233 = tpu.vector_load %arg10[%swap3A_232] {strides = array<i32>} : memref<4128xi32, #tpu.memory_space<vmem>>, vector<16xi32>,
    tpu.vector_store %arg10[%swap3A_232], %broadcast_in_dim3A_229 {strides = array<i32>} : memref<4128xi32, #tpu.memory_space<vmem>>, vector<16xi32>,
    %broadcast_in_dim3A_234 = vector.broadcast %min3A_189 : i32 to vector<16xi32>
    %add3A_235 = arith.constant 0 : i32
    %add3A_236 = arith.addi %while3A_227, %add3A_235 : i32
    %swap3A_237 = arith.index_cast %add3A_236 : i32 to index
    %swap3A_238 = tpu.vector_load %arg9[%swap3A_237] {strides = array<i32>} : memref<4128xi32, #tpu.memory_space<vmem>>, vector<16xi32>,
    tpu.vector_store %arg9[%swap3A_237], %broadcast_in_dim3A_234 {strides = array<i32>} : memref<4128xi32, #tpu.memory_space<vmem>>, vector<16xi32>,
    %broadcast_in_dim3A_239 = arith.constant -1 : i32
    %broadcast_in_dim3A_240 = vector.broadcast %broadcast_in_dim3A_239 : i32 to vector<16xi32>
    %add3A_241 = arith.constant 16 : i32
    %add3A_242 = arith.addi %while3A_227, %add3A_241 : i32
    %swap3A_243 = arith.index_cast %add3A_242 : i32 to index
    %swap3A_244 = tpu.vector_load %arg10[%swap3A_243] {strides = array<i32>} : memref<4128xi32, #tpu.memory_space<vmem>>, vector<16xi32>,
    tpu.vector_store %arg10[%swap3A_243], %broadcast_in_dim3A_240 {strides = array<i32>} : memref<4128xi32, #tpu.memory_space<vmem>>, vector<16xi32>,
    %broadcast_in_dim3A_245 = vector.broadcast %min3A_189 : i32 to vector<16xi32>
    %add3A_246 = arith.constant 16 : i32
    %add3A_247 = arith.addi %while3A_227, %add3A_246 : i32
    %swap3A_248 = arith.index_cast %add3A_247 : i32 to index
    %swap3A_249 = tpu.vector_load %arg9[%swap3A_248] {strides = array<i32>} : memref<4128xi32, #tpu.memory_space<vmem>>, vector<16xi32>,
    tpu.vector_store %arg9[%swap3A_248], %broadcast_in_dim3A_245 {strides = array<i32>} : memref<4128xi32, #tpu.memory_space<vmem>>, vector<16xi32>,
    %dma_wait3A_250 = arith.constant 0 : i32
    %dma_wait3A_251 = tpu.memref_slice %arg2[%dma_wait3A_250, %multiple_of3A_44] : memref<64x100000xf32, #tpu.memory_space<hbm>> -> memref<64x640xf32, #tpu.memory_space<hbm>>
    %dma_wait3A_252 = arith.constant 0 : i32
    %dma_wait3A_253 = tpu.memref_slice %arg2[%dma_wait3A_252, %multiple_of3A_44] : memref<64x100000xf32, #tpu.memory_space<hbm>> -> memref<64x640xf32, #tpu.memory_space<hbm>>
    tpu.wait_dma2 semaphore(%arg19 : memref<!tpu.dma_semaphore, #tpu.memory_space<semaphore_mem>>) src(%dma_wait3A_253 : memref<64x640xf32, #tpu.memory_space<hbm>>) dst(%arg12 : memref<64x640xf32, #tpu.memory_space<vmem>>)
    %dma_wait3A_254 = arith.constant 0 : i32
    %dma_wait3A_255 = arith.constant 0 : i32
    %dma_wait3A_256 = tpu.memref_slice %arg15[%dma_wait3A_254, %dma_wait3A_255] : memref<134x32xi32, #tpu.memory_space<vmem>> -> memref<1x32xi32, #tpu.memory_space<vmem>>
    %dma_wait3A_257 = tpu.memref_squeeze %dma_wait3A_256 : memref<1x32xi32, #tpu.memory_space<vmem>> -> memref<32xi32, #tpu.memory_space<vmem>>
    %dma_wait3A_258 = arith.constant 0 : i32
    %dma_wait3A_259 = arith.constant 0 : i32
    %dma_wait3A_260 = tpu.memref_slice %arg4[%dma_wait3A_258, %dma_wait3A_259] : memref<4096x128xf32, #tpu.memory_space<hbm>> -> memref<4096x128xf32, #tpu.memory_space<hbm>>
    tpu.wait_indirect_dma semaphore(%arg16 : memref<!tpu.dma_semaphore, #tpu.memory_space<semaphore_mem>>) src(%arg13 : memref<32x128xf32, #tpu.memory_space<vmem>>) dst(%dma_wait3A_260 : memref<4096x128xf32, #tpu.memory_space<hbm>>)
    %get3A_261 = arith.constant 0 : index
    %get3A_262 = tpu.vector_load %arg10[%get3A_261] {strides = array<i32>} : memref<4128xi32, #tpu.memory_space<vmem>>, vector<16xi32>,
    %swap3A_263 = arith.constant 1 : i32
    %swap3A_264 = arith.index_cast %swap3A_263 : i32 to index
    %swap3A_265 = arith.constant 0 : index
    %swap3A_266 = tpu.vector_load %arg15[%swap3A_264, %swap3A_265] {strides = array<i32>} : memref<134x32xi32, #tpu.memory_space<vmem>>, vector<16xi32>,
    tpu.vector_store %arg15[%swap3A_264, %swap3A_265], %get3A_262 {strides = array<i32>} : memref<134x32xi32, #tpu.memory_space<vmem>>, vector<16xi32>,
    %get3A_267 = arith.constant 16 : index
    %get3A_268 = tpu.vector_load %arg10[%get3A_267] {strides = array<i32>} : memref<4128xi32, #tpu.memory_space<vmem>>, vector<16xi32>,
    %swap3A_269 = arith.constant 1 : i32
    %swap3A_270 = arith.index_cast %swap3A_269 : i32 to index
    %swap3A_271 = arith.constant 16 : index
    %swap3A_272 = tpu.vector_load %arg15[%swap3A_270, %swap3A_271] {strides = array<i32>} : memref<134x32xi32, #tpu.memory_space<vmem>>, vector<16xi32>,
    tpu.vector_store %arg15[%swap3A_270, %swap3A_271], %get3A_268 {strides = array<i32>} : memref<134x32xi32, #tpu.memory_space<vmem>>, vector<16xi32>,
    %scan3A_273 = arith.constant 0 : i32
    %scan3A_274 = arith.constant 0 : i32
    %scan3A_275 = arith.constant 32 : i32
    %scan3A_276 = arith.addi %scan3A_274, %scan3A_275 : i32
    %scan3A_277 = arith.constant 1 : i32
    scf.for %scan3A_777 = %scan3A_274 to %scan3A_276 step %scan3A_277  : i32 {
      %add3A_778 = arith.constant 0 : i32
      %add3A_779 = arith.addi %add3A_778, %scan3A_777 : i32
      %shift_right_logical3A = arith.constant 4 : i32
      %shift_right_logical3A_780 = arith.shrui %add3A_779, %shift_right_logical3A : i32
      %shift_left3A = arith.constant 4 : i32
      %shift_left3A_781 = arith.shli %shift_right_logical3A_780, %shift_left3A : i32
      %get3A_782 = arith.index_cast %shift_left3A_781 : i32 to index
      %get3A_783 = tpu.vector_load %arg9[%get3A_782] {strides = array<i32>} : memref<4128xi32, #tpu.memory_space<vmem>>, vector<16xi32>,
      %sub3A_784 = vector.broadcast %min3A_189 : i32 to vector<16xi32>
      %sub3A_785 = arith.subi %get3A_783, %sub3A_784 : vector<16xi32>
      %and3A_786 = arith.constant 15 : i32
      %and3A_787 = arith.andi %add3A_779, %and3A_786 : i32
      %broadcast_in_dim3A_788 = vector.broadcast %and3A_787 : i32 to vector<16x1xi32>
      %gather3A = vector.shape_cast %broadcast_in_dim3A_788 : vector<16x1xi32> to vector<16xi32>
      %gather3A_789 = tpu.dynamic_gather %sub3A_785[%gather3A] in [0] : vector<16xi32>, vector<16xi32> -> vector<16xi32>
      %add3A_790 = arith.constant 0 : i32
      %add3A_791 = vector.broadcast %add3A_790 : i32 to vector<16xi32>
      %add3A_792 = arith.addi %iota3A, %add3A_791 : vector<16xi32>
      %gather3A_793 = tpu.vector_load_idx %arg12[%add3A_792, %gather3A_789] : memref<64x640xf32, #tpu.memory_space<vmem>>[vector<16xi32>, vector<16xi32>], vector<16xf32>,
      %swap3A_794 = arith.index_cast %scan3A_777 : i32 to index
      %swap3A_795 = arith.constant 0 : index
      %swap3A_796 = tpu.vector_load %arg13[%swap3A_794, %swap3A_795] {strides = array<i32>} : memref<32x128xf32, #tpu.memory_space<vmem>>, vector<16xf32>,
      tpu.vector_store %arg13[%swap3A_794, %swap3A_795], %gather3A_793 {strides = array<i32>} : memref<32x128xf32, #tpu.memory_space<vmem>>, vector<16xf32>,
      %add3A_797 = arith.constant 16 : i32
      %add3A_798 = vector.broadcast %add3A_797 : i32 to vector<16xi32>
      %add3A_799 = arith.addi %iota3A, %add3A_798 : vector<16xi32>
      %gather3A_800 = tpu.vector_load_idx %arg12[%add3A_799, %gather3A_789] : memref<64x640xf32, #tpu.memory_space<vmem>>[vector<16xi32>, vector<16xi32>], vector<16xf32>,
      %swap3A_801 = arith.index_cast %scan3A_777 : i32 to index
      %swap3A_802 = arith.constant 16 : index
      %swap3A_803 = tpu.vector_load %arg13[%swap3A_801, %swap3A_802] {strides = array<i32>} : memref<32x128xf32, #tpu.memory_space<vmem>>, vector<16xf32>,
      tpu.vector_store %arg13[%swap3A_801, %swap3A_802], %gather3A_800 {strides = array<i32>} : memref<32x128xf32, #tpu.memory_space<vmem>>, vector<16xf32>,
      %add3A_804 = arith.constant 32 : i32
      %add3A_805 = vector.broadcast %add3A_804 : i32 to vector<16xi32>
      %add3A_806 = arith.addi %iota3A, %add3A_805 : vector<16xi32>
      %gather3A_807 = tpu.vector_load_idx %arg12[%add3A_806, %gather3A_789] : memref<64x640xf32, #tpu.memory_space<vmem>>[vector<16xi32>, vector<16xi32>], vector<16xf32>,
      %swap3A_808 = arith.index_cast %scan3A_777 : i32 to index
      %swap3A_809 = arith.constant 32 : index
      %swap3A_810 = tpu.vector_load %arg13[%swap3A_808, %swap3A_809] {strides = array<i32>} : memref<32x128xf32, #tpu.memory_space<vmem>>, vector<16xf32>,
      tpu.vector_store %arg13[%swap3A_808, %swap3A_809], %gather3A_807 {strides = array<i32>} : memref<32x128xf32, #tpu.memory_space<vmem>>, vector<16xf32>,
      %add3A_811 = arith.constant 48 : i32
      %add3A_812 = vector.broadcast %add3A_811 : i32 to vector<16xi32>
      %add3A_813 = arith.addi %iota3A, %add3A_812 : vector<16xi32>
      %gather3A_814 = tpu.vector_load_idx %arg12[%add3A_813, %gather3A_789] : memref<64x640xf32, #tpu.memory_space<vmem>>[vector<16xi32>, vector<16xi32>], vector<16xf32>,
      %swap3A_815 = arith.index_cast %scan3A_777 : i32 to index
      %swap3A_816 = arith.constant 48 : index
      %swap3A_817 = tpu.vector_load %arg13[%swap3A_815, %swap3A_816] {strides = array<i32>} : memref<32x128xf32, #tpu.memory_space<vmem>>, vector<16xf32>,
      tpu.vector_store %arg13[%swap3A_815, %swap3A_816], %gather3A_814 {strides = array<i32>} : memref<32x128xf32, #tpu.memory_space<vmem>>, vector<16xf32>,
    }
    %scan3A_278 = arith.constant 32 : i32
    %dma_start3A_279 = arith.constant 1 : i32
    %dma_start3A_280 = arith.constant 0 : i32
    %dma_start3A_281 = tpu.memref_slice %arg15[%dma_start3A_279, %dma_start3A_280] : memref<134x32xi32, #tpu.memory_space<vmem>> -> memref<1x32xi32, #tpu.memory_space<vmem>>
    %dma_start3A_282 = tpu.memref_squeeze %dma_start3A_281 : memref<1x32xi32, #tpu.memory_space<vmem>> -> memref<32xi32, #tpu.memory_space<vmem>>
    %dma_start3A_283 = arith.constant 0 : i32
    %dma_start3A_284 = arith.constant 0 : i32
    %dma_start3A_285 = tpu.memref_slice %arg4[%dma_start3A_283, %dma_start3A_284] : memref<4096x128xf32, #tpu.memory_space<hbm>> -> memref<4096x128xf32, #tpu.memory_space<hbm>>
    %dma_start3A_286 = arith.constant -1 : i32
    tpu.enqueue_indirect_dma source(%arg13 : memref<32x128xf32, #tpu.memory_space<vmem>>) target(%dma_start3A_285 : memref<4096x128xf32, #tpu.memory_space<hbm>>) offsets(%dma_start3A_282 : memref<32xi32, #tpu.memory_space<vmem>>) offset_filter(%dma_start3A_286) semaphore(%arg16 : memref<!tpu.dma_semaphore, #tpu.memory_space<semaphore_mem>>)
    %add3A_287 = arith.constant 32 : i32
    %add3A_288 = arith.addi %while3A_227, %add3A_287 : i32
    %sub3A_289 = arith.constant 1 : i32
    %sub3A_290 = arith.subi %add3A_288, %sub3A_289 : i32
    %jit3A_291 = arith.constant 32 : i32
    %div3A_292 = arith.divsi %sub3A_290, %jit3A_291 : i32
    %sign3A_293 = arith.constant 0 : i32
    %sign3A_294 = arith.cmpi sgt, %sub3A_290, %sign3A_293 : i32
    %sign3A_295 = arith.extui %sign3A_294 : i1 to i32
    %sign3A_296 = arith.constant 0 : i32
    %sign3A_297 = arith.cmpi slt, %sub3A_290, %sign3A_296 : i32
    %sign3A_298 = arith.extui %sign3A_297 : i1 to i32
    %sign3A_299 = arith.subi %sign3A_295, %sign3A_298 : i32
    %sign3A_300 = arith.constant 0 : i32
    %sign3A_301 = arith.cmpi sgt, %jit3A_291, %sign3A_300 : i32
    %sign3A_302 = arith.extui %sign3A_301 : i1 to i32
    %sign3A_303 = arith.constant 0 : i32
    %sign3A_304 = arith.cmpi slt, %jit3A_291, %sign3A_303 : i32
    %sign3A_305 = arith.extui %sign3A_304 : i1 to i32
    %sign3A_306 = arith.subi %sign3A_302, %sign3A_305 : i32
    %ne3A_307 = arith.cmpi ne, %sign3A_299, %sign3A_306 : i32
    %rem3A_308 = arith.remsi %sub3A_290, %jit3A_291 : i32
    %ne3A_309 = arith.constant 0 : i32
    %ne3A_310 = arith.cmpi ne, %rem3A_308, %ne3A_309 : i32
    %and3A_311 = arith.andi %ne3A_307, %ne3A_310 : i1
    %sub3A_312 = arith.constant 1 : i32
    %sub3A_313 = arith.subi %div3A_292, %sub3A_312 : i32
    %select_n3A_314 = arith.select %and3A_311, %sub3A_313, %div3A_292 : i32
    %while3A_315 = arith.constant 0 : i32
    %while3A_316 = arith.constant 1 : i32
    %while3A_317 = arith.subi %select_n3A_314, %while3A_316 : i32
    %while3A_318 = arith.addi %while3A_316, %while3A_317 : i32
    %while3A_319 = arith.constant 1 : i32
    %while3A_320 = arith.divsi %while3A_317, %while3A_319 : i32
    %while3A_321 = arith.muli %while3A_320, %while3A_319 : i32
    %while3A_322 = arith.addi %while3A_316, %while3A_321 : i32
    %while3A_323 = arith.constant 1 : i32
    scf.for %while3A_777 = %while3A_316 to %while3A_322 step %while3A_323  : i32 {
      %mul3A_778 = arith.constant 32 : i32
      %mul3A_779 = arith.muli %while3A_777, %mul3A_778 : i32
      %add3A_780 = arith.constant 0 : i32
      %add3A_781 = arith.addi %mul3A_779, %add3A_780 : i32
      %get3A_782 = arith.index_cast %add3A_781 : i32 to index
      %get3A_783 = tpu.vector_load %arg10[%get3A_782] {strides = array<i32>} : memref<4128xi32, #tpu.memory_space<vmem>>, vector<16xi32>,
      %add3A_784 = arith.constant 5 : i32
      %add3A_785 = arith.addi %add3A_784, %while3A_777 : i32
      %sub3A_786 = arith.constant 1 : i32
      %sub3A_787 = arith.subi %add3A_785, %sub3A_786 : i32
      %swap3A_788 = arith.index_cast %sub3A_787 : i32 to index
      %swap3A_789 = arith.constant 0 : index
      %swap3A_790 = tpu.vector_load %arg15[%swap3A_788, %swap3A_789] {strides = array<i32>} : memref<134x32xi32, #tpu.memory_space<vmem>>, vector<16xi32>,
      tpu.vector_store %arg15[%swap3A_788, %swap3A_789], %get3A_783 {strides = array<i32>} : memref<134x32xi32, #tpu.memory_space<vmem>>, vector<16xi32>,
      %mul3A_791 = arith.constant 32 : i32
      %mul3A_792 = arith.muli %while3A_777, %mul3A_791 : i32
      %add3A_793 = arith.constant 16 : i32
      %add3A_794 = arith.addi %mul3A_792, %add3A_793 : i32
      %get3A_795 = arith.index_cast %add3A_794 : i32 to index
      %get3A_796 = tpu.vector_load %arg10[%get3A_795] {strides = array<i32>} : memref<4128xi32, #tpu.memory_space<vmem>>, vector<16xi32>,
      %add3A_797 = arith.constant 5 : i32
      %add3A_798 = arith.addi %add3A_797, %while3A_777 : i32
      %sub3A_799 = arith.constant 1 : i32
      %sub3A_800 = arith.subi %add3A_798, %sub3A_799 : i32
      %swap3A_801 = arith.index_cast %sub3A_800 : i32 to index
      %swap3A_802 = arith.constant 16 : index
      %swap3A_803 = tpu.vector_load %arg15[%swap3A_801, %swap3A_802] {strides = array<i32>} : memref<134x32xi32, #tpu.memory_space<vmem>>, vector<16xi32>,
      tpu.vector_store %arg15[%swap3A_801, %swap3A_802], %get3A_796 {strides = array<i32>} : memref<134x32xi32, #tpu.memory_space<vmem>>, vector<16xi32>,
      %mul3A_804 = arith.constant 32 : i32
      %mul3A_805 = arith.muli %while3A_777, %mul3A_804 : i32
      %scan3A_806 = arith.constant 0 : i32
      %scan3A_807 = arith.constant 0 : i32
      %scan3A_808 = arith.constant 32 : i32
      %scan3A_809 = arith.addi %scan3A_807, %scan3A_808 : i32
      %scan3A_810 = arith.constant 1 : i32
      scf.for %scan3A_829 = %scan3A_807 to %scan3A_809 step %scan3A_810  : i32 {
        %add3A_830 = arith.addi %mul3A_805, %scan3A_829 : i32
        %shift_right_logical3A = arith.constant 4 : i32
        %shift_right_logical3A_831 = arith.shrui %add3A_830, %shift_right_logical3A : i32
        %shift_left3A = arith.constant 4 : i32
        %shift_left3A_832 = arith.shli %shift_right_logical3A_831, %shift_left3A : i32
        %get3A_833 = arith.index_cast %shift_left3A_832 : i32 to index
        %get3A_834 = tpu.vector_load %arg9[%get3A_833] {strides = array<i32>} : memref<4128xi32, #tpu.memory_space<vmem>>, vector<16xi32>,
        %sub3A_835 = vector.broadcast %min3A_189 : i32 to vector<16xi32>
        %sub3A_836 = arith.subi %get3A_834, %sub3A_835 : vector<16xi32>
        %and3A_837 = arith.constant 15 : i32
        %and3A_838 = arith.andi %add3A_830, %and3A_837 : i32
        %broadcast_in_dim3A_839 = vector.broadcast %and3A_838 : i32 to vector<16x1xi32>
        %gather3A = vector.shape_cast %broadcast_in_dim3A_839 : vector<16x1xi32> to vector<16xi32>
        %gather3A_840 = tpu.dynamic_gather %sub3A_836[%gather3A] in [0] : vector<16xi32>, vector<16xi32> -> vector<16xi32>
        %add3A_841 = arith.constant 0 : i32
        %add3A_842 = vector.broadcast %add3A_841 : i32 to vector<16xi32>
        %add3A_843 = arith.addi %iota3A, %add3A_842 : vector<16xi32>
        %gather3A_844 = tpu.vector_load_idx %arg12[%add3A_843, %gather3A_840] : memref<64x640xf32, #tpu.memory_space<vmem>>[vector<16xi32>, vector<16xi32>], vector<16xf32>,
        %swap3A_845 = arith.index_cast %scan3A_829 : i32 to index
        %swap3A_846 = arith.constant 0 : index
        %swap3A_847 = tpu.vector_load %arg14[%swap3A_845, %swap3A_846] {strides = array<i32>} : memref<32x128xf32, #tpu.memory_space<vmem>>, vector<16xf32>,
        tpu.vector_store %arg14[%swap3A_845, %swap3A_846], %gather3A_844 {strides = array<i32>} : memref<32x128xf32, #tpu.memory_space<vmem>>, vector<16xf32>,
        %add3A_848 = arith.constant 16 : i32
        %add3A_849 = vector.broadcast %add3A_848 : i32 to vector<16xi32>
        %add3A_850 = arith.addi %iota3A, %add3A_849 : vector<16xi32>
        %gather3A_851 = tpu.vector_load_idx %arg12[%add3A_850, %gather3A_840] : memref<64x640xf32, #tpu.memory_space<vmem>>[vector<16xi32>, vector<16xi32>], vector<16xf32>,
        %swap3A_852 = arith.index_cast %scan3A_829 : i32 to index
        %swap3A_853 = arith.constant 16 : index
        %swap3A_854 = tpu.vector_load %arg14[%swap3A_852, %swap3A_853] {strides = array<i32>} : memref<32x128xf32, #tpu.memory_space<vmem>>, vector<16xf32>,
        tpu.vector_store %arg14[%swap3A_852, %swap3A_853], %gather3A_851 {strides = array<i32>} : memref<32x128xf32, #tpu.memory_space<vmem>>, vector<16xf32>,
        %add3A_855 = arith.constant 32 : i32
        %add3A_856 = vector.broadcast %add3A_855 : i32 to vector<16xi32>
        %add3A_857 = arith.addi %iota3A, %add3A_856 : vector<16xi32>
        %gather3A_858 = tpu.vector_load_idx %arg12[%add3A_857, %gather3A_840] : memref<64x640xf32, #tpu.memory_space<vmem>>[vector<16xi32>, vector<16xi32>], vector<16xf32>,
        %swap3A_859 = arith.index_cast %scan3A_829 : i32 to index
        %swap3A_860 = arith.constant 32 : index
        %swap3A_861 = tpu.vector_load %arg14[%swap3A_859, %swap3A_860] {strides = array<i32>} : memref<32x128xf32, #tpu.memory_space<vmem>>, vector<16xf32>,
        tpu.vector_store %arg14[%swap3A_859, %swap3A_860], %gather3A_858 {strides = array<i32>} : memref<32x128xf32, #tpu.memory_space<vmem>>, vector<16xf32>,
        %add3A_862 = arith.constant 48 : i32
        %add3A_863 = vector.broadcast %add3A_862 : i32 to vector<16xi32>
        %add3A_864 = arith.addi %iota3A, %add3A_863 : vector<16xi32>
        %gather3A_865 = tpu.vector_load_idx %arg12[%add3A_864, %gather3A_840] : memref<64x640xf32, #tpu.memory_space<vmem>>[vector<16xi32>, vector<16xi32>], vector<16xf32>,
        %swap3A_866 = arith.index_cast %scan3A_829 : i32 to index
        %swap3A_867 = arith.constant 48 : index
        %swap3A_868 = tpu.vector_load %arg14[%swap3A_866, %swap3A_867] {strides = array<i32>} : memref<32x128xf32, #tpu.memory_space<vmem>>, vector<16xf32>,
        tpu.vector_store %arg14[%swap3A_866, %swap3A_867], %gather3A_865 {strides = array<i32>} : memref<32x128xf32, #tpu.memory_space<vmem>>, vector<16xf32>,
      }
      %scan3A_811 = arith.constant 32 : i32
      %add3A_812 = arith.constant 5 : i32
      %add3A_813 = arith.addi %add3A_812, %while3A_777 : i32
      %sub3A_814 = arith.constant 1 : i32
      %sub3A_815 = arith.subi %add3A_813, %sub3A_814 : i32
      %dma_start3A_816 = arith.constant 0 : i32
      %dma_start3A_817 = tpu.memref_slice %arg15[%sub3A_815, %dma_start3A_816] : memref<134x32xi32, #tpu.memory_space<vmem>> -> memref<1x32xi32, #tpu.memory_space<vmem>>
      %dma_start3A_818 = tpu.memref_squeeze %dma_start3A_817 : memref<1x32xi32, #tpu.memory_space<vmem>> -> memref<32xi32, #tpu.memory_space<vmem>>
      %dma_start3A_819 = arith.constant 0 : i32
      %dma_start3A_820 = arith.constant 0 : i32
      %dma_start3A_821 = tpu.memref_slice %arg4[%dma_start3A_819, %dma_start3A_820] : memref<4096x128xf32, #tpu.memory_space<hbm>> -> memref<4096x128xf32, #tpu.memory_space<hbm>>
      %dma_start3A_822 = arith.constant -1 : i32
      tpu.enqueue_indirect_dma source(%arg14 : memref<32x128xf32, #tpu.memory_space<vmem>>) target(%dma_start3A_821 : memref<4096x128xf32, #tpu.memory_space<hbm>>) offsets(%dma_start3A_818 : memref<32xi32, #tpu.memory_space<vmem>>) offset_filter(%dma_start3A_822) semaphore(%arg17 : memref<!tpu.dma_semaphore, #tpu.memory_space<semaphore_mem>>)
      %dma_wait3A_823 = arith.constant 0 : i32
      %dma_wait3A_824 = tpu.memref_slice %arg15[%sub3A_815, %dma_wait3A_823] : memref<134x32xi32, #tpu.memory_space<vmem>> -> memref<1x32xi32, #tpu.memory_space<vmem>>
      %dma_wait3A_825 = tpu.memref_squeeze %dma_wait3A_824 : memref<1x32xi32, #tpu.memory_space<vmem>> -> memref<32xi32, #tpu.memory_space<vmem>>
      %dma_wait3A_826 = arith.constant 0 : i32
      %dma_wait3A_827 = arith.constant 0 : i32
      %dma_wait3A_828 = tpu.memref_slice %arg4[%dma_wait3A_826, %dma_wait3A_827] : memref<4096x128xf32, #tpu.memory_space<hbm>> -> memref<4096x128xf32, #tpu.memory_space<hbm>>
      tpu.wait_indirect_dma semaphore(%arg17 : memref<!tpu.dma_semaphore, #tpu.memory_space<semaphore_mem>>) src(%arg14 : memref<32x128xf32, #tpu.memory_space<vmem>>) dst(%dma_wait3A_828 : memref<4096x128xf32, #tpu.memory_space<hbm>>)
    }
    %while3A_324 = arith.constant 1 : i32
    scf.for %while3A_777 = %while3A_322 to %while3A_318 step %while3A_324  : i32 {
      %mul3A_778 = arith.constant 32 : i32
      %mul3A_779 = arith.muli %while3A_777, %mul3A_778 : i32
      %add3A_780 = arith.constant 0 : i32
      %add3A_781 = arith.addi %mul3A_779, %add3A_780 : i32
      %get3A_782 = arith.index_cast %add3A_781 : i32 to index
      %get3A_783 = tpu.vector_load %arg10[%get3A_782] {strides = array<i32>} : memref<4128xi32, #tpu.memory_space<vmem>>, vector<16xi32>,
      %add3A_784 = arith.constant 5 : i32
      %add3A_785 = arith.addi %add3A_784, %while3A_777 : i32
      %sub3A_786 = arith.constant 1 : i32
      %sub3A_787 = arith.subi %add3A_785, %sub3A_786 : i32
      %swap3A_788 = arith.index_cast %sub3A_787 : i32 to index
      %swap3A_789 = arith.constant 0 : index
      %swap3A_790 = tpu.vector_load %arg15[%swap3A_788, %swap3A_789] {strides = array<i32>} : memref<134x32xi32, #tpu.memory_space<vmem>>, vector<16xi32>,
      tpu.vector_store %arg15[%swap3A_788, %swap3A_789], %get3A_783 {strides = array<i32>} : memref<134x32xi32, #tpu.memory_space<vmem>>, vector<16xi32>,
      %mul3A_791 = arith.constant 32 : i32
      %mul3A_792 = arith.muli %while3A_777, %mul3A_791 : i32
      %add3A_793 = arith.constant 16 : i32
      %add3A_794 = arith.addi %mul3A_792, %add3A_793 : i32
      %get3A_795 = arith.index_cast %add3A_794 : i32 to index
      %get3A_796 = tpu.vector_load %arg10[%get3A_795] {strides = array<i32>} : memref<4128xi32, #tpu.memory_space<vmem>>, vector<16xi32>,
      %add3A_797 = arith.constant 5 : i32
      %add3A_798 = arith.addi %add3A_797, %while3A_777 : i32
      %sub3A_799 = arith.constant 1 : i32
      %sub3A_800 = arith.subi %add3A_798, %sub3A_799 : i32
      %swap3A_801 = arith.index_cast %sub3A_800 : i32 to index
      %swap3A_802 = arith.constant 16 : index
      %swap3A_803 = tpu.vector_load %arg15[%swap3A_801, %swap3A_802] {strides = array<i32>} : memref<134x32xi32, #tpu.memory_space<vmem>>, vector<16xi32>,
      tpu.vector_store %arg15[%swap3A_801, %swap3A_802], %get3A_796 {strides = array<i32>} : memref<134x32xi32, #tpu.memory_space<vmem>>, vector<16xi32>,
      %mul3A_804 = arith.constant 32 : i32
      %mul3A_805 = arith.muli %while3A_777, %mul3A_804 : i32
      %scan3A_806 = arith.constant 0 : i32
      %scan3A_807 = arith.constant 0 : i32
      %scan3A_808 = arith.constant 32 : i32
      %scan3A_809 = arith.addi %scan3A_807, %scan3A_808 : i32
      %scan3A_810 = arith.constant 1 : i32
      scf.for %scan3A_829 = %scan3A_807 to %scan3A_809 step %scan3A_810  : i32 {
        %add3A_830 = arith.addi %mul3A_805, %scan3A_829 : i32
        %shift_right_logical3A = arith.constant 4 : i32
        %shift_right_logical3A_831 = arith.shrui %add3A_830, %shift_right_logical3A : i32
        %shift_left3A = arith.constant 4 : i32
        %shift_left3A_832 = arith.shli %shift_right_logical3A_831, %shift_left3A : i32
        %get3A_833 = arith.index_cast %shift_left3A_832 : i32 to index
        %get3A_834 = tpu.vector_load %arg9[%get3A_833] {strides = array<i32>} : memref<4128xi32, #tpu.memory_space<vmem>>, vector<16xi32>,
        %sub3A_835 = vector.broadcast %min3A_189 : i32 to vector<16xi32>
        %sub3A_836 = arith.subi %get3A_834, %sub3A_835 : vector<16xi32>
        %and3A_837 = arith.constant 15 : i32
        %and3A_838 = arith.andi %add3A_830, %and3A_837 : i32
        %broadcast_in_dim3A_839 = vector.broadcast %and3A_838 : i32 to vector<16x1xi32>
        %gather3A = vector.shape_cast %broadcast_in_dim3A_839 : vector<16x1xi32> to vector<16xi32>
        %gather3A_840 = tpu.dynamic_gather %sub3A_836[%gather3A] in [0] : vector<16xi32>, vector<16xi32> -> vector<16xi32>
        %add3A_841 = arith.constant 0 : i32
        %add3A_842 = vector.broadcast %add3A_841 : i32 to vector<16xi32>
        %add3A_843 = arith.addi %iota3A, %add3A_842 : vector<16xi32>
        %gather3A_844 = tpu.vector_load_idx %arg12[%add3A_843, %gather3A_840] : memref<64x640xf32, #tpu.memory_space<vmem>>[vector<16xi32>, vector<16xi32>], vector<16xf32>,
        %swap3A_845 = arith.index_cast %scan3A_829 : i32 to index
        %swap3A_846 = arith.constant 0 : index
        %swap3A_847 = tpu.vector_load %arg14[%swap3A_845, %swap3A_846] {strides = array<i32>} : memref<32x128xf32, #tpu.memory_space<vmem>>, vector<16xf32>,
        tpu.vector_store %arg14[%swap3A_845, %swap3A_846], %gather3A_844 {strides = array<i32>} : memref<32x128xf32, #tpu.memory_space<vmem>>, vector<16xf32>,
        %add3A_848 = arith.constant 16 : i32
        %add3A_849 = vector.broadcast %add3A_848 : i32 to vector<16xi32>
        %add3A_850 = arith.addi %iota3A, %add3A_849 : vector<16xi32>
        %gather3A_851 = tpu.vector_load_idx %arg12[%add3A_850, %gather3A_840] : memref<64x640xf32, #tpu.memory_space<vmem>>[vector<16xi32>, vector<16xi32>], vector<16xf32>,
        %swap3A_852 = arith.index_cast %scan3A_829 : i32 to index
        %swap3A_853 = arith.constant 16 : index
        %swap3A_854 = tpu.vector_load %arg14[%swap3A_852, %swap3A_853] {strides = array<i32>} : memref<32x128xf32, #tpu.memory_space<vmem>>, vector<16xf32>,
        tpu.vector_store %arg14[%swap3A_852, %swap3A_853], %gather3A_851 {strides = array<i32>} : memref<32x128xf32, #tpu.memory_space<vmem>>, vector<16xf32>,
        %add3A_855 = arith.constant 32 : i32
        %add3A_856 = vector.broadcast %add3A_855 : i32 to vector<16xi32>
        %add3A_857 = arith.addi %iota3A, %add3A_856 : vector<16xi32>
        %gather3A_858 = tpu.vector_load_idx %arg12[%add3A_857, %gather3A_840] : memref<64x640xf32, #tpu.memory_space<vmem>>[vector<16xi32>, vector<16xi32>], vector<16xf32>,
        %swap3A_859 = arith.index_cast %scan3A_829 : i32 to index
        %swap3A_860 = arith.constant 32 : index
        %swap3A_861 = tpu.vector_load %arg14[%swap3A_859, %swap3A_860] {strides = array<i32>} : memref<32x128xf32, #tpu.memory_space<vmem>>, vector<16xf32>,
        tpu.vector_store %arg14[%swap3A_859, %swap3A_860], %gather3A_858 {strides = array<i32>} : memref<32x128xf32, #tpu.memory_space<vmem>>, vector<16xf32>,
        %add3A_862 = arith.constant 48 : i32
        %add3A_863 = vector.broadcast %add3A_862 : i32 to vector<16xi32>
        %add3A_864 = arith.addi %iota3A, %add3A_863 : vector<16xi32>
        %gather3A_865 = tpu.vector_load_idx %arg12[%add3A_864, %gather3A_840] : memref<64x640xf32, #tpu.memory_space<vmem>>[vector<16xi32>, vector<16xi32>], vector<16xf32>,
        %swap3A_866 = arith.index_cast %scan3A_829 : i32 to index
        %swap3A_867 = arith.constant 48 : index
        %swap3A_868 = tpu.vector_load %arg14[%swap3A_866, %swap3A_867] {strides = array<i32>} : memref<32x128xf32, #tpu.memory_space<vmem>>, vector<16xf32>,
        tpu.vector_store %arg14[%swap3A_866, %swap3A_867], %gather3A_865 {strides = array<i32>} : memref<32x128xf32, #tpu.memory_space<vmem>>, vector<16xf32>,
      }
      %scan3A_811 = arith.constant 32 : i32
      %add3A_812 = arith.constant 5 : i32
      %add3A_813 = arith.addi %add3A_812, %while3A_777 : i32
      %sub3A_814 = arith.constant 1 : i32
      %sub3A_815 = arith.subi %add3A_813, %sub3A_814 : i32
      %dma_start3A_816 = arith.constant 0 : i32
      %dma_start3A_817 = tpu.memref_slice %arg15[%sub3A_815, %dma_start3A_816] : memref<134x32xi32, #tpu.memory_space<vmem>> -> memref<1x32xi32, #tpu.memory_space<vmem>>
      %dma_start3A_818 = tpu.memref_squeeze %dma_start3A_817 : memref<1x32xi32, #tpu.memory_space<vmem>> -> memref<32xi32, #tpu.memory_space<vmem>>
      %dma_start3A_819 = arith.constant 0 : i32
      %dma_start3A_820 = arith.constant 0 : i32
      %dma_start3A_821 = tpu.memref_slice %arg4[%dma_start3A_819, %dma_start3A_820] : memref<4096x128xf32, #tpu.memory_space<hbm>> -> memref<4096x128xf32, #tpu.memory_space<hbm>>
      %dma_start3A_822 = arith.constant -1 : i32
      tpu.enqueue_indirect_dma source(%arg14 : memref<32x128xf32, #tpu.memory_space<vmem>>) target(%dma_start3A_821 : memref<4096x128xf32, #tpu.memory_space<hbm>>) offsets(%dma_start3A_818 : memref<32xi32, #tpu.memory_space<vmem>>) offset_filter(%dma_start3A_822) semaphore(%arg17 : memref<!tpu.dma_semaphore, #tpu.memory_space<semaphore_mem>>)
      %dma_wait3A_823 = arith.constant 0 : i32
      %dma_wait3A_824 = tpu.memref_slice %arg15[%sub3A_815, %dma_wait3A_823] : memref<134x32xi32, #tpu.memory_space<vmem>> -> memref<1x32xi32, #tpu.memory_space<vmem>>
      %dma_wait3A_825 = tpu.memref_squeeze %dma_wait3A_824 : memref<1x32xi32, #tpu.memory_space<vmem>> -> memref<32xi32, #tpu.memory_space<vmem>>
      %dma_wait3A_826 = arith.constant 0 : i32
      %dma_wait3A_827 = arith.constant 0 : i32
      %dma_wait3A_828 = tpu.memref_slice %arg4[%dma_wait3A_826, %dma_wait3A_827] : memref<4096x128xf32, #tpu.memory_space<hbm>> -> memref<4096x128xf32, #tpu.memory_space<hbm>>
      tpu.wait_indirect_dma semaphore(%arg17 : memref<!tpu.dma_semaphore, #tpu.memory_space<semaphore_mem>>) src(%arg14 : memref<32x128xf32, #tpu.memory_space<vmem>>) dst(%dma_wait3A_828 : memref<4096x128xf32, #tpu.memory_space<hbm>>)
    }
    %add3A_325 = arith.constant 96 : i32
    %add3A_326 = arith.addi %add3A, %add3A_325 : i32
    %mul3A_327 = arith.constant 640 : i32
    %mul3A_328 = arith.muli %add3A_326, %mul3A_327 : i32
    %min3A_329 = arith.constant 99456 : i32
    %min3A_330 = arith.minsi %mul3A_328, %min3A_329 : i32
    %multiple_of3A_331 = tpu.assume_multiple %min3A_330, 128 : i32
    %dma_start3A_332 = arith.constant 0 : i32
    %dma_start3A_333 = tpu.memref_slice %arg2[%dma_start3A_332, %multiple_of3A_331] : memref<64x100000xf32, #tpu.memory_space<hbm>> -> memref<64x640xf32, #tpu.memory_space<hbm>>
    %dma_start3A_334 = arith.constant 0 : i32
    %dma_start3A_335 = tpu.memref_slice %arg2[%dma_start3A_334, %multiple_of3A_331] : memref<64x100000xf32, #tpu.memory_space<hbm>> -> memref<64x640xf32, #tpu.memory_space<hbm>>
    tpu.enqueue_dma source(%dma_start3A_335 : memref<64x640xf32, #tpu.memory_space<hbm>>) target(%arg12 : memref<64x640xf32, #tpu.memory_space<vmem>>) target_semaphore(%arg19 : memref<!tpu.dma_semaphore, #tpu.memory_space<semaphore_mem>>)
    %add3A_336 = arith.constant 64 : i32
    %add3A_337 = arith.addi %add3A, %add3A_336 : i32
    %mul3A_338 = arith.constant 640 : i32
    %mul3A_339 = arith.muli %add3A_337, %mul3A_338 : i32
    %min3A_340 = arith.constant 99456 : i32
    %min3A_341 = arith.minsi %mul3A_339, %min3A_340 : i32
    %add3A_342 = arith.constant 16 : i32
    %add3A_343 = arith.addi %scan3A_34, %add3A_342 : i32
    %jit3A_344 = arith.constant 16 : i32
    %div3A_345 = arith.divsi %add3A_343, %jit3A_344 : i32
    %sign3A_346 = arith.constant 0 : i32
    %sign3A_347 = arith.cmpi sgt, %add3A_343, %sign3A_346 : i32
    %sign3A_348 = arith.extui %sign3A_347 : i1 to i32
    %sign3A_349 = arith.constant 0 : i32
    %sign3A_350 = arith.cmpi slt, %add3A_343, %sign3A_349 : i32
    %sign3A_351 = arith.extui %sign3A_350 : i1 to i32
    %sign3A_352 = arith.subi %sign3A_348, %sign3A_351 : i32
    %sign3A_353 = arith.constant 0 : i32
    %sign3A_354 = arith.cmpi sgt, %jit3A_344, %sign3A_353 : i32
    %sign3A_355 = arith.extui %sign3A_354 : i1 to i32
    %sign3A_356 = arith.constant 0 : i32
    %sign3A_357 = arith.cmpi slt, %jit3A_344, %sign3A_356 : i32
    %sign3A_358 = arith.extui %sign3A_357 : i1 to i32
    %sign3A_359 = arith.subi %sign3A_355, %sign3A_358 : i32
    %ne3A_360 = arith.cmpi ne, %sign3A_352, %sign3A_359 : i32
    %rem3A_361 = arith.remsi %add3A_343, %jit3A_344 : i32
    %ne3A_362 = arith.constant 0 : i32
    %ne3A_363 = arith.cmpi ne, %rem3A_361, %ne3A_362 : i32
    %and3A_364 = arith.andi %ne3A_360, %ne3A_363 : i1
    %sub3A_365 = arith.constant 1 : i32
    %sub3A_366 = arith.subi %div3A_345, %sub3A_365 : i32
    %select_n3A_367 = arith.select %and3A_364, %sub3A_366, %div3A_345 : i32
    %while3A_368 = arith.constant 0 : i32
    %while3A_369 = arith.constant 0 : i32
    %while3A_370 = arith.subi %select_n3A_367, %while3A_368 : i32
    %while3A_371 = arith.addi %while3A_368, %while3A_370 : i32
    %while3A_372 = arith.constant 1 : i32
    %while3A_373 = arith.divsi %while3A_370, %while3A_372 : i32
    %while3A_374 = arith.muli %while3A_373, %while3A_372 : i32
    %while3A_375 = arith.addi %while3A_368, %while3A_374 : i32
    %while3A_376 = arith.constant 1 : i32
    %while3A_377 = scf.for %while3A_777 = %while3A_368 to %while3A_375 step %while3A_376 iter_args(%while3A_778 = %while3A_369) -> (i32)  : i32 {
      %mul3A_779 = arith.constant 16 : i32
      %mul3A_780 = arith.muli %while3A_777, %mul3A_779 : i32
      %get3A_781 = arith.index_cast %mul3A_780 : i32 to index
      %get3A_782 = tpu.vector_load %arg7[%get3A_781] {strides = array<i32>} : memref<4112xi32, #tpu.memory_space<vmem>>, vector<16xi32>,
      %mul3A_783 = arith.constant 16 : i32
      %mul3A_784 = arith.muli %while3A_777, %mul3A_783 : i32
      %get3A_785 = arith.index_cast %mul3A_784 : i32 to index
      %get3A_786 = tpu.vector_load %arg8[%get3A_785] {strides = array<i32>} : memref<4112xi32, #tpu.memory_space<vmem>>, vector<16xi32>,
      %shift_right_logical3A = arith.constant 7 : i32
      %shift_right_logical3A_787 = vector.broadcast %shift_right_logical3A : i32 to vector<16xi32>
      %shift_right_logical3A_788 = arith.shrui %get3A_782, %shift_right_logical3A_787 : vector<16xi32>
      %mul3A_789 = arith.constant 52429 : i32
      %mul3A_790 = vector.broadcast %mul3A_789 : i32 to vector<16xi32>
      %mul3A_791 = arith.muli %shift_right_logical3A_788, %mul3A_790 : vector<16xi32>
      %shift_right_logical3A_792 = arith.constant 18 : i32
      %shift_right_logical3A_793 = vector.broadcast %shift_right_logical3A_792 : i32 to vector<16xi32>
      %shift_right_logical3A_794 = arith.shrui %mul3A_791, %shift_right_logical3A_793 : vector<16xi32>
      %shift_right_logical3A_795 = arith.constant 5 : i32
      %shift_right_logical3A_796 = vector.broadcast %shift_right_logical3A_795 : i32 to vector<16xi32>
      %shift_right_logical3A_797 = arith.shrui %shift_right_logical3A_794, %shift_right_logical3A_796 : vector<16xi32>
      %eq3A = arith.constant 2 : i32
      %eq3A_798 = vector.broadcast %eq3A : i32 to vector<16xi32>
      %eq3A_799 = arith.cmpi eq, %shift_right_logical3A_797, %eq3A_798 : vector<16xi32>
      %swap3A_800 = arith.index_cast %while3A_778 : i32 to index
      %swap3A_801 = tpu.vector_load %arg9[%swap3A_800] masked %eq3A_799 {strides = array<i32>} : memref<4128xi32, #tpu.memory_space<vmem>>, vector<16xi32>, vector<16xi1>
      tpu.vector_store %arg9[%swap3A_800], %get3A_782 masked %eq3A_799 {strides = array<i32>} : memref<4128xi32, #tpu.memory_space<vmem>>, vector<16xi32>, vector<16xi1>
      %swap3A_802 = arith.index_cast %while3A_778 : i32 to index
      %swap3A_803 = tpu.vector_load %arg10[%swap3A_802] masked %eq3A_799 {strides = array<i32>} : memref<4128xi32, #tpu.memory_space<vmem>>, vector<16xi32>, vector<16xi1>
      tpu.vector_store %arg10[%swap3A_802], %get3A_786 masked %eq3A_799 {strides = array<i32>} : memref<4128xi32, #tpu.memory_space<vmem>>, vector<16xi32>, vector<16xi1>
      %convert_element_type3A = arith.extui %eq3A_799 : vector<16xi1> to vector<16xi32>
      %reduce_sum3A = arith.constant true
      %reduce_sum3A_804 = vector.broadcast %reduce_sum3A : i1 to vector<16xi1>
      %reduce_sum3A_805 = tpu.scan <sum>, %convert_element_type3A masked %reduce_sum3A_804 : vector<16xi32>, vector<16xi1> -> vector<16xi32>
      %reduce_sum3A_806 = vector.extract %reduce_sum3A_805[15] : i32 from vector<16xi32>
      %add3A_807 = arith.addi %while3A_778, %reduce_sum3A_806 : i32
      scf.yield %add3A_807 : i32
    }
    %while3A_378 = arith.constant 1 : i32
    %while3A_379 = scf.for %while3A_777 = %while3A_375 to %while3A_371 step %while3A_378 iter_args(%while3A_778 = %while3A_377) -> (i32)  : i32 {
      %mul3A_779 = arith.constant 16 : i32
      %mul3A_780 = arith.muli %while3A_777, %mul3A_779 : i32
      %get3A_781 = arith.index_cast %mul3A_780 : i32 to index
      %get3A_782 = tpu.vector_load %arg7[%get3A_781] {strides = array<i32>} : memref<4112xi32, #tpu.memory_space<vmem>>, vector<16xi32>,
      %mul3A_783 = arith.constant 16 : i32
      %mul3A_784 = arith.muli %while3A_777, %mul3A_783 : i32
      %get3A_785 = arith.index_cast %mul3A_784 : i32 to index
      %get3A_786 = tpu.vector_load %arg8[%get3A_785] {strides = array<i32>} : memref<4112xi32, #tpu.memory_space<vmem>>, vector<16xi32>,
      %shift_right_logical3A = arith.constant 7 : i32
      %shift_right_logical3A_787 = vector.broadcast %shift_right_logical3A : i32 to vector<16xi32>
      %shift_right_logical3A_788 = arith.shrui %get3A_782, %shift_right_logical3A_787 : vector<16xi32>
      %mul3A_789 = arith.constant 52429 : i32
      %mul3A_790 = vector.broadcast %mul3A_789 : i32 to vector<16xi32>
      %mul3A_791 = arith.muli %shift_right_logical3A_788, %mul3A_790 : vector<16xi32>
      %shift_right_logical3A_792 = arith.constant 18 : i32
      %shift_right_logical3A_793 = vector.broadcast %shift_right_logical3A_792 : i32 to vector<16xi32>
      %shift_right_logical3A_794 = arith.shrui %mul3A_791, %shift_right_logical3A_793 : vector<16xi32>
      %shift_right_logical3A_795 = arith.constant 5 : i32
      %shift_right_logical3A_796 = vector.broadcast %shift_right_logical3A_795 : i32 to vector<16xi32>
      %shift_right_logical3A_797 = arith.shrui %shift_right_logical3A_794, %shift_right_logical3A_796 : vector<16xi32>
      %eq3A = arith.constant 2 : i32
      %eq3A_798 = vector.broadcast %eq3A : i32 to vector<16xi32>
      %eq3A_799 = arith.cmpi eq, %shift_right_logical3A_797, %eq3A_798 : vector<16xi32>
      %swap3A_800 = arith.index_cast %while3A_778 : i32 to index
      %swap3A_801 = tpu.vector_load %arg9[%swap3A_800] masked %eq3A_799 {strides = array<i32>} : memref<4128xi32, #tpu.memory_space<vmem>>, vector<16xi32>, vector<16xi1>
      tpu.vector_store %arg9[%swap3A_800], %get3A_782 masked %eq3A_799 {strides = array<i32>} : memref<4128xi32, #tpu.memory_space<vmem>>, vector<16xi32>, vector<16xi1>
      %swap3A_802 = arith.index_cast %while3A_778 : i32 to index
      %swap3A_803 = tpu.vector_load %arg10[%swap3A_802] masked %eq3A_799 {strides = array<i32>} : memref<4128xi32, #tpu.memory_space<vmem>>, vector<16xi32>, vector<16xi1>
      tpu.vector_store %arg10[%swap3A_802], %get3A_786 masked %eq3A_799 {strides = array<i32>} : memref<4128xi32, #tpu.memory_space<vmem>>, vector<16xi32>, vector<16xi1>
      %convert_element_type3A = arith.extui %eq3A_799 : vector<16xi1> to vector<16xi32>
      %reduce_sum3A = arith.constant true
      %reduce_sum3A_804 = vector.broadcast %reduce_sum3A : i1 to vector<16xi1>
      %reduce_sum3A_805 = tpu.scan <sum>, %convert_element_type3A masked %reduce_sum3A_804 : vector<16xi32>, vector<16xi1> -> vector<16xi32>
      %reduce_sum3A_806 = vector.extract %reduce_sum3A_805[15] : i32 from vector<16xi32>
      %add3A_807 = arith.addi %while3A_778, %reduce_sum3A_806 : i32
      scf.yield %add3A_807 : i32
    }
    %broadcast_in_dim3A_380 = arith.constant -1 : i32
    %broadcast_in_dim3A_381 = vector.broadcast %broadcast_in_dim3A_380 : i32 to vector<16xi32>
    %add3A_382 = arith.constant 0 : i32
    %add3A_383 = arith.addi %while3A_379, %add3A_382 : i32
    %swap3A_384 = arith.index_cast %add3A_383 : i32 to index
    %swap3A_385 = tpu.vector_load %arg10[%swap3A_384] {strides = array<i32>} : memref<4128xi32, #tpu.memory_space<vmem>>, vector<16xi32>,
    tpu.vector_store %arg10[%swap3A_384], %broadcast_in_dim3A_381 {strides = array<i32>} : memref<4128xi32, #tpu.memory_space<vmem>>, vector<16xi32>,
    %broadcast_in_dim3A_386 = vector.broadcast %min3A_341 : i32 to vector<16xi32>
    %add3A_387 = arith.constant 0 : i32
    %add3A_388 = arith.addi %while3A_379, %add3A_387 : i32
    %swap3A_389 = arith.index_cast %add3A_388 : i32 to index
    %swap3A_390 = tpu.vector_load %arg9[%swap3A_389] {strides = array<i32>} : memref<4128xi32, #tpu.memory_space<vmem>>, vector<16xi32>,
    tpu.vector_store %arg9[%swap3A_389], %broadcast_in_dim3A_386 {strides = array<i32>} : memref<4128xi32, #tpu.memory_space<vmem>>, vector<16xi32>,
    %broadcast_in_dim3A_391 = arith.constant -1 : i32
    %broadcast_in_dim3A_392 = vector.broadcast %broadcast_in_dim3A_391 : i32 to vector<16xi32>
    %add3A_393 = arith.constant 16 : i32
    %add3A_394 = arith.addi %while3A_379, %add3A_393 : i32
    %swap3A_395 = arith.index_cast %add3A_394 : i32 to index
    %swap3A_396 = tpu.vector_load %arg10[%swap3A_395] {strides = array<i32>} : memref<4128xi32, #tpu.memory_space<vmem>>, vector<16xi32>,
    tpu.vector_store %arg10[%swap3A_395], %broadcast_in_dim3A_392 {strides = array<i32>} : memref<4128xi32, #tpu.memory_space<vmem>>, vector<16xi32>,
    %broadcast_in_dim3A_397 = vector.broadcast %min3A_341 : i32 to vector<16xi32>
    %add3A_398 = arith.constant 16 : i32
    %add3A_399 = arith.addi %while3A_379, %add3A_398 : i32
    %swap3A_400 = arith.index_cast %add3A_399 : i32 to index
    %swap3A_401 = tpu.vector_load %arg9[%swap3A_400] {strides = array<i32>} : memref<4128xi32, #tpu.memory_space<vmem>>, vector<16xi32>,
    tpu.vector_store %arg9[%swap3A_400], %broadcast_in_dim3A_397 {strides = array<i32>} : memref<4128xi32, #tpu.memory_space<vmem>>, vector<16xi32>,
    %dma_wait3A_402 = arith.constant 0 : i32
    %dma_wait3A_403 = tpu.memref_slice %arg2[%dma_wait3A_402, %multiple_of3A_179] : memref<64x100000xf32, #tpu.memory_space<hbm>> -> memref<64x640xf32, #tpu.memory_space<hbm>>
    %dma_wait3A_404 = arith.constant 0 : i32
    %dma_wait3A_405 = tpu.memref_slice %arg2[%dma_wait3A_404, %multiple_of3A_179] : memref<64x100000xf32, #tpu.memory_space<hbm>> -> memref<64x640xf32, #tpu.memory_space<hbm>>
    tpu.wait_dma2 semaphore(%arg18 : memref<!tpu.dma_semaphore, #tpu.memory_space<semaphore_mem>>) src(%dma_wait3A_405 : memref<64x640xf32, #tpu.memory_space<hbm>>) dst(%arg11 : memref<64x640xf32, #tpu.memory_space<vmem>>)
    %dma_wait3A_406 = arith.constant 1 : i32
    %dma_wait3A_407 = arith.constant 0 : i32
    %dma_wait3A_408 = tpu.memref_slice %arg15[%dma_wait3A_406, %dma_wait3A_407] : memref<134x32xi32, #tpu.memory_space<vmem>> -> memref<1x32xi32, #tpu.memory_space<vmem>>
    %dma_wait3A_409 = tpu.memref_squeeze %dma_wait3A_408 : memref<1x32xi32, #tpu.memory_space<vmem>> -> memref<32xi32, #tpu.memory_space<vmem>>
    %dma_wait3A_410 = arith.constant 0 : i32
    %dma_wait3A_411 = arith.constant 0 : i32
    %dma_wait3A_412 = tpu.memref_slice %arg4[%dma_wait3A_410, %dma_wait3A_411] : memref<4096x128xf32, #tpu.memory_space<hbm>> -> memref<4096x128xf32, #tpu.memory_space<hbm>>
    tpu.wait_indirect_dma semaphore(%arg16 : memref<!tpu.dma_semaphore, #tpu.memory_space<semaphore_mem>>) src(%arg13 : memref<32x128xf32, #tpu.memory_space<vmem>>) dst(%dma_wait3A_412 : memref<4096x128xf32, #tpu.memory_space<hbm>>)
    %get3A_413 = arith.constant 0 : index
    %get3A_414 = tpu.vector_load %arg10[%get3A_413] {strides = array<i32>} : memref<4128xi32, #tpu.memory_space<vmem>>, vector<16xi32>,
    %swap3A_415 = arith.constant 2 : i32
    %swap3A_416 = arith.index_cast %swap3A_415 : i32 to index
    %swap3A_417 = arith.constant 0 : index
    %swap3A_418 = tpu.vector_load %arg15[%swap3A_416, %swap3A_417] {strides = array<i32>} : memref<134x32xi32, #tpu.memory_space<vmem>>, vector<16xi32>,
    tpu.vector_store %arg15[%swap3A_416, %swap3A_417], %get3A_414 {strides = array<i32>} : memref<134x32xi32, #tpu.memory_space<vmem>>, vector<16xi32>,
    %get3A_419 = arith.constant 16 : index
    %get3A_420 = tpu.vector_load %arg10[%get3A_419] {strides = array<i32>} : memref<4128xi32, #tpu.memory_space<vmem>>, vector<16xi32>,
    %swap3A_421 = arith.constant 2 : i32
    %swap3A_422 = arith.index_cast %swap3A_421 : i32 to index
    %swap3A_423 = arith.constant 16 : index
    %swap3A_424 = tpu.vector_load %arg15[%swap3A_422, %swap3A_423] {strides = array<i32>} : memref<134x32xi32, #tpu.memory_space<vmem>>, vector<16xi32>,
    tpu.vector_store %arg15[%swap3A_422, %swap3A_423], %get3A_420 {strides = array<i32>} : memref<134x32xi32, #tpu.memory_space<vmem>>, vector<16xi32>,
    %scan3A_425 = arith.constant 0 : i32
    %scan3A_426 = arith.constant 0 : i32
    %scan3A_427 = arith.constant 32 : i32
    %scan3A_428 = arith.addi %scan3A_426, %scan3A_427 : i32
    %scan3A_429 = arith.constant 1 : i32
    scf.for %scan3A_777 = %scan3A_426 to %scan3A_428 step %scan3A_429  : i32 {
      %add3A_778 = arith.constant 0 : i32
      %add3A_779 = arith.addi %add3A_778, %scan3A_777 : i32
      %shift_right_logical3A = arith.constant 4 : i32
      %shift_right_logical3A_780 = arith.shrui %add3A_779, %shift_right_logical3A : i32
      %shift_left3A = arith.constant 4 : i32
      %shift_left3A_781 = arith.shli %shift_right_logical3A_780, %shift_left3A : i32
      %get3A_782 = arith.index_cast %shift_left3A_781 : i32 to index
      %get3A_783 = tpu.vector_load %arg9[%get3A_782] {strides = array<i32>} : memref<4128xi32, #tpu.memory_space<vmem>>, vector<16xi32>,
      %sub3A_784 = vector.broadcast %min3A_341 : i32 to vector<16xi32>
      %sub3A_785 = arith.subi %get3A_783, %sub3A_784 : vector<16xi32>
      %and3A_786 = arith.constant 15 : i32
      %and3A_787 = arith.andi %add3A_779, %and3A_786 : i32
      %broadcast_in_dim3A_788 = vector.broadcast %and3A_787 : i32 to vector<16x1xi32>
      %gather3A = vector.shape_cast %broadcast_in_dim3A_788 : vector<16x1xi32> to vector<16xi32>
      %gather3A_789 = tpu.dynamic_gather %sub3A_785[%gather3A] in [0] : vector<16xi32>, vector<16xi32> -> vector<16xi32>
      %add3A_790 = arith.constant 0 : i32
      %add3A_791 = vector.broadcast %add3A_790 : i32 to vector<16xi32>
      %add3A_792 = arith.addi %iota3A, %add3A_791 : vector<16xi32>
      %gather3A_793 = tpu.vector_load_idx %arg11[%add3A_792, %gather3A_789] : memref<64x640xf32, #tpu.memory_space<vmem>>[vector<16xi32>, vector<16xi32>], vector<16xf32>,
      %swap3A_794 = arith.index_cast %scan3A_777 : i32 to index
      %swap3A_795 = arith.constant 0 : index
      %swap3A_796 = tpu.vector_load %arg13[%swap3A_794, %swap3A_795] {strides = array<i32>} : memref<32x128xf32, #tpu.memory_space<vmem>>, vector<16xf32>,
      tpu.vector_store %arg13[%swap3A_794, %swap3A_795], %gather3A_793 {strides = array<i32>} : memref<32x128xf32, #tpu.memory_space<vmem>>, vector<16xf32>,
      %add3A_797 = arith.constant 16 : i32
      %add3A_798 = vector.broadcast %add3A_797 : i32 to vector<16xi32>
      %add3A_799 = arith.addi %iota3A, %add3A_798 : vector<16xi32>
      %gather3A_800 = tpu.vector_load_idx %arg11[%add3A_799, %gather3A_789] : memref<64x640xf32, #tpu.memory_space<vmem>>[vector<16xi32>, vector<16xi32>], vector<16xf32>,
      %swap3A_801 = arith.index_cast %scan3A_777 : i32 to index
      %swap3A_802 = arith.constant 16 : index
      %swap3A_803 = tpu.vector_load %arg13[%swap3A_801, %swap3A_802] {strides = array<i32>} : memref<32x128xf32, #tpu.memory_space<vmem>>, vector<16xf32>,
      tpu.vector_store %arg13[%swap3A_801, %swap3A_802], %gather3A_800 {strides = array<i32>} : memref<32x128xf32, #tpu.memory_space<vmem>>, vector<16xf32>,
      %add3A_804 = arith.constant 32 : i32
      %add3A_805 = vector.broadcast %add3A_804 : i32 to vector<16xi32>
      %add3A_806 = arith.addi %iota3A, %add3A_805 : vector<16xi32>
      %gather3A_807 = tpu.vector_load_idx %arg11[%add3A_806, %gather3A_789] : memref<64x640xf32, #tpu.memory_space<vmem>>[vector<16xi32>, vector<16xi32>], vector<16xf32>,
      %swap3A_808 = arith.index_cast %scan3A_777 : i32 to index
      %swap3A_809 = arith.constant 32 : index
      %swap3A_810 = tpu.vector_load %arg13[%swap3A_808, %swap3A_809] {strides = array<i32>} : memref<32x128xf32, #tpu.memory_space<vmem>>, vector<16xf32>,
      tpu.vector_store %arg13[%swap3A_808, %swap3A_809], %gather3A_807 {strides = array<i32>} : memref<32x128xf32, #tpu.memory_space<vmem>>, vector<16xf32>,
      %add3A_811 = arith.constant 48 : i32
      %add3A_812 = vector.broadcast %add3A_811 : i32 to vector<16xi32>
      %add3A_813 = arith.addi %iota3A, %add3A_812 : vector<16xi32>
      %gather3A_814 = tpu.vector_load_idx %arg11[%add3A_813, %gather3A_789] : memref<64x640xf32, #tpu.memory_space<vmem>>[vector<16xi32>, vector<16xi32>], vector<16xf32>,
      %swap3A_815 = arith.index_cast %scan3A_777 : i32 to index
      %swap3A_816 = arith.constant 48 : index
      %swap3A_817 = tpu.vector_load %arg13[%swap3A_815, %swap3A_816] {strides = array<i32>} : memref<32x128xf32, #tpu.memory_space<vmem>>, vector<16xf32>,
      tpu.vector_store %arg13[%swap3A_815, %swap3A_816], %gather3A_814 {strides = array<i32>} : memref<32x128xf32, #tpu.memory_space<vmem>>, vector<16xf32>,
    }
    %scan3A_430 = arith.constant 32 : i32
    %dma_start3A_431 = arith.constant 2 : i32
    %dma_start3A_432 = arith.constant 0 : i32
    %dma_start3A_433 = tpu.memref_slice %arg15[%dma_start3A_431, %dma_start3A_432] : memref<134x32xi32, #tpu.memory_space<vmem>> -> memref<1x32xi32, #tpu.memory_space<vmem>>
    %dma_start3A_434 = tpu.memref_squeeze %dma_start3A_433 : memref<1x32xi32, #tpu.memory_space<vmem>> -> memref<32xi32, #tpu.memory_space<vmem>>
    %dma_start3A_435 = arith.constant 0 : i32
    %dma_start3A_436 = arith.constant 0 : i32
    %dma_start3A_437 = tpu.memref_slice %arg4[%dma_start3A_435, %dma_start3A_436] : memref<4096x128xf32, #tpu.memory_space<hbm>> -> memref<4096x128xf32, #tpu.memory_space<hbm>>
    %dma_start3A_438 = arith.constant -1 : i32
    tpu.enqueue_indirect_dma source(%arg13 : memref<32x128xf32, #tpu.memory_space<vmem>>) target(%dma_start3A_437 : memref<4096x128xf32, #tpu.memory_space<hbm>>) offsets(%dma_start3A_434 : memref<32xi32, #tpu.memory_space<vmem>>) offset_filter(%dma_start3A_438) semaphore(%arg16 : memref<!tpu.dma_semaphore, #tpu.memory_space<semaphore_mem>>)
    %add3A_439 = arith.constant 32 : i32
    %add3A_440 = arith.addi %while3A_379, %add3A_439 : i32
    %sub3A_441 = arith.constant 1 : i32
    %sub3A_442 = arith.subi %add3A_440, %sub3A_441 : i32
    %jit3A_443 = arith.constant 32 : i32
    %div3A_444 = arith.divsi %sub3A_442, %jit3A_443 : i32
    %sign3A_445 = arith.constant 0 : i32
    %sign3A_446 = arith.cmpi sgt, %sub3A_442, %sign3A_445 : i32
    %sign3A_447 = arith.extui %sign3A_446 : i1 to i32
    %sign3A_448 = arith.constant 0 : i32
    %sign3A_449 = arith.cmpi slt, %sub3A_442, %sign3A_448 : i32
    %sign3A_450 = arith.extui %sign3A_449 : i1 to i32
    %sign3A_451 = arith.subi %sign3A_447, %sign3A_450 : i32
    %sign3A_452 = arith.constant 0 : i32
    %sign3A_453 = arith.cmpi sgt, %jit3A_443, %sign3A_452 : i32
    %sign3A_454 = arith.extui %sign3A_453 : i1 to i32
    %sign3A_455 = arith.constant 0 : i32
    %sign3A_456 = arith.cmpi slt, %jit3A_443, %sign3A_455 : i32
    %sign3A_457 = arith.extui %sign3A_456 : i1 to i32
    %sign3A_458 = arith.subi %sign3A_454, %sign3A_457 : i32
    %ne3A_459 = arith.cmpi ne, %sign3A_451, %sign3A_458 : i32
    %rem3A_460 = arith.remsi %sub3A_442, %jit3A_443 : i32
    %ne3A_461 = arith.constant 0 : i32
    %ne3A_462 = arith.cmpi ne, %rem3A_460, %ne3A_461 : i32
    %and3A_463 = arith.andi %ne3A_459, %ne3A_462 : i1
    %sub3A_464 = arith.constant 1 : i32
    %sub3A_465 = arith.subi %div3A_444, %sub3A_464 : i32
    %select_n3A_466 = arith.select %and3A_463, %sub3A_465, %div3A_444 : i32
    %while3A_467 = arith.constant 0 : i32
    %while3A_468 = arith.constant 1 : i32
    %while3A_469 = arith.subi %select_n3A_466, %while3A_468 : i32
    %while3A_470 = arith.addi %while3A_468, %while3A_469 : i32
    %while3A_471 = arith.constant 1 : i32
    %while3A_472 = arith.divsi %while3A_469, %while3A_471 : i32
    %while3A_473 = arith.muli %while3A_472, %while3A_471 : i32
    %while3A_474 = arith.addi %while3A_468, %while3A_473 : i32
    %while3A_475 = arith.constant 1 : i32
    scf.for %while3A_777 = %while3A_468 to %while3A_474 step %while3A_475  : i32 {
      %mul3A_778 = arith.constant 32 : i32
      %mul3A_779 = arith.muli %while3A_777, %mul3A_778 : i32
      %add3A_780 = arith.constant 0 : i32
      %add3A_781 = arith.addi %mul3A_779, %add3A_780 : i32
      %get3A_782 = arith.index_cast %add3A_781 : i32 to index
      %get3A_783 = tpu.vector_load %arg10[%get3A_782] {strides = array<i32>} : memref<4128xi32, #tpu.memory_space<vmem>>, vector<16xi32>,
      %add3A_784 = arith.constant 5 : i32
      %add3A_785 = arith.addi %add3A_784, %while3A_777 : i32
      %sub3A_786 = arith.constant 1 : i32
      %sub3A_787 = arith.subi %add3A_785, %sub3A_786 : i32
      %swap3A_788 = arith.index_cast %sub3A_787 : i32 to index
      %swap3A_789 = arith.constant 0 : index
      %swap3A_790 = tpu.vector_load %arg15[%swap3A_788, %swap3A_789] {strides = array<i32>} : memref<134x32xi32, #tpu.memory_space<vmem>>, vector<16xi32>,
      tpu.vector_store %arg15[%swap3A_788, %swap3A_789], %get3A_783 {strides = array<i32>} : memref<134x32xi32, #tpu.memory_space<vmem>>, vector<16xi32>,
      %mul3A_791 = arith.constant 32 : i32
      %mul3A_792 = arith.muli %while3A_777, %mul3A_791 : i32
      %add3A_793 = arith.constant 16 : i32
      %add3A_794 = arith.addi %mul3A_792, %add3A_793 : i32
      %get3A_795 = arith.index_cast %add3A_794 : i32 to index
      %get3A_796 = tpu.vector_load %arg10[%get3A_795] {strides = array<i32>} : memref<4128xi32, #tpu.memory_space<vmem>>, vector<16xi32>,
      %add3A_797 = arith.constant 5 : i32
      %add3A_798 = arith.addi %add3A_797, %while3A_777 : i32
      %sub3A_799 = arith.constant 1 : i32
      %sub3A_800 = arith.subi %add3A_798, %sub3A_799 : i32
      %swap3A_801 = arith.index_cast %sub3A_800 : i32 to index
      %swap3A_802 = arith.constant 16 : index
      %swap3A_803 = tpu.vector_load %arg15[%swap3A_801, %swap3A_802] {strides = array<i32>} : memref<134x32xi32, #tpu.memory_space<vmem>>, vector<16xi32>,
      tpu.vector_store %arg15[%swap3A_801, %swap3A_802], %get3A_796 {strides = array<i32>} : memref<134x32xi32, #tpu.memory_space<vmem>>, vector<16xi32>,
      %mul3A_804 = arith.constant 32 : i32
      %mul3A_805 = arith.muli %while3A_777, %mul3A_804 : i32
      %scan3A_806 = arith.constant 0 : i32
      %scan3A_807 = arith.constant 0 : i32
      %scan3A_808 = arith.constant 32 : i32
      %scan3A_809 = arith.addi %scan3A_807, %scan3A_808 : i32
      %scan3A_810 = arith.constant 1 : i32
      scf.for %scan3A_829 = %scan3A_807 to %scan3A_809 step %scan3A_810  : i32 {
        %add3A_830 = arith.addi %mul3A_805, %scan3A_829 : i32
        %shift_right_logical3A = arith.constant 4 : i32
        %shift_right_logical3A_831 = arith.shrui %add3A_830, %shift_right_logical3A : i32
        %shift_left3A = arith.constant 4 : i32
        %shift_left3A_832 = arith.shli %shift_right_logical3A_831, %shift_left3A : i32
        %get3A_833 = arith.index_cast %shift_left3A_832 : i32 to index
        %get3A_834 = tpu.vector_load %arg9[%get3A_833] {strides = array<i32>} : memref<4128xi32, #tpu.memory_space<vmem>>, vector<16xi32>,
        %sub3A_835 = vector.broadcast %min3A_341 : i32 to vector<16xi32>
        %sub3A_836 = arith.subi %get3A_834, %sub3A_835 : vector<16xi32>
        %and3A_837 = arith.constant 15 : i32
        %and3A_838 = arith.andi %add3A_830, %and3A_837 : i32
        %broadcast_in_dim3A_839 = vector.broadcast %and3A_838 : i32 to vector<16x1xi32>
        %gather3A = vector.shape_cast %broadcast_in_dim3A_839 : vector<16x1xi32> to vector<16xi32>
        %gather3A_840 = tpu.dynamic_gather %sub3A_836[%gather3A] in [0] : vector<16xi32>, vector<16xi32> -> vector<16xi32>
        %add3A_841 = arith.constant 0 : i32
        %add3A_842 = vector.broadcast %add3A_841 : i32 to vector<16xi32>
        %add3A_843 = arith.addi %iota3A, %add3A_842 : vector<16xi32>
        %gather3A_844 = tpu.vector_load_idx %arg11[%add3A_843, %gather3A_840] : memref<64x640xf32, #tpu.memory_space<vmem>>[vector<16xi32>, vector<16xi32>], vector<16xf32>,
        %swap3A_845 = arith.index_cast %scan3A_829 : i32 to index
        %swap3A_846 = arith.constant 0 : index
        %swap3A_847 = tpu.vector_load %arg14[%swap3A_845, %swap3A_846] {strides = array<i32>} : memref<32x128xf32, #tpu.memory_space<vmem>>, vector<16xf32>,
        tpu.vector_store %arg14[%swap3A_845, %swap3A_846], %gather3A_844 {strides = array<i32>} : memref<32x128xf32, #tpu.memory_space<vmem>>, vector<16xf32>,
        %add3A_848 = arith.constant 16 : i32
        %add3A_849 = vector.broadcast %add3A_848 : i32 to vector<16xi32>
        %add3A_850 = arith.addi %iota3A, %add3A_849 : vector<16xi32>
        %gather3A_851 = tpu.vector_load_idx %arg11[%add3A_850, %gather3A_840] : memref<64x640xf32, #tpu.memory_space<vmem>>[vector<16xi32>, vector<16xi32>], vector<16xf32>,
        %swap3A_852 = arith.index_cast %scan3A_829 : i32 to index
        %swap3A_853 = arith.constant 16 : index
        %swap3A_854 = tpu.vector_load %arg14[%swap3A_852, %swap3A_853] {strides = array<i32>} : memref<32x128xf32, #tpu.memory_space<vmem>>, vector<16xf32>,
        tpu.vector_store %arg14[%swap3A_852, %swap3A_853], %gather3A_851 {strides = array<i32>} : memref<32x128xf32, #tpu.memory_space<vmem>>, vector<16xf32>,
        %add3A_855 = arith.constant 32 : i32
        %add3A_856 = vector.broadcast %add3A_855 : i32 to vector<16xi32>
        %add3A_857 = arith.addi %iota3A, %add3A_856 : vector<16xi32>
        %gather3A_858 = tpu.vector_load_idx %arg11[%add3A_857, %gather3A_840] : memref<64x640xf32, #tpu.memory_space<vmem>>[vector<16xi32>, vector<16xi32>], vector<16xf32>,
        %swap3A_859 = arith.index_cast %scan3A_829 : i32 to index
        %swap3A_860 = arith.constant 32 : index
        %swap3A_861 = tpu.vector_load %arg14[%swap3A_859, %swap3A_860] {strides = array<i32>} : memref<32x128xf32, #tpu.memory_space<vmem>>, vector<16xf32>,
        tpu.vector_store %arg14[%swap3A_859, %swap3A_860], %gather3A_858 {strides = array<i32>} : memref<32x128xf32, #tpu.memory_space<vmem>>, vector<16xf32>,
        %add3A_862 = arith.constant 48 : i32
        %add3A_863 = vector.broadcast %add3A_862 : i32 to vector<16xi32>
        %add3A_864 = arith.addi %iota3A, %add3A_863 : vector<16xi32>
        %gather3A_865 = tpu.vector_load_idx %arg11[%add3A_864, %gather3A_840] : memref<64x640xf32, #tpu.memory_space<vmem>>[vector<16xi32>, vector<16xi32>], vector<16xf32>,
        %swap3A_866 = arith.index_cast %scan3A_829 : i32 to index
        %swap3A_867 = arith.constant 48 : index
        %swap3A_868 = tpu.vector_load %arg14[%swap3A_866, %swap3A_867] {strides = array<i32>} : memref<32x128xf32, #tpu.memory_space<vmem>>, vector<16xf32>,
        tpu.vector_store %arg14[%swap3A_866, %swap3A_867], %gather3A_865 {strides = array<i32>} : memref<32x128xf32, #tpu.memory_space<vmem>>, vector<16xf32>,
      }
      %scan3A_811 = arith.constant 32 : i32
      %add3A_812 = arith.constant 5 : i32
      %add3A_813 = arith.addi %add3A_812, %while3A_777 : i32
      %sub3A_814 = arith.constant 1 : i32
      %sub3A_815 = arith.subi %add3A_813, %sub3A_814 : i32
      %dma_start3A_816 = arith.constant 0 : i32
      %dma_start3A_817 = tpu.memref_slice %arg15[%sub3A_815, %dma_start3A_816] : memref<134x32xi32, #tpu.memory_space<vmem>> -> memref<1x32xi32, #tpu.memory_space<vmem>>
      %dma_start3A_818 = tpu.memref_squeeze %dma_start3A_817 : memref<1x32xi32, #tpu.memory_space<vmem>> -> memref<32xi32, #tpu.memory_space<vmem>>
      %dma_start3A_819 = arith.constant 0 : i32
      %dma_start3A_820 = arith.constant 0 : i32
      %dma_start3A_821 = tpu.memref_slice %arg4[%dma_start3A_819, %dma_start3A_820] : memref<4096x128xf32, #tpu.memory_space<hbm>> -> memref<4096x128xf32, #tpu.memory_space<hbm>>
      %dma_start3A_822 = arith.constant -1 : i32
      tpu.enqueue_indirect_dma source(%arg14 : memref<32x128xf32, #tpu.memory_space<vmem>>) target(%dma_start3A_821 : memref<4096x128xf32, #tpu.memory_space<hbm>>) offsets(%dma_start3A_818 : memref<32xi32, #tpu.memory_space<vmem>>) offset_filter(%dma_start3A_822) semaphore(%arg17 : memref<!tpu.dma_semaphore, #tpu.memory_space<semaphore_mem>>)
      %dma_wait3A_823 = arith.constant 0 : i32
      %dma_wait3A_824 = tpu.memref_slice %arg15[%sub3A_815, %dma_wait3A_823] : memref<134x32xi32, #tpu.memory_space<vmem>> -> memref<1x32xi32, #tpu.memory_space<vmem>>
      %dma_wait3A_825 = tpu.memref_squeeze %dma_wait3A_824 : memref<1x32xi32, #tpu.memory_space<vmem>> -> memref<32xi32, #tpu.memory_space<vmem>>
      %dma_wait3A_826 = arith.constant 0 : i32
      %dma_wait3A_827 = arith.constant 0 : i32
      %dma_wait3A_828 = tpu.memref_slice %arg4[%dma_wait3A_826, %dma_wait3A_827] : memref<4096x128xf32, #tpu.memory_space<hbm>> -> memref<4096x128xf32, #tpu.memory_space<hbm>>
      tpu.wait_indirect_dma semaphore(%arg17 : memref<!tpu.dma_semaphore, #tpu.memory_space<semaphore_mem>>) src(%arg14 : memref<32x128xf32, #tpu.memory_space<vmem>>) dst(%dma_wait3A_828 : memref<4096x128xf32, #tpu.memory_space<hbm>>)
    }
    %while3A_476 = arith.constant 1 : i32
    scf.for %while3A_777 = %while3A_474 to %while3A_470 step %while3A_476  : i32 {
      %mul3A_778 = arith.constant 32 : i32
      %mul3A_779 = arith.muli %while3A_777, %mul3A_778 : i32
      %add3A_780 = arith.constant 0 : i32
      %add3A_781 = arith.addi %mul3A_779, %add3A_780 : i32
      %get3A_782 = arith.index_cast %add3A_781 : i32 to index
      %get3A_783 = tpu.vector_load %arg10[%get3A_782] {strides = array<i32>} : memref<4128xi32, #tpu.memory_space<vmem>>, vector<16xi32>,
      %add3A_784 = arith.constant 5 : i32
      %add3A_785 = arith.addi %add3A_784, %while3A_777 : i32
      %sub3A_786 = arith.constant 1 : i32
      %sub3A_787 = arith.subi %add3A_785, %sub3A_786 : i32
      %swap3A_788 = arith.index_cast %sub3A_787 : i32 to index
      %swap3A_789 = arith.constant 0 : index
      %swap3A_790 = tpu.vector_load %arg15[%swap3A_788, %swap3A_789] {strides = array<i32>} : memref<134x32xi32, #tpu.memory_space<vmem>>, vector<16xi32>,
      tpu.vector_store %arg15[%swap3A_788, %swap3A_789], %get3A_783 {strides = array<i32>} : memref<134x32xi32, #tpu.memory_space<vmem>>, vector<16xi32>,
      %mul3A_791 = arith.constant 32 : i32
      %mul3A_792 = arith.muli %while3A_777, %mul3A_791 : i32
      %add3A_793 = arith.constant 16 : i32
      %add3A_794 = arith.addi %mul3A_792, %add3A_793 : i32
      %get3A_795 = arith.index_cast %add3A_794 : i32 to index
      %get3A_796 = tpu.vector_load %arg10[%get3A_795] {strides = array<i32>} : memref<4128xi32, #tpu.memory_space<vmem>>, vector<16xi32>,
      %add3A_797 = arith.constant 5 : i32
      %add3A_798 = arith.addi %add3A_797, %while3A_777 : i32
      %sub3A_799 = arith.constant 1 : i32
      %sub3A_800 = arith.subi %add3A_798, %sub3A_799 : i32
      %swap3A_801 = arith.index_cast %sub3A_800 : i32 to index
      %swap3A_802 = arith.constant 16 : index
      %swap3A_803 = tpu.vector_load %arg15[%swap3A_801, %swap3A_802] {strides = array<i32>} : memref<134x32xi32, #tpu.memory_space<vmem>>, vector<16xi32>,
      tpu.vector_store %arg15[%swap3A_801, %swap3A_802], %get3A_796 {strides = array<i32>} : memref<134x32xi32, #tpu.memory_space<vmem>>, vector<16xi32>,
      %mul3A_804 = arith.constant 32 : i32
      %mul3A_805 = arith.muli %while3A_777, %mul3A_804 : i32
      %scan3A_806 = arith.constant 0 : i32
      %scan3A_807 = arith.constant 0 : i32
      %scan3A_808 = arith.constant 32 : i32
      %scan3A_809 = arith.addi %scan3A_807, %scan3A_808 : i32
      %scan3A_810 = arith.constant 1 : i32
      scf.for %scan3A_829 = %scan3A_807 to %scan3A_809 step %scan3A_810  : i32 {
        %add3A_830 = arith.addi %mul3A_805, %scan3A_829 : i32
        %shift_right_logical3A = arith.constant 4 : i32
        %shift_right_logical3A_831 = arith.shrui %add3A_830, %shift_right_logical3A : i32
        %shift_left3A = arith.constant 4 : i32
        %shift_left3A_832 = arith.shli %shift_right_logical3A_831, %shift_left3A : i32
        %get3A_833 = arith.index_cast %shift_left3A_832 : i32 to index
        %get3A_834 = tpu.vector_load %arg9[%get3A_833] {strides = array<i32>} : memref<4128xi32, #tpu.memory_space<vmem>>, vector<16xi32>,
        %sub3A_835 = vector.broadcast %min3A_341 : i32 to vector<16xi32>
        %sub3A_836 = arith.subi %get3A_834, %sub3A_835 : vector<16xi32>
        %and3A_837 = arith.constant 15 : i32
        %and3A_838 = arith.andi %add3A_830, %and3A_837 : i32
        %broadcast_in_dim3A_839 = vector.broadcast %and3A_838 : i32 to vector<16x1xi32>
        %gather3A = vector.shape_cast %broadcast_in_dim3A_839 : vector<16x1xi32> to vector<16xi32>
        %gather3A_840 = tpu.dynamic_gather %sub3A_836[%gather3A] in [0] : vector<16xi32>, vector<16xi32> -> vector<16xi32>
        %add3A_841 = arith.constant 0 : i32
        %add3A_842 = vector.broadcast %add3A_841 : i32 to vector<16xi32>
        %add3A_843 = arith.addi %iota3A, %add3A_842 : vector<16xi32>
        %gather3A_844 = tpu.vector_load_idx %arg11[%add3A_843, %gather3A_840] : memref<64x640xf32, #tpu.memory_space<vmem>>[vector<16xi32>, vector<16xi32>], vector<16xf32>,
        %swap3A_845 = arith.index_cast %scan3A_829 : i32 to index
        %swap3A_846 = arith.constant 0 : index
        %swap3A_847 = tpu.vector_load %arg14[%swap3A_845, %swap3A_846] {strides = array<i32>} : memref<32x128xf32, #tpu.memory_space<vmem>>, vector<16xf32>,
        tpu.vector_store %arg14[%swap3A_845, %swap3A_846], %gather3A_844 {strides = array<i32>} : memref<32x128xf32, #tpu.memory_space<vmem>>, vector<16xf32>,
        %add3A_848 = arith.constant 16 : i32
        %add3A_849 = vector.broadcast %add3A_848 : i32 to vector<16xi32>
        %add3A_850 = arith.addi %iota3A, %add3A_849 : vector<16xi32>
        %gather3A_851 = tpu.vector_load_idx %arg11[%add3A_850, %gather3A_840] : memref<64x640xf32, #tpu.memory_space<vmem>>[vector<16xi32>, vector<16xi32>], vector<16xf32>,
        %swap3A_852 = arith.index_cast %scan3A_829 : i32 to index
        %swap3A_853 = arith.constant 16 : index
        %swap3A_854 = tpu.vector_load %arg14[%swap3A_852, %swap3A_853] {strides = array<i32>} : memref<32x128xf32, #tpu.memory_space<vmem>>, vector<16xf32>,
        tpu.vector_store %arg14[%swap3A_852, %swap3A_853], %gather3A_851 {strides = array<i32>} : memref<32x128xf32, #tpu.memory_space<vmem>>, vector<16xf32>,
        %add3A_855 = arith.constant 32 : i32
        %add3A_856 = vector.broadcast %add3A_855 : i32 to vector<16xi32>
        %add3A_857 = arith.addi %iota3A, %add3A_856 : vector<16xi32>
        %gather3A_858 = tpu.vector_load_idx %arg11[%add3A_857, %gather3A_840] : memref<64x640xf32, #tpu.memory_space<vmem>>[vector<16xi32>, vector<16xi32>], vector<16xf32>,
        %swap3A_859 = arith.index_cast %scan3A_829 : i32 to index
        %swap3A_860 = arith.constant 32 : index
        %swap3A_861 = tpu.vector_load %arg14[%swap3A_859, %swap3A_860] {strides = array<i32>} : memref<32x128xf32, #tpu.memory_space<vmem>>, vector<16xf32>,
        tpu.vector_store %arg14[%swap3A_859, %swap3A_860], %gather3A_858 {strides = array<i32>} : memref<32x128xf32, #tpu.memory_space<vmem>>, vector<16xf32>,
        %add3A_862 = arith.constant 48 : i32
        %add3A_863 = vector.broadcast %add3A_862 : i32 to vector<16xi32>
        %add3A_864 = arith.addi %iota3A, %add3A_863 : vector<16xi32>
        %gather3A_865 = tpu.vector_load_idx %arg11[%add3A_864, %gather3A_840] : memref<64x640xf32, #tpu.memory_space<vmem>>[vector<16xi32>, vector<16xi32>], vector<16xf32>,
        %swap3A_866 = arith.index_cast %scan3A_829 : i32 to index
        %swap3A_867 = arith.constant 48 : index
        %swap3A_868 = tpu.vector_load %arg14[%swap3A_866, %swap3A_867] {strides = array<i32>} : memref<32x128xf32, #tpu.memory_space<vmem>>, vector<16xf32>,
        tpu.vector_store %arg14[%swap3A_866, %swap3A_867], %gather3A_865 {strides = array<i32>} : memref<32x128xf32, #tpu.memory_space<vmem>>, vector<16xf32>,
      }
      %scan3A_811 = arith.constant 32 : i32
      %add3A_812 = arith.constant 5 : i32
      %add3A_813 = arith.addi %add3A_812, %while3A_777 : i32
      %sub3A_814 = arith.constant 1 : i32
      %sub3A_815 = arith.subi %add3A_813, %sub3A_814 : i32
      %dma_start3A_816 = arith.constant 0 : i32
      %dma_start3A_817 = tpu.memref_slice %arg15[%sub3A_815, %dma_start3A_816] : memref<134x32xi32, #tpu.memory_space<vmem>> -> memref<1x32xi32, #tpu.memory_space<vmem>>
      %dma_start3A_818 = tpu.memref_squeeze %dma_start3A_817 : memref<1x32xi32, #tpu.memory_space<vmem>> -> memref<32xi32, #tpu.memory_space<vmem>>
      %dma_start3A_819 = arith.constant 0 : i32
      %dma_start3A_820 = arith.constant 0 : i32
      %dma_start3A_821 = tpu.memref_slice %arg4[%dma_start3A_819, %dma_start3A_820] : memref<4096x128xf32, #tpu.memory_space<hbm>> -> memref<4096x128xf32, #tpu.memory_space<hbm>>
      %dma_start3A_822 = arith.constant -1 : i32
      tpu.enqueue_indirect_dma source(%arg14 : memref<32x128xf32, #tpu.memory_space<vmem>>) target(%dma_start3A_821 : memref<4096x128xf32, #tpu.memory_space<hbm>>) offsets(%dma_start3A_818 : memref<32xi32, #tpu.memory_space<vmem>>) offset_filter(%dma_start3A_822) semaphore(%arg17 : memref<!tpu.dma_semaphore, #tpu.memory_space<semaphore_mem>>)
      %dma_wait3A_823 = arith.constant 0 : i32
      %dma_wait3A_824 = tpu.memref_slice %arg15[%sub3A_815, %dma_wait3A_823] : memref<134x32xi32, #tpu.memory_space<vmem>> -> memref<1x32xi32, #tpu.memory_space<vmem>>
      %dma_wait3A_825 = tpu.memref_squeeze %dma_wait3A_824 : memref<1x32xi32, #tpu.memory_space<vmem>> -> memref<32xi32, #tpu.memory_space<vmem>>
      %dma_wait3A_826 = arith.constant 0 : i32
      %dma_wait3A_827 = arith.constant 0 : i32
      %dma_wait3A_828 = tpu.memref_slice %arg4[%dma_wait3A_826, %dma_wait3A_827] : memref<4096x128xf32, #tpu.memory_space<hbm>> -> memref<4096x128xf32, #tpu.memory_space<hbm>>
      tpu.wait_indirect_dma semaphore(%arg17 : memref<!tpu.dma_semaphore, #tpu.memory_space<semaphore_mem>>) src(%arg14 : memref<32x128xf32, #tpu.memory_space<vmem>>) dst(%dma_wait3A_828 : memref<4096x128xf32, #tpu.memory_space<hbm>>)
    }
    %add3A_477 = arith.constant 128 : i32
    %add3A_478 = arith.addi %add3A, %add3A_477 : i32
    %mul3A_479 = arith.constant 640 : i32
    %mul3A_480 = arith.muli %add3A_478, %mul3A_479 : i32
    %min3A_481 = arith.constant 99456 : i32
    %min3A_482 = arith.minsi %mul3A_480, %min3A_481 : i32
    %multiple_of3A_483 = tpu.assume_multiple %min3A_482, 128 : i32
    %dma_start3A_484 = arith.constant 0 : i32
    %dma_start3A_485 = tpu.memref_slice %arg2[%dma_start3A_484, %multiple_of3A_483] : memref<64x100000xf32, #tpu.memory_space<hbm>> -> memref<64x640xf32, #tpu.memory_space<hbm>>
    %dma_start3A_486 = arith.constant 0 : i32
    %dma_start3A_487 = tpu.memref_slice %arg2[%dma_start3A_486, %multiple_of3A_483] : memref<64x100000xf32, #tpu.memory_space<hbm>> -> memref<64x640xf32, #tpu.memory_space<hbm>>
    tpu.enqueue_dma source(%dma_start3A_487 : memref<64x640xf32, #tpu.memory_space<hbm>>) target(%arg11 : memref<64x640xf32, #tpu.memory_space<vmem>>) target_semaphore(%arg18 : memref<!tpu.dma_semaphore, #tpu.memory_space<semaphore_mem>>)
    %add3A_488 = arith.constant 96 : i32
    %add3A_489 = arith.addi %add3A, %add3A_488 : i32
    %mul3A_490 = arith.constant 640 : i32
    %mul3A_491 = arith.muli %add3A_489, %mul3A_490 : i32
    %min3A_492 = arith.constant 99456 : i32
    %min3A_493 = arith.minsi %mul3A_491, %min3A_492 : i32
    %add3A_494 = arith.constant 16 : i32
    %add3A_495 = arith.addi %scan3A_34, %add3A_494 : i32
    %jit3A_496 = arith.constant 16 : i32
    %div3A_497 = arith.divsi %add3A_495, %jit3A_496 : i32
    %sign3A_498 = arith.constant 0 : i32
    %sign3A_499 = arith.cmpi sgt, %add3A_495, %sign3A_498 : i32
    %sign3A_500 = arith.extui %sign3A_499 : i1 to i32
    %sign3A_501 = arith.constant 0 : i32
    %sign3A_502 = arith.cmpi slt, %add3A_495, %sign3A_501 : i32
    %sign3A_503 = arith.extui %sign3A_502 : i1 to i32
    %sign3A_504 = arith.subi %sign3A_500, %sign3A_503 : i32
    %sign3A_505 = arith.constant 0 : i32
    %sign3A_506 = arith.cmpi sgt, %jit3A_496, %sign3A_505 : i32
    %sign3A_507 = arith.extui %sign3A_506 : i1 to i32
    %sign3A_508 = arith.constant 0 : i32
    %sign3A_509 = arith.cmpi slt, %jit3A_496, %sign3A_508 : i32
    %sign3A_510 = arith.extui %sign3A_509 : i1 to i32
    %sign3A_511 = arith.subi %sign3A_507, %sign3A_510 : i32
    %ne3A_512 = arith.cmpi ne, %sign3A_504, %sign3A_511 : i32
    %rem3A_513 = arith.remsi %add3A_495, %jit3A_496 : i32
    %ne3A_514 = arith.constant 0 : i32
    %ne3A_515 = arith.cmpi ne, %rem3A_513, %ne3A_514 : i32
    %and3A_516 = arith.andi %ne3A_512, %ne3A_515 : i1
    %sub3A_517 = arith.constant 1 : i32
    %sub3A_518 = arith.subi %div3A_497, %sub3A_517 : i32
    %select_n3A_519 = arith.select %and3A_516, %sub3A_518, %div3A_497 : i32
    %while3A_520 = arith.constant 0 : i32
    %while3A_521 = arith.constant 0 : i32
    %while3A_522 = arith.subi %select_n3A_519, %while3A_520 : i32
    %while3A_523 = arith.addi %while3A_520, %while3A_522 : i32
    %while3A_524 = arith.constant 1 : i32
    %while3A_525 = arith.divsi %while3A_522, %while3A_524 : i32
    %while3A_526 = arith.muli %while3A_525, %while3A_524 : i32
    %while3A_527 = arith.addi %while3A_520, %while3A_526 : i32
    %while3A_528 = arith.constant 1 : i32
    %while3A_529 = scf.for %while3A_777 = %while3A_520 to %while3A_527 step %while3A_528 iter_args(%while3A_778 = %while3A_521) -> (i32)  : i32 {
      %mul3A_779 = arith.constant 16 : i32
      %mul3A_780 = arith.muli %while3A_777, %mul3A_779 : i32
      %get3A_781 = arith.index_cast %mul3A_780 : i32 to index
      %get3A_782 = tpu.vector_load %arg7[%get3A_781] {strides = array<i32>} : memref<4112xi32, #tpu.memory_space<vmem>>, vector<16xi32>,
      %mul3A_783 = arith.constant 16 : i32
      %mul3A_784 = arith.muli %while3A_777, %mul3A_783 : i32
      %get3A_785 = arith.index_cast %mul3A_784 : i32 to index
      %get3A_786 = tpu.vector_load %arg8[%get3A_785] {strides = array<i32>} : memref<4112xi32, #tpu.memory_space<vmem>>, vector<16xi32>,
      %shift_right_logical3A = arith.constant 7 : i32
      %shift_right_logical3A_787 = vector.broadcast %shift_right_logical3A : i32 to vector<16xi32>
      %shift_right_logical3A_788 = arith.shrui %get3A_782, %shift_right_logical3A_787 : vector<16xi32>
      %mul3A_789 = arith.constant 52429 : i32
      %mul3A_790 = vector.broadcast %mul3A_789 : i32 to vector<16xi32>
      %mul3A_791 = arith.muli %shift_right_logical3A_788, %mul3A_790 : vector<16xi32>
      %shift_right_logical3A_792 = arith.constant 18 : i32
      %shift_right_logical3A_793 = vector.broadcast %shift_right_logical3A_792 : i32 to vector<16xi32>
      %shift_right_logical3A_794 = arith.shrui %mul3A_791, %shift_right_logical3A_793 : vector<16xi32>
      %shift_right_logical3A_795 = arith.constant 5 : i32
      %shift_right_logical3A_796 = vector.broadcast %shift_right_logical3A_795 : i32 to vector<16xi32>
      %shift_right_logical3A_797 = arith.shrui %shift_right_logical3A_794, %shift_right_logical3A_796 : vector<16xi32>
      %eq3A = arith.constant 3 : i32
      %eq3A_798 = vector.broadcast %eq3A : i32 to vector<16xi32>
      %eq3A_799 = arith.cmpi eq, %shift_right_logical3A_797, %eq3A_798 : vector<16xi32>
      %swap3A_800 = arith.index_cast %while3A_778 : i32 to index
      %swap3A_801 = tpu.vector_load %arg9[%swap3A_800] masked %eq3A_799 {strides = array<i32>} : memref<4128xi32, #tpu.memory_space<vmem>>, vector<16xi32>, vector<16xi1>
      tpu.vector_store %arg9[%swap3A_800], %get3A_782 masked %eq3A_799 {strides = array<i32>} : memref<4128xi32, #tpu.memory_space<vmem>>, vector<16xi32>, vector<16xi1>
      %swap3A_802 = arith.index_cast %while3A_778 : i32 to index
      %swap3A_803 = tpu.vector_load %arg10[%swap3A_802] masked %eq3A_799 {strides = array<i32>} : memref<4128xi32, #tpu.memory_space<vmem>>, vector<16xi32>, vector<16xi1>
      tpu.vector_store %arg10[%swap3A_802], %get3A_786 masked %eq3A_799 {strides = array<i32>} : memref<4128xi32, #tpu.memory_space<vmem>>, vector<16xi32>, vector<16xi1>
      %convert_element_type3A = arith.extui %eq3A_799 : vector<16xi1> to vector<16xi32>
      %reduce_sum3A = arith.constant true
      %reduce_sum3A_804 = vector.broadcast %reduce_sum3A : i1 to vector<16xi1>
      %reduce_sum3A_805 = tpu.scan <sum>, %convert_element_type3A masked %reduce_sum3A_804 : vector<16xi32>, vector<16xi1> -> vector<16xi32>
      %reduce_sum3A_806 = vector.extract %reduce_sum3A_805[15] : i32 from vector<16xi32>
      %add3A_807 = arith.addi %while3A_778, %reduce_sum3A_806 : i32
      scf.yield %add3A_807 : i32
    }
    %while3A_530 = arith.constant 1 : i32
    %while3A_531 = scf.for %while3A_777 = %while3A_527 to %while3A_523 step %while3A_530 iter_args(%while3A_778 = %while3A_529) -> (i32)  : i32 {
      %mul3A_779 = arith.constant 16 : i32
      %mul3A_780 = arith.muli %while3A_777, %mul3A_779 : i32
      %get3A_781 = arith.index_cast %mul3A_780 : i32 to index
      %get3A_782 = tpu.vector_load %arg7[%get3A_781] {strides = array<i32>} : memref<4112xi32, #tpu.memory_space<vmem>>, vector<16xi32>,
      %mul3A_783 = arith.constant 16 : i32
      %mul3A_784 = arith.muli %while3A_777, %mul3A_783 : i32
      %get3A_785 = arith.index_cast %mul3A_784 : i32 to index
      %get3A_786 = tpu.vector_load %arg8[%get3A_785] {strides = array<i32>} : memref<4112xi32, #tpu.memory_space<vmem>>, vector<16xi32>,
      %shift_right_logical3A = arith.constant 7 : i32
      %shift_right_logical3A_787 = vector.broadcast %shift_right_logical3A : i32 to vector<16xi32>
      %shift_right_logical3A_788 = arith.shrui %get3A_782, %shift_right_logical3A_787 : vector<16xi32>
      %mul3A_789 = arith.constant 52429 : i32
      %mul3A_790 = vector.broadcast %mul3A_789 : i32 to vector<16xi32>
      %mul3A_791 = arith.muli %shift_right_logical3A_788, %mul3A_790 : vector<16xi32>
      %shift_right_logical3A_792 = arith.constant 18 : i32
      %shift_right_logical3A_793 = vector.broadcast %shift_right_logical3A_792 : i32 to vector<16xi32>
      %shift_right_logical3A_794 = arith.shrui %mul3A_791, %shift_right_logical3A_793 : vector<16xi32>
      %shift_right_logical3A_795 = arith.constant 5 : i32
      %shift_right_logical3A_796 = vector.broadcast %shift_right_logical3A_795 : i32 to vector<16xi32>
      %shift_right_logical3A_797 = arith.shrui %shift_right_logical3A_794, %shift_right_logical3A_796 : vector<16xi32>
      %eq3A = arith.constant 3 : i32
      %eq3A_798 = vector.broadcast %eq3A : i32 to vector<16xi32>
      %eq3A_799 = arith.cmpi eq, %shift_right_logical3A_797, %eq3A_798 : vector<16xi32>
      %swap3A_800 = arith.index_cast %while3A_778 : i32 to index
      %swap3A_801 = tpu.vector_load %arg9[%swap3A_800] masked %eq3A_799 {strides = array<i32>} : memref<4128xi32, #tpu.memory_space<vmem>>, vector<16xi32>, vector<16xi1>
      tpu.vector_store %arg9[%swap3A_800], %get3A_782 masked %eq3A_799 {strides = array<i32>} : memref<4128xi32, #tpu.memory_space<vmem>>, vector<16xi32>, vector<16xi1>
      %swap3A_802 = arith.index_cast %while3A_778 : i32 to index
      %swap3A_803 = tpu.vector_load %arg10[%swap3A_802] masked %eq3A_799 {strides = array<i32>} : memref<4128xi32, #tpu.memory_space<vmem>>, vector<16xi32>, vector<16xi1>
      tpu.vector_store %arg10[%swap3A_802], %get3A_786 masked %eq3A_799 {strides = array<i32>} : memref<4128xi32, #tpu.memory_space<vmem>>, vector<16xi32>, vector<16xi1>
      %convert_element_type3A = arith.extui %eq3A_799 : vector<16xi1> to vector<16xi32>
      %reduce_sum3A = arith.constant true
      %reduce_sum3A_804 = vector.broadcast %reduce_sum3A : i1 to vector<16xi1>
      %reduce_sum3A_805 = tpu.scan <sum>, %convert_element_type3A masked %reduce_sum3A_804 : vector<16xi32>, vector<16xi1> -> vector<16xi32>
      %reduce_sum3A_806 = vector.extract %reduce_sum3A_805[15] : i32 from vector<16xi32>
      %add3A_807 = arith.addi %while3A_778, %reduce_sum3A_806 : i32
      scf.yield %add3A_807 : i32
    }
    %broadcast_in_dim3A_532 = arith.constant -1 : i32
    %broadcast_in_dim3A_533 = vector.broadcast %broadcast_in_dim3A_532 : i32 to vector<16xi32>
    %add3A_534 = arith.constant 0 : i32
    %add3A_535 = arith.addi %while3A_531, %add3A_534 : i32
    %swap3A_536 = arith.index_cast %add3A_535 : i32 to index
    %swap3A_537 = tpu.vector_load %arg10[%swap3A_536] {strides = array<i32>} : memref<4128xi32, #tpu.memory_space<vmem>>, vector<16xi32>,
    tpu.vector_store %arg10[%swap3A_536], %broadcast_in_dim3A_533 {strides = array<i32>} : memref<4128xi32, #tpu.memory_space<vmem>>, vector<16xi32>,
    %broadcast_in_dim3A_538 = vector.broadcast %min3A_493 : i32 to vector<16xi32>
    %add3A_539 = arith.constant 0 : i32
    %add3A_540 = arith.addi %while3A_531, %add3A_539 : i32
    %swap3A_541 = arith.index_cast %add3A_540 : i32 to index
    %swap3A_542 = tpu.vector_load %arg9[%swap3A_541] {strides = array<i32>} : memref<4128xi32, #tpu.memory_space<vmem>>, vector<16xi32>,
    tpu.vector_store %arg9[%swap3A_541], %broadcast_in_dim3A_538 {strides = array<i32>} : memref<4128xi32, #tpu.memory_space<vmem>>, vector<16xi32>,
    %broadcast_in_dim3A_543 = arith.constant -1 : i32
    %broadcast_in_dim3A_544 = vector.broadcast %broadcast_in_dim3A_543 : i32 to vector<16xi32>
    %add3A_545 = arith.constant 16 : i32
    %add3A_546 = arith.addi %while3A_531, %add3A_545 : i32
    %swap3A_547 = arith.index_cast %add3A_546 : i32 to index
    %swap3A_548 = tpu.vector_load %arg10[%swap3A_547] {strides = array<i32>} : memref<4128xi32, #tpu.memory_space<vmem>>, vector<16xi32>,
    tpu.vector_store %arg10[%swap3A_547], %broadcast_in_dim3A_544 {strides = array<i32>} : memref<4128xi32, #tpu.memory_space<vmem>>, vector<16xi32>,
    %broadcast_in_dim3A_549 = vector.broadcast %min3A_493 : i32 to vector<16xi32>
    %add3A_550 = arith.constant 16 : i32
    %add3A_551 = arith.addi %while3A_531, %add3A_550 : i32
    %swap3A_552 = arith.index_cast %add3A_551 : i32 to index
    %swap3A_553 = tpu.vector_load %arg9[%swap3A_552] {strides = array<i32>} : memref<4128xi32, #tpu.memory_space<vmem>>, vector<16xi32>,
    tpu.vector_store %arg9[%swap3A_552], %broadcast_in_dim3A_549 {strides = array<i32>} : memref<4128xi32, #tpu.memory_space<vmem>>, vector<16xi32>,
    %dma_wait3A_554 = arith.constant 0 : i32
    %dma_wait3A_555 = tpu.memref_slice %arg2[%dma_wait3A_554, %multiple_of3A_331] : memref<64x100000xf32, #tpu.memory_space<hbm>> -> memref<64x640xf32, #tpu.memory_space<hbm>>
    %dma_wait3A_556 = arith.constant 0 : i32
    %dma_wait3A_557 = tpu.memref_slice %arg2[%dma_wait3A_556, %multiple_of3A_331] : memref<64x100000xf32, #tpu.memory_space<hbm>> -> memref<64x640xf32, #tpu.memory_space<hbm>>
    tpu.wait_dma2 semaphore(%arg19 : memref<!tpu.dma_semaphore, #tpu.memory_space<semaphore_mem>>) src(%dma_wait3A_557 : memref<64x640xf32, #tpu.memory_space<hbm>>) dst(%arg12 : memref<64x640xf32, #tpu.memory_space<vmem>>)
    %dma_wait3A_558 = arith.constant 2 : i32
    %dma_wait3A_559 = arith.constant 0 : i32
    %dma_wait3A_560 = tpu.memref_slice %arg15[%dma_wait3A_558, %dma_wait3A_559] : memref<134x32xi32, #tpu.memory_space<vmem>> -> memref<1x32xi32, #tpu.memory_space<vmem>>
    %dma_wait3A_561 = tpu.memref_squeeze %dma_wait3A_560 : memref<1x32xi32, #tpu.memory_space<vmem>> -> memref<32xi32, #tpu.memory_space<vmem>>
    %dma_wait3A_562 = arith.constant 0 : i32
    %dma_wait3A_563 = arith.constant 0 : i32
    %dma_wait3A_564 = tpu.memref_slice %arg4[%dma_wait3A_562, %dma_wait3A_563] : memref<4096x128xf32, #tpu.memory_space<hbm>> -> memref<4096x128xf32, #tpu.memory_space<hbm>>
    tpu.wait_indirect_dma semaphore(%arg16 : memref<!tpu.dma_semaphore, #tpu.memory_space<semaphore_mem>>) src(%arg13 : memref<32x128xf32, #tpu.memory_space<vmem>>) dst(%dma_wait3A_564 : memref<4096x128xf32, #tpu.memory_space<hbm>>)
    %get3A_565 = arith.constant 0 : index
    %get3A_566 = tpu.vector_load %arg10[%get3A_565] {strides = array<i32>} : memref<4128xi32, #tpu.memory_space<vmem>>, vector<16xi32>,
    %swap3A_567 = arith.constant 3 : i32
    %swap3A_568 = arith.index_cast %swap3A_567 : i32 to index
    %swap3A_569 = arith.constant 0 : index
    %swap3A_570 = tpu.vector_load %arg15[%swap3A_568, %swap3A_569] {strides = array<i32>} : memref<134x32xi32, #tpu.memory_space<vmem>>, vector<16xi32>,
    tpu.vector_store %arg15[%swap3A_568, %swap3A_569], %get3A_566 {strides = array<i32>} : memref<134x32xi32, #tpu.memory_space<vmem>>, vector<16xi32>,
    %get3A_571 = arith.constant 16 : index
    %get3A_572 = tpu.vector_load %arg10[%get3A_571] {strides = array<i32>} : memref<4128xi32, #tpu.memory_space<vmem>>, vector<16xi32>,
    %swap3A_573 = arith.constant 3 : i32
    %swap3A_574 = arith.index_cast %swap3A_573 : i32 to index
    %swap3A_575 = arith.constant 16 : index
    %swap3A_576 = tpu.vector_load %arg15[%swap3A_574, %swap3A_575] {strides = array<i32>} : memref<134x32xi32, #tpu.memory_space<vmem>>, vector<16xi32>,
    tpu.vector_store %arg15[%swap3A_574, %swap3A_575], %get3A_572 {strides = array<i32>} : memref<134x32xi32, #tpu.memory_space<vmem>>, vector<16xi32>,
    %scan3A_577 = arith.constant 0 : i32
    %scan3A_578 = arith.constant 0 : i32
    %scan3A_579 = arith.constant 32 : i32
    %scan3A_580 = arith.addi %scan3A_578, %scan3A_579 : i32
    %scan3A_581 = arith.constant 1 : i32
    scf.for %scan3A_777 = %scan3A_578 to %scan3A_580 step %scan3A_581  : i32 {
      %add3A_778 = arith.constant 0 : i32
      %add3A_779 = arith.addi %add3A_778, %scan3A_777 : i32
      %shift_right_logical3A = arith.constant 4 : i32
      %shift_right_logical3A_780 = arith.shrui %add3A_779, %shift_right_logical3A : i32
      %shift_left3A = arith.constant 4 : i32
      %shift_left3A_781 = arith.shli %shift_right_logical3A_780, %shift_left3A : i32
      %get3A_782 = arith.index_cast %shift_left3A_781 : i32 to index
      %get3A_783 = tpu.vector_load %arg9[%get3A_782] {strides = array<i32>} : memref<4128xi32, #tpu.memory_space<vmem>>, vector<16xi32>,
      %sub3A_784 = vector.broadcast %min3A_493 : i32 to vector<16xi32>
      %sub3A_785 = arith.subi %get3A_783, %sub3A_784 : vector<16xi32>
      %and3A_786 = arith.constant 15 : i32
      %and3A_787 = arith.andi %add3A_779, %and3A_786 : i32
      %broadcast_in_dim3A_788 = vector.broadcast %and3A_787 : i32 to vector<16x1xi32>
      %gather3A = vector.shape_cast %broadcast_in_dim3A_788 : vector<16x1xi32> to vector<16xi32>
      %gather3A_789 = tpu.dynamic_gather %sub3A_785[%gather3A] in [0] : vector<16xi32>, vector<16xi32> -> vector<16xi32>
      %add3A_790 = arith.constant 0 : i32
      %add3A_791 = vector.broadcast %add3A_790 : i32 to vector<16xi32>
      %add3A_792 = arith.addi %iota3A, %add3A_791 : vector<16xi32>
      %gather3A_793 = tpu.vector_load_idx %arg12[%add3A_792, %gather3A_789] : memref<64x640xf32, #tpu.memory_space<vmem>>[vector<16xi32>, vector<16xi32>], vector<16xf32>,
      %swap3A_794 = arith.index_cast %scan3A_777 : i32 to index
      %swap3A_795 = arith.constant 0 : index
      %swap3A_796 = tpu.vector_load %arg13[%swap3A_794, %swap3A_795] {strides = array<i32>} : memref<32x128xf32, #tpu.memory_space<vmem>>, vector<16xf32>,
      tpu.vector_store %arg13[%swap3A_794, %swap3A_795], %gather3A_793 {strides = array<i32>} : memref<32x128xf32, #tpu.memory_space<vmem>>, vector<16xf32>,
      %add3A_797 = arith.constant 16 : i32
      %add3A_798 = vector.broadcast %add3A_797 : i32 to vector<16xi32>
      %add3A_799 = arith.addi %iota3A, %add3A_798 : vector<16xi32>
      %gather3A_800 = tpu.vector_load_idx %arg12[%add3A_799, %gather3A_789] : memref<64x640xf32, #tpu.memory_space<vmem>>[vector<16xi32>, vector<16xi32>], vector<16xf32>,
      %swap3A_801 = arith.index_cast %scan3A_777 : i32 to index
      %swap3A_802 = arith.constant 16 : index
      %swap3A_803 = tpu.vector_load %arg13[%swap3A_801, %swap3A_802] {strides = array<i32>} : memref<32x128xf32, #tpu.memory_space<vmem>>, vector<16xf32>,
      tpu.vector_store %arg13[%swap3A_801, %swap3A_802], %gather3A_800 {strides = array<i32>} : memref<32x128xf32, #tpu.memory_space<vmem>>, vector<16xf32>,
      %add3A_804 = arith.constant 32 : i32
      %add3A_805 = vector.broadcast %add3A_804 : i32 to vector<16xi32>
      %add3A_806 = arith.addi %iota3A, %add3A_805 : vector<16xi32>
      %gather3A_807 = tpu.vector_load_idx %arg12[%add3A_806, %gather3A_789] : memref<64x640xf32, #tpu.memory_space<vmem>>[vector<16xi32>, vector<16xi32>], vector<16xf32>,
      %swap3A_808 = arith.index_cast %scan3A_777 : i32 to index
      %swap3A_809 = arith.constant 32 : index
      %swap3A_810 = tpu.vector_load %arg13[%swap3A_808, %swap3A_809] {strides = array<i32>} : memref<32x128xf32, #tpu.memory_space<vmem>>, vector<16xf32>,
      tpu.vector_store %arg13[%swap3A_808, %swap3A_809], %gather3A_807 {strides = array<i32>} : memref<32x128xf32, #tpu.memory_space<vmem>>, vector<16xf32>,
      %add3A_811 = arith.constant 48 : i32
      %add3A_812 = vector.broadcast %add3A_811 : i32 to vector<16xi32>
      %add3A_813 = arith.addi %iota3A, %add3A_812 : vector<16xi32>
      %gather3A_814 = tpu.vector_load_idx %arg12[%add3A_813, %gather3A_789] : memref<64x640xf32, #tpu.memory_space<vmem>>[vector<16xi32>, vector<16xi32>], vector<16xf32>,
      %swap3A_815 = arith.index_cast %scan3A_777 : i32 to index
      %swap3A_816 = arith.constant 48 : index
      %swap3A_817 = tpu.vector_load %arg13[%swap3A_815, %swap3A_816] {strides = array<i32>} : memref<32x128xf32, #tpu.memory_space<vmem>>, vector<16xf32>,
      tpu.vector_store %arg13[%swap3A_815, %swap3A_816], %gather3A_814 {strides = array<i32>} : memref<32x128xf32, #tpu.memory_space<vmem>>, vector<16xf32>,
    }
    %scan3A_582 = arith.constant 32 : i32
    %dma_start3A_583 = arith.constant 3 : i32
    %dma_start3A_584 = arith.constant 0 : i32
    %dma_start3A_585 = tpu.memref_slice %arg15[%dma_start3A_583, %dma_start3A_584] : memref<134x32xi32, #tpu.memory_space<vmem>> -> memref<1x32xi32, #tpu.memory_space<vmem>>
    %dma_start3A_586 = tpu.memref_squeeze %dma_start3A_585 : memref<1x32xi32, #tpu.memory_space<vmem>> -> memref<32xi32, #tpu.memory_space<vmem>>
    %dma_start3A_587 = arith.constant 0 : i32
    %dma_start3A_588 = arith.constant 0 : i32
    %dma_start3A_589 = tpu.memref_slice %arg4[%dma_start3A_587, %dma_start3A_588] : memref<4096x128xf32, #tpu.memory_space<hbm>> -> memref<4096x128xf32, #tpu.memory_space<hbm>>
    %dma_start3A_590 = arith.constant -1 : i32
    tpu.enqueue_indirect_dma source(%arg13 : memref<32x128xf32, #tpu.memory_space<vmem>>) target(%dma_start3A_589 : memref<4096x128xf32, #tpu.memory_space<hbm>>) offsets(%dma_start3A_586 : memref<32xi32, #tpu.memory_space<vmem>>) offset_filter(%dma_start3A_590) semaphore(%arg16 : memref<!tpu.dma_semaphore, #tpu.memory_space<semaphore_mem>>)
    %add3A_591 = arith.constant 32 : i32
    %add3A_592 = arith.addi %while3A_531, %add3A_591 : i32
    %sub3A_593 = arith.constant 1 : i32
    %sub3A_594 = arith.subi %add3A_592, %sub3A_593 : i32
    %jit3A_595 = arith.constant 32 : i32
    %div3A_596 = arith.divsi %sub3A_594, %jit3A_595 : i32
    %sign3A_597 = arith.constant 0 : i32
    %sign3A_598 = arith.cmpi sgt, %sub3A_594, %sign3A_597 : i32
    %sign3A_599 = arith.extui %sign3A_598 : i1 to i32
    %sign3A_600 = arith.constant 0 : i32
    %sign3A_601 = arith.cmpi slt, %sub3A_594, %sign3A_600 : i32
    %sign3A_602 = arith.extui %sign3A_601 : i1 to i32
    %sign3A_603 = arith.subi %sign3A_599, %sign3A_602 : i32
    %sign3A_604 = arith.constant 0 : i32
    %sign3A_605 = arith.cmpi sgt, %jit3A_595, %sign3A_604 : i32
    %sign3A_606 = arith.extui %sign3A_605 : i1 to i32
    %sign3A_607 = arith.constant 0 : i32
    %sign3A_608 = arith.cmpi slt, %jit3A_595, %sign3A_607 : i32
    %sign3A_609 = arith.extui %sign3A_608 : i1 to i32
    %sign3A_610 = arith.subi %sign3A_606, %sign3A_609 : i32
    %ne3A_611 = arith.cmpi ne, %sign3A_603, %sign3A_610 : i32
    %rem3A_612 = arith.remsi %sub3A_594, %jit3A_595 : i32
    %ne3A_613 = arith.constant 0 : i32
    %ne3A_614 = arith.cmpi ne, %rem3A_612, %ne3A_613 : i32
    %and3A_615 = arith.andi %ne3A_611, %ne3A_614 : i1
    %sub3A_616 = arith.constant 1 : i32
    %sub3A_617 = arith.subi %div3A_596, %sub3A_616 : i32
    %select_n3A_618 = arith.select %and3A_615, %sub3A_617, %div3A_596 : i32
    %while3A_619 = arith.constant 0 : i32
    %while3A_620 = arith.constant 1 : i32
    %while3A_621 = arith.subi %select_n3A_618, %while3A_620 : i32
    %while3A_622 = arith.addi %while3A_620, %while3A_621 : i32
    %while3A_623 = arith.constant 1 : i32
    %while3A_624 = arith.divsi %while3A_621, %while3A_623 : i32
    %while3A_625 = arith.muli %while3A_624, %while3A_623 : i32
    %while3A_626 = arith.addi %while3A_620, %while3A_625 : i32
    %while3A_627 = arith.constant 1 : i32
    scf.for %while3A_777 = %while3A_620 to %while3A_626 step %while3A_627  : i32 {
      %mul3A_778 = arith.constant 32 : i32
      %mul3A_779 = arith.muli %while3A_777, %mul3A_778 : i32
      %add3A_780 = arith.constant 0 : i32
      %add3A_781 = arith.addi %mul3A_779, %add3A_780 : i32
      %get3A_782 = arith.index_cast %add3A_781 : i32 to index
      %get3A_783 = tpu.vector_load %arg10[%get3A_782] {strides = array<i32>} : memref<4128xi32, #tpu.memory_space<vmem>>, vector<16xi32>,
      %add3A_784 = arith.constant 5 : i32
      %add3A_785 = arith.addi %add3A_784, %while3A_777 : i32
      %sub3A_786 = arith.constant 1 : i32
      %sub3A_787 = arith.subi %add3A_785, %sub3A_786 : i32
      %swap3A_788 = arith.index_cast %sub3A_787 : i32 to index
      %swap3A_789 = arith.constant 0 : index
      %swap3A_790 = tpu.vector_load %arg15[%swap3A_788, %swap3A_789] {strides = array<i32>} : memref<134x32xi32, #tpu.memory_space<vmem>>, vector<16xi32>,
      tpu.vector_store %arg15[%swap3A_788, %swap3A_789], %get3A_783 {strides = array<i32>} : memref<134x32xi32, #tpu.memory_space<vmem>>, vector<16xi32>,
      %mul3A_791 = arith.constant 32 : i32
      %mul3A_792 = arith.muli %while3A_777, %mul3A_791 : i32
      %add3A_793 = arith.constant 16 : i32
      %add3A_794 = arith.addi %mul3A_792, %add3A_793 : i32
      %get3A_795 = arith.index_cast %add3A_794 : i32 to index
      %get3A_796 = tpu.vector_load %arg10[%get3A_795] {strides = array<i32>} : memref<4128xi32, #tpu.memory_space<vmem>>, vector<16xi32>,
      %add3A_797 = arith.constant 5 : i32
      %add3A_798 = arith.addi %add3A_797, %while3A_777 : i32
      %sub3A_799 = arith.constant 1 : i32
      %sub3A_800 = arith.subi %add3A_798, %sub3A_799 : i32
      %swap3A_801 = arith.index_cast %sub3A_800 : i32 to index
      %swap3A_802 = arith.constant 16 : index
      %swap3A_803 = tpu.vector_load %arg15[%swap3A_801, %swap3A_802] {strides = array<i32>} : memref<134x32xi32, #tpu.memory_space<vmem>>, vector<16xi32>,
      tpu.vector_store %arg15[%swap3A_801, %swap3A_802], %get3A_796 {strides = array<i32>} : memref<134x32xi32, #tpu.memory_space<vmem>>, vector<16xi32>,
      %mul3A_804 = arith.constant 32 : i32
      %mul3A_805 = arith.muli %while3A_777, %mul3A_804 : i32
      %scan3A_806 = arith.constant 0 : i32
      %scan3A_807 = arith.constant 0 : i32
      %scan3A_808 = arith.constant 32 : i32
      %scan3A_809 = arith.addi %scan3A_807, %scan3A_808 : i32
      %scan3A_810 = arith.constant 1 : i32
      scf.for %scan3A_829 = %scan3A_807 to %scan3A_809 step %scan3A_810  : i32 {
        %add3A_830 = arith.addi %mul3A_805, %scan3A_829 : i32
        %shift_right_logical3A = arith.constant 4 : i32
        %shift_right_logical3A_831 = arith.shrui %add3A_830, %shift_right_logical3A : i32
        %shift_left3A = arith.constant 4 : i32
        %shift_left3A_832 = arith.shli %shift_right_logical3A_831, %shift_left3A : i32
        %get3A_833 = arith.index_cast %shift_left3A_832 : i32 to index
        %get3A_834 = tpu.vector_load %arg9[%get3A_833] {strides = array<i32>} : memref<4128xi32, #tpu.memory_space<vmem>>, vector<16xi32>,
        %sub3A_835 = vector.broadcast %min3A_493 : i32 to vector<16xi32>
        %sub3A_836 = arith.subi %get3A_834, %sub3A_835 : vector<16xi32>
        %and3A_837 = arith.constant 15 : i32
        %and3A_838 = arith.andi %add3A_830, %and3A_837 : i32
        %broadcast_in_dim3A_839 = vector.broadcast %and3A_838 : i32 to vector<16x1xi32>
        %gather3A = vector.shape_cast %broadcast_in_dim3A_839 : vector<16x1xi32> to vector<16xi32>
        %gather3A_840 = tpu.dynamic_gather %sub3A_836[%gather3A] in [0] : vector<16xi32>, vector<16xi32> -> vector<16xi32>
        %add3A_841 = arith.constant 0 : i32
        %add3A_842 = vector.broadcast %add3A_841 : i32 to vector<16xi32>
        %add3A_843 = arith.addi %iota3A, %add3A_842 : vector<16xi32>
        %gather3A_844 = tpu.vector_load_idx %arg12[%add3A_843, %gather3A_840] : memref<64x640xf32, #tpu.memory_space<vmem>>[vector<16xi32>, vector<16xi32>], vector<16xf32>,
        %swap3A_845 = arith.index_cast %scan3A_829 : i32 to index
        %swap3A_846 = arith.constant 0 : index
        %swap3A_847 = tpu.vector_load %arg14[%swap3A_845, %swap3A_846] {strides = array<i32>} : memref<32x128xf32, #tpu.memory_space<vmem>>, vector<16xf32>,
        tpu.vector_store %arg14[%swap3A_845, %swap3A_846], %gather3A_844 {strides = array<i32>} : memref<32x128xf32, #tpu.memory_space<vmem>>, vector<16xf32>,
        %add3A_848 = arith.constant 16 : i32
        %add3A_849 = vector.broadcast %add3A_848 : i32 to vector<16xi32>
        %add3A_850 = arith.addi %iota3A, %add3A_849 : vector<16xi32>
        %gather3A_851 = tpu.vector_load_idx %arg12[%add3A_850, %gather3A_840] : memref<64x640xf32, #tpu.memory_space<vmem>>[vector<16xi32>, vector<16xi32>], vector<16xf32>,
        %swap3A_852 = arith.index_cast %scan3A_829 : i32 to index
        %swap3A_853 = arith.constant 16 : index
        %swap3A_854 = tpu.vector_load %arg14[%swap3A_852, %swap3A_853] {strides = array<i32>} : memref<32x128xf32, #tpu.memory_space<vmem>>, vector<16xf32>,
        tpu.vector_store %arg14[%swap3A_852, %swap3A_853], %gather3A_851 {strides = array<i32>} : memref<32x128xf32, #tpu.memory_space<vmem>>, vector<16xf32>,
        %add3A_855 = arith.constant 32 : i32
        %add3A_856 = vector.broadcast %add3A_855 : i32 to vector<16xi32>
        %add3A_857 = arith.addi %iota3A, %add3A_856 : vector<16xi32>
        %gather3A_858 = tpu.vector_load_idx %arg12[%add3A_857, %gather3A_840] : memref<64x640xf32, #tpu.memory_space<vmem>>[vector<16xi32>, vector<16xi32>], vector<16xf32>,
        %swap3A_859 = arith.index_cast %scan3A_829 : i32 to index
        %swap3A_860 = arith.constant 32 : index
        %swap3A_861 = tpu.vector_load %arg14[%swap3A_859, %swap3A_860] {strides = array<i32>} : memref<32x128xf32, #tpu.memory_space<vmem>>, vector<16xf32>,
        tpu.vector_store %arg14[%swap3A_859, %swap3A_860], %gather3A_858 {strides = array<i32>} : memref<32x128xf32, #tpu.memory_space<vmem>>, vector<16xf32>,
        %add3A_862 = arith.constant 48 : i32
        %add3A_863 = vector.broadcast %add3A_862 : i32 to vector<16xi32>
        %add3A_864 = arith.addi %iota3A, %add3A_863 : vector<16xi32>
        %gather3A_865 = tpu.vector_load_idx %arg12[%add3A_864, %gather3A_840] : memref<64x640xf32, #tpu.memory_space<vmem>>[vector<16xi32>, vector<16xi32>], vector<16xf32>,
        %swap3A_866 = arith.index_cast %scan3A_829 : i32 to index
        %swap3A_867 = arith.constant 48 : index
        %swap3A_868 = tpu.vector_load %arg14[%swap3A_866, %swap3A_867] {strides = array<i32>} : memref<32x128xf32, #tpu.memory_space<vmem>>, vector<16xf32>,
        tpu.vector_store %arg14[%swap3A_866, %swap3A_867], %gather3A_865 {strides = array<i32>} : memref<32x128xf32, #tpu.memory_space<vmem>>, vector<16xf32>,
      }
      %scan3A_811 = arith.constant 32 : i32
      %add3A_812 = arith.constant 5 : i32
      %add3A_813 = arith.addi %add3A_812, %while3A_777 : i32
      %sub3A_814 = arith.constant 1 : i32
      %sub3A_815 = arith.subi %add3A_813, %sub3A_814 : i32
      %dma_start3A_816 = arith.constant 0 : i32
      %dma_start3A_817 = tpu.memref_slice %arg15[%sub3A_815, %dma_start3A_816] : memref<134x32xi32, #tpu.memory_space<vmem>> -> memref<1x32xi32, #tpu.memory_space<vmem>>
      %dma_start3A_818 = tpu.memref_squeeze %dma_start3A_817 : memref<1x32xi32, #tpu.memory_space<vmem>> -> memref<32xi32, #tpu.memory_space<vmem>>
      %dma_start3A_819 = arith.constant 0 : i32
      %dma_start3A_820 = arith.constant 0 : i32
      %dma_start3A_821 = tpu.memref_slice %arg4[%dma_start3A_819, %dma_start3A_820] : memref<4096x128xf32, #tpu.memory_space<hbm>> -> memref<4096x128xf32, #tpu.memory_space<hbm>>
      %dma_start3A_822 = arith.constant -1 : i32
      tpu.enqueue_indirect_dma source(%arg14 : memref<32x128xf32, #tpu.memory_space<vmem>>) target(%dma_start3A_821 : memref<4096x128xf32, #tpu.memory_space<hbm>>) offsets(%dma_start3A_818 : memref<32xi32, #tpu.memory_space<vmem>>) offset_filter(%dma_start3A_822) semaphore(%arg17 : memref<!tpu.dma_semaphore, #tpu.memory_space<semaphore_mem>>)
      %dma_wait3A_823 = arith.constant 0 : i32
      %dma_wait3A_824 = tpu.memref_slice %arg15[%sub3A_815, %dma_wait3A_823] : memref<134x32xi32, #tpu.memory_space<vmem>> -> memref<1x32xi32, #tpu.memory_space<vmem>>
      %dma_wait3A_825 = tpu.memref_squeeze %dma_wait3A_824 : memref<1x32xi32, #tpu.memory_space<vmem>> -> memref<32xi32, #tpu.memory_space<vmem>>
      %dma_wait3A_826 = arith.constant 0 : i32
      %dma_wait3A_827 = arith.constant 0 : i32
      %dma_wait3A_828 = tpu.memref_slice %arg4[%dma_wait3A_826, %dma_wait3A_827] : memref<4096x128xf32, #tpu.memory_space<hbm>> -> memref<4096x128xf32, #tpu.memory_space<hbm>>
      tpu.wait_indirect_dma semaphore(%arg17 : memref<!tpu.dma_semaphore, #tpu.memory_space<semaphore_mem>>) src(%arg14 : memref<32x128xf32, #tpu.memory_space<vmem>>) dst(%dma_wait3A_828 : memref<4096x128xf32, #tpu.memory_space<hbm>>)
    }
    %while3A_628 = arith.constant 1 : i32
    scf.for %while3A_777 = %while3A_626 to %while3A_622 step %while3A_628  : i32 {
      %mul3A_778 = arith.constant 32 : i32
      %mul3A_779 = arith.muli %while3A_777, %mul3A_778 : i32
      %add3A_780 = arith.constant 0 : i32
      %add3A_781 = arith.addi %mul3A_779, %add3A_780 : i32
      %get3A_782 = arith.index_cast %add3A_781 : i32 to index
      %get3A_783 = tpu.vector_load %arg10[%get3A_782] {strides = array<i32>} : memref<4128xi32, #tpu.memory_space<vmem>>, vector<16xi32>,
      %add3A_784 = arith.constant 5 : i32
      %add3A_785 = arith.addi %add3A_784, %while3A_777 : i32
      %sub3A_786 = arith.constant 1 : i32
      %sub3A_787 = arith.subi %add3A_785, %sub3A_786 : i32
      %swap3A_788 = arith.index_cast %sub3A_787 : i32 to index
      %swap3A_789 = arith.constant 0 : index
      %swap3A_790 = tpu.vector_load %arg15[%swap3A_788, %swap3A_789] {strides = array<i32>} : memref<134x32xi32, #tpu.memory_space<vmem>>, vector<16xi32>,
      tpu.vector_store %arg15[%swap3A_788, %swap3A_789], %get3A_783 {strides = array<i32>} : memref<134x32xi32, #tpu.memory_space<vmem>>, vector<16xi32>,
      %mul3A_791 = arith.constant 32 : i32
      %mul3A_792 = arith.muli %while3A_777, %mul3A_791 : i32
      %add3A_793 = arith.constant 16 : i32
      %add3A_794 = arith.addi %mul3A_792, %add3A_793 : i32
      %get3A_795 = arith.index_cast %add3A_794 : i32 to index
      %get3A_796 = tpu.vector_load %arg10[%get3A_795] {strides = array<i32>} : memref<4128xi32, #tpu.memory_space<vmem>>, vector<16xi32>,
      %add3A_797 = arith.constant 5 : i32
      %add3A_798 = arith.addi %add3A_797, %while3A_777 : i32
      %sub3A_799 = arith.constant 1 : i32
      %sub3A_800 = arith.subi %add3A_798, %sub3A_799 : i32
      %swap3A_801 = arith.index_cast %sub3A_800 : i32 to index
      %swap3A_802 = arith.constant 16 : index
      %swap3A_803 = tpu.vector_load %arg15[%swap3A_801, %swap3A_802] {strides = array<i32>} : memref<134x32xi32, #tpu.memory_space<vmem>>, vector<16xi32>,
      tpu.vector_store %arg15[%swap3A_801, %swap3A_802], %get3A_796 {strides = array<i32>} : memref<134x32xi32, #tpu.memory_space<vmem>>, vector<16xi32>,
      %mul3A_804 = arith.constant 32 : i32
      %mul3A_805 = arith.muli %while3A_777, %mul3A_804 : i32
      %scan3A_806 = arith.constant 0 : i32
      %scan3A_807 = arith.constant 0 : i32
      %scan3A_808 = arith.constant 32 : i32
      %scan3A_809 = arith.addi %scan3A_807, %scan3A_808 : i32
      %scan3A_810 = arith.constant 1 : i32
      scf.for %scan3A_829 = %scan3A_807 to %scan3A_809 step %scan3A_810  : i32 {
        %add3A_830 = arith.addi %mul3A_805, %scan3A_829 : i32
        %shift_right_logical3A = arith.constant 4 : i32
        %shift_right_logical3A_831 = arith.shrui %add3A_830, %shift_right_logical3A : i32
        %shift_left3A = arith.constant 4 : i32
        %shift_left3A_832 = arith.shli %shift_right_logical3A_831, %shift_left3A : i32
        %get3A_833 = arith.index_cast %shift_left3A_832 : i32 to index
        %get3A_834 = tpu.vector_load %arg9[%get3A_833] {strides = array<i32>} : memref<4128xi32, #tpu.memory_space<vmem>>, vector<16xi32>,
        %sub3A_835 = vector.broadcast %min3A_493 : i32 to vector<16xi32>
        %sub3A_836 = arith.subi %get3A_834, %sub3A_835 : vector<16xi32>
        %and3A_837 = arith.constant 15 : i32
        %and3A_838 = arith.andi %add3A_830, %and3A_837 : i32
        %broadcast_in_dim3A_839 = vector.broadcast %and3A_838 : i32 to vector<16x1xi32>
        %gather3A = vector.shape_cast %broadcast_in_dim3A_839 : vector<16x1xi32> to vector<16xi32>
        %gather3A_840 = tpu.dynamic_gather %sub3A_836[%gather3A] in [0] : vector<16xi32>, vector<16xi32> -> vector<16xi32>
        %add3A_841 = arith.constant 0 : i32
        %add3A_842 = vector.broadcast %add3A_841 : i32 to vector<16xi32>
        %add3A_843 = arith.addi %iota3A, %add3A_842 : vector<16xi32>
        %gather3A_844 = tpu.vector_load_idx %arg12[%add3A_843, %gather3A_840] : memref<64x640xf32, #tpu.memory_space<vmem>>[vector<16xi32>, vector<16xi32>], vector<16xf32>,
        %swap3A_845 = arith.index_cast %scan3A_829 : i32 to index
        %swap3A_846 = arith.constant 0 : index
        %swap3A_847 = tpu.vector_load %arg14[%swap3A_845, %swap3A_846] {strides = array<i32>} : memref<32x128xf32, #tpu.memory_space<vmem>>, vector<16xf32>,
        tpu.vector_store %arg14[%swap3A_845, %swap3A_846], %gather3A_844 {strides = array<i32>} : memref<32x128xf32, #tpu.memory_space<vmem>>, vector<16xf32>,
        %add3A_848 = arith.constant 16 : i32
        %add3A_849 = vector.broadcast %add3A_848 : i32 to vector<16xi32>
        %add3A_850 = arith.addi %iota3A, %add3A_849 : vector<16xi32>
        %gather3A_851 = tpu.vector_load_idx %arg12[%add3A_850, %gather3A_840] : memref<64x640xf32, #tpu.memory_space<vmem>>[vector<16xi32>, vector<16xi32>], vector<16xf32>,
        %swap3A_852 = arith.index_cast %scan3A_829 : i32 to index
        %swap3A_853 = arith.constant 16 : index
        %swap3A_854 = tpu.vector_load %arg14[%swap3A_852, %swap3A_853] {strides = array<i32>} : memref<32x128xf32, #tpu.memory_space<vmem>>, vector<16xf32>,
        tpu.vector_store %arg14[%swap3A_852, %swap3A_853], %gather3A_851 {strides = array<i32>} : memref<32x128xf32, #tpu.memory_space<vmem>>, vector<16xf32>,
        %add3A_855 = arith.constant 32 : i32
        %add3A_856 = vector.broadcast %add3A_855 : i32 to vector<16xi32>
        %add3A_857 = arith.addi %iota3A, %add3A_856 : vector<16xi32>
        %gather3A_858 = tpu.vector_load_idx %arg12[%add3A_857, %gather3A_840] : memref<64x640xf32, #tpu.memory_space<vmem>>[vector<16xi32>, vector<16xi32>], vector<16xf32>,
        %swap3A_859 = arith.index_cast %scan3A_829 : i32 to index
        %swap3A_860 = arith.constant 32 : index
        %swap3A_861 = tpu.vector_load %arg14[%swap3A_859, %swap3A_860] {strides = array<i32>} : memref<32x128xf32, #tpu.memory_space<vmem>>, vector<16xf32>,
        tpu.vector_store %arg14[%swap3A_859, %swap3A_860], %gather3A_858 {strides = array<i32>} : memref<32x128xf32, #tpu.memory_space<vmem>>, vector<16xf32>,
        %add3A_862 = arith.constant 48 : i32
        %add3A_863 = vector.broadcast %add3A_862 : i32 to vector<16xi32>
        %add3A_864 = arith.addi %iota3A, %add3A_863 : vector<16xi32>
        %gather3A_865 = tpu.vector_load_idx %arg12[%add3A_864, %gather3A_840] : memref<64x640xf32, #tpu.memory_space<vmem>>[vector<16xi32>, vector<16xi32>], vector<16xf32>,
        %swap3A_866 = arith.index_cast %scan3A_829 : i32 to index
        %swap3A_867 = arith.constant 48 : index
        %swap3A_868 = tpu.vector_load %arg14[%swap3A_866, %swap3A_867] {strides = array<i32>} : memref<32x128xf32, #tpu.memory_space<vmem>>, vector<16xf32>,
        tpu.vector_store %arg14[%swap3A_866, %swap3A_867], %gather3A_865 {strides = array<i32>} : memref<32x128xf32, #tpu.memory_space<vmem>>, vector<16xf32>,
      }
      %scan3A_811 = arith.constant 32 : i32
      %add3A_812 = arith.constant 5 : i32
      %add3A_813 = arith.addi %add3A_812, %while3A_777 : i32
      %sub3A_814 = arith.constant 1 : i32
      %sub3A_815 = arith.subi %add3A_813, %sub3A_814 : i32
      %dma_start3A_816 = arith.constant 0 : i32
      %dma_start3A_817 = tpu.memref_slice %arg15[%sub3A_815, %dma_start3A_816] : memref<134x32xi32, #tpu.memory_space<vmem>> -> memref<1x32xi32, #tpu.memory_space<vmem>>
      %dma_start3A_818 = tpu.memref_squeeze %dma_start3A_817 : memref<1x32xi32, #tpu.memory_space<vmem>> -> memref<32xi32, #tpu.memory_space<vmem>>
      %dma_start3A_819 = arith.constant 0 : i32
      %dma_start3A_820 = arith.constant 0 : i32
      %dma_start3A_821 = tpu.memref_slice %arg4[%dma_start3A_819, %dma_start3A_820] : memref<4096x128xf32, #tpu.memory_space<hbm>> -> memref<4096x128xf32, #tpu.memory_space<hbm>>
      %dma_start3A_822 = arith.constant -1 : i32
      tpu.enqueue_indirect_dma source(%arg14 : memref<32x128xf32, #tpu.memory_space<vmem>>) target(%dma_start3A_821 : memref<4096x128xf32, #tpu.memory_space<hbm>>) offsets(%dma_start3A_818 : memref<32xi32, #tpu.memory_space<vmem>>) offset_filter(%dma_start3A_822) semaphore(%arg17 : memref<!tpu.dma_semaphore, #tpu.memory_space<semaphore_mem>>)
      %dma_wait3A_823 = arith.constant 0 : i32
      %dma_wait3A_824 = tpu.memref_slice %arg15[%sub3A_815, %dma_wait3A_823] : memref<134x32xi32, #tpu.memory_space<vmem>> -> memref<1x32xi32, #tpu.memory_space<vmem>>
      %dma_wait3A_825 = tpu.memref_squeeze %dma_wait3A_824 : memref<1x32xi32, #tpu.memory_space<vmem>> -> memref<32xi32, #tpu.memory_space<vmem>>
      %dma_wait3A_826 = arith.constant 0 : i32
      %dma_wait3A_827 = arith.constant 0 : i32
      %dma_wait3A_828 = tpu.memref_slice %arg4[%dma_wait3A_826, %dma_wait3A_827] : memref<4096x128xf32, #tpu.memory_space<hbm>> -> memref<4096x128xf32, #tpu.memory_space<hbm>>
      tpu.wait_indirect_dma semaphore(%arg17 : memref<!tpu.dma_semaphore, #tpu.memory_space<semaphore_mem>>) src(%arg14 : memref<32x128xf32, #tpu.memory_space<vmem>>) dst(%dma_wait3A_828 : memref<4096x128xf32, #tpu.memory_space<hbm>>)
    }
    %add3A_629 = arith.constant 128 : i32
    %add3A_630 = arith.addi %add3A, %add3A_629 : i32
    %mul3A_631 = arith.constant 640 : i32
    %mul3A_632 = arith.muli %add3A_630, %mul3A_631 : i32
    %min3A_633 = arith.constant 99456 : i32
    %min3A_634 = arith.minsi %mul3A_632, %min3A_633 : i32
    %add3A_635 = arith.constant 16 : i32
    %add3A_636 = arith.addi %scan3A_34, %add3A_635 : i32
    %jit3A_637 = arith.constant 16 : i32
    %div3A_638 = arith.divsi %add3A_636, %jit3A_637 : i32
    %sign3A_639 = arith.constant 0 : i32
    %sign3A_640 = arith.cmpi sgt, %add3A_636, %sign3A_639 : i32
    %sign3A_641 = arith.extui %sign3A_640 : i1 to i32
    %sign3A_642 = arith.constant 0 : i32
    %sign3A_643 = arith.cmpi slt, %add3A_636, %sign3A_642 : i32
    %sign3A_644 = arith.extui %sign3A_643 : i1 to i32
    %sign3A_645 = arith.subi %sign3A_641, %sign3A_644 : i32
    %sign3A_646 = arith.constant 0 : i32
    %sign3A_647 = arith.cmpi sgt, %jit3A_637, %sign3A_646 : i32
    %sign3A_648 = arith.extui %sign3A_647 : i1 to i32
    %sign3A_649 = arith.constant 0 : i32
    %sign3A_650 = arith.cmpi slt, %jit3A_637, %sign3A_649 : i32
    %sign3A_651 = arith.extui %sign3A_650 : i1 to i32
    %sign3A_652 = arith.subi %sign3A_648, %sign3A_651 : i32
    %ne3A_653 = arith.cmpi ne, %sign3A_645, %sign3A_652 : i32
    %rem3A_654 = arith.remsi %add3A_636, %jit3A_637 : i32
    %ne3A_655 = arith.constant 0 : i32
    %ne3A_656 = arith.cmpi ne, %rem3A_654, %ne3A_655 : i32
    %and3A_657 = arith.andi %ne3A_653, %ne3A_656 : i1
    %sub3A_658 = arith.constant 1 : i32
    %sub3A_659 = arith.subi %div3A_638, %sub3A_658 : i32
    %select_n3A_660 = arith.select %and3A_657, %sub3A_659, %div3A_638 : i32
    %while3A_661 = arith.constant 0 : i32
    %while3A_662 = arith.constant 0 : i32
    %while3A_663 = arith.subi %select_n3A_660, %while3A_661 : i32
    %while3A_664 = arith.addi %while3A_661, %while3A_663 : i32
    %while3A_665 = arith.constant 1 : i32
    %while3A_666 = arith.divsi %while3A_663, %while3A_665 : i32
    %while3A_667 = arith.muli %while3A_666, %while3A_665 : i32
    %while3A_668 = arith.addi %while3A_661, %while3A_667 : i32
    %while3A_669 = arith.constant 1 : i32
    %while3A_670 = scf.for %while3A_777 = %while3A_661 to %while3A_668 step %while3A_669 iter_args(%while3A_778 = %while3A_662) -> (i32)  : i32 {
      %mul3A_779 = arith.constant 16 : i32
      %mul3A_780 = arith.muli %while3A_777, %mul3A_779 : i32
      %get3A_781 = arith.index_cast %mul3A_780 : i32 to index
      %get3A_782 = tpu.vector_load %arg7[%get3A_781] {strides = array<i32>} : memref<4112xi32, #tpu.memory_space<vmem>>, vector<16xi32>,
      %mul3A_783 = arith.constant 16 : i32
      %mul3A_784 = arith.muli %while3A_777, %mul3A_783 : i32
      %get3A_785 = arith.index_cast %mul3A_784 : i32 to index
      %get3A_786 = tpu.vector_load %arg8[%get3A_785] {strides = array<i32>} : memref<4112xi32, #tpu.memory_space<vmem>>, vector<16xi32>,
      %shift_right_logical3A = arith.constant 7 : i32
      %shift_right_logical3A_787 = vector.broadcast %shift_right_logical3A : i32 to vector<16xi32>
      %shift_right_logical3A_788 = arith.shrui %get3A_782, %shift_right_logical3A_787 : vector<16xi32>
      %mul3A_789 = arith.constant 52429 : i32
      %mul3A_790 = vector.broadcast %mul3A_789 : i32 to vector<16xi32>
      %mul3A_791 = arith.muli %shift_right_logical3A_788, %mul3A_790 : vector<16xi32>
      %shift_right_logical3A_792 = arith.constant 18 : i32
      %shift_right_logical3A_793 = vector.broadcast %shift_right_logical3A_792 : i32 to vector<16xi32>
      %shift_right_logical3A_794 = arith.shrui %mul3A_791, %shift_right_logical3A_793 : vector<16xi32>
      %shift_right_logical3A_795 = arith.constant 5 : i32
      %shift_right_logical3A_796 = vector.broadcast %shift_right_logical3A_795 : i32 to vector<16xi32>
      %shift_right_logical3A_797 = arith.shrui %shift_right_logical3A_794, %shift_right_logical3A_796 : vector<16xi32>
      %eq3A = arith.constant 4 : i32
      %eq3A_798 = vector.broadcast %eq3A : i32 to vector<16xi32>
      %eq3A_799 = arith.cmpi eq, %shift_right_logical3A_797, %eq3A_798 : vector<16xi32>
      %swap3A_800 = arith.index_cast %while3A_778 : i32 to index
      %swap3A_801 = tpu.vector_load %arg9[%swap3A_800] masked %eq3A_799 {strides = array<i32>} : memref<4128xi32, #tpu.memory_space<vmem>>, vector<16xi32>, vector<16xi1>
      tpu.vector_store %arg9[%swap3A_800], %get3A_782 masked %eq3A_799 {strides = array<i32>} : memref<4128xi32, #tpu.memory_space<vmem>>, vector<16xi32>, vector<16xi1>
      %swap3A_802 = arith.index_cast %while3A_778 : i32 to index
      %swap3A_803 = tpu.vector_load %arg10[%swap3A_802] masked %eq3A_799 {strides = array<i32>} : memref<4128xi32, #tpu.memory_space<vmem>>, vector<16xi32>, vector<16xi1>
      tpu.vector_store %arg10[%swap3A_802], %get3A_786 masked %eq3A_799 {strides = array<i32>} : memref<4128xi32, #tpu.memory_space<vmem>>, vector<16xi32>, vector<16xi1>
      %convert_element_type3A = arith.extui %eq3A_799 : vector<16xi1> to vector<16xi32>
      %reduce_sum3A = arith.constant true
      %reduce_sum3A_804 = vector.broadcast %reduce_sum3A : i1 to vector<16xi1>
      %reduce_sum3A_805 = tpu.scan <sum>, %convert_element_type3A masked %reduce_sum3A_804 : vector<16xi32>, vector<16xi1> -> vector<16xi32>
      %reduce_sum3A_806 = vector.extract %reduce_sum3A_805[15] : i32 from vector<16xi32>
      %add3A_807 = arith.addi %while3A_778, %reduce_sum3A_806 : i32
      scf.yield %add3A_807 : i32
    }
    %while3A_671 = arith.constant 1 : i32
    %while3A_672 = scf.for %while3A_777 = %while3A_668 to %while3A_664 step %while3A_671 iter_args(%while3A_778 = %while3A_670) -> (i32)  : i32 {
      %mul3A_779 = arith.constant 16 : i32
      %mul3A_780 = arith.muli %while3A_777, %mul3A_779 : i32
      %get3A_781 = arith.index_cast %mul3A_780 : i32 to index
      %get3A_782 = tpu.vector_load %arg7[%get3A_781] {strides = array<i32>} : memref<4112xi32, #tpu.memory_space<vmem>>, vector<16xi32>,
      %mul3A_783 = arith.constant 16 : i32
      %mul3A_784 = arith.muli %while3A_777, %mul3A_783 : i32
      %get3A_785 = arith.index_cast %mul3A_784 : i32 to index
      %get3A_786 = tpu.vector_load %arg8[%get3A_785] {strides = array<i32>} : memref<4112xi32, #tpu.memory_space<vmem>>, vector<16xi32>,
      %shift_right_logical3A = arith.constant 7 : i32
      %shift_right_logical3A_787 = vector.broadcast %shift_right_logical3A : i32 to vector<16xi32>
      %shift_right_logical3A_788 = arith.shrui %get3A_782, %shift_right_logical3A_787 : vector<16xi32>
      %mul3A_789 = arith.constant 52429 : i32
      %mul3A_790 = vector.broadcast %mul3A_789 : i32 to vector<16xi32>
      %mul3A_791 = arith.muli %shift_right_logical3A_788, %mul3A_790 : vector<16xi32>
      %shift_right_logical3A_792 = arith.constant 18 : i32
      %shift_right_logical3A_793 = vector.broadcast %shift_right_logical3A_792 : i32 to vector<16xi32>
      %shift_right_logical3A_794 = arith.shrui %mul3A_791, %shift_right_logical3A_793 : vector<16xi32>
      %shift_right_logical3A_795 = arith.constant 5 : i32
      %shift_right_logical3A_796 = vector.broadcast %shift_right_logical3A_795 : i32 to vector<16xi32>
      %shift_right_logical3A_797 = arith.shrui %shift_right_logical3A_794, %shift_right_logical3A_796 : vector<16xi32>
      %eq3A = arith.constant 4 : i32
      %eq3A_798 = vector.broadcast %eq3A : i32 to vector<16xi32>
      %eq3A_799 = arith.cmpi eq, %shift_right_logical3A_797, %eq3A_798 : vector<16xi32>
      %swap3A_800 = arith.index_cast %while3A_778 : i32 to index
      %swap3A_801 = tpu.vector_load %arg9[%swap3A_800] masked %eq3A_799 {strides = array<i32>} : memref<4128xi32, #tpu.memory_space<vmem>>, vector<16xi32>, vector<16xi1>
      tpu.vector_store %arg9[%swap3A_800], %get3A_782 masked %eq3A_799 {strides = array<i32>} : memref<4128xi32, #tpu.memory_space<vmem>>, vector<16xi32>, vector<16xi1>
      %swap3A_802 = arith.index_cast %while3A_778 : i32 to index
      %swap3A_803 = tpu.vector_load %arg10[%swap3A_802] masked %eq3A_799 {strides = array<i32>} : memref<4128xi32, #tpu.memory_space<vmem>>, vector<16xi32>, vector<16xi1>
      tpu.vector_store %arg10[%swap3A_802], %get3A_786 masked %eq3A_799 {strides = array<i32>} : memref<4128xi32, #tpu.memory_space<vmem>>, vector<16xi32>, vector<16xi1>
      %convert_element_type3A = arith.extui %eq3A_799 : vector<16xi1> to vector<16xi32>
      %reduce_sum3A = arith.constant true
      %reduce_sum3A_804 = vector.broadcast %reduce_sum3A : i1 to vector<16xi1>
      %reduce_sum3A_805 = tpu.scan <sum>, %convert_element_type3A masked %reduce_sum3A_804 : vector<16xi32>, vector<16xi1> -> vector<16xi32>
      %reduce_sum3A_806 = vector.extract %reduce_sum3A_805[15] : i32 from vector<16xi32>
      %add3A_807 = arith.addi %while3A_778, %reduce_sum3A_806 : i32
      scf.yield %add3A_807 : i32
    }
    %broadcast_in_dim3A_673 = arith.constant -1 : i32
    %broadcast_in_dim3A_674 = vector.broadcast %broadcast_in_dim3A_673 : i32 to vector<16xi32>
    %add3A_675 = arith.constant 0 : i32
    %add3A_676 = arith.addi %while3A_672, %add3A_675 : i32
    %swap3A_677 = arith.index_cast %add3A_676 : i32 to index
    %swap3A_678 = tpu.vector_load %arg10[%swap3A_677] {strides = array<i32>} : memref<4128xi32, #tpu.memory_space<vmem>>, vector<16xi32>,
    tpu.vector_store %arg10[%swap3A_677], %broadcast_in_dim3A_674 {strides = array<i32>} : memref<4128xi32, #tpu.memory_space<vmem>>, vector<16xi32>,
    %broadcast_in_dim3A_679 = vector.broadcast %min3A_634 : i32 to vector<16xi32>
    %add3A_680 = arith.constant 0 : i32
    %add3A_681 = arith.addi %while3A_672, %add3A_680 : i32
    %swap3A_682 = arith.index_cast %add3A_681 : i32 to index
    %swap3A_683 = tpu.vector_load %arg9[%swap3A_682] {strides = array<i32>} : memref<4128xi32, #tpu.memory_space<vmem>>, vector<16xi32>,
    tpu.vector_store %arg9[%swap3A_682], %broadcast_in_dim3A_679 {strides = array<i32>} : memref<4128xi32, #tpu.memory_space<vmem>>, vector<16xi32>,
    %broadcast_in_dim3A_684 = arith.constant -1 : i32
    %broadcast_in_dim3A_685 = vector.broadcast %broadcast_in_dim3A_684 : i32 to vector<16xi32>
    %add3A_686 = arith.constant 16 : i32
    %add3A_687 = arith.addi %while3A_672, %add3A_686 : i32
    %swap3A_688 = arith.index_cast %add3A_687 : i32 to index
    %swap3A_689 = tpu.vector_load %arg10[%swap3A_688] {strides = array<i32>} : memref<4128xi32, #tpu.memory_space<vmem>>, vector<16xi32>,
    tpu.vector_store %arg10[%swap3A_688], %broadcast_in_dim3A_685 {strides = array<i32>} : memref<4128xi32, #tpu.memory_space<vmem>>, vector<16xi32>,
    %broadcast_in_dim3A_690 = vector.broadcast %min3A_634 : i32 to vector<16xi32>
    %add3A_691 = arith.constant 16 : i32
    %add3A_692 = arith.addi %while3A_672, %add3A_691 : i32
    %swap3A_693 = arith.index_cast %add3A_692 : i32 to index
    %swap3A_694 = tpu.vector_load %arg9[%swap3A_693] {strides = array<i32>} : memref<4128xi32, #tpu.memory_space<vmem>>, vector<16xi32>,
    tpu.vector_store %arg9[%swap3A_693], %broadcast_in_dim3A_690 {strides = array<i32>} : memref<4128xi32, #tpu.memory_space<vmem>>, vector<16xi32>,
    %dma_wait3A_695 = arith.constant 0 : i32
    %dma_wait3A_696 = tpu.memref_slice %arg2[%dma_wait3A_695, %multiple_of3A_483] : memref<64x100000xf32, #tpu.memory_space<hbm>> -> memref<64x640xf32, #tpu.memory_space<hbm>>
    %dma_wait3A_697 = arith.constant 0 : i32
    %dma_wait3A_698 = tpu.memref_slice %arg2[%dma_wait3A_697, %multiple_of3A_483] : memref<64x100000xf32, #tpu.memory_space<hbm>> -> memref<64x640xf32, #tpu.memory_space<hbm>>
    tpu.wait_dma2 semaphore(%arg18 : memref<!tpu.dma_semaphore, #tpu.memory_space<semaphore_mem>>) src(%dma_wait3A_698 : memref<64x640xf32, #tpu.memory_space<hbm>>) dst(%arg11 : memref<64x640xf32, #tpu.memory_space<vmem>>)
    %dma_wait3A_699 = arith.constant 3 : i32
    %dma_wait3A_700 = arith.constant 0 : i32
    %dma_wait3A_701 = tpu.memref_slice %arg15[%dma_wait3A_699, %dma_wait3A_700] : memref<134x32xi32, #tpu.memory_space<vmem>> -> memref<1x32xi32, #tpu.memory_space<vmem>>
    %dma_wait3A_702 = tpu.memref_squeeze %dma_wait3A_701 : memref<1x32xi32, #tpu.memory_space<vmem>> -> memref<32xi32, #tpu.memory_space<vmem>>
    %dma_wait3A_703 = arith.constant 0 : i32
    %dma_wait3A_704 = arith.constant 0 : i32
    %dma_wait3A_705 = tpu.memref_slice %arg4[%dma_wait3A_703, %dma_wait3A_704] : memref<4096x128xf32, #tpu.memory_space<hbm>> -> memref<4096x128xf32, #tpu.memory_space<hbm>>
    tpu.wait_indirect_dma semaphore(%arg16 : memref<!tpu.dma_semaphore, #tpu.memory_space<semaphore_mem>>) src(%arg13 : memref<32x128xf32, #tpu.memory_space<vmem>>) dst(%dma_wait3A_705 : memref<4096x128xf32, #tpu.memory_space<hbm>>)
    %get3A_706 = arith.constant 0 : index
    %get3A_707 = tpu.vector_load %arg10[%get3A_706] {strides = array<i32>} : memref<4128xi32, #tpu.memory_space<vmem>>, vector<16xi32>,
    %swap3A_708 = arith.constant 4 : i32
    %swap3A_709 = arith.index_cast %swap3A_708 : i32 to index
    %swap3A_710 = arith.constant 0 : index
    %swap3A_711 = tpu.vector_load %arg15[%swap3A_709, %swap3A_710] {strides = array<i32>} : memref<134x32xi32, #tpu.memory_space<vmem>>, vector<16xi32>,
    tpu.vector_store %arg15[%swap3A_709, %swap3A_710], %get3A_707 {strides = array<i32>} : memref<134x32xi32, #tpu.memory_space<vmem>>, vector<16xi32>,
    %get3A_712 = arith.constant 16 : index
    %get3A_713 = tpu.vector_load %arg10[%get3A_712] {strides = array<i32>} : memref<4128xi32, #tpu.memory_space<vmem>>, vector<16xi32>,
    %swap3A_714 = arith.constant 4 : i32
    %swap3A_715 = arith.index_cast %swap3A_714 : i32 to index
    %swap3A_716 = arith.constant 16 : index
    %swap3A_717 = tpu.vector_load %arg15[%swap3A_715, %swap3A_716] {strides = array<i32>} : memref<134x32xi32, #tpu.memory_space<vmem>>, vector<16xi32>,
    tpu.vector_store %arg15[%swap3A_715, %swap3A_716], %get3A_713 {strides = array<i32>} : memref<134x32xi32, #tpu.memory_space<vmem>>, vector<16xi32>,
    %scan3A_718 = arith.constant 0 : i32
    %scan3A_719 = arith.constant 0 : i32
    %scan3A_720 = arith.constant 32 : i32
    %scan3A_721 = arith.addi %scan3A_719, %scan3A_720 : i32
    %scan3A_722 = arith.constant 1 : i32
    scf.for %scan3A_777 = %scan3A_719 to %scan3A_721 step %scan3A_722  : i32 {
      %add3A_778 = arith.constant 0 : i32
      %add3A_779 = arith.addi %add3A_778, %scan3A_777 : i32
      %shift_right_logical3A = arith.constant 4 : i32
      %shift_right_logical3A_780 = arith.shrui %add3A_779, %shift_right_logical3A : i32
      %shift_left3A = arith.constant 4 : i32
      %shift_left3A_781 = arith.shli %shift_right_logical3A_780, %shift_left3A : i32
      %get3A_782 = arith.index_cast %shift_left3A_781 : i32 to index
      %get3A_783 = tpu.vector_load %arg9[%get3A_782] {strides = array<i32>} : memref<4128xi32, #tpu.memory_space<vmem>>, vector<16xi32>,
      %sub3A_784 = vector.broadcast %min3A_634 : i32 to vector<16xi32>
      %sub3A_785 = arith.subi %get3A_783, %sub3A_784 : vector<16xi32>
      %and3A_786 = arith.constant 15 : i32
      %and3A_787 = arith.andi %add3A_779, %and3A_786 : i32
      %broadcast_in_dim3A_788 = vector.broadcast %and3A_787 : i32 to vector<16x1xi32>
      %gather3A = vector.shape_cast %broadcast_in_dim3A_788 : vector<16x1xi32> to vector<16xi32>
      %gather3A_789 = tpu.dynamic_gather %sub3A_785[%gather3A] in [0] : vector<16xi32>, vector<16xi32> -> vector<16xi32>
      %add3A_790 = arith.constant 0 : i32
      %add3A_791 = vector.broadcast %add3A_790 : i32 to vector<16xi32>
      %add3A_792 = arith.addi %iota3A, %add3A_791 : vector<16xi32>
      %gather3A_793 = tpu.vector_load_idx %arg11[%add3A_792, %gather3A_789] : memref<64x640xf32, #tpu.memory_space<vmem>>[vector<16xi32>, vector<16xi32>], vector<16xf32>,
      %swap3A_794 = arith.index_cast %scan3A_777 : i32 to index
      %swap3A_795 = arith.constant 0 : index
      %swap3A_796 = tpu.vector_load %arg13[%swap3A_794, %swap3A_795] {strides = array<i32>} : memref<32x128xf32, #tpu.memory_space<vmem>>, vector<16xf32>,
      tpu.vector_store %arg13[%swap3A_794, %swap3A_795], %gather3A_793 {strides = array<i32>} : memref<32x128xf32, #tpu.memory_space<vmem>>, vector<16xf32>,
      %add3A_797 = arith.constant 16 : i32
      %add3A_798 = vector.broadcast %add3A_797 : i32 to vector<16xi32>
      %add3A_799 = arith.addi %iota3A, %add3A_798 : vector<16xi32>
      %gather3A_800 = tpu.vector_load_idx %arg11[%add3A_799, %gather3A_789] : memref<64x640xf32, #tpu.memory_space<vmem>>[vector<16xi32>, vector<16xi32>], vector<16xf32>,
      %swap3A_801 = arith.index_cast %scan3A_777 : i32 to index
      %swap3A_802 = arith.constant 16 : index
      %swap3A_803 = tpu.vector_load %arg13[%swap3A_801, %swap3A_802] {strides = array<i32>} : memref<32x128xf32, #tpu.memory_space<vmem>>, vector<16xf32>,
      tpu.vector_store %arg13[%swap3A_801, %swap3A_802], %gather3A_800 {strides = array<i32>} : memref<32x128xf32, #tpu.memory_space<vmem>>, vector<16xf32>,
      %add3A_804 = arith.constant 32 : i32
      %add3A_805 = vector.broadcast %add3A_804 : i32 to vector<16xi32>
      %add3A_806 = arith.addi %iota3A, %add3A_805 : vector<16xi32>
      %gather3A_807 = tpu.vector_load_idx %arg11[%add3A_806, %gather3A_789] : memref<64x640xf32, #tpu.memory_space<vmem>>[vector<16xi32>, vector<16xi32>], vector<16xf32>,
      %swap3A_808 = arith.index_cast %scan3A_777 : i32 to index
      %swap3A_809 = arith.constant 32 : index
      %swap3A_810 = tpu.vector_load %arg13[%swap3A_808, %swap3A_809] {strides = array<i32>} : memref<32x128xf32, #tpu.memory_space<vmem>>, vector<16xf32>,
      tpu.vector_store %arg13[%swap3A_808, %swap3A_809], %gather3A_807 {strides = array<i32>} : memref<32x128xf32, #tpu.memory_space<vmem>>, vector<16xf32>,
      %add3A_811 = arith.constant 48 : i32
      %add3A_812 = vector.broadcast %add3A_811 : i32 to vector<16xi32>
      %add3A_813 = arith.addi %iota3A, %add3A_812 : vector<16xi32>
      %gather3A_814 = tpu.vector_load_idx %arg11[%add3A_813, %gather3A_789] : memref<64x640xf32, #tpu.memory_space<vmem>>[vector<16xi32>, vector<16xi32>], vector<16xf32>,
      %swap3A_815 = arith.index_cast %scan3A_777 : i32 to index
      %swap3A_816 = arith.constant 48 : index
      %swap3A_817 = tpu.vector_load %arg13[%swap3A_815, %swap3A_816] {strides = array<i32>} : memref<32x128xf32, #tpu.memory_space<vmem>>, vector<16xf32>,
      tpu.vector_store %arg13[%swap3A_815, %swap3A_816], %gather3A_814 {strides = array<i32>} : memref<32x128xf32, #tpu.memory_space<vmem>>, vector<16xf32>,
    }
    %scan3A_723 = arith.constant 32 : i32
    %dma_start3A_724 = arith.constant 4 : i32
    %dma_start3A_725 = arith.constant 0 : i32
    %dma_start3A_726 = tpu.memref_slice %arg15[%dma_start3A_724, %dma_start3A_725] : memref<134x32xi32, #tpu.memory_space<vmem>> -> memref<1x32xi32, #tpu.memory_space<vmem>>
    %dma_start3A_727 = tpu.memref_squeeze %dma_start3A_726 : memref<1x32xi32, #tpu.memory_space<vmem>> -> memref<32xi32, #tpu.memory_space<vmem>>
    %dma_start3A_728 = arith.constant 0 : i32
    %dma_start3A_729 = arith.constant 0 : i32
    %dma_start3A_730 = tpu.memref_slice %arg4[%dma_start3A_728, %dma_start3A_729] : memref<4096x128xf32, #tpu.memory_space<hbm>> -> memref<4096x128xf32, #tpu.memory_space<hbm>>
    %dma_start3A_731 = arith.constant -1 : i32
    tpu.enqueue_indirect_dma source(%arg13 : memref<32x128xf32, #tpu.memory_space<vmem>>) target(%dma_start3A_730 : memref<4096x128xf32, #tpu.memory_space<hbm>>) offsets(%dma_start3A_727 : memref<32xi32, #tpu.memory_space<vmem>>) offset_filter(%dma_start3A_731) semaphore(%arg16 : memref<!tpu.dma_semaphore, #tpu.memory_space<semaphore_mem>>)
    %add3A_732 = arith.constant 32 : i32
    %add3A_733 = arith.addi %while3A_672, %add3A_732 : i32
    %sub3A_734 = arith.constant 1 : i32
    %sub3A_735 = arith.subi %add3A_733, %sub3A_734 : i32
    %jit3A_736 = arith.constant 32 : i32
    %div3A_737 = arith.divsi %sub3A_735, %jit3A_736 : i32
    %sign3A_738 = arith.constant 0 : i32
    %sign3A_739 = arith.cmpi sgt, %sub3A_735, %sign3A_738 : i32
    %sign3A_740 = arith.extui %sign3A_739 : i1 to i32
    %sign3A_741 = arith.constant 0 : i32
    %sign3A_742 = arith.cmpi slt, %sub3A_735, %sign3A_741 : i32
    %sign3A_743 = arith.extui %sign3A_742 : i1 to i32
    %sign3A_744 = arith.subi %sign3A_740, %sign3A_743 : i32
    %sign3A_745 = arith.constant 0 : i32
    %sign3A_746 = arith.cmpi sgt, %jit3A_736, %sign3A_745 : i32
    %sign3A_747 = arith.extui %sign3A_746 : i1 to i32
    %sign3A_748 = arith.constant 0 : i32
    %sign3A_749 = arith.cmpi slt, %jit3A_736, %sign3A_748 : i32
    %sign3A_750 = arith.extui %sign3A_749 : i1 to i32
    %sign3A_751 = arith.subi %sign3A_747, %sign3A_750 : i32
    %ne3A_752 = arith.cmpi ne, %sign3A_744, %sign3A_751 : i32
    %rem3A_753 = arith.remsi %sub3A_735, %jit3A_736 : i32
    %ne3A_754 = arith.constant 0 : i32
    %ne3A_755 = arith.cmpi ne, %rem3A_753, %ne3A_754 : i32
    %and3A_756 = arith.andi %ne3A_752, %ne3A_755 : i1
    %sub3A_757 = arith.constant 1 : i32
    %sub3A_758 = arith.subi %div3A_737, %sub3A_757 : i32
    %select_n3A_759 = arith.select %and3A_756, %sub3A_758, %div3A_737 : i32
    %while3A_760 = arith.constant 0 : i32
    %while3A_761 = arith.constant 1 : i32
    %while3A_762 = arith.subi %select_n3A_759, %while3A_761 : i32
    %while3A_763 = arith.addi %while3A_761, %while3A_762 : i32
    %while3A_764 = arith.constant 1 : i32
    %while3A_765 = arith.divsi %while3A_762, %while3A_764 : i32
    %while3A_766 = arith.muli %while3A_765, %while3A_764 : i32
    %while3A_767 = arith.addi %while3A_761, %while3A_766 : i32
    %while3A_768 = arith.constant 1 : i32
    scf.for %while3A_777 = %while3A_761 to %while3A_767 step %while3A_768  : i32 {
      %mul3A_778 = arith.constant 32 : i32
      %mul3A_779 = arith.muli %while3A_777, %mul3A_778 : i32
      %add3A_780 = arith.constant 0 : i32
      %add3A_781 = arith.addi %mul3A_779, %add3A_780 : i32
      %get3A_782 = arith.index_cast %add3A_781 : i32 to index
      %get3A_783 = tpu.vector_load %arg10[%get3A_782] {strides = array<i32>} : memref<4128xi32, #tpu.memory_space<vmem>>, vector<16xi32>,
      %add3A_784 = arith.constant 5 : i32
      %add3A_785 = arith.addi %add3A_784, %while3A_777 : i32
      %sub3A_786 = arith.constant 1 : i32
      %sub3A_787 = arith.subi %add3A_785, %sub3A_786 : i32
      %swap3A_788 = arith.index_cast %sub3A_787 : i32 to index
      %swap3A_789 = arith.constant 0 : index
      %swap3A_790 = tpu.vector_load %arg15[%swap3A_788, %swap3A_789] {strides = array<i32>} : memref<134x32xi32, #tpu.memory_space<vmem>>, vector<16xi32>,
      tpu.vector_store %arg15[%swap3A_788, %swap3A_789], %get3A_783 {strides = array<i32>} : memref<134x32xi32, #tpu.memory_space<vmem>>, vector<16xi32>,
      %mul3A_791 = arith.constant 32 : i32
      %mul3A_792 = arith.muli %while3A_777, %mul3A_791 : i32
      %add3A_793 = arith.constant 16 : i32
      %add3A_794 = arith.addi %mul3A_792, %add3A_793 : i32
      %get3A_795 = arith.index_cast %add3A_794 : i32 to index
      %get3A_796 = tpu.vector_load %arg10[%get3A_795] {strides = array<i32>} : memref<4128xi32, #tpu.memory_space<vmem>>, vector<16xi32>,
      %add3A_797 = arith.constant 5 : i32
      %add3A_798 = arith.addi %add3A_797, %while3A_777 : i32
      %sub3A_799 = arith.constant 1 : i32
      %sub3A_800 = arith.subi %add3A_798, %sub3A_799 : i32
      %swap3A_801 = arith.index_cast %sub3A_800 : i32 to index
      %swap3A_802 = arith.constant 16 : index
      %swap3A_803 = tpu.vector_load %arg15[%swap3A_801, %swap3A_802] {strides = array<i32>} : memref<134x32xi32, #tpu.memory_space<vmem>>, vector<16xi32>,
      tpu.vector_store %arg15[%swap3A_801, %swap3A_802], %get3A_796 {strides = array<i32>} : memref<134x32xi32, #tpu.memory_space<vmem>>, vector<16xi32>,
      %mul3A_804 = arith.constant 32 : i32
      %mul3A_805 = arith.muli %while3A_777, %mul3A_804 : i32
      %scan3A_806 = arith.constant 0 : i32
      %scan3A_807 = arith.constant 0 : i32
      %scan3A_808 = arith.constant 32 : i32
      %scan3A_809 = arith.addi %scan3A_807, %scan3A_808 : i32
      %scan3A_810 = arith.constant 1 : i32
      scf.for %scan3A_829 = %scan3A_807 to %scan3A_809 step %scan3A_810  : i32 {
        %add3A_830 = arith.addi %mul3A_805, %scan3A_829 : i32
        %shift_right_logical3A = arith.constant 4 : i32
        %shift_right_logical3A_831 = arith.shrui %add3A_830, %shift_right_logical3A : i32
        %shift_left3A = arith.constant 4 : i32
        %shift_left3A_832 = arith.shli %shift_right_logical3A_831, %shift_left3A : i32
        %get3A_833 = arith.index_cast %shift_left3A_832 : i32 to index
        %get3A_834 = tpu.vector_load %arg9[%get3A_833] {strides = array<i32>} : memref<4128xi32, #tpu.memory_space<vmem>>, vector<16xi32>,
        %sub3A_835 = vector.broadcast %min3A_634 : i32 to vector<16xi32>
        %sub3A_836 = arith.subi %get3A_834, %sub3A_835 : vector<16xi32>
        %and3A_837 = arith.constant 15 : i32
        %and3A_838 = arith.andi %add3A_830, %and3A_837 : i32
        %broadcast_in_dim3A_839 = vector.broadcast %and3A_838 : i32 to vector<16x1xi32>
        %gather3A = vector.shape_cast %broadcast_in_dim3A_839 : vector<16x1xi32> to vector<16xi32>
        %gather3A_840 = tpu.dynamic_gather %sub3A_836[%gather3A] in [0] : vector<16xi32>, vector<16xi32> -> vector<16xi32>
        %add3A_841 = arith.constant 0 : i32
        %add3A_842 = vector.broadcast %add3A_841 : i32 to vector<16xi32>
        %add3A_843 = arith.addi %iota3A, %add3A_842 : vector<16xi32>
        %gather3A_844 = tpu.vector_load_idx %arg11[%add3A_843, %gather3A_840] : memref<64x640xf32, #tpu.memory_space<vmem>>[vector<16xi32>, vector<16xi32>], vector<16xf32>,
        %swap3A_845 = arith.index_cast %scan3A_829 : i32 to index
        %swap3A_846 = arith.constant 0 : index
        %swap3A_847 = tpu.vector_load %arg14[%swap3A_845, %swap3A_846] {strides = array<i32>} : memref<32x128xf32, #tpu.memory_space<vmem>>, vector<16xf32>,
        tpu.vector_store %arg14[%swap3A_845, %swap3A_846], %gather3A_844 {strides = array<i32>} : memref<32x128xf32, #tpu.memory_space<vmem>>, vector<16xf32>,
        %add3A_848 = arith.constant 16 : i32
        %add3A_849 = vector.broadcast %add3A_848 : i32 to vector<16xi32>
        %add3A_850 = arith.addi %iota3A, %add3A_849 : vector<16xi32>
        %gather3A_851 = tpu.vector_load_idx %arg11[%add3A_850, %gather3A_840] : memref<64x640xf32, #tpu.memory_space<vmem>>[vector<16xi32>, vector<16xi32>], vector<16xf32>,
        %swap3A_852 = arith.index_cast %scan3A_829 : i32 to index
        %swap3A_853 = arith.constant 16 : index
        %swap3A_854 = tpu.vector_load %arg14[%swap3A_852, %swap3A_853] {strides = array<i32>} : memref<32x128xf32, #tpu.memory_space<vmem>>, vector<16xf32>,
        tpu.vector_store %arg14[%swap3A_852, %swap3A_853], %gather3A_851 {strides = array<i32>} : memref<32x128xf32, #tpu.memory_space<vmem>>, vector<16xf32>,
        %add3A_855 = arith.constant 32 : i32
        %add3A_856 = vector.broadcast %add3A_855 : i32 to vector<16xi32>
        %add3A_857 = arith.addi %iota3A, %add3A_856 : vector<16xi32>
        %gather3A_858 = tpu.vector_load_idx %arg11[%add3A_857, %gather3A_840] : memref<64x640xf32, #tpu.memory_space<vmem>>[vector<16xi32>, vector<16xi32>], vector<16xf32>,
        %swap3A_859 = arith.index_cast %scan3A_829 : i32 to index
        %swap3A_860 = arith.constant 32 : index
        %swap3A_861 = tpu.vector_load %arg14[%swap3A_859, %swap3A_860] {strides = array<i32>} : memref<32x128xf32, #tpu.memory_space<vmem>>, vector<16xf32>,
        tpu.vector_store %arg14[%swap3A_859, %swap3A_860], %gather3A_858 {strides = array<i32>} : memref<32x128xf32, #tpu.memory_space<vmem>>, vector<16xf32>,
        %add3A_862 = arith.constant 48 : i32
        %add3A_863 = vector.broadcast %add3A_862 : i32 to vector<16xi32>
        %add3A_864 = arith.addi %iota3A, %add3A_863 : vector<16xi32>
        %gather3A_865 = tpu.vector_load_idx %arg11[%add3A_864, %gather3A_840] : memref<64x640xf32, #tpu.memory_space<vmem>>[vector<16xi32>, vector<16xi32>], vector<16xf32>,
        %swap3A_866 = arith.index_cast %scan3A_829 : i32 to index
        %swap3A_867 = arith.constant 48 : index
        %swap3A_868 = tpu.vector_load %arg14[%swap3A_866, %swap3A_867] {strides = array<i32>} : memref<32x128xf32, #tpu.memory_space<vmem>>, vector<16xf32>,
        tpu.vector_store %arg14[%swap3A_866, %swap3A_867], %gather3A_865 {strides = array<i32>} : memref<32x128xf32, #tpu.memory_space<vmem>>, vector<16xf32>,
      }
      %scan3A_811 = arith.constant 32 : i32
      %add3A_812 = arith.constant 5 : i32
      %add3A_813 = arith.addi %add3A_812, %while3A_777 : i32
      %sub3A_814 = arith.constant 1 : i32
      %sub3A_815 = arith.subi %add3A_813, %sub3A_814 : i32
      %dma_start3A_816 = arith.constant 0 : i32
      %dma_start3A_817 = tpu.memref_slice %arg15[%sub3A_815, %dma_start3A_816] : memref<134x32xi32, #tpu.memory_space<vmem>> -> memref<1x32xi32, #tpu.memory_space<vmem>>
      %dma_start3A_818 = tpu.memref_squeeze %dma_start3A_817 : memref<1x32xi32, #tpu.memory_space<vmem>> -> memref<32xi32, #tpu.memory_space<vmem>>
      %dma_start3A_819 = arith.constant 0 : i32
      %dma_start3A_820 = arith.constant 0 : i32
      %dma_start3A_821 = tpu.memref_slice %arg4[%dma_start3A_819, %dma_start3A_820] : memref<4096x128xf32, #tpu.memory_space<hbm>> -> memref<4096x128xf32, #tpu.memory_space<hbm>>
      %dma_start3A_822 = arith.constant -1 : i32
      tpu.enqueue_indirect_dma source(%arg14 : memref<32x128xf32, #tpu.memory_space<vmem>>) target(%dma_start3A_821 : memref<4096x128xf32, #tpu.memory_space<hbm>>) offsets(%dma_start3A_818 : memref<32xi32, #tpu.memory_space<vmem>>) offset_filter(%dma_start3A_822) semaphore(%arg17 : memref<!tpu.dma_semaphore, #tpu.memory_space<semaphore_mem>>)
      %dma_wait3A_823 = arith.constant 0 : i32
      %dma_wait3A_824 = tpu.memref_slice %arg15[%sub3A_815, %dma_wait3A_823] : memref<134x32xi32, #tpu.memory_space<vmem>> -> memref<1x32xi32, #tpu.memory_space<vmem>>
      %dma_wait3A_825 = tpu.memref_squeeze %dma_wait3A_824 : memref<1x32xi32, #tpu.memory_space<vmem>> -> memref<32xi32, #tpu.memory_space<vmem>>
      %dma_wait3A_826 = arith.constant 0 : i32
      %dma_wait3A_827 = arith.constant 0 : i32
      %dma_wait3A_828 = tpu.memref_slice %arg4[%dma_wait3A_826, %dma_wait3A_827] : memref<4096x128xf32, #tpu.memory_space<hbm>> -> memref<4096x128xf32, #tpu.memory_space<hbm>>
      tpu.wait_indirect_dma semaphore(%arg17 : memref<!tpu.dma_semaphore, #tpu.memory_space<semaphore_mem>>) src(%arg14 : memref<32x128xf32, #tpu.memory_space<vmem>>) dst(%dma_wait3A_828 : memref<4096x128xf32, #tpu.memory_space<hbm>>)
    }
    %while3A_769 = arith.constant 1 : i32
    scf.for %while3A_777 = %while3A_767 to %while3A_763 step %while3A_769  : i32 {
      %mul3A_778 = arith.constant 32 : i32
      %mul3A_779 = arith.muli %while3A_777, %mul3A_778 : i32
      %add3A_780 = arith.constant 0 : i32
      %add3A_781 = arith.addi %mul3A_779, %add3A_780 : i32
      %get3A_782 = arith.index_cast %add3A_781 : i32 to index
      %get3A_783 = tpu.vector_load %arg10[%get3A_782] {strides = array<i32>} : memref<4128xi32, #tpu.memory_space<vmem>>, vector<16xi32>,
      %add3A_784 = arith.constant 5 : i32
      %add3A_785 = arith.addi %add3A_784, %while3A_777 : i32
      %sub3A_786 = arith.constant 1 : i32
      %sub3A_787 = arith.subi %add3A_785, %sub3A_786 : i32
      %swap3A_788 = arith.index_cast %sub3A_787 : i32 to index
      %swap3A_789 = arith.constant 0 : index
      %swap3A_790 = tpu.vector_load %arg15[%swap3A_788, %swap3A_789] {strides = array<i32>} : memref<134x32xi32, #tpu.memory_space<vmem>>, vector<16xi32>,
      tpu.vector_store %arg15[%swap3A_788, %swap3A_789], %get3A_783 {strides = array<i32>} : memref<134x32xi32, #tpu.memory_space<vmem>>, vector<16xi32>,
      %mul3A_791 = arith.constant 32 : i32
      %mul3A_792 = arith.muli %while3A_777, %mul3A_791 : i32
      %add3A_793 = arith.constant 16 : i32
      %add3A_794 = arith.addi %mul3A_792, %add3A_793 : i32
      %get3A_795 = arith.index_cast %add3A_794 : i32 to index
      %get3A_796 = tpu.vector_load %arg10[%get3A_795] {strides = array<i32>} : memref<4128xi32, #tpu.memory_space<vmem>>, vector<16xi32>,
      %add3A_797 = arith.constant 5 : i32
      %add3A_798 = arith.addi %add3A_797, %while3A_777 : i32
      %sub3A_799 = arith.constant 1 : i32
      %sub3A_800 = arith.subi %add3A_798, %sub3A_799 : i32
      %swap3A_801 = arith.index_cast %sub3A_800 : i32 to index
      %swap3A_802 = arith.constant 16 : index
      %swap3A_803 = tpu.vector_load %arg15[%swap3A_801, %swap3A_802] {strides = array<i32>} : memref<134x32xi32, #tpu.memory_space<vmem>>, vector<16xi32>,
      tpu.vector_store %arg15[%swap3A_801, %swap3A_802], %get3A_796 {strides = array<i32>} : memref<134x32xi32, #tpu.memory_space<vmem>>, vector<16xi32>,
      %mul3A_804 = arith.constant 32 : i32
      %mul3A_805 = arith.muli %while3A_777, %mul3A_804 : i32
      %scan3A_806 = arith.constant 0 : i32
      %scan3A_807 = arith.constant 0 : i32
      %scan3A_808 = arith.constant 32 : i32
      %scan3A_809 = arith.addi %scan3A_807, %scan3A_808 : i32
      %scan3A_810 = arith.constant 1 : i32
      scf.for %scan3A_829 = %scan3A_807 to %scan3A_809 step %scan3A_810  : i32 {
        %add3A_830 = arith.addi %mul3A_805, %scan3A_829 : i32
        %shift_right_logical3A = arith.constant 4 : i32
        %shift_right_logical3A_831 = arith.shrui %add3A_830, %shift_right_logical3A : i32
        %shift_left3A = arith.constant 4 : i32
        %shift_left3A_832 = arith.shli %shift_right_logical3A_831, %shift_left3A : i32
        %get3A_833 = arith.index_cast %shift_left3A_832 : i32 to index
        %get3A_834 = tpu.vector_load %arg9[%get3A_833] {strides = array<i32>} : memref<4128xi32, #tpu.memory_space<vmem>>, vector<16xi32>,
        %sub3A_835 = vector.broadcast %min3A_634 : i32 to vector<16xi32>
        %sub3A_836 = arith.subi %get3A_834, %sub3A_835 : vector<16xi32>
        %and3A_837 = arith.constant 15 : i32
        %and3A_838 = arith.andi %add3A_830, %and3A_837 : i32
        %broadcast_in_dim3A_839 = vector.broadcast %and3A_838 : i32 to vector<16x1xi32>
        %gather3A = vector.shape_cast %broadcast_in_dim3A_839 : vector<16x1xi32> to vector<16xi32>
        %gather3A_840 = tpu.dynamic_gather %sub3A_836[%gather3A] in [0] : vector<16xi32>, vector<16xi32> -> vector<16xi32>
        %add3A_841 = arith.constant 0 : i32
        %add3A_842 = vector.broadcast %add3A_841 : i32 to vector<16xi32>
        %add3A_843 = arith.addi %iota3A, %add3A_842 : vector<16xi32>
        %gather3A_844 = tpu.vector_load_idx %arg11[%add3A_843, %gather3A_840] : memref<64x640xf32, #tpu.memory_space<vmem>>[vector<16xi32>, vector<16xi32>], vector<16xf32>,
        %swap3A_845 = arith.index_cast %scan3A_829 : i32 to index
        %swap3A_846 = arith.constant 0 : index
        %swap3A_847 = tpu.vector_load %arg14[%swap3A_845, %swap3A_846] {strides = array<i32>} : memref<32x128xf32, #tpu.memory_space<vmem>>, vector<16xf32>,
        tpu.vector_store %arg14[%swap3A_845, %swap3A_846], %gather3A_844 {strides = array<i32>} : memref<32x128xf32, #tpu.memory_space<vmem>>, vector<16xf32>,
        %add3A_848 = arith.constant 16 : i32
        %add3A_849 = vector.broadcast %add3A_848 : i32 to vector<16xi32>
        %add3A_850 = arith.addi %iota3A, %add3A_849 : vector<16xi32>
        %gather3A_851 = tpu.vector_load_idx %arg11[%add3A_850, %gather3A_840] : memref<64x640xf32, #tpu.memory_space<vmem>>[vector<16xi32>, vector<16xi32>], vector<16xf32>,
        %swap3A_852 = arith.index_cast %scan3A_829 : i32 to index
        %swap3A_853 = arith.constant 16 : index
        %swap3A_854 = tpu.vector_load %arg14[%swap3A_852, %swap3A_853] {strides = array<i32>} : memref<32x128xf32, #tpu.memory_space<vmem>>, vector<16xf32>,
        tpu.vector_store %arg14[%swap3A_852, %swap3A_853], %gather3A_851 {strides = array<i32>} : memref<32x128xf32, #tpu.memory_space<vmem>>, vector<16xf32>,
        %add3A_855 = arith.constant 32 : i32
        %add3A_856 = vector.broadcast %add3A_855 : i32 to vector<16xi32>
        %add3A_857 = arith.addi %iota3A, %add3A_856 : vector<16xi32>
        %gather3A_858 = tpu.vector_load_idx %arg11[%add3A_857, %gather3A_840] : memref<64x640xf32, #tpu.memory_space<vmem>>[vector<16xi32>, vector<16xi32>], vector<16xf32>,
        %swap3A_859 = arith.index_cast %scan3A_829 : i32 to index
        %swap3A_860 = arith.constant 32 : index
        %swap3A_861 = tpu.vector_load %arg14[%swap3A_859, %swap3A_860] {strides = array<i32>} : memref<32x128xf32, #tpu.memory_space<vmem>>, vector<16xf32>,
        tpu.vector_store %arg14[%swap3A_859, %swap3A_860], %gather3A_858 {strides = array<i32>} : memref<32x128xf32, #tpu.memory_space<vmem>>, vector<16xf32>,
        %add3A_862 = arith.constant 48 : i32
        %add3A_863 = vector.broadcast %add3A_862 : i32 to vector<16xi32>
        %add3A_864 = arith.addi %iota3A, %add3A_863 : vector<16xi32>
        %gather3A_865 = tpu.vector_load_idx %arg11[%add3A_864, %gather3A_840] : memref<64x640xf32, #tpu.memory_space<vmem>>[vector<16xi32>, vector<16xi32>], vector<16xf32>,
        %swap3A_866 = arith.index_cast %scan3A_829 : i32 to index
        %swap3A_867 = arith.constant 48 : index
        %swap3A_868 = tpu.vector_load %arg14[%swap3A_866, %swap3A_867] {strides = array<i32>} : memref<32x128xf32, #tpu.memory_space<vmem>>, vector<16xf32>,
        tpu.vector_store %arg14[%swap3A_866, %swap3A_867], %gather3A_865 {strides = array<i32>} : memref<32x128xf32, #tpu.memory_space<vmem>>, vector<16xf32>,
      }
      %scan3A_811 = arith.constant 32 : i32
      %add3A_812 = arith.constant 5 : i32
      %add3A_813 = arith.addi %add3A_812, %while3A_777 : i32
      %sub3A_814 = arith.constant 1 : i32
      %sub3A_815 = arith.subi %add3A_813, %sub3A_814 : i32
      %dma_start3A_816 = arith.constant 0 : i32
      %dma_start3A_817 = tpu.memref_slice %arg15[%sub3A_815, %dma_start3A_816] : memref<134x32xi32, #tpu.memory_space<vmem>> -> memref<1x32xi32, #tpu.memory_space<vmem>>
      %dma_start3A_818 = tpu.memref_squeeze %dma_start3A_817 : memref<1x32xi32, #tpu.memory_space<vmem>> -> memref<32xi32, #tpu.memory_space<vmem>>
      %dma_start3A_819 = arith.constant 0 : i32
      %dma_start3A_820 = arith.constant 0 : i32
      %dma_start3A_821 = tpu.memref_slice %arg4[%dma_start3A_819, %dma_start3A_820] : memref<4096x128xf32, #tpu.memory_space<hbm>> -> memref<4096x128xf32, #tpu.memory_space<hbm>>
      %dma_start3A_822 = arith.constant -1 : i32
      tpu.enqueue_indirect_dma source(%arg14 : memref<32x128xf32, #tpu.memory_space<vmem>>) target(%dma_start3A_821 : memref<4096x128xf32, #tpu.memory_space<hbm>>) offsets(%dma_start3A_818 : memref<32xi32, #tpu.memory_space<vmem>>) offset_filter(%dma_start3A_822) semaphore(%arg17 : memref<!tpu.dma_semaphore, #tpu.memory_space<semaphore_mem>>)
      %dma_wait3A_823 = arith.constant 0 : i32
      %dma_wait3A_824 = tpu.memref_slice %arg15[%sub3A_815, %dma_wait3A_823] : memref<134x32xi32, #tpu.memory_space<vmem>> -> memref<1x32xi32, #tpu.memory_space<vmem>>
      %dma_wait3A_825 = tpu.memref_squeeze %dma_wait3A_824 : memref<1x32xi32, #tpu.memory_space<vmem>> -> memref<32xi32, #tpu.memory_space<vmem>>
      %dma_wait3A_826 = arith.constant 0 : i32
      %dma_wait3A_827 = arith.constant 0 : i32
      %dma_wait3A_828 = tpu.memref_slice %arg4[%dma_wait3A_826, %dma_wait3A_827] : memref<4096x128xf32, #tpu.memory_space<hbm>> -> memref<4096x128xf32, #tpu.memory_space<hbm>>
      tpu.wait_indirect_dma semaphore(%arg17 : memref<!tpu.dma_semaphore, #tpu.memory_space<semaphore_mem>>) src(%arg14 : memref<32x128xf32, #tpu.memory_space<vmem>>) dst(%dma_wait3A_828 : memref<4096x128xf32, #tpu.memory_space<hbm>>)
    }
    %dma_wait3A_770 = arith.constant 4 : i32
    %dma_wait3A_771 = arith.constant 0 : i32
    %dma_wait3A_772 = tpu.memref_slice %arg15[%dma_wait3A_770, %dma_wait3A_771] : memref<134x32xi32, #tpu.memory_space<vmem>> -> memref<1x32xi32, #tpu.memory_space<vmem>>
    %dma_wait3A_773 = tpu.memref_squeeze %dma_wait3A_772 : memref<1x32xi32, #tpu.memory_space<vmem>> -> memref<32xi32, #tpu.memory_space<vmem>>
    %dma_wait3A_774 = arith.constant 0 : i32
    %dma_wait3A_775 = arith.constant 0 : i32
    %dma_wait3A_776 = tpu.memref_slice %arg4[%dma_wait3A_774, %dma_wait3A_775] : memref<4096x128xf32, #tpu.memory_space<hbm>> -> memref<4096x128xf32, #tpu.memory_space<hbm>>
    tpu.wait_indirect_dma semaphore(%arg16 : memref<!tpu.dma_semaphore, #tpu.memory_space<semaphore_mem>>) src(%arg13 : memref<32x128xf32, #tpu.memory_space<vmem>>) dst(%dma_wait3A_776 : memref<4096x128xf32, #tpu.memory_space<hbm>>)
    return
  }
}

</mosaic_0001>

<sc_bundles>
// kernel: kernel.3.cloned.1.call-start
scs
__scs_entry_jumppad:
0x0: {  	(pc) =	sbr.rel $0x88, $3  }
0x1: {  	(tag) =	ssettag $0x0;
	lr =	simm.s32 $0x1  }
0x2: {  	[smem:$0x3F9F] =	sst lr;
	_ =	strace $0xD0000000  }
0x3: {  	_ = 	snop  }
0x4: {  	_ = 	snop  }
0x5: {  	_ = 	snop  }
0x6: {  	_ = 	snop  }
0x7: {  	_ = 	snop  }
__scs_overlays_trampoline_lowered:
0x8: {  	[smem:$0x3FAE] =	sst s0  }
0x9: {  	[smem:$0x3FAF] =	sst s1  }
0xa: {  	[smem:$0x3FB0] =	sst s2  }
0xb: {  	[smem:$0x3FB1] =	sst s3  }
0xc: {  	[smem:$0x3FB2] =	sst s4  }
0xd: {  	[smem:$0x3FB3] =	sst s5  }
0xe: {  	[smem:$0x3FB4] =	sst s6  }
0xf: {  	[smem:$0x3FB5] =	sst s7  }
0x10: {  	[smem:$0x3FB6] =	sst s8  }
0x11: {  	[smem:$0x3FB7] =	sst s9;
	s0 =	simm.s32 @!p0 $0x0  }
0x12: {  	s1 =	sld [smem:$0x3F9D];
	s0 =	simm.s32 @p0 $0x1  }
0x13: {  	[smem:$0x3FB8] =	sst s0;
	s0 =	simm.s32 @!p1 $0x0  }
0x14: {  	s2 =	sld [smem:$0x3F9C];
	s0 =	simm.s32 @p1 $0x1  }
0x15: {  	[smem:$0x3FB9] =	sst s0;
	s0 =	simm.s32 @!p2 $0x0  }
0x16: {  	s3 =	sld [smem:$0x3FDB];
	s0 =	simm.s32 @p2 $0x1  }
0x17: {  	s4 =	simm.s32 $0x1BF5;
	[smem:$0x3FBB] =	sst s0  }
0x18: {  	s0 =	sld [smem:$0x3F9E];
	_ =	swait.ge [sflag:s4], $0x0  }
0x19: {  	s7 =	sld [smem:$0x3F9F]  }
0x1a: {  	s8 =	sadd.s32 $0xFFFFE003, lr  }
0x1b: {  	s9 =	sadd.s32 $0xFFFFFEF7, lr;
	s5 =	simm.s32 $0xFFFFFFFF;
	p2 =	slt.u32 s8, $0xFFFFF086  }
0x1c: {  	p1 =	slt.u32 s9, $0xF7A;
	s5 =	simm.s32 @!p2 $0x0  }
0x1d: {  	s5 =	simm.s32 @p1 $0x1;
	p0 =	seq.s32 s7, s2  }
0x1e: {  	s7 =	smul.u32 @!p0 $0xF7A, s2;
	p2 =	seq.s32 @!p0 s5, $0x0  }
0x1f: {  	s9 =	smul.u32 $0xF7A, s1;
	s8 =	simm.s32 @!p0 $0x1BF5;
	p2 =	por !p2, p0  }
0x20: {  	[sflag:s8] =	ssyncset.s32 @!p0 $0xFFFFF086;
	s6 =	sadd.s32 @!p0 s3, s7;
	s7 =	simm.s32 @!p0 $0x108  }
0x21: {  	s3 =	sadd.s32 s3, s9;
	s6 =	sadd.s32 @!p0 $0x88, s6;
	s7 =	simm.s32 @p2 $0x1082  }
0x22: {  	[simem:s7], [sflag:s8] =	dma.local @!p0 [hbm:s6], $0xF7A  }
0x23: {  	s9 =	sor.u32 $0xD0000000, s2;
	s6 =	simm.s32 $0x108;
	_ =	swait.ge @!p0 [sflag:s8], $0x0  }
0x24: {  	s3 =	sadd.s32 $0x88, s3;
	s6 =	simm.s32 @!p1 $0x1082;
	[sflag:s4] =	ssyncset.s32 $0xFFFFF086  }
0x25: {  	[simem:s6], [sflag:s4] =	dma.local [hbm:s3], $0xF7A  }
0x26: {  	[smem:$0x3F9F] =	sst s1;
	(tag) =	ssettag s2;
	_ =	strace s9  }
0x27: {  	s1 =	sld [smem:$0x3FAF]  }
0x28: {  	s2 =	sld [smem:$0x3FB0]  }
0x29: {  	s4 =	sld [smem:$0x3FB2]  }
0x2a: {  	p0 =	seq.s32 s5, $0x0;
	s5 =	sld [smem:$0x3FB3]  }
0x2b: {  	s6 =	sld [smem:$0x3FB4]  }
0x2c: {  	s7 =	sld [smem:$0x3FB5]  }
0x2d: {  	s3 =	simm.s32 $0x108;
	s8 =	sld [smem:$0x3FB6]  }
0x2e: {  	s3 =	simm.s32 @!p0 $0x1082;
	s9 =	sld [smem:$0x3FB7]  }
0x2f: {  	lr =	sadd.s32 s0, s3;
	s0 =	sld [smem:$0x3FAE]  }
0x30: {  	s3 =	sld [smem:$0x3FB1]  }
0x31: {  	[smem:$0x3FBA] =	sst s10  }
0x32: {  	s10 =	sld [smem:$0x3FB8];
	_ =	sdelay $0x3  }
0x33: {  	p0 =	seq.s32 s10, $0x1;
	s10 =	sld [smem:$0x3FBA];
	_ =	sdelay $0x3  }
0x34: {  	[smem:$0x3FBA] =	sst s10  }
0x35: {  	s10 =	sld [smem:$0x3FB9];
	_ =	sdelay $0x3  }
0x36: {  	p1 =	seq.s32 s10, $0x1;
	s10 =	sld [smem:$0x3FBA];
	_ =	sdelay $0x3  }
0x37: {  	[smem:$0x3FBA] =	sst s10  }
0x38: {  	s10 =	sld [smem:$0x3FBB]  }
0x39: {  	_ = 	snop;
	(pc) =	sbr.ind lr, $3  }
0x3a: {  	_ = 	snop  }
0x3b: {  	_ = 	snop  }
0x3c: {  	p2 =	seq.s32 s10, $0x1;
	s10 =	sld [smem:$0x3FBA]  }
0x3d: {  	_ =	shalt  }
0x3e: {  	_ =	shalt  }
0x3f: {  	_ =	shalt  }
0x40: {  	_ =	shalt  }
0x41: {  	_ =	shalt  }
0x42: {  	_ =	shalt  }
0x43: {  	_ =	shalt  }
0x44: {  	_ =	shalt  }
0x45: {  	_ =	shalt  }
0x46: {  	_ =	shalt  }
0x47: {  	_ =	shalt  }
0x48: {  	_ =	shalt  }
0x49: {  	_ =	shalt  }
0x4a: {  	_ =	shalt  }
0x4b: {  	_ =	shalt  }
0x4c: {  	_ =	shalt  }
0x4d: {  	_ =	shalt  }
0x4e: {  	_ =	shalt  }
0x4f: {  	_ =	shalt  }
0x50: {  	_ =	shalt  }
0x51: {  	_ =	shalt  }
0x52: {  	_ =	shalt  }
0x53: {  	_ =	shalt  }
0x54: {  	_ =	shalt  }
0x55: {  	_ =	shalt  }
0x56: {  	_ =	shalt  }
0x57: {  	_ =	shalt  }
0x58: {  	_ =	shalt  }
0x59: {  	_ =	shalt  }
0x5a: {  	_ =	shalt  }
0x5b: {  	_ =	shalt  }
0x5c: {  	_ =	shalt  }
0x5d: {  	_ =	shalt  }
0x5e: {  	_ =	shalt  }
0x5f: {  	_ =	shalt  }
0x60: {  	_ =	shalt  }
0x61: {  	_ =	shalt  }
0x62: {  	_ =	shalt  }
0x63: {  	_ =	shalt  }
0x64: {  	_ =	shalt  }
0x65: {  	_ =	shalt  }
0x66: {  	_ =	shalt  }
0x67: {  	_ =	shalt  }
0x68: {  	_ =	shalt  }
0x69: {  	_ =	shalt  }
0x6a: {  	_ =	shalt  }
0x6b: {  	_ =	shalt  }
0x6c: {  	_ =	shalt  }
0x6d: {  	_ =	shalt  }
0x6e: {  	_ =	shalt  }
0x6f: {  	_ =	shalt  }
0x70: {  	_ =	shalt  }
0x71: {  	_ =	shalt  }
0x72: {  	_ =	shalt  }
0x73: {  	_ =	shalt  }
0x74: {  	_ =	shalt  }
0x75: {  	_ =	shalt  }
0x76: {  	_ =	shalt  }
0x77: {  	_ =	shalt  }
0x78: {  	_ =	shalt  }
0x79: {  	_ =	shalt  }
0x7a: {  	_ =	shalt  }
0x7b: {  	_ =	shalt  }
0x7c: {  	_ =	shalt  }
0x7d: {  	_ =	shalt  }
0x7e: {  	_ =	shalt  }
0x7f: {  	_ =	shalt  }
0x80: {  	_ =	shalt  }
0x81: {  	_ =	shalt  }
0x82: {  	_ =	shalt  }
0x83: {  	_ =	shalt  }
0x84: {  	_ =	shalt  }
0x85: {  	_ =	shalt  }
0x86: {  	_ =	shalt  }
0x87: {  	_ =	shalt  }
.Lfunc_end0:
.L_simem_size_0:
called_computation_lowered:
.L_overlay_start_0:
0x88: {  	s2 =	sld [smem:$0x3FD9]  }
0x89: {  	s3 =	sld [smem:$0x3FFE];
	_ =	sdelay $0x1  }
0x8a: {  	s1 =	srdreg.scid  }
0x8b: {  	s0 =	sand.u32 $0x1, s1  }
0x8c: {  	s17 =	sshll.u32 s0, $0xA;
	s2 =	sadd.s32 s3, s2  }
0x8d: {  	s2 =	sadd.s32 s2, s17  }
0x8e: {  	[smem:$0x3FC6] =	sst s2  }
0x8f: {  	_ = 	snop  }
0x90: {  	s2 =	sld [smem:$0x3FC9]  }
0x91: {  	s18 =	sld [smem:$0x3FC8];
	(tm) =	ssettm $0x1  }
0x92: {  	s4 =	sld [smem:$0x3FFB];
	_ =	sdelay $0x3  }
0x93: {  	_ =	strace s4  }
0x94: {  	s4 =	sld [smem:$0x3FFC];
	_ =	sdelay $0x3  }
0x95: {  	_ =	strace s4  }
0x96: {  	s4 =	sld [smem:$0x3FFD];
	_ =	sdelay $0x3  }
0x97: {  	_ =	strace s4  }
0x98: {  	_ =	strace $0x8FFFFFFF  }
0x99: {  	s19 =	sld [smem:$0x3FDB];
	_ =	sdelay $0x1  }
0x9a: {  	s5 =	simm.s32 $_scs_section_size  }
0x9b: {  	s6 =	simm.s32 $_size__tile_overlayer_lowered;
	s7 =	simm.s32 $_tile_overlayer_lowered  }
0x9c: {  	s22 =	simm.s32 $0x1BFF;
	s21 =	sshll.u32 s7, $0x1;
	s4 =	sadd.s32 s5, s19  }
0x9d: {  	s8 =	simm.s32 $0x0;
	s20 =	sshll.u32 s6, $0x1;
	s6 =	sadd.s32 s21, s4  }
0x9e: {  	[timem:s8], [sflag:s22] =	dma.local [hbm:s6], s20  }
0x9f: {  	_ =	swait.ge [sflag:s22], s20  }
0xa0: {  	s5 =	ssub.s32 $0x0, s20;
	[sflag:s22] =	ssyncset.done $0x0  }
0xa1: {  	[sflag:s22] =	ssyncadd.s32 s5;
	_ =	sdelay $0x1  }
0xa2: {  	s23 =	simm.s32 $0x1B8B  }
0xa3: {  	_ =	swait.ge [sflag:s23], $0x1  }
0xa4: {  	[sflag:s23] =	ssyncset.done $0x0  }
0xa5: {  	s25 =	simm.s32 $0x1B8E;
	s24 =	sld [smem:$0x3FFE];
	[sflag:s23] =	ssyncadd.s32 $0xFFFFFFFF  }
0xa6: {  	s26 =	simm.s32 $execute0_lowered;
	[smem:$0x3FD2] =	sst s25  }
0xa7: {  	s6 =	sshll.u32 s26, $0x1;
	_ =	strace $0x80000046;
	[dreg:$0x1] =	wrdreg $0xFFFFFFFF  }
0xa8: {  	s28 =	simm.s32 $_size_execute0_lowered;
	s4 =	sadd.s32 s4, s6;
	[dreg:$0x0] =	wrdreg $0x0  }
0xa9: {  	s6 =	sshll.u32 s28, $0x1;
	[dreg:$0x2] =	wrdreg s4  }
0xaa: {  	[dreg:$0x3] =	wrdreg s6  }
0xab: {  	[dreg:$0x4] =	wrdreg $0xC0  }
0xac: {  	_ =	task [dreg:s8], $0x5FFFF  }
0xad: {  	[dreg:$0x1] =	wrdreg $0xFFFFFFFF  }
0xae: {  	[dreg:$0x0] =	wrdreg $0x60  }
0xaf: {  	[dreg:$0x2] =	wrdreg s2  }
0xb0: {  	[dreg:$0x3] =	wrdreg s18  }
0xb1: {  	[dreg:$0x4] =	wrdreg s24  }
0xb2: {  	[dreg:$0x5] =	wrdreg $0x9  }
0xb3: {  	_ =	task.clear_ibuf [dreg:s8], $0x6FFFF;
	_ =	strace $0x90000046  }
0xb4: {  	s29 =	simm.s32 $0x9;
	_ =	strace $0x80000048  }
0xb5: {  	_ =	swait.ge [sflag:s29], $0x1  }
0xb6: {  	[sflag:s29] =	ssyncadd.s32 $0xFFFFFFFF  }
0xb7: {  	_ =	strace $0x90000048  }
0xb8: {  	_ =	sfence  }
0xb9: {  	s30 =	sld [smem:$0x0];
	_ =	sdelay $0x2  }
0xba: {  	s31 =	sshll.u32 s1, $0xD;
	s1 =	sshrl.u32 s1, $0x2  }
0xbb: {  	s3 =	sand.u32 $0x4000, s31;
	s1 =	sadd.s32 s1, s30  }
0xbc: {  	s0 =	sor.u32 s3, s0;
	s1 =	sshll.u32 s1, $0x11  }
0xbd: {  	s0 =	sor.u32 s1, s0  }
0xbe: {  	s0 =	sadd.s32 $0x8F2B, s0  }
0xbf: {  	[sflag:s0] =	ssyncadd.remote.s32 $0x1  }
0xc0: {  	_ =	sfence.sel $0xFFFF  }
0xc1: {  	[dreg:$0x0] =	wrdreg $0xFFFFFFFF;
	(pc) =	sbr.abs _section_cstart, $3  }
0xc2: {  	[dreg:$0x1] =	wrdreg $0xFFFFFFFF  }
0xc3: {  	_ =	task.clear_ibuf [dreg:s8], $0x2FFFF;
	_ =	strace $0x9FFFFFFF  }
0xc4: {  	(tm) =	ssettm $0x7FFFFFFF  }
0xc5: {  	_ =	shalt  }
tec
execute0_lowered:
.L_overlay_start_1:
0x0: {  	(tag) =	ssettag $0x1  }
0x1: {  	v0 =	vimm.s32 $0x1780;
	vm14 =	vcmask $0x300  }
0x2: {  	vm13 =	vcmask $0x704;
	vm12 =	vcmask $0xB08;
	vm11 =	vcmask $0xF0C  }
0x3: {  	vm10 =	vcmask $0x1310;
	vm9 =	vcmask $0x1714;
	vm8 =	vcmask $0x1B18  }
0x4: {  	vm7 =	vcmask $0x1F1C;
	vm6 =	vcmask $0x2320;
	vm5 =	vcmask $0x2724  }
0x5: {  	vm3 =	vcmask $0x2B28;
	vm4 =	vcmask $0x2F2C;
	vm2 =	vcmask $0x3330  }
0x6: {  	vm1 =	vcmask $0x3734;
	vm0 =	vcmask $0x3B38;
	v9 =	vimm.s32 $0xFFFFFFFF  }
0x7: {  	v11 =	vimm.s32 $0x3F80;
	v12 =	vimm.s32 $0x6780;
	v13 =	vimm.s32 $0x8F80  }
0x8: {  	v0 =	vsel vm14, $0x0, v0;
	v11 =	vsel vm14, $0x2800, v11;
	v12 =	vsel vm14, $0x5000, v12  }
0x9: {  	v13 =	vsel vm14, $0x7800, v13;
	v0 =	vsel vm13, $0x80, v0;
	v11 =	vsel vm13, $0x2880, v11  }
0xa: {  	v12 =	vsel vm13, $0x5080, v12;
	v13 =	vsel vm13, $0x7880, v13;
	v0 =	vsel vm12, $0x100, v0  }
0xb: {  	s0 =	srdreg.scid;
	s1 =	stileid.u32;
	v11 =	vsel vm12, $0x2900, v11;
	v12 =	vsel vm12, $0x5100, v12;
	v13 =	vsel vm12, $0x7900, v13  }
0xc: {  	s2 =	sand.u32 $0x1, s0;
	s29 =	sshll.u32 s1, $0x1;
	v0 =	vsel vm11, $0x180, v0;
	v11 =	vsel vm11, $0x2980, v11;
	v12 =	vsel vm11, $0x5180, v12  }
0xd: {  	s1 =	sor.u32 s2, s29;
	v13 =	vsel vm11, $0x7980, v13;
	v0 =	vsel vm10, $0x200, v0;
	v11 =	vsel vm10, $0x2A00, v11  }
0xe: {  	s0 =	smul.u32 $0x280, s1;
	v12 =	vsel vm10, $0x5200, v12;
	v13 =	vsel vm10, $0x7A00, v13;
	v1 =	vsel vm9, $0x280, v0  }
0xf: {  	v0 =	vmov s1;
	v11 =	vsel vm9, $0x2A80, v11;
	v12 =	vsel vm9, $0x5280, v12  }
0x10: {  	v13 =	vsel vm9, $0x7A80, v13;
	v2 =	vsel vm8, $0x300, v1;
	v1 =	vmov s0  }
0x11: {  	s30 =	sadd.s32 $0x5000, s0;
	v11 =	vsel vm8, $0x2B00, v11;
	v12 =	vsel vm8, $0x5300, v12;
	v13 =	vsel vm8, $0x7B00, v13  }
0x12: {  	s11 =	rddreg [dreg:$0x0];
	v3 =	vsel vm7, $0x380, v2;
	v2 =	vmov s30;
	v11 =	vsel vm7, $0x2B80, v11  }
0x13: {  	s6 =	rddreg [dreg:$0x1];
	s8 =	sadd.s32 $0xA000, s0;
	v12 =	vsel vm7, $0x5380, v12;
	v13 =	vsel vm7, $0x7B80, v13;
	v4 =	vsel vm6, $0x1400, v3  }
0x14: {  	s4 =	rddreg [dreg:$0x2];
	s12 =	simm.s32 $0x1400;
	s9 =	sadd.s32 $0xF000, s0;
	v3 =	vmov s8;
	v11 =	vsel vm6, $0x3C00, v11;
	v12 =	vsel vm6, $0x6400, v12  }
0x15: {  	s13 =	simm.s32 $0xC3800;
	s14 =	simm.s32 $0x5200;
	s3 =	smin.u32 s0, $0x4480;
	v13 =	vsel vm6, $0x8C00, v13;
	v5 =	vsel vm5, $0x1480, v4;
	v4 =	vmov s9  }
0x16: {  	s16 =	simm.s32 $0x5;
	s17 =	simm.s32 $0xF200;
	s10 =	sadd.s32 $0x14000, s3;
	v11 =	vsel vm5, $0x3C80, v11;
	v12 =	vsel vm5, $0x6480, v12;
	v13 =	vsel vm5, $0x8C80, v13  }
0x17: {  	s18 =	simm.s32 $0x1;
	s19 =	simm.s32 $0x3;
	s20 =	simm.s32 $0x20;
	v6 =	vsel vm3, $0x1500, v5;
	v5 =	vmov s10;
	v11 =	vsel vm3, $0x3D00, v11  }
0x18: {  	s22 =	simm.s32 $0x19200;
	s23 =	simm.s32 $0x1A200;
	s24 =	simm.s32 $0x2;
	v12 =	vsel vm3, $0x6500, v12;
	v13 =	vsel vm3, $0x8D00, v13;
	v7 =	vsel vm4, $0x1580, v6  }
0x19: {  	s25 =	simm.s32 $0x4;
	s31 =	simm.s32 $0x0;
	s2 =	ssub.s32 $0x2, s2;
	v6 =	vlaneseq.u32;
	v11 =	vsel vm4, $0x3D80, v11;
	v12 =	vsel vm4, $0x6580, v12  }
.Ltmp0:
0x1a: {  	s4 =	sadd.s32 $0x400, s4;
	s5 =	sshrl.u32 s2, $0x1;
	v13 =	vsel vm4, $0x8D80, v13;
	v8 =	vsel vm2, $0x1600, v7;
	v7 =	vimm.s32 $0x0;
	(pc) =	sbr.rel .LBB2_1-.Ltmp0, $4  }
0x1b: {  	s6 =	sadd.s32 $0x100, s6;
	s2 =	ssub.s32 s2, s5;
	s3 =	simm.s32 $0x0;
	v11 =	vsel vm2, $0x3E00, v11;
	v12 =	vsel vm2, $0x6600, v12;
	v13 =	vsel vm2, $0x8E00, v13  }
0x1c: {  	s7 =	sadd.s32 s11, s30;
	[smem:$0x7FF] =	sst s3;
	s0 =	sadd.s32 s11, s0;
	v10 =	vsel vm1, $0x1680, v8;
	v8 =	vimm.s32 $0x20000;
	v11 =	vsel vm1, $0x3E80, v11  }
0x1d: {  	_ =	strace $0x80000047;
	[dreg:$0x4] =	wrdreg s0;
	s8 =	sadd.s32 s11, s8;
	v12 =	vsel vm1, $0x6680, v12;
	v13 =	vsel vm1, $0x8E80, v13;
	v10 =	vsel vm0, $0x1700, v10  }
0x1e: {  	s9 =	sadd.s32 s11, s9;
	s10 =	sadd.s32 s11, s10;
	s11 =	smax.u32 s2, $0x1;
	v11 =	vsel vm0, $0x3F00, v11;
	v12 =	vsel vm0, $0x6700, v12;
	v13 =	vsel vm0, $0x8F00, v13  }
.LBB2_70:
0x1f: {  	s31 =	sadd.s32 $0x1, s31  }
0x20: {  	p0 =	sne.s32 s31, s11  }
.Ltmp1:
0x21: {  	_ = 	snop;
	(pc) =	sbr.rel @!p0 .LBB2_71-.Ltmp1, $4  }
0x22: {  	_ = 	snop  }
0x23: {  	_ =	swait.ge [sflag:s18], $0x1000  }
0x24: {  	[sflag:s18] =	ssyncset.done $0x0  }
0x25: {  	[sflag:s18] =	ssyncadd.s32 $0xFFFFF000  }
.LBB2_1:
0x26: {  	s0 =	rddreg [dreg:$0x4]  }
0x27: {  	[tilespmem:s14], [sflag:$0x3] =	stream.strided.gather [hbm4b:s0+s12], $0xA000, s13, s12, $0x38;
	[tilespmem:$0x1F600] =	vst v63  }
0x28: {  	s21 =	rddreg [dreg:$0x1]  }
0x29: {  	[tilespmem:s3], [sflag:$0x5] =	stream.linear.gather [hbm4b:s21+s3], $0x800, $0x38;
	[tilespmem:$0x1F600] =	vst v63  }
0x2a: {  	s26 =	simm.s32 $0x800  }
0x2b: {  	[tilespmem:s26], [sflag:$0x5] =	stream.linear.gather [hbm4b:s6+s3], $0x800, $0x38;
	[tilespmem:$0x1F600] =	vst v63  }
0x2c: {  	_ =	swait.ge [sflag:s16], $0x800  }
0x2d: {  	[sflag:s16] =	ssyncset.done $0x0  }
0x2e: {  	s28 =	simm.s32 $0x10;
	[sflag:s16] =	ssyncadd.s32 $0xFFFFF800  }
0x2f: {  	v14 =	vld [tilespmem:s28+$0xFFFFFFF0];
	_ =	sdelay $0x4  }
0x30: {  	v15 =	vshrl.u32 v14, $0x7  }
0x31: {  	v15 =	vmul.u32 $0xCCCD, v15;
	_ =	sdelay $0x1  }
0x32: {  	v15 =	vshrl.u32 v15, $0x12  }
0x33: {  	v15 =	vand.u32 $0x1F, v15  }
0x34: {  	vm0 =	veq.s32 v15, v0  }
0x35: {  	v15 =	vor.u32 s3, v6;
	[tilespmem:s3+$0x1000] =	vst.msk vm0, v14;
	v14 =	vsel vm0, $0x1, v7  }
0x36: {  	[tilespmem:s3+$0x2080] =	vst.msk vm0, v15;
	(xrf0) =	vadd.scan.msk.s32 $0xffff, v14  }
0x37: {  	v14 =	vld [tilespmem:s28+$0x0];
	_ =	sdelay $0x4  }
0x38: {  	v15 =	vshrl.u32 v14, $0x7;
	v16, _, _ =	vpop (xrf0)  }
0x39: {  	v15 =	vmul.u32 $0xCCCD, v15;
	(v2sf) =	vpush v16, $0xF;
	_ =	sdelay $0x1  }
0x3a: {  	v15 =	vshrl.u32 v15, $0x12  }
0x3b: {  	v15 =	vand.u32 $0x1F, v15  }
0x3c: {  	vm15 =	veq.s32 v15, v0  }
0x3d: {  	v15 =	vsel vm15, $0x1, v7  }
0x3e: {  	(xrf0) =	vadd.scan.msk.s32 $0xffff, v15;
	_ =	sdelay $0x5  }
0x3f: {  	v15, _, _ =	vpop (xrf0)  }
0x40: {  	(v2sf) =	vpush v15, $0xF;
	_ =	sdelay $0x1  }
0x41: {  	s29 =	spop (v2sf)  }
0x42: {  	s30 =	simm.s32 $0x10;
	s1 =	sadd.s32 $0x0, s29  }
0x43: {  	v15 =	vor.u32 s30, v6;
	[tilespmem:s1+$0x1000] =	vst.msk vm15, v14  }
0x44: {  	s2 =	simm.s32 $0x30;
	[tilespmem:s1+$0x2080] =	vst.msk vm15, v15  }
0x45: {  	v14 =	vld [tilespmem:s2+$0xFFFFFFF0];
	_ =	sdelay $0x4  }
0x46: {  	v15 =	vshrl.u32 v14, $0x7  }
0x47: {  	v15 =	vmul.u32 $0xCCCD, v15;
	_ =	sdelay $0x1  }
0x48: {  	v15 =	vshrl.u32 v15, $0x12  }
0x49: {  	s15 =	simm.s32 $0x40;
	s0 =	simm.s32 $0x20;
	v15 =	vand.u32 $0x1F, v15;
	s21 =	spop (v2sf)  }
.LBB2_2:
0x4a: {  	p0 =	sne.s32 s15, $0x7E0  }
0x4b: {  	vm0 =	veq.s32 v15, v0;
	s1 =	sadd.s32 s1, s21;
	s21 =	smov.u32 s15;
	s15 =	sadd.s32 $0x20, s15  }
0x4c: {  	v15 =	vor.u32 s0, v6;
	[tilespmem:s1+$0x1000] =	vst.msk vm0, v14;
	v14 =	vsel vm0, $0x1, v7  }
0x4d: {  	[tilespmem:s1+$0x2080] =	vst.msk vm0, v15;
	(xrf0) =	vadd.scan.msk.s32 $0xffff, v14  }
0x4e: {  	v14 =	vld [tilespmem:s2+$0x0];
	_ =	sdelay $0x4  }
0x4f: {  	v15 =	vshrl.u32 v14, $0x7;
	v16, _, _ =	vpop (xrf0)  }
0x50: {  	v15 =	vmul.u32 $0xCCCD, v15;
	(v2sf) =	vpush v16, $0xF;
	_ =	sdelay $0x1  }
0x51: {  	v15 =	vshrl.u32 v15, $0x12  }
0x52: {  	v15 =	vand.u32 $0x1F, v15  }
0x53: {  	vm0 =	veq.s32 v15, v0  }
0x54: {  	v15 =	vsel vm0, $0x1, v7  }
0x55: {  	(xrf0) =	vadd.scan.msk.s32 $0xffff, v15;
	_ =	sdelay $0x5  }
0x56: {  	v15, _, _ =	vpop (xrf0)  }
0x57: {  	(v2sf) =	vpush v15, $0xF;
	_ =	sdelay $0x1  }
0x58: {  	s26 =	spop (v2sf)  }
0x59: {  	s1 =	sadd.s32 s1, s26;
	s26 =	sadd.s32 $0x10, s0;
	s0 =	smov.u32 s21  }
0x5a: {  	v15 =	vor.u32 s26, v6;
	[tilespmem:s1+$0x1000] =	vst.msk vm0, v14  }
0x5b: {  	s2 =	sadd.s32 $0x20, s2;
	[tilespmem:s1+$0x2080] =	vst.msk vm0, v15  }
0x5c: {  	v14 =	vld [tilespmem:s2+$0xFFFFFFF0];
	_ =	sdelay $0x4  }
.Ltmp2:
0x5d: {  	v15 =	vshrl.u32 v14, $0x7;
	(pc) =	sbr.rel @p0 .LBB2_2-.Ltmp2, $3  }
0x5e: {  	v15 =	vmul.u32 $0xCCCD, v15;
	_ =	sdelay $0x1  }
0x5f: {  	v15 =	vshrl.u32 v15, $0x12  }
0x60: {  	v15 =	vand.u32 $0x1F, v15;
	s21 =	spop (v2sf)  }
0x61: {  	vm0 =	veq.s32 v15, v0;
	s1 =	sadd.s32 s1, s21  }
0x62: {  	v15 =	vor.u32 s0, v6;
	[tilespmem:s1+$0x1000] =	vst.msk vm0, v14  }
0x63: {  	[tilespmem:s1+$0x2080] =	vst.msk vm0, v15  }
0x64: {  	v14 =	vld [tilespmem:s2+$0x0];
	_ =	sdelay $0x4  }
0x65: {  	v15 =	vshrl.u32 v14, $0x7  }
0x66: {  	v15 =	vmul.u32 $0xCCCD, v15;
	_ =	sdelay $0x1  }
0x67: {  	v16 =	vsel vm0, $0x1, v7;
	v15 =	vshrl.u32 v15, $0x12  }
0x68: {  	(xrf0) =	vadd.scan.msk.s32 $0xffff, v16;
	v15 =	vand.u32 $0x1F, v15  }
0x69: {  	vm13 =	veq.s32 v15, v0  }
0x6a: {  	v15 =	vsel vm13, $0x1, v7  }
0x6b: {  	(xrf0) =	vadd.scan.msk.s32 $0xffff, v15;
	_ =	sdelay $0x2  }
0x6c: {  	v15, _, _ =	vpop (xrf0)  }
0x6d: {  	(v2sf) =	vpush v15, $0xF;
	_ =	sdelay $0x1  }
0x6e: {  	v15, _, _ =	vpop (xrf0)  }
0x6f: {  	(v2sf) =	vpush v15, $0xF;
	_ =	sdelay $0xb  }
0x70: {  	s5 =	spop (v2sf)  }
0x71: {  	s15 =	sadd.s32 $0x10, s0;
	s1 =	sadd.s32 s1, s5  }
0x72: {  	v15 =	vor.u32 s15, v6;
	[tilespmem:s1+$0x1000] =	vst.msk vm13, v14  }
0x73: {  	[tilespmem:s1+$0x2080] =	vst.msk vm13, v15;
	s21 =	spop (v2sf)  }
0x74: {  	_ =	swait.ge [sflag:s16], $0x800  }
0x75: {  	[sflag:s16] =	ssyncset.done $0x0  }
0x76: {  	s26 =	simm.s32 $0x810;
	[sflag:s16] =	ssyncadd.s32 $0xFFFFF800  }
0x77: {  	v14 =	vld [tilespmem:s26+$0xFFFFFFF0];
	_ =	sdelay $0x4  }
0x78: {  	v15 =	vshrl.u32 v14, $0x7  }
0x79: {  	v15 =	vmul.u32 $0xCCCD, v15;
	_ =	sdelay $0x1  }
0x7a: {  	v15 =	vshrl.u32 v15, $0x12  }
0x7b: {  	v15 =	vand.u32 $0x1F, v15  }
0x7c: {  	s28 =	simm.s32 $0x800;
	s0 =	sadd.s32 s1, s21;
	vm14 =	veq.s32 v15, v0  }
0x7d: {  	v15 =	vor.u32 s28, v6;
	[tilespmem:s0+$0x1000] =	vst.msk vm14, v14;
	v14 =	vsel vm14, $0x1, v7  }
0x7e: {  	[tilespmem:s0+$0x2080] =	vst.msk vm14, v15;
	(xrf0) =	vadd.scan.msk.s32 $0xffff, v14  }
0x7f: {  	v14 =	vld [tilespmem:s26+$0x0];
	_ =	sdelay $0x4  }
0x80: {  	v15 =	vshrl.u32 v14, $0x7;
	v16, _, _ =	vpop (xrf0)  }
0x81: {  	v15 =	vmul.u32 $0xCCCD, v15;
	(v2sf) =	vpush v16, $0xF;
	_ =	sdelay $0x1  }
0x82: {  	v15 =	vshrl.u32 v15, $0x12  }
0x83: {  	v15 =	vand.u32 $0x1F, v15  }
0x84: {  	vm15 =	veq.s32 v15, v0  }
0x85: {  	v15 =	vsel vm15, $0x1, v7  }
0x86: {  	(xrf0) =	vadd.scan.msk.s32 $0xffff, v15;
	_ =	sdelay $0x5  }
0x87: {  	v15, _, _ =	vpop (xrf0)  }
0x88: {  	(v2sf) =	vpush v15, $0xF;
	_ =	sdelay $0x1  }
0x89: {  	s29 =	spop (v2sf)  }
0x8a: {  	s30 =	simm.s32 $0x810;
	s1 =	sadd.s32 s0, s29  }
0x8b: {  	v15 =	vor.u32 s30, v6;
	[tilespmem:s1+$0x1000] =	vst.msk vm15, v14  }
0x8c: {  	s2 =	simm.s32 $0x830;
	[tilespmem:s1+$0x2080] =	vst.msk vm15, v15  }
0x8d: {  	v14 =	vld [tilespmem:s2+$0xFFFFFFF0];
	_ =	sdelay $0x4  }
0x8e: {  	v15 =	vshrl.u32 v14, $0x7  }
0x8f: {  	v15 =	vmul.u32 $0xCCCD, v15;
	_ =	sdelay $0x1  }
0x90: {  	v15 =	vshrl.u32 v15, $0x12  }
0x91: {  	s15 =	simm.s32 $0x840;
	s0 =	simm.s32 $0x820;
	v15 =	vand.u32 $0x1F, v15;
	s21 =	spop (v2sf)  }
.LBB2_4:
0x92: {  	p0 =	sne.s32 s15, $0xFE0  }
0x93: {  	vm0 =	veq.s32 v15, v0;
	s1 =	sadd.s32 s1, s21;
	s21 =	smov.u32 s15;
	s15 =	sadd.s32 $0x20, s15  }
0x94: {  	v15 =	vor.u32 s0, v6;
	[tilespmem:s1+$0x1000] =	vst.msk vm0, v14;
	v14 =	vsel vm0, $0x1, v7  }
0x95: {  	[tilespmem:s1+$0x2080] =	vst.msk vm0, v15;
	(xrf0) =	vadd.scan.msk.s32 $0xffff, v14  }
0x96: {  	v14 =	vld [tilespmem:s2+$0x0];
	_ =	sdelay $0x4  }
0x97: {  	v15 =	vshrl.u32 v14, $0x7;
	v16, _, _ =	vpop (xrf0)  }
0x98: {  	v15 =	vmul.u32 $0xCCCD, v15;
	(v2sf) =	vpush v16, $0xF;
	_ =	sdelay $0x1  }
0x99: {  	v15 =	vshrl.u32 v15, $0x12  }
0x9a: {  	v15 =	vand.u32 $0x1F, v15  }
0x9b: {  	vm0 =	veq.s32 v15, v0  }
0x9c: {  	v15 =	vsel vm0, $0x1, v7  }
0x9d: {  	(xrf0) =	vadd.scan.msk.s32 $0xffff, v15;
	_ =	sdelay $0x5  }
0x9e: {  	v15, _, _ =	vpop (xrf0)  }
0x9f: {  	(v2sf) =	vpush v15, $0xF;
	_ =	sdelay $0x1  }
0xa0: {  	s26 =	spop (v2sf)  }
0xa1: {  	s1 =	sadd.s32 s1, s26;
	s26 =	sadd.s32 $0x10, s0;
	s0 =	smov.u32 s21  }
0xa2: {  	v15 =	vor.u32 s26, v6;
	[tilespmem:s1+$0x1000] =	vst.msk vm0, v14  }
0xa3: {  	s2 =	sadd.s32 $0x20, s2;
	[tilespmem:s1+$0x2080] =	vst.msk vm0, v15  }
0xa4: {  	v14 =	vld [tilespmem:s2+$0xFFFFFFF0];
	_ =	sdelay $0x4  }
.Ltmp3:
0xa5: {  	v15 =	vshrl.u32 v14, $0x7;
	(pc) =	sbr.rel @p0 .LBB2_4-.Ltmp3, $3  }
0xa6: {  	v15 =	vmul.u32 $0xCCCD, v15;
	_ =	sdelay $0x1  }
0xa7: {  	v15 =	vshrl.u32 v15, $0x12  }
0xa8: {  	v15 =	vand.u32 $0x1F, v15;
	s21 =	spop (v2sf)  }
0xa9: {  	vm0 =	veq.s32 v15, v0;
	s1 =	sadd.s32 s1, s21  }
0xaa: {  	v15 =	vor.u32 s0, v6;
	[tilespmem:s1+$0x1000] =	vst.msk vm0, v14  }
0xab: {  	[tilespmem:s1+$0x2080] =	vst.msk vm0, v15  }
0xac: {  	v14 =	vld [tilespmem:s2+$0x0];
	_ =	sdelay $0x4  }
0xad: {  	v15 =	vshrl.u32 v14, $0x7  }
0xae: {  	v15 =	vmul.u32 $0xCCCD, v15;
	_ =	sdelay $0x1  }
0xaf: {  	v15 =	vshrl.u32 v15, $0x12  }
0xb0: {  	v16 =	vsel vm0, $0x1, v7;
	v15 =	vand.u32 $0x1F, v15  }
0xb1: {  	(xrf0) =	vadd.scan.msk.s32 $0xffff, v16;
	vm15 =	veq.s32 v15, v0  }
0xb2: {  	v15 =	vsel vm15, $0x1, v7  }
0xb3: {  	(xrf0) =	vadd.scan.msk.s32 $0xffff, v15;
	_ =	sdelay $0x3  }
0xb4: {  	v15, _, _ =	vpop (xrf0)  }
0xb5: {  	(v2sf) =	vpush v15, $0xF  }
0xb6: {  	v15, _, _ =	vpop (xrf0)  }
0xb7: {  	(v2sf) =	vpush v15, $0xF;
	_ =	sdelay $0xc  }
0xb8: {  	s21 =	spop (v2sf)  }
0xb9: {  	s26 =	sadd.s32 $0x10, s0;
	s1 =	sadd.s32 s1, s21  }
0xba: {  	v15 =	vor.u32 s26, v6;
	[tilespmem:s1+$0x1000] =	vst.msk vm15, v14;
	s28 =	spop (v2sf)  }
0xbb: {  	[tilespmem:s1+$0x2080] =	vst.msk vm15, v15;
	s0 =	sadd.s32 s1, s28  }
0xbc: {  	[tilespmem:s0+$0x1000] =	vst v8;
	s1 =	sadd.s32 $0x10, s0;
	s0 =	sand.u32 $0xF, s0  }
0xbd: {  	s29 =	sshra.s32 s1, $0x1F;
	p0 =	slt.s32 s1, $0x1;
	p1 =	sne.s32 s0, $0x0  }
0xbe: {  	s30 =	sshrl.u32 s29, $0x1C;
	p0 =	por !p0, !p1  }
0xbf: {  	s0 =	sadd.s32 s30, s1;
	p0 =	por !p0, !p0;
	s1 =	simm.s32 $0x1  }
0xc0: {  	s0 =	sshra.s32 s0, $0x4;
	s1 =	simm.s32 @!p0 $0x0  }
0xc1: {  	s2 =	ssub.s32 s0, s1  }
0xc2: {  	p0 =	slt.s32 s2, $0x1  }
.Ltmp4:
0xc3: {  	_ = 	snop;
	(pc) =	sbr.rel @p0 .LBB2_12-.Ltmp4, $3  }
0xc4: {  	_ =	sdelay $0x1  }
0xc5: {  	[tilespmem:s17], [sflag:$0x4] =	stream.strided.gather [hbm4b:s7+s12], $0xA000, s13, s12, $0x38;
	[tilespmem:$0x1F600] =	vst v63  }
0xc6: {  	s15 =	simm.s32 $0x0;
	s0 =	simm.s32 $0x0  }
0xc7: {  	p2 =	sne.s32 s2, $0x1  }
.Ltmp5:
0xc8: {  	_ = 	snop;
	(pc) =	sbr.rel @!p2 .LBB2_7-.Ltmp5, $3  }
0xc9: {  	_ =	sdelay $0x1  }
0xca: {  	s1 =	simm.s32 $0x1000  }
0xcb: {  	s0 =	simm.s32 $0x2080;
	p1 =	por $0x0, $0x0;
	v14 =	vld [tilespmem:s1+$0x0];
	s1 =	sadd.s32 $0xFFFFFFFF, s2  }
0xcc: {  	_ =	sdelay $0x3  }
0xcd: {  	v15 =	vshrl.u32 v14, $0x7  }
0xce: {  	v15 =	vmul.u32 $0xCCCD, v15;
	_ =	sdelay $0x1  }
0xcf: {  	vm0 =	vlt.u32 v15, $0x800000  }
0xd0: {  	v15 =	vsel vm0, $0x1, v7  }
0xd1: {  	(xrf0) =	vadd.scan.msk.s32 $0xffff, v15;
	_ =	sdelay $0x1  }
0xd2: {  	v15 =	vld [tilespmem:s0+$0x0]  }
0xd3: {  	p2 =	sne.s32 s1, $0x1  }
.Ltmp6:
0xd4: {  	_ = 	snop;
	(pc) =	sbr.rel @!p2 .LBB2_9-.Ltmp6, $4  }
0xd5: {  	_ = 	snop  }
0xd6: {  	[tilespmem:s15+$0x3100] =	vst.msk vm0, v14;
	v14, _, _ =	vpop (xrf0)  }
0xd7: {  	s26 =	simm.s32 $0x1010;
	s28 =	sadd.s32 $0xFFFFFFFF, s1;
	[tilespmem:s15+$0x4180] =	vst.msk vm0, v15;
	(v2sf) =	vpush v14, $0xF  }
0xd8: {  	p1 =	por $0x1, $0x1;
	s1 =	simm.s32 $0x2080;
	s21 =	simm.s32 $0x0;
	v14 =	vld [tilespmem:s26+$0x0]  }
.LBB2_10:
0xd9: {  	p2 =	sne.s32 s28, $0x1;
	_ =	sdelay $0x3  }
0xda: {  	v15 =	vshrl.u32 v14, $0x7  }
0xdb: {  	v15 =	vmul.u32 $0xCCCD, v15;
	_ =	sdelay $0x1  }
0xdc: {  	vm0 =	vlt.u32 v15, $0x800000  }
0xdd: {  	v15 =	vsel vm0, $0x1, v7  }
0xde: {  	(xrf0) =	vadd.scan.msk.s32 $0xffff, v15  }
0xdf: {  	s1 =	sadd.s32 $0x10, s1  }
0xe0: {  	v15 =	vld [tilespmem:s1+$0x0];
	_ =	sdelay $0x1  }
.Ltmp7:
0xe1: {  	s29 =	spop (v2sf);
	(pc) =	sbr.rel @p2 .LBB2_10-.Ltmp7, $4  }
0xe2: {  	s21 =	sadd.s32 s21, s29  }
0xe3: {  	[tilespmem:s21+$0x3100] =	vst.msk vm0, v14;
	v14, _, _ =	vpop (xrf0)  }
0xe4: {  	s26 =	sadd.s32 $0x10, s26;
	[tilespmem:s21+$0x4180] =	vst.msk vm0, v15;
	(v2sf) =	vpush v14, $0xF  }
0xe5: {  	s28 =	sadd.s32 $0xFFFFFFFF, s28;
	v14 =	vld [tilespmem:s26+$0x0]  }
.LBB2_11:
0xe6: {  	_ =	sdelay $0x3  }
0xe7: {  	v15 =	vshrl.u32 v14, $0x7  }
0xe8: {  	v15 =	vmul.u32 $0xCCCD, v15;
	_ =	sdelay $0x1  }
0xe9: {  	vm0 =	vlt.u32 v15, $0x800000  }
0xea: {  	v15 =	vsel vm0, $0x1, v7  }
0xeb: {  	(xrf0) =	vadd.scan.msk.s32 $0xffff, v15;
	_ =	sdelay $0x5  }
0xec: {  	v15, _, _ =	vpop (xrf0)  }
0xed: {  	(v2sf) =	vpush v15, $0xF;
	_ =	sdelay $0x8  }
0xee: {  	s1 =	sadd.s32 @p1 $0x10, s1  }
0xef: {  	s0 =	smov.u32 @p1 s1  }
0xf0: {  	v15 =	vld [tilespmem:s0+$0x0]  }
0xf1: {  	s0 =	spop @p1 (v2sf)  }
0xf2: {  	s1 =	simm.s32 $0x0;
	s0 =	sadd.s32 @p1 s21, s0  }
0xf3: {  	s1 =	smov.u32 @p1 s0  }
0xf4: {  	[tilespmem:s1+$0x3100] =	vst.msk vm0, v14;
	s30 =	spop (v2sf)  }
0xf5: {  	[tilespmem:s1+$0x4180] =	vst.msk vm0, v15;
	s0 =	sadd.s32 s1, s30  }
.LBB2_12:
0xf6: {  	[tilespmem:s0+$0x4180] =	vst v9  }
0xf7: {  	[tilespmem:s0+$0x3100] =	vst v1  }
0xf8: {  	[tilespmem:s0+$0x4190] =	vst v9  }
0xf9: {  	[tilespmem:s0+$0x3110] =	vst v1  }
0xfa: {  	_ =	swait.ge [sflag:s19], $0xA000  }
0xfb: {  	[sflag:s19] =	ssyncset.done $0x0  }
0xfc: {  	[sflag:s19] =	ssyncadd.s32 $0xFFFF6000  }
0xfd: {  	v14 =	vld [tilespmem:$0x4180]  }
0xfe: {  	v15 =	vld [tilespmem:$0x4190];
	_ =	sdelay $0x3  }
0xff: {  	[tilespmem:$0x1B200] =	vst v14  }
0x100: {  	s1 =	sand.u32 $0x10, s15;
	[tilespmem:$0x1B210] =	vst v15  }
0x101: {  	v14 =	vld [tilespmem:s1+$0x3100];
	_ =	sdelay $0x4  }
0x102: {  	v15 =	vmov s15;
	v14 =	vsub.s32 v14, v1  }
0x103: {  	v14 =	vperm.xlane v14, v15;
	_ =	sdelay $0x1  }
0x104: {  	v15 =	vshll.u32 v14, $0x3  }
0x105: {  	v14 =	vand.u32 $0x7F, v14;
	v15 =	vand.u32 $0xFFFFFC00, v15  }
0x106: {  	v14 =	vor.u32 v14, v15  }
0x107: {  	v15 =	vadd.s32 v10, v14;
	_ =	sdelay $0x4  }
0x108: {  	v15 =	vld.idx.msk [tilespmem:v15+s14+$0x0], $0xffff  }
0x109: {  	v16 =	vadd.s32 v11, v14;
	_ =	sdelay $0x2  }
0x10a: {  	s15 =	simm.s32 $0x19220  }
0x10b: {  	[tilespmem:s15+$0xFFFFFFE0] =	vst v15  }
0x10c: {  	v15 =	vld.idx.msk [tilespmem:v16+s14+$0x0], $0xffff  }
0x10d: {  	v63 =	vadd.s32 v12, v14;
	_ =	sdelay $0x3  }
0x10e: {  	[tilespmem:s15+$0xFFFFFFF0] =	vst v15  }
0x10f: {  	v15 =	vld.idx.msk [tilespmem:v63+s14+$0x0], $0xffff  }
0x110: {  	v14 =	vadd.s32 v13, v14;
	_ =	sdelay $0x3  }
0x111: {  	[tilespmem:s15+$0x0] =	vst v15  }
0x112: {  	s21 =	simm.s32 $0x2;
	s1 =	simm.s32 $0x1;
	v14 =	vld.idx.msk [tilespmem:v14+s14+$0x0], $0xffff  }
.LBB2_13:
0x113: {  	_ =	sdelay $0x2  }
0x114: {  	s26 =	sand.u32 $0x10, s1  }
0x115: {  	s28 =	smov.u32 s21;
	s29 =	sadd.s32 $0x1, s21;
	[tilespmem:s15+$0x10] =	vst v14;
	s15 =	sadd.s32 $0x80, s15  }
0x116: {  	p1 =	sne.s32 s21, $0x1F;
	v14 =	vld [tilespmem:s26+$0x3100];
	_ =	sdelay $0x4  }
0x117: {  	v15 =	vmov s1;
	s1 =	smov.u32 s28;
	v14 =	vsub.s32 v14, v1  }
0x118: {  	v14 =	vperm.xlane v14, v15;
	_ =	sdelay $0x1  }
0x119: {  	v15 =	vshll.u32 v14, $0x3  }
0x11a: {  	v14 =	vand.u32 $0x7F, v14;
	v15 =	vand.u32 $0xFFFFFC00, v15  }
0x11b: {  	v14 =	vor.u32 v14, v15  }
0x11c: {  	v15 =	vadd.s32 v10, v14;
	_ =	sdelay $0x4  }
0x11d: {  	v15 =	vld.idx.msk [tilespmem:v15+s14+$0x0], $0xffff;
	_ =	sdelay $0x1  }
0x11e: {  	v16 =	vadd.s32 v11, v14;
	_ =	sdelay $0x3  }
0x11f: {  	[tilespmem:s15+$0xFFFFFFE0] =	vst v15  }
0x120: {  	v15 =	vld.idx.msk [tilespmem:v16+s14+$0x0], $0xffff;
	_ =	sdelay $0x1  }
0x121: {  	v16 =	vadd.s32 v12, v14;
	_ =	sdelay $0x3  }
0x122: {  	[tilespmem:s15+$0xFFFFFFF0] =	vst v15  }
0x123: {  	v15 =	vld.idx.msk [tilespmem:v16+s14+$0x0], $0xffff;
	_ =	sdelay $0x1  }
0x124: {  	v14 =	vadd.s32 v13, v14  }
.Ltmp8:
0x125: {  	(pc) =	sbr.rel @p1 .LBB2_13-.Ltmp8, $3  }
0x126: {  	_ =	sdelay $0x1  }
0x127: {  	[tilespmem:s15+$0x0] =	vst v15  }
0x128: {  	s21 =	smov.u32 s29;
	v14 =	vld.idx.msk [tilespmem:v14+s14+$0x0], $0xffff  }
0x129: {  	_ =	sdelay $0x3  }
0x12a: {  	s21 =	sand.u32 $0x10, s1;
	[tilespmem:s15+$0x10] =	vst v14  }
0x12b: {  	v14 =	vld [tilespmem:s21+$0x3100];
	_ =	sdelay $0x4  }
0x12c: {  	v15 =	vmov s1;
	v14 =	vsub.s32 v14, v1  }
0x12d: {  	v14 =	vperm.xlane v14, v15;
	_ =	sdelay $0x1  }
0x12e: {  	v15 =	vshll.u32 v14, $0x3  }
0x12f: {  	v14 =	vand.u32 $0x7F, v14;
	v15 =	vand.u32 $0xFFFFFC00, v15  }
0x130: {  	v14 =	vor.u32 v14, v15  }
0x131: {  	v15 =	vadd.s32 v10, v14;
	_ =	sdelay $0x4  }
0x132: {  	v15 =	vld.idx.msk [tilespmem:v15+s14+$0x0], $0xffff  }
0x133: {  	v16 =	vadd.s32 v11, v14;
	_ =	sdelay $0x2  }
0x134: {  	s21 =	sadd.s32 $0x80, s15  }
0x135: {  	[tilespmem:s21+$0xFFFFFFE0] =	vst v15  }
0x136: {  	v15 =	vld.idx.msk [tilespmem:v16+s14+$0x0], $0xffff  }
0x137: {  	v63 =	vadd.s32 v12, v14;
	_ =	sdelay $0x3  }
0x138: {  	[tilespmem:s21+$0xFFFFFFF0] =	vst v15  }
0x139: {  	v15 =	vld.idx.msk [tilespmem:v63+s14+$0x0], $0xffff  }
0x13a: {  	s0 =	sadd.s32 $0x1F, s0;
	v14 =	vadd.s32 v13, v14  }
0x13b: {  	s28 =	sand.u32 $0x1F, s0  }
0x13c: {  	s29 =	sshra.s32 s0, $0x1F;
	p1 =	slt.s32 s0, $0x1;
	p2 =	sne.s32 s28, $0x0  }
0x13d: {  	s30 =	sshrl.u32 s29, $0x1B;
	p1 =	por !p1, !p2  }
0x13e: {  	s1 =	simm.s32 $0x1;
	s0 =	sadd.s32 s30, s0;
	p1 =	por !p1, !p1;
	[tilespmem:s21+$0x0] =	vst v15  }
0x13f: {  	s0 =	sshra.s32 s0, $0x5;
	s1 =	simm.s32 @!p1 $0x0;
	v14 =	vld.idx.msk [tilespmem:v14+s14+$0x0], $0xffff  }
0x140: {  	s0 =	ssub.s32 s0, s1  }
0x141: {  	p1 =	slt.s32 s0, $0x2  }
.Ltmp9:
0x142: {  	_ = 	snop;
	(pc) =	sbr.rel @p1 .LBB2_18-.Ltmp9, $4  }
0x143: {  	_ = 	snop  }
0x144: {  	[tilespmem:s21+$0x10] =	vst v14;
	(ifvalue) =	ssetifvalue $0xFFFFFFFF  }
0x145: {  	s26 =	simm.s32 $0x1B200;
	s15 =	simm.s32 $0x1;
	(ifvalue) =	ssetifvalue $0xFFFFFFFF  }
0x146: {  	[hbm4b:s4+s20] =	stream.indirect.scatter [tilespmem:s22], [sflag:$0x1], $0x80, s26, s20, $0x40b8;
	[tilespmem:$0x1F600] =	vst v63  }
.LBB2_15:
0x147: {  	s1 =	sshll.u32 s15, $0x5  }
0x148: {  	v14 =	vld [tilespmem:s1+$0x4180];
	_ =	sdelay $0x2  }
0x149: {  	s21 =	sshll.u32 s15, $0x9  }
0x14a: {  	s21 =	sshra.s32 s21, $0x2  }
0x14b: {  	[tilespmem:s21+$0x1B400] =	vst v14  }
0x14c: {  	v15 =	vld [tilespmem:s1+$0x4190];
	s1 =	sadd.s32 $0x3100, s1  }
0x14d: {  	v14 =	vmov s1;
	_ =	sdelay $0x2  }
0x14e: {  	s30 =	simm.s32 $0x0  }
0x14f: {  	s26 =	sand.u32 $0x10, s30;
	[tilespmem:s21+$0x1B410] =	vst v15  }
0x150: {  	v15 =	vld.idx.msk [tilespmem:v14+s26+$0x0 ss:$0x1], $0xffff;
	_ =	sdelay $0x4  }
0x151: {  	v16 =	vmov s30;
	v15 =	vsub.s32 v15, v1  }
0x152: {  	v15 =	vperm.xlane v15, v16;
	_ =	sdelay $0x1  }
0x153: {  	v16 =	vshll.u32 v15, $0x3  }
0x154: {  	v15 =	vand.u32 $0x7F, v15;
	v16 =	vand.u32 $0xFFFFFC00, v16  }
0x155: {  	v15 =	vor.u32 v15, v16  }
0x156: {  	v16 =	vadd.s32 v10, v15;
	_ =	sdelay $0x4  }
0x157: {  	v16 =	vld.idx.msk [tilespmem:v16+s14+$0x0], $0xffff  }
0x158: {  	v17 =	vadd.s32 v11, v15;
	_ =	sdelay $0x2  }
0x159: {  	s26 =	simm.s32 $0x1A220  }
0x15a: {  	[tilespmem:s26+$0xFFFFFFE0] =	vst v16  }
0x15b: {  	v16 =	vld.idx.msk [tilespmem:v17+s14+$0x0], $0xffff  }
0x15c: {  	v17 =	vadd.s32 v12, v15;
	_ =	sdelay $0x3  }
0x15d: {  	[tilespmem:s26+$0xFFFFFFF0] =	vst v16  }
0x15e: {  	v16 =	vld.idx.msk [tilespmem:v17+s14+$0x0], $0xffff  }
0x15f: {  	v15 =	vadd.s32 v13, v15;
	_ =	sdelay $0x3  }
0x160: {  	[tilespmem:s26+$0x0] =	vst v16  }
0x161: {  	s28 =	simm.s32 $0x2;
	s1 =	simm.s32 $0x1;
	s21 =	sadd.s32 $0x1B400, s21;
	v15 =	vld.idx.msk [tilespmem:v15+s14+$0x0], $0xffff  }
.LBB2_16:
0x162: {  	_ =	sdelay $0x2  }
0x163: {  	s29 =	sand.u32 $0x10, s1  }
0x164: {  	s30 =	smov.u32 s28;
	s5 =	sadd.s32 $0x1, s28;
	[tilespmem:s26+$0x10] =	vst v15;
	s26 =	sadd.s32 $0x80, s26  }
0x165: {  	p1 =	sne.s32 s28, $0x1F;
	v15 =	vld.idx.msk [tilespmem:v14+s29+$0x0 ss:$0x1], $0xffff;
	_ =	sdelay $0x5  }
0x166: {  	v16 =	vmov s1;
	s1 =	smov.u32 s30;
	v15 =	vsub.s32 v15, v1  }
0x167: {  	v15 =	vperm.xlane v15, v16;
	_ =	sdelay $0x1  }
0x168: {  	v16 =	vshll.u32 v15, $0x3  }
0x169: {  	v15 =	vand.u32 $0x7F, v15;
	v16 =	vand.u32 $0xFFFFFC00, v16  }
0x16a: {  	v15 =	vor.u32 v15, v16  }
0x16b: {  	v16 =	vadd.s32 v10, v15;
	_ =	sdelay $0x4  }
0x16c: {  	v16 =	vld.idx.msk [tilespmem:v16+s14+$0x0], $0xffff;
	_ =	sdelay $0x1  }
0x16d: {  	v17 =	vadd.s32 v11, v15;
	_ =	sdelay $0x3  }
0x16e: {  	[tilespmem:s26+$0xFFFFFFE0] =	vst v16  }
0x16f: {  	v16 =	vld.idx.msk [tilespmem:v17+s14+$0x0], $0xffff;
	_ =	sdelay $0x1  }
0x170: {  	v17 =	vadd.s32 v12, v15;
	_ =	sdelay $0x3  }
0x171: {  	[tilespmem:s26+$0xFFFFFFF0] =	vst v16  }
0x172: {  	v16 =	vld.idx.msk [tilespmem:v17+s14+$0x0], $0xffff;
	_ =	sdelay $0x1  }
0x173: {  	v15 =	vadd.s32 v13, v15  }
.Ltmp10:
0x174: {  	(pc) =	sbr.rel @p1 .LBB2_16-.Ltmp10, $3  }
0x175: {  	_ =	sdelay $0x1  }
0x176: {  	[tilespmem:s26+$0x0] =	vst v16  }
0x177: {  	s28 =	smov.u32 s5;
	v15 =	vld.idx.msk [tilespmem:v15+s14+$0x0], $0xffff  }
0x178: {  	_ =	sdelay $0x3  }
0x179: {  	s5 =	sand.u32 $0x10, s1;
	[tilespmem:s26+$0x10] =	vst v15  }
0x17a: {  	v14 =	vld.idx.msk [tilespmem:v14+s5+$0x0 ss:$0x1], $0xffff;
	_ =	sdelay $0x4  }
0x17b: {  	v15 =	vmov s1;
	v14 =	vsub.s32 v14, v1  }
0x17c: {  	v14 =	vperm.xlane v14, v15;
	_ =	sdelay $0x1  }
0x17d: {  	v15 =	vshll.u32 v14, $0x3  }
0x17e: {  	v14 =	vand.u32 $0x7F, v14;
	v15 =	vand.u32 $0xFFFFFC00, v15  }
0x17f: {  	v14 =	vor.u32 v14, v15  }
0x180: {  	v15 =	vadd.s32 v10, v14;
	_ =	sdelay $0x4  }
0x181: {  	v15 =	vld.idx.msk [tilespmem:v15+s14+$0x0], $0xffff  }
0x182: {  	v16 =	vadd.s32 v11, v14;
	_ =	sdelay $0x2  }
0x183: {  	s30 =	sadd.s32 $0x80, s26  }
0x184: {  	[tilespmem:s30+$0xFFFFFFE0] =	vst v15  }
0x185: {  	v15 =	vld.idx.msk [tilespmem:v16+s14+$0x0], $0xffff  }
0x186: {  	v63 =	vadd.s32 v12, v14;
	_ =	sdelay $0x3  }
0x187: {  	[tilespmem:s30+$0xFFFFFFF0] =	vst v15  }
0x188: {  	v15 =	vld.idx.msk [tilespmem:v63+s14+$0x0], $0xffff  }
0x189: {  	v14 =	vadd.s32 v13, v14;
	_ =	sdelay $0x3  }
0x18a: {  	[tilespmem:s30+$0x0] =	vst v15  }
0x18b: {  	v14 =	vld.idx.msk [tilespmem:v14+s14+$0x0], $0xffff;
	_ =	sdelay $0x3  }
0x18c: {  	s15 =	sadd.s32 $0x1, s15  }
0x18d: {  	p1 =	sne.s32 s15, s0;
	[tilespmem:s30+$0x10] =	vst v14;
	(ifvalue) =	ssetifvalue $0xFFFFFFFF  }
.Ltmp11:
0x18e: {  	(ifvalue) =	ssetifvalue $0xFFFFFFFF;
	(pc) =	sbr.rel @p1 .LBB2_15-.Ltmp11, $4  }
0x18f: {  	[hbm4b:s4+s20] =	stream.indirect.scatter [tilespmem:s23], [sflag:$0x2], $0x80, s21, s20, $0x40b8;
	[tilespmem:$0x1F600] =	vst v63  }
0x190: {  	_ =	swait.ge [sflag:s24], $0x1000  }
0x191: {  	[sflag:s24] =	ssyncset.done $0x0  }
0x192: {  	[sflag:s24] =	ssyncadd.s32 $0xFFFFF000  }
.LBB2_18:
.Ltmp12:
0x193: {  	(pc) =	sbr.rel @p0 .LBB2_25-.Ltmp12, $3  }
0x194: {  	_ =	sdelay $0x1  }
0x195: {  	[tilespmem:s14], [sflag:$0x3] =	stream.strided.gather [hbm4b:s8+s12], $0xA000, s13, s12, $0x38;
	[tilespmem:$0x1F600] =	vst v63  }
0x196: {  	s15 =	simm.s32 $0x0;
	s0 =	simm.s32 $0x0  }
0x197: {  	p2 =	sne.s32 s2, $0x1  }
.Ltmp13:
0x198: {  	_ = 	snop;
	(pc) =	sbr.rel @!p2 .LBB2_20-.Ltmp13, $3  }
0x199: {  	_ =	sdelay $0x1  }
0x19a: {  	s1 =	simm.s32 $0x1000  }
0x19b: {  	s0 =	simm.s32 $0x2080;
	p1 =	por $0x0, $0x0;
	v14 =	vld [tilespmem:s1+$0x0];
	s1 =	sadd.s32 $0xFFFFFFFF, s2  }
0x19c: {  	_ =	sdelay $0x3  }
0x19d: {  	v15 =	vshrl.u32 v14, $0x7  }
0x19e: {  	v15 =	vmul.u32 $0xCCCD, v15;
	_ =	sdelay $0x1  }
0x19f: {  	v15 =	vand.u32 $0xFF800000, v15  }
0x1a0: {  	vm0 =	veq.s32 v15, $0x800000  }
0x1a1: {  	v15 =	vsel vm0, $0x1, v7  }
0x1a2: {  	(xrf0) =	vadd.scan.msk.s32 $0xffff, v15;
	_ =	sdelay $0x1  }
0x1a3: {  	v15 =	vld [tilespmem:s0+$0x0]  }
0x1a4: {  	p2 =	sne.s32 s1, $0x1  }
.Ltmp14:
0x1a5: {  	_ = 	snop;
	(pc) =	sbr.rel @!p2 .LBB2_22-.Ltmp14, $4  }
0x1a6: {  	_ = 	snop  }
0x1a7: {  	[tilespmem:s15+$0x3100] =	vst.msk vm0, v14;
	v14, _, _ =	vpop (xrf0)  }
0x1a8: {  	s26 =	simm.s32 $0x1010;
	s28 =	sadd.s32 $0xFFFFFFFF, s1;
	[tilespmem:s15+$0x4180] =	vst.msk vm0, v15;
	(v2sf) =	vpush v14, $0xF  }
0x1a9: {  	p1 =	por $0x1, $0x1;
	s1 =	simm.s32 $0x2080;
	s21 =	simm.s32 $0x0;
	v14 =	vld [tilespmem:s26+$0x0]  }
.LBB2_23:
0x1aa: {  	p2 =	sne.s32 s28, $0x1;
	_ =	sdelay $0x3  }
0x1ab: {  	v15 =	vshrl.u32 v14, $0x7  }
0x1ac: {  	v15 =	vmul.u32 $0xCCCD, v15;
	_ =	sdelay $0x1  }
0x1ad: {  	v15 =	vand.u32 $0xFF800000, v15  }
0x1ae: {  	vm0 =	veq.s32 v15, $0x800000  }
0x1af: {  	v15 =	vsel vm0, $0x1, v7  }
0x1b0: {  	s1 =	sadd.s32 $0x10, s1;
	(xrf0) =	vadd.scan.msk.s32 $0xffff, v15  }
0x1b1: {  	v15 =	vld [tilespmem:s1+$0x0];
	_ =	sdelay $0x1  }
0x1b2: {  	s5 =	spop (v2sf)  }
.Ltmp15:
0x1b3: {  	s21 =	sadd.s32 s21, s5;
	(pc) =	sbr.rel @p2 .LBB2_23-.Ltmp15, $4  }
0x1b4: {  	[tilespmem:s21+$0x3100] =	vst.msk vm0, v14  }
0x1b5: {  	[tilespmem:s21+$0x4180] =	vst.msk vm0, v15;
	v14, _, _ =	vpop (xrf0)  }
0x1b6: {  	s26 =	sadd.s32 $0x10, s26;
	(v2sf) =	vpush v14, $0xF  }
0x1b7: {  	s28 =	sadd.s32 $0xFFFFFFFF, s28;
	v14 =	vld [tilespmem:s26+$0x0]  }
.LBB2_24:
0x1b8: {  	_ =	sdelay $0x3  }
0x1b9: {  	v15 =	vshrl.u32 v14, $0x7  }
0x1ba: {  	v15 =	vmul.u32 $0xCCCD, v15;
	_ =	sdelay $0x1  }
0x1bb: {  	v15 =	vand.u32 $0xFF800000, v15  }
0x1bc: {  	vm0 =	veq.s32 v15, $0x800000  }
0x1bd: {  	v15 =	vsel vm0, $0x1, v7  }
0x1be: {  	(xrf0) =	vadd.scan.msk.s32 $0xffff, v15;
	_ =	sdelay $0x5  }
0x1bf: {  	v15, _, _ =	vpop (xrf0)  }
0x1c0: {  	(v2sf) =	vpush v15, $0xF;
	_ =	sdelay $0x8  }
0x1c1: {  	s1 =	sadd.s32 @p1 $0x10, s1  }
0x1c2: {  	s0 =	smov.u32 @p1 s1  }
0x1c3: {  	v15 =	vld [tilespmem:s0+$0x0]  }
0x1c4: {  	s0 =	spop @p1 (v2sf)  }
0x1c5: {  	s1 =	simm.s32 $0x0;
	s0 =	sadd.s32 @p1 s21, s0  }
0x1c6: {  	s1 =	smov.u32 @p1 s0  }
0x1c7: {  	[tilespmem:s1+$0x3100] =	vst.msk vm0, v14;
	s30 =	spop (v2sf)  }
0x1c8: {  	[tilespmem:s1+$0x4180] =	vst.msk vm0, v15;
	s0 =	sadd.s32 s1, s30  }
.LBB2_25:
0x1c9: {  	[tilespmem:s0+$0x4180] =	vst v9  }
0x1ca: {  	[tilespmem:s0+$0x3100] =	vst v2  }
0x1cb: {  	[tilespmem:s0+$0x4190] =	vst v9  }
0x1cc: {  	[tilespmem:s0+$0x3110] =	vst v2  }
0x1cd: {  	_ =	swait.ge [sflag:s25], $0xA000  }
0x1ce: {  	[sflag:s25] =	ssyncset.done $0x0  }
0x1cf: {  	[sflag:s25] =	ssyncadd.s32 $0xFFFF6000  }
0x1d0: {  	_ =	swait.ge [sflag:s18], $0x1000  }
0x1d1: {  	[sflag:s18] =	ssyncset.done $0x0  }
0x1d2: {  	[sflag:s18] =	ssyncadd.s32 $0xFFFFF000  }
0x1d3: {  	v14 =	vld [tilespmem:$0x4180]  }
0x1d4: {  	v15 =	vld [tilespmem:$0x4190];
	_ =	sdelay $0x3  }
0x1d5: {  	[tilespmem:$0x1B280] =	vst v14  }
0x1d6: {  	s1 =	sand.u32 $0x10, s15;
	[tilespmem:$0x1B290] =	vst v15  }
0x1d7: {  	v14 =	vld [tilespmem:s1+$0x3100];
	_ =	sdelay $0x4  }
0x1d8: {  	v15 =	vmov s15;
	v14 =	vsub.s32 v14, v2  }
0x1d9: {  	v14 =	vperm.xlane v14, v15;
	_ =	sdelay $0x1  }
0x1da: {  	v15 =	vshll.u32 v14, $0x3  }
0x1db: {  	v14 =	vand.u32 $0x7F, v14;
	v15 =	vand.u32 $0xFFFFFC00, v15  }
0x1dc: {  	v14 =	vor.u32 v14, v15  }
0x1dd: {  	v15 =	vadd.s32 v10, v14;
	_ =	sdelay $0x4  }
0x1de: {  	v15 =	vld.idx.msk [tilespmem:v15+s17+$0x0], $0xffff  }
0x1df: {  	v16 =	vadd.s32 v11, v14;
	_ =	sdelay $0x2  }
0x1e0: {  	s15 =	simm.s32 $0x19220  }
0x1e1: {  	[tilespmem:s15+$0xFFFFFFE0] =	vst v15  }
0x1e2: {  	v15 =	vld.idx.msk [tilespmem:v16+s17+$0x0], $0xffff  }
0x1e3: {  	v63 =	vadd.s32 v12, v14;
	_ =	sdelay $0x3  }
0x1e4: {  	[tilespmem:s15+$0xFFFFFFF0] =	vst v15  }
0x1e5: {  	v15 =	vld.idx.msk [tilespmem:v63+s17+$0x0], $0xffff  }
0x1e6: {  	v14 =	vadd.s32 v13, v14;
	_ =	sdelay $0x3  }
0x1e7: {  	[tilespmem:s15+$0x0] =	vst v15  }
0x1e8: {  	s21 =	simm.s32 $0x2;
	s1 =	simm.s32 $0x1;
	v14 =	vld.idx.msk [tilespmem:v14+s17+$0x0], $0xffff  }
.LBB2_26:
0x1e9: {  	_ =	sdelay $0x2  }
0x1ea: {  	s5 =	sand.u32 $0x10, s1  }
0x1eb: {  	s26 =	smov.u32 s21;
	s28 =	sadd.s32 $0x1, s21;
	[tilespmem:s15+$0x10] =	vst v14;
	s15 =	sadd.s32 $0x80, s15  }
0x1ec: {  	p1 =	sne.s32 s21, $0x1F;
	v14 =	vld [tilespmem:s5+$0x3100];
	_ =	sdelay $0x4  }
0x1ed: {  	v15 =	vmov s1;
	s1 =	smov.u32 s26;
	v14 =	vsub.s32 v14, v2  }
0x1ee: {  	v14 =	vperm.xlane v14, v15;
	_ =	sdelay $0x1  }
0x1ef: {  	v15 =	vshll.u32 v14, $0x3  }
0x1f0: {  	v14 =	vand.u32 $0x7F, v14;
	v15 =	vand.u32 $0xFFFFFC00, v15  }
0x1f1: {  	v14 =	vor.u32 v14, v15  }
0x1f2: {  	v15 =	vadd.s32 v10, v14;
	_ =	sdelay $0x4  }
0x1f3: {  	v15 =	vld.idx.msk [tilespmem:v15+s17+$0x0], $0xffff;
	_ =	sdelay $0x1  }
0x1f4: {  	v16 =	vadd.s32 v11, v14;
	_ =	sdelay $0x3  }
0x1f5: {  	[tilespmem:s15+$0xFFFFFFE0] =	vst v15  }
0x1f6: {  	v15 =	vld.idx.msk [tilespmem:v16+s17+$0x0], $0xffff;
	_ =	sdelay $0x1  }
0x1f7: {  	v16 =	vadd.s32 v12, v14;
	_ =	sdelay $0x3  }
0x1f8: {  	[tilespmem:s15+$0xFFFFFFF0] =	vst v15  }
0x1f9: {  	v15 =	vld.idx.msk [tilespmem:v16+s17+$0x0], $0xffff;
	_ =	sdelay $0x1  }
0x1fa: {  	v14 =	vadd.s32 v13, v14  }
.Ltmp16:
0x1fb: {  	(pc) =	sbr.rel @p1 .LBB2_26-.Ltmp16, $3  }
0x1fc: {  	_ =	sdelay $0x1  }
0x1fd: {  	[tilespmem:s15+$0x0] =	vst v15  }
0x1fe: {  	s21 =	smov.u32 s28;
	v14 =	vld.idx.msk [tilespmem:v14+s17+$0x0], $0xffff  }
0x1ff: {  	_ =	sdelay $0x3  }
0x200: {  	s5 =	sand.u32 $0x10, s1;
	[tilespmem:s15+$0x10] =	vst v14  }
0x201: {  	v14 =	vld [tilespmem:s5+$0x3100];
	_ =	sdelay $0x4  }
0x202: {  	v15 =	vmov s1;
	v14 =	vsub.s32 v14, v2  }
0x203: {  	v14 =	vperm.xlane v14, v15;
	_ =	sdelay $0x1  }
0x204: {  	v15 =	vshll.u32 v14, $0x3  }
0x205: {  	v14 =	vand.u32 $0x7F, v14;
	v15 =	vand.u32 $0xFFFFFC00, v15  }
0x206: {  	v14 =	vor.u32 v14, v15  }
0x207: {  	v15 =	vadd.s32 v10, v14;
	_ =	sdelay $0x4  }
0x208: {  	v15 =	vld.idx.msk [tilespmem:v15+s17+$0x0], $0xffff  }
0x209: {  	v16 =	vadd.s32 v11, v14;
	_ =	sdelay $0x2  }
0x20a: {  	s21 =	sadd.s32 $0x80, s15  }
0x20b: {  	[tilespmem:s21+$0xFFFFFFE0] =	vst v15  }
0x20c: {  	v15 =	vld.idx.msk [tilespmem:v16+s17+$0x0], $0xffff  }
0x20d: {  	v63 =	vadd.s32 v12, v14;
	_ =	sdelay $0x3  }
0x20e: {  	[tilespmem:s21+$0xFFFFFFF0] =	vst v15  }
0x20f: {  	v15 =	vld.idx.msk [tilespmem:v63+s17+$0x0], $0xffff  }
0x210: {  	s0 =	sadd.s32 $0x1F, s0;
	v14 =	vadd.s32 v13, v14  }
0x211: {  	s28 =	sand.u32 $0x1F, s0  }
0x212: {  	s29 =	sshra.s32 s0, $0x1F;
	p1 =	slt.s32 s0, $0x1;
	p2 =	sne.s32 s28, $0x0  }
0x213: {  	s30 =	sshrl.u32 s29, $0x1B;
	p1 =	por !p1, !p2  }
0x214: {  	s1 =	simm.s32 $0x1;
	s0 =	sadd.s32 s30, s0;
	p1 =	por !p1, !p1;
	[tilespmem:s21+$0x0] =	vst v15  }
0x215: {  	s0 =	sshra.s32 s0, $0x5;
	s1 =	simm.s32 @!p1 $0x0;
	v14 =	vld.idx.msk [tilespmem:v14+s17+$0x0], $0xffff  }
0x216: {  	s0 =	ssub.s32 s0, s1  }
0x217: {  	p1 =	slt.s32 s0, $0x2  }
.Ltmp17:
0x218: {  	_ = 	snop;
	(pc) =	sbr.rel @p1 .LBB2_31-.Ltmp17, $4  }
0x219: {  	_ = 	snop  }
0x21a: {  	[tilespmem:s21+$0x10] =	vst v14;
	(ifvalue) =	ssetifvalue $0xFFFFFFFF  }
0x21b: {  	s26 =	simm.s32 $0x1B280;
	s15 =	simm.s32 $0x1;
	(ifvalue) =	ssetifvalue $0xFFFFFFFF  }
0x21c: {  	[hbm4b:s4+s20] =	stream.indirect.scatter [tilespmem:s22], [sflag:$0x1], $0x80, s26, s20, $0x40b8;
	[tilespmem:$0x1F600] =	vst v63  }
.LBB2_28:
0x21d: {  	s1 =	sshll.u32 s15, $0x5  }
0x21e: {  	v14 =	vld [tilespmem:s1+$0x4180];
	_ =	sdelay $0x2  }
0x21f: {  	s5 =	sshll.u32 s15, $0x9  }
0x220: {  	s5 =	sshra.s32 s5, $0x2  }
0x221: {  	[tilespmem:s5+$0x1B400] =	vst v14  }
0x222: {  	v15 =	vld [tilespmem:s1+$0x4190];
	s1 =	sadd.s32 $0x3100, s1  }
0x223: {  	v14 =	vmov s1;
	_ =	sdelay $0x2  }
0x224: {  	s30 =	simm.s32 $0x0  }
0x225: {  	s21 =	sand.u32 $0x10, s30;
	[tilespmem:s5+$0x1B410] =	vst v15  }
0x226: {  	v15 =	vld.idx.msk [tilespmem:v14+s21+$0x0 ss:$0x1], $0xffff;
	_ =	sdelay $0x4  }
0x227: {  	v16 =	vmov s30;
	v15 =	vsub.s32 v15, v2  }
0x228: {  	v15 =	vperm.xlane v15, v16;
	_ =	sdelay $0x1  }
0x229: {  	v16 =	vshll.u32 v15, $0x3  }
0x22a: {  	v15 =	vand.u32 $0x7F, v15;
	v16 =	vand.u32 $0xFFFFFC00, v16  }
0x22b: {  	v15 =	vor.u32 v15, v16  }
0x22c: {  	v16 =	vadd.s32 v10, v15;
	_ =	sdelay $0x4  }
0x22d: {  	v16 =	vld.idx.msk [tilespmem:v16+s17+$0x0], $0xffff  }
0x22e: {  	v17 =	vadd.s32 v11, v15;
	_ =	sdelay $0x2  }
0x22f: {  	s26 =	simm.s32 $0x1A220  }
0x230: {  	[tilespmem:s26+$0xFFFFFFE0] =	vst v16  }
0x231: {  	v16 =	vld.idx.msk [tilespmem:v17+s17+$0x0], $0xffff  }
0x232: {  	v17 =	vadd.s32 v12, v15;
	_ =	sdelay $0x3  }
0x233: {  	[tilespmem:s26+$0xFFFFFFF0] =	vst v16  }
0x234: {  	v16 =	vld.idx.msk [tilespmem:v17+s17+$0x0], $0xffff  }
0x235: {  	v15 =	vadd.s32 v13, v15;
	_ =	sdelay $0x3  }
0x236: {  	[tilespmem:s26+$0x0] =	vst v16  }
0x237: {  	s28 =	simm.s32 $0x2;
	s1 =	simm.s32 $0x1;
	s21 =	sadd.s32 $0x1B400, s5;
	v15 =	vld.idx.msk [tilespmem:v15+s17+$0x0], $0xffff  }
.LBB2_29:
0x238: {  	_ =	sdelay $0x2  }
0x239: {  	s5 =	sand.u32 $0x10, s1  }
0x23a: {  	s29 =	smov.u32 s28;
	s30 =	sadd.s32 $0x1, s28;
	[tilespmem:s26+$0x10] =	vst v15;
	s26 =	sadd.s32 $0x80, s26  }
0x23b: {  	p1 =	sne.s32 s28, $0x1F;
	v15 =	vld.idx.msk [tilespmem:v14+s5+$0x0 ss:$0x1], $0xffff;
	_ =	sdelay $0x5  }
0x23c: {  	v16 =	vmov s1;
	s1 =	smov.u32 s29;
	v15 =	vsub.s32 v15, v2  }
0x23d: {  	v15 =	vperm.xlane v15, v16;
	_ =	sdelay $0x1  }
0x23e: {  	v16 =	vshll.u32 v15, $0x3  }
0x23f: {  	v15 =	vand.u32 $0x7F, v15;
	v16 =	vand.u32 $0xFFFFFC00, v16  }
0x240: {  	v15 =	vor.u32 v15, v16  }
0x241: {  	v16 =	vadd.s32 v10, v15;
	_ =	sdelay $0x4  }
0x242: {  	v16 =	vld.idx.msk [tilespmem:v16+s17+$0x0], $0xffff;
	_ =	sdelay $0x1  }
0x243: {  	v17 =	vadd.s32 v11, v15;
	_ =	sdelay $0x3  }
0x244: {  	[tilespmem:s26+$0xFFFFFFE0] =	vst v16  }
0x245: {  	v16 =	vld.idx.msk [tilespmem:v17+s17+$0x0], $0xffff;
	_ =	sdelay $0x1  }
0x246: {  	v17 =	vadd.s32 v12, v15;
	_ =	sdelay $0x3  }
0x247: {  	[tilespmem:s26+$0xFFFFFFF0] =	vst v16  }
0x248: {  	v16 =	vld.idx.msk [tilespmem:v17+s17+$0x0], $0xffff;
	_ =	sdelay $0x1  }
0x249: {  	v15 =	vadd.s32 v13, v15  }
.Ltmp18:
0x24a: {  	(pc) =	sbr.rel @p1 .LBB2_29-.Ltmp18, $3  }
0x24b: {  	_ =	sdelay $0x1  }
0x24c: {  	[tilespmem:s26+$0x0] =	vst v16  }
0x24d: {  	s28 =	smov.u32 s30;
	v15 =	vld.idx.msk [tilespmem:v15+s17+$0x0], $0xffff  }
0x24e: {  	_ =	sdelay $0x3  }
0x24f: {  	s5 =	sand.u32 $0x10, s1;
	[tilespmem:s26+$0x10] =	vst v15  }
0x250: {  	v14 =	vld.idx.msk [tilespmem:v14+s5+$0x0 ss:$0x1], $0xffff;
	_ =	sdelay $0x4  }
0x251: {  	v15 =	vmov s1;
	v14 =	vsub.s32 v14, v2  }
0x252: {  	v14 =	vperm.xlane v14, v15;
	_ =	sdelay $0x1  }
0x253: {  	v15 =	vshll.u32 v14, $0x3  }
0x254: {  	v14 =	vand.u32 $0x7F, v14;
	v15 =	vand.u32 $0xFFFFFC00, v15  }
0x255: {  	v14 =	vor.u32 v14, v15  }
0x256: {  	v15 =	vadd.s32 v10, v14;
	_ =	sdelay $0x4  }
0x257: {  	v15 =	vld.idx.msk [tilespmem:v15+s17+$0x0], $0xffff  }
0x258: {  	v16 =	vadd.s32 v11, v14;
	_ =	sdelay $0x2  }
0x259: {  	s30 =	sadd.s32 $0x80, s26  }
0x25a: {  	[tilespmem:s30+$0xFFFFFFE0] =	vst v15  }
0x25b: {  	v15 =	vld.idx.msk [tilespmem:v16+s17+$0x0], $0xffff  }
0x25c: {  	v63 =	vadd.s32 v12, v14;
	_ =	sdelay $0x3  }
0x25d: {  	[tilespmem:s30+$0xFFFFFFF0] =	vst v15  }
0x25e: {  	v15 =	vld.idx.msk [tilespmem:v63+s17+$0x0], $0xffff  }
0x25f: {  	v14 =	vadd.s32 v13, v14;
	_ =	sdelay $0x3  }
0x260: {  	[tilespmem:s30+$0x0] =	vst v15  }
0x261: {  	v14 =	vld.idx.msk [tilespmem:v14+s17+$0x0], $0xffff;
	_ =	sdelay $0x3  }
0x262: {  	s15 =	sadd.s32 $0x1, s15  }
0x263: {  	p1 =	sne.s32 s15, s0;
	[tilespmem:s30+$0x10] =	vst v14;
	(ifvalue) =	ssetifvalue $0xFFFFFFFF  }
.Ltmp19:
0x264: {  	(ifvalue) =	ssetifvalue $0xFFFFFFFF;
	(pc) =	sbr.rel @p1 .LBB2_28-.Ltmp19, $4  }
0x265: {  	[hbm4b:s4+s20] =	stream.indirect.scatter [tilespmem:s23], [sflag:$0x2], $0x80, s21, s20, $0x40b8;
	[tilespmem:$0x1F600] =	vst v63  }
0x266: {  	_ =	swait.ge [sflag:s24], $0x1000  }
0x267: {  	[sflag:s24] =	ssyncset.done $0x0  }
0x268: {  	[sflag:s24] =	ssyncadd.s32 $0xFFFFF000  }
.LBB2_31:
.Ltmp20:
0x269: {  	(pc) =	sbr.rel @p0 .LBB2_38-.Ltmp20, $3  }
0x26a: {  	_ =	sdelay $0x1  }
0x26b: {  	[tilespmem:s17], [sflag:$0x4] =	stream.strided.gather [hbm4b:s9+s12], $0xA000, s13, s12, $0x38;
	[tilespmem:$0x1F600] =	vst v63  }
0x26c: {  	s15 =	simm.s32 $0x0;
	s0 =	simm.s32 $0x0  }
0x26d: {  	p2 =	sne.s32 s2, $0x1  }
.Ltmp21:
0x26e: {  	_ = 	snop;
	(pc) =	sbr.rel @!p2 .LBB2_33-.Ltmp21, $3  }
0x26f: {  	_ =	sdelay $0x1  }
0x270: {  	s1 =	simm.s32 $0x1000  }
0x271: {  	s0 =	simm.s32 $0x2080;
	p1 =	por $0x0, $0x0;
	v14 =	vld [tilespmem:s1+$0x0];
	s1 =	sadd.s32 $0xFFFFFFFF, s2  }
0x272: {  	_ =	sdelay $0x3  }
0x273: {  	v15 =	vshrl.u32 v14, $0x7  }
0x274: {  	v15 =	vmul.u32 $0xCCCD, v15;
	_ =	sdelay $0x1  }
0x275: {  	v15 =	vand.u32 $0xFF800000, v15  }
0x276: {  	vm0 =	veq.s32 v15, $0x1000000  }
0x277: {  	v15 =	vsel vm0, $0x1, v7  }
0x278: {  	(xrf0) =	vadd.scan.msk.s32 $0xffff, v15;
	_ =	sdelay $0x1  }
0x279: {  	v15 =	vld [tilespmem:s0+$0x0]  }
0x27a: {  	p2 =	sne.s32 s1, $0x1  }
.Ltmp22:
0x27b: {  	_ = 	snop;
	(pc) =	sbr.rel @!p2 .LBB2_35-.Ltmp22, $4  }
0x27c: {  	_ = 	snop  }
0x27d: {  	[tilespmem:s15+$0x3100] =	vst.msk vm0, v14;
	v14, _, _ =	vpop (xrf0)  }
0x27e: {  	s26 =	simm.s32 $0x1010;
	s28 =	sadd.s32 $0xFFFFFFFF, s1;
	[tilespmem:s15+$0x4180] =	vst.msk vm0, v15;
	(v2sf) =	vpush v14, $0xF  }
0x27f: {  	p1 =	por $0x1, $0x1;
	s1 =	simm.s32 $0x2080;
	s21 =	simm.s32 $0x0;
	v14 =	vld [tilespmem:s26+$0x0]  }
.LBB2_36:
0x280: {  	p2 =	sne.s32 s28, $0x1;
	_ =	sdelay $0x3  }
0x281: {  	v15 =	vshrl.u32 v14, $0x7  }
0x282: {  	v15 =	vmul.u32 $0xCCCD, v15;
	_ =	sdelay $0x1  }
0x283: {  	v15 =	vand.u32 $0xFF800000, v15  }
0x284: {  	vm0 =	veq.s32 v15, $0x1000000  }
0x285: {  	v15 =	vsel vm0, $0x1, v7  }
0x286: {  	s1 =	sadd.s32 $0x10, s1;
	(xrf0) =	vadd.scan.msk.s32 $0xffff, v15  }
0x287: {  	v15 =	vld [tilespmem:s1+$0x0];
	_ =	sdelay $0x1  }
0x288: {  	s5 =	spop (v2sf)  }
.Ltmp23:
0x289: {  	s21 =	sadd.s32 s21, s5;
	(pc) =	sbr.rel @p2 .LBB2_36-.Ltmp23, $4  }
0x28a: {  	[tilespmem:s21+$0x3100] =	vst.msk vm0, v14  }
0x28b: {  	[tilespmem:s21+$0x4180] =	vst.msk vm0, v15;
	v14, _, _ =	vpop (xrf0)  }
0x28c: {  	s26 =	sadd.s32 $0x10, s26;
	(v2sf) =	vpush v14, $0xF  }
0x28d: {  	s28 =	sadd.s32 $0xFFFFFFFF, s28;
	v14 =	vld [tilespmem:s26+$0x0]  }
.LBB2_37:
0x28e: {  	_ =	sdelay $0x3  }
0x28f: {  	v15 =	vshrl.u32 v14, $0x7  }
0x290: {  	v15 =	vmul.u32 $0xCCCD, v15;
	_ =	sdelay $0x1  }
0x291: {  	v15 =	vand.u32 $0xFF800000, v15  }
0x292: {  	vm0 =	veq.s32 v15, $0x1000000  }
0x293: {  	v15 =	vsel vm0, $0x1, v7  }
0x294: {  	(xrf0) =	vadd.scan.msk.s32 $0xffff, v15;
	_ =	sdelay $0x5  }
0x295: {  	v15, _, _ =	vpop (xrf0)  }
0x296: {  	(v2sf) =	vpush v15, $0xF;
	_ =	sdelay $0x8  }
0x297: {  	s1 =	sadd.s32 @p1 $0x10, s1  }
0x298: {  	s0 =	smov.u32 @p1 s1  }
0x299: {  	v15 =	vld [tilespmem:s0+$0x0]  }
0x29a: {  	s0 =	spop @p1 (v2sf)  }
0x29b: {  	s1 =	simm.s32 $0x0;
	s0 =	sadd.s32 @p1 s21, s0  }
0x29c: {  	s1 =	smov.u32 @p1 s0  }
0x29d: {  	[tilespmem:s1+$0x3100] =	vst.msk vm0, v14;
	s30 =	spop (v2sf)  }
0x29e: {  	[tilespmem:s1+$0x4180] =	vst.msk vm0, v15;
	s0 =	sadd.s32 s1, s30  }
.LBB2_38:
0x29f: {  	[tilespmem:s0+$0x4180] =	vst v9  }
0x2a0: {  	[tilespmem:s0+$0x3100] =	vst v3  }
0x2a1: {  	[tilespmem:s0+$0x4190] =	vst v9  }
0x2a2: {  	[tilespmem:s0+$0x3110] =	vst v3  }
0x2a3: {  	_ =	swait.ge [sflag:s19], $0xA000  }
0x2a4: {  	[sflag:s19] =	ssyncset.done $0x0  }
0x2a5: {  	[sflag:s19] =	ssyncadd.s32 $0xFFFF6000  }
0x2a6: {  	_ =	swait.ge [sflag:s18], $0x1000  }
0x2a7: {  	[sflag:s18] =	ssyncset.done $0x0  }
0x2a8: {  	[sflag:s18] =	ssyncadd.s32 $0xFFFFF000  }
0x2a9: {  	v14 =	vld [tilespmem:$0x4180]  }
0x2aa: {  	v15 =	vld [tilespmem:$0x4190];
	_ =	sdelay $0x3  }
0x2ab: {  	[tilespmem:$0x1B300] =	vst v14  }
0x2ac: {  	s1 =	sand.u32 $0x10, s15;
	[tilespmem:$0x1B310] =	vst v15  }
0x2ad: {  	v14 =	vld [tilespmem:s1+$0x3100];
	_ =	sdelay $0x4  }
0x2ae: {  	v15 =	vmov s15;
	v14 =	vsub.s32 v14, v3  }
0x2af: {  	v14 =	vperm.xlane v14, v15;
	_ =	sdelay $0x1  }
0x2b0: {  	v15 =	vshll.u32 v14, $0x3  }
0x2b1: {  	v14 =	vand.u32 $0x7F, v14;
	v15 =	vand.u32 $0xFFFFFC00, v15  }
0x2b2: {  	v14 =	vor.u32 v14, v15  }
0x2b3: {  	v15 =	vadd.s32 v10, v14;
	_ =	sdelay $0x4  }
0x2b4: {  	v15 =	vld.idx.msk [tilespmem:v15+s14+$0x0], $0xffff  }
0x2b5: {  	v16 =	vadd.s32 v11, v14;
	_ =	sdelay $0x2  }
0x2b6: {  	s15 =	simm.s32 $0x19220  }
0x2b7: {  	[tilespmem:s15+$0xFFFFFFE0] =	vst v15  }
0x2b8: {  	v15 =	vld.idx.msk [tilespmem:v16+s14+$0x0], $0xffff  }
0x2b9: {  	v63 =	vadd.s32 v12, v14;
	_ =	sdelay $0x3  }
0x2ba: {  	[tilespmem:s15+$0xFFFFFFF0] =	vst v15  }
0x2bb: {  	v15 =	vld.idx.msk [tilespmem:v63+s14+$0x0], $0xffff  }
0x2bc: {  	v14 =	vadd.s32 v13, v14;
	_ =	sdelay $0x3  }
0x2bd: {  	[tilespmem:s15+$0x0] =	vst v15  }
0x2be: {  	s21 =	simm.s32 $0x2;
	s1 =	simm.s32 $0x1;
	v14 =	vld.idx.msk [tilespmem:v14+s14+$0x0], $0xffff  }
.LBB2_39:
0x2bf: {  	_ =	sdelay $0x2  }
0x2c0: {  	s5 =	sand.u32 $0x10, s1  }
0x2c1: {  	s26 =	smov.u32 s21;
	s28 =	sadd.s32 $0x1, s21;
	[tilespmem:s15+$0x10] =	vst v14;
	s15 =	sadd.s32 $0x80, s15  }
0x2c2: {  	p1 =	sne.s32 s21, $0x1F;
	v14 =	vld [tilespmem:s5+$0x3100];
	_ =	sdelay $0x4  }
0x2c3: {  	v15 =	vmov s1;
	s1 =	smov.u32 s26;
	v14 =	vsub.s32 v14, v3  }
0x2c4: {  	v14 =	vperm.xlane v14, v15;
	_ =	sdelay $0x1  }
0x2c5: {  	v15 =	vshll.u32 v14, $0x3  }
0x2c6: {  	v14 =	vand.u32 $0x7F, v14;
	v15 =	vand.u32 $0xFFFFFC00, v15  }
0x2c7: {  	v14 =	vor.u32 v14, v15  }
0x2c8: {  	v15 =	vadd.s32 v10, v14;
	_ =	sdelay $0x4  }
0x2c9: {  	v15 =	vld.idx.msk [tilespmem:v15+s14+$0x0], $0xffff;
	_ =	sdelay $0x1  }
0x2ca: {  	v16 =	vadd.s32 v11, v14;
	_ =	sdelay $0x3  }
0x2cb: {  	[tilespmem:s15+$0xFFFFFFE0] =	vst v15  }
0x2cc: {  	v15 =	vld.idx.msk [tilespmem:v16+s14+$0x0], $0xffff;
	_ =	sdelay $0x1  }
0x2cd: {  	v16 =	vadd.s32 v12, v14;
	_ =	sdelay $0x3  }
0x2ce: {  	[tilespmem:s15+$0xFFFFFFF0] =	vst v15  }
0x2cf: {  	v15 =	vld.idx.msk [tilespmem:v16+s14+$0x0], $0xffff;
	_ =	sdelay $0x1  }
0x2d0: {  	v14 =	vadd.s32 v13, v14  }
.Ltmp24:
0x2d1: {  	(pc) =	sbr.rel @p1 .LBB2_39-.Ltmp24, $3  }
0x2d2: {  	_ =	sdelay $0x1  }
0x2d3: {  	[tilespmem:s15+$0x0] =	vst v15  }
0x2d4: {  	s21 =	smov.u32 s28;
	v14 =	vld.idx.msk [tilespmem:v14+s14+$0x0], $0xffff  }
0x2d5: {  	_ =	sdelay $0x3  }
0x2d6: {  	s5 =	sand.u32 $0x10, s1;
	[tilespmem:s15+$0x10] =	vst v14  }
0x2d7: {  	v14 =	vld [tilespmem:s5+$0x3100];
	_ =	sdelay $0x4  }
0x2d8: {  	v15 =	vmov s1;
	v14 =	vsub.s32 v14, v3  }
0x2d9: {  	v14 =	vperm.xlane v14, v15;
	_ =	sdelay $0x1  }
0x2da: {  	v15 =	vshll.u32 v14, $0x3  }
0x2db: {  	v14 =	vand.u32 $0x7F, v14;
	v15 =	vand.u32 $0xFFFFFC00, v15  }
0x2dc: {  	v14 =	vor.u32 v14, v15  }
0x2dd: {  	v15 =	vadd.s32 v10, v14;
	_ =	sdelay $0x4  }
0x2de: {  	v15 =	vld.idx.msk [tilespmem:v15+s14+$0x0], $0xffff  }
0x2df: {  	v16 =	vadd.s32 v11, v14;
	_ =	sdelay $0x2  }
0x2e0: {  	s21 =	sadd.s32 $0x80, s15  }
0x2e1: {  	[tilespmem:s21+$0xFFFFFFE0] =	vst v15  }
0x2e2: {  	v15 =	vld.idx.msk [tilespmem:v16+s14+$0x0], $0xffff  }
0x2e3: {  	v63 =	vadd.s32 v12, v14;
	_ =	sdelay $0x3  }
0x2e4: {  	[tilespmem:s21+$0xFFFFFFF0] =	vst v15  }
0x2e5: {  	v15 =	vld.idx.msk [tilespmem:v63+s14+$0x0], $0xffff  }
0x2e6: {  	s0 =	sadd.s32 $0x1F, s0;
	v14 =	vadd.s32 v13, v14  }
0x2e7: {  	s28 =	sand.u32 $0x1F, s0  }
0x2e8: {  	s29 =	sshra.s32 s0, $0x1F;
	p1 =	slt.s32 s0, $0x1;
	p2 =	sne.s32 s28, $0x0  }
0x2e9: {  	s30 =	sshrl.u32 s29, $0x1B;
	p1 =	por !p1, !p2  }
0x2ea: {  	s1 =	simm.s32 $0x1;
	s0 =	sadd.s32 s30, s0;
	p1 =	por !p1, !p1;
	[tilespmem:s21+$0x0] =	vst v15  }
0x2eb: {  	s0 =	sshra.s32 s0, $0x5;
	s1 =	simm.s32 @!p1 $0x0;
	v14 =	vld.idx.msk [tilespmem:v14+s14+$0x0], $0xffff  }
0x2ec: {  	s0 =	ssub.s32 s0, s1  }
0x2ed: {  	p1 =	slt.s32 s0, $0x2  }
.Ltmp25:
0x2ee: {  	_ = 	snop;
	(pc) =	sbr.rel @p1 .LBB2_44-.Ltmp25, $4  }
0x2ef: {  	_ = 	snop  }
0x2f0: {  	[tilespmem:s21+$0x10] =	vst v14;
	(ifvalue) =	ssetifvalue $0xFFFFFFFF  }
0x2f1: {  	s26 =	simm.s32 $0x1B300;
	s15 =	simm.s32 $0x1;
	(ifvalue) =	ssetifvalue $0xFFFFFFFF  }
0x2f2: {  	[hbm4b:s4+s20] =	stream.indirect.scatter [tilespmem:s22], [sflag:$0x1], $0x80, s26, s20, $0x40b8;
	[tilespmem:$0x1F600] =	vst v63  }
.LBB2_41:
0x2f3: {  	s1 =	sshll.u32 s15, $0x5  }
0x2f4: {  	v14 =	vld [tilespmem:s1+$0x4180];
	_ =	sdelay $0x2  }
0x2f5: {  	s5 =	sshll.u32 s15, $0x9  }
0x2f6: {  	s5 =	sshra.s32 s5, $0x2  }
0x2f7: {  	[tilespmem:s5+$0x1B400] =	vst v14  }
0x2f8: {  	v15 =	vld [tilespmem:s1+$0x4190];
	s1 =	sadd.s32 $0x3100, s1  }
0x2f9: {  	v14 =	vmov s1;
	_ =	sdelay $0x2  }
0x2fa: {  	s30 =	simm.s32 $0x0  }
0x2fb: {  	s21 =	sand.u32 $0x10, s30;
	[tilespmem:s5+$0x1B410] =	vst v15  }
0x2fc: {  	v15 =	vld.idx.msk [tilespmem:v14+s21+$0x0 ss:$0x1], $0xffff;
	_ =	sdelay $0x4  }
0x2fd: {  	v16 =	vmov s30;
	v15 =	vsub.s32 v15, v3  }
0x2fe: {  	v15 =	vperm.xlane v15, v16;
	_ =	sdelay $0x1  }
0x2ff: {  	v16 =	vshll.u32 v15, $0x3  }
0x300: {  	v15 =	vand.u32 $0x7F, v15;
	v16 =	vand.u32 $0xFFFFFC00, v16  }
0x301: {  	v15 =	vor.u32 v15, v16  }
0x302: {  	v16 =	vadd.s32 v10, v15;
	_ =	sdelay $0x4  }
0x303: {  	v16 =	vld.idx.msk [tilespmem:v16+s14+$0x0], $0xffff  }
0x304: {  	v17 =	vadd.s32 v11, v15;
	_ =	sdelay $0x2  }
0x305: {  	s26 =	simm.s32 $0x1A220  }
0x306: {  	[tilespmem:s26+$0xFFFFFFE0] =	vst v16  }
0x307: {  	v16 =	vld.idx.msk [tilespmem:v17+s14+$0x0], $0xffff  }
0x308: {  	v17 =	vadd.s32 v12, v15;
	_ =	sdelay $0x3  }
0x309: {  	[tilespmem:s26+$0xFFFFFFF0] =	vst v16  }
0x30a: {  	v16 =	vld.idx.msk [tilespmem:v17+s14+$0x0], $0xffff  }
0x30b: {  	v15 =	vadd.s32 v13, v15;
	_ =	sdelay $0x3  }
0x30c: {  	[tilespmem:s26+$0x0] =	vst v16  }
0x30d: {  	s28 =	simm.s32 $0x2;
	s1 =	simm.s32 $0x1;
	s21 =	sadd.s32 $0x1B400, s5;
	v15 =	vld.idx.msk [tilespmem:v15+s14+$0x0], $0xffff  }
.LBB2_42:
0x30e: {  	_ =	sdelay $0x2  }
0x30f: {  	s5 =	sand.u32 $0x10, s1  }
0x310: {  	s29 =	smov.u32 s28;
	s30 =	sadd.s32 $0x1, s28;
	[tilespmem:s26+$0x10] =	vst v15;
	s26 =	sadd.s32 $0x80, s26  }
0x311: {  	p1 =	sne.s32 s28, $0x1F;
	v15 =	vld.idx.msk [tilespmem:v14+s5+$0x0 ss:$0x1], $0xffff;
	_ =	sdelay $0x5  }
0x312: {  	v16 =	vmov s1;
	s1 =	smov.u32 s29;
	v15 =	vsub.s32 v15, v3  }
0x313: {  	v15 =	vperm.xlane v15, v16;
	_ =	sdelay $0x1  }
0x314: {  	v16 =	vshll.u32 v15, $0x3  }
0x315: {  	v15 =	vand.u32 $0x7F, v15;
	v16 =	vand.u32 $0xFFFFFC00, v16  }
0x316: {  	v15 =	vor.u32 v15, v16  }
0x317: {  	v16 =	vadd.s32 v10, v15;
	_ =	sdelay $0x4  }
0x318: {  	v16 =	vld.idx.msk [tilespmem:v16+s14+$0x0], $0xffff;
	_ =	sdelay $0x1  }
0x319: {  	v17 =	vadd.s32 v11, v15;
	_ =	sdelay $0x3  }
0x31a: {  	[tilespmem:s26+$0xFFFFFFE0] =	vst v16  }
0x31b: {  	v16 =	vld.idx.msk [tilespmem:v17+s14+$0x0], $0xffff;
	_ =	sdelay $0x1  }
0x31c: {  	v17 =	vadd.s32 v12, v15;
	_ =	sdelay $0x3  }
0x31d: {  	[tilespmem:s26+$0xFFFFFFF0] =	vst v16  }
0x31e: {  	v16 =	vld.idx.msk [tilespmem:v17+s14+$0x0], $0xffff;
	_ =	sdelay $0x1  }
0x31f: {  	v15 =	vadd.s32 v13, v15  }
.Ltmp26:
0x320: {  	(pc) =	sbr.rel @p1 .LBB2_42-.Ltmp26, $3  }
0x321: {  	_ =	sdelay $0x1  }
0x322: {  	[tilespmem:s26+$0x0] =	vst v16  }
0x323: {  	s28 =	smov.u32 s30;
	v15 =	vld.idx.msk [tilespmem:v15+s14+$0x0], $0xffff  }
0x324: {  	_ =	sdelay $0x3  }
0x325: {  	s5 =	sand.u32 $0x10, s1;
	[tilespmem:s26+$0x10] =	vst v15  }
0x326: {  	v14 =	vld.idx.msk [tilespmem:v14+s5+$0x0 ss:$0x1], $0xffff;
	_ =	sdelay $0x4  }
0x327: {  	v15 =	vmov s1;
	v14 =	vsub.s32 v14, v3  }
0x328: {  	v14 =	vperm.xlane v14, v15;
	_ =	sdelay $0x1  }
0x329: {  	v15 =	vshll.u32 v14, $0x3  }
0x32a: {  	v14 =	vand.u32 $0x7F, v14;
	v15 =	vand.u32 $0xFFFFFC00, v15  }
0x32b: {  	v14 =	vor.u32 v14, v15  }
0x32c: {  	v15 =	vadd.s32 v10, v14;
	_ =	sdelay $0x4  }
0x32d: {  	v15 =	vld.idx.msk [tilespmem:v15+s14+$0x0], $0xffff  }
0x32e: {  	v16 =	vadd.s32 v11, v14;
	_ =	sdelay $0x2  }
0x32f: {  	s30 =	sadd.s32 $0x80, s26  }
0x330: {  	[tilespmem:s30+$0xFFFFFFE0] =	vst v15  }
0x331: {  	v15 =	vld.idx.msk [tilespmem:v16+s14+$0x0], $0xffff  }
0x332: {  	v63 =	vadd.s32 v12, v14;
	_ =	sdelay $0x3  }
0x333: {  	[tilespmem:s30+$0xFFFFFFF0] =	vst v15  }
0x334: {  	v15 =	vld.idx.msk [tilespmem:v63+s14+$0x0], $0xffff  }
0x335: {  	v14 =	vadd.s32 v13, v14;
	_ =	sdelay $0x3  }
0x336: {  	[tilespmem:s30+$0x0] =	vst v15  }
0x337: {  	v14 =	vld.idx.msk [tilespmem:v14+s14+$0x0], $0xffff;
	_ =	sdelay $0x3  }
0x338: {  	s15 =	sadd.s32 $0x1, s15  }
0x339: {  	p1 =	sne.s32 s15, s0;
	[tilespmem:s30+$0x10] =	vst v14;
	(ifvalue) =	ssetifvalue $0xFFFFFFFF  }
.Ltmp27:
0x33a: {  	(ifvalue) =	ssetifvalue $0xFFFFFFFF;
	(pc) =	sbr.rel @p1 .LBB2_41-.Ltmp27, $4  }
0x33b: {  	[hbm4b:s4+s20] =	stream.indirect.scatter [tilespmem:s23], [sflag:$0x2], $0x80, s21, s20, $0x40b8;
	[tilespmem:$0x1F600] =	vst v63  }
0x33c: {  	_ =	swait.ge [sflag:s24], $0x1000  }
0x33d: {  	[sflag:s24] =	ssyncset.done $0x0  }
0x33e: {  	[sflag:s24] =	ssyncadd.s32 $0xFFFFF000  }
.LBB2_44:
.Ltmp28:
0x33f: {  	(pc) =	sbr.rel @p0 .LBB2_51-.Ltmp28, $3  }
0x340: {  	_ =	sdelay $0x1  }
0x341: {  	[tilespmem:s14], [sflag:$0x3] =	stream.strided.gather [hbm4b:s10+s12], $0xA000, s13, s12, $0x38;
	[tilespmem:$0x1F600] =	vst v63  }
0x342: {  	s15 =	simm.s32 $0x0;
	s0 =	simm.s32 $0x0  }
0x343: {  	p1 =	sne.s32 s2, $0x1  }
.Ltmp29:
0x344: {  	_ = 	snop;
	(pc) =	sbr.rel @!p1 .LBB2_46-.Ltmp29, $3  }
0x345: {  	_ =	sdelay $0x1  }
0x346: {  	s1 =	simm.s32 $0x1000  }
0x347: {  	s0 =	simm.s32 $0x2080;
	p0 =	por $0x0, $0x0;
	v14 =	vld [tilespmem:s1+$0x0];
	s1 =	sadd.s32 $0xFFFFFFFF, s2  }
0x348: {  	_ =	sdelay $0x3  }
0x349: {  	v15 =	vshrl.u32 v14, $0x7  }
0x34a: {  	v15 =	vmul.u32 $0xCCCD, v15;
	_ =	sdelay $0x1  }
0x34b: {  	v15 =	vand.u32 $0xFF800000, v15  }
0x34c: {  	vm0 =	veq.s32 v15, $0x1800000  }
0x34d: {  	v15 =	vsel vm0, $0x1, v7  }
0x34e: {  	(xrf0) =	vadd.scan.msk.s32 $0xffff, v15;
	_ =	sdelay $0x1  }
0x34f: {  	v15 =	vld [tilespmem:s0+$0x0]  }
0x350: {  	p1 =	sne.s32 s1, $0x1  }
.Ltmp30:
0x351: {  	_ = 	snop;
	(pc) =	sbr.rel @!p1 .LBB2_48-.Ltmp30, $4  }
0x352: {  	_ = 	snop  }
0x353: {  	[tilespmem:s15+$0x3100] =	vst.msk vm0, v14;
	v14, _, _ =	vpop (xrf0)  }
0x354: {  	s26 =	simm.s32 $0x1010;
	s28 =	sadd.s32 $0xFFFFFFFF, s1;
	[tilespmem:s15+$0x4180] =	vst.msk vm0, v15;
	(v2sf) =	vpush v14, $0xF  }
0x355: {  	p0 =	por $0x1, $0x1;
	s1 =	simm.s32 $0x2080;
	s21 =	simm.s32 $0x0;
	v14 =	vld [tilespmem:s26+$0x0]  }
.LBB2_49:
0x356: {  	p1 =	sne.s32 s28, $0x1;
	_ =	sdelay $0x3  }
0x357: {  	v15 =	vshrl.u32 v14, $0x7  }
0x358: {  	v15 =	vmul.u32 $0xCCCD, v15;
	_ =	sdelay $0x1  }
0x359: {  	v15 =	vand.u32 $0xFF800000, v15  }
0x35a: {  	vm0 =	veq.s32 v15, $0x1800000  }
0x35b: {  	v15 =	vsel vm0, $0x1, v7  }
0x35c: {  	s1 =	sadd.s32 $0x10, s1;
	(xrf0) =	vadd.scan.msk.s32 $0xffff, v15  }
0x35d: {  	v15 =	vld [tilespmem:s1+$0x0];
	_ =	sdelay $0x1  }
0x35e: {  	s5 =	spop (v2sf)  }
.Ltmp31:
0x35f: {  	s21 =	sadd.s32 s21, s5;
	(pc) =	sbr.rel @p1 .LBB2_49-.Ltmp31, $4  }
0x360: {  	[tilespmem:s21+$0x3100] =	vst.msk vm0, v14  }
0x361: {  	[tilespmem:s21+$0x4180] =	vst.msk vm0, v15;
	v14, _, _ =	vpop (xrf0)  }
0x362: {  	s26 =	sadd.s32 $0x10, s26;
	(v2sf) =	vpush v14, $0xF  }
0x363: {  	s28 =	sadd.s32 $0xFFFFFFFF, s28;
	v14 =	vld [tilespmem:s26+$0x0]  }
.LBB2_50:
0x364: {  	_ =	sdelay $0x3  }
0x365: {  	v15 =	vshrl.u32 v14, $0x7  }
0x366: {  	v15 =	vmul.u32 $0xCCCD, v15;
	_ =	sdelay $0x1  }
0x367: {  	v15 =	vand.u32 $0xFF800000, v15  }
0x368: {  	vm0 =	veq.s32 v15, $0x1800000  }
0x369: {  	v15 =	vsel vm0, $0x1, v7  }
0x36a: {  	(xrf0) =	vadd.scan.msk.s32 $0xffff, v15;
	_ =	sdelay $0x5  }
0x36b: {  	v15, _, _ =	vpop (xrf0)  }
0x36c: {  	(v2sf) =	vpush v15, $0xF;
	_ =	sdelay $0x8  }
0x36d: {  	s1 =	sadd.s32 @p0 $0x10, s1  }
0x36e: {  	s0 =	smov.u32 @p0 s1  }
0x36f: {  	v15 =	vld [tilespmem:s0+$0x0]  }
0x370: {  	s0 =	spop @p0 (v2sf)  }
0x371: {  	s1 =	simm.s32 $0x0;
	s0 =	sadd.s32 @p0 s21, s0  }
0x372: {  	s1 =	smov.u32 @p0 s0  }
0x373: {  	[tilespmem:s1+$0x3100] =	vst.msk vm0, v14;
	s30 =	spop (v2sf)  }
0x374: {  	[tilespmem:s1+$0x4180] =	vst.msk vm0, v15;
	s0 =	sadd.s32 s1, s30  }
.LBB2_51:
0x375: {  	[tilespmem:s0+$0x4180] =	vst v9  }
0x376: {  	[tilespmem:s0+$0x3100] =	vst v4  }
0x377: {  	[tilespmem:s0+$0x4190] =	vst v9  }
0x378: {  	[tilespmem:s0+$0x3110] =	vst v4  }
0x379: {  	_ =	swait.ge [sflag:s25], $0xA000  }
0x37a: {  	[sflag:s25] =	ssyncset.done $0x0  }
0x37b: {  	[sflag:s25] =	ssyncadd.s32 $0xFFFF6000  }
0x37c: {  	_ =	swait.ge [sflag:s18], $0x1000  }
0x37d: {  	[sflag:s18] =	ssyncset.done $0x0  }
0x37e: {  	[sflag:s18] =	ssyncadd.s32 $0xFFFFF000  }
0x37f: {  	v14 =	vld [tilespmem:$0x4180]  }
0x380: {  	v15 =	vld [tilespmem:$0x4190];
	_ =	sdelay $0x3  }
0x381: {  	[tilespmem:$0x1B380] =	vst v14  }
0x382: {  	s1 =	sand.u32 $0x10, s15;
	[tilespmem:$0x1B390] =	vst v15  }
0x383: {  	v14 =	vld [tilespmem:s1+$0x3100];
	_ =	sdelay $0x4  }
0x384: {  	v15 =	vmov s15;
	v14 =	vsub.s32 v14, v4  }
0x385: {  	v14 =	vperm.xlane v14, v15;
	_ =	sdelay $0x1  }
0x386: {  	v15 =	vshll.u32 v14, $0x3  }
0x387: {  	v14 =	vand.u32 $0x7F, v14;
	v15 =	vand.u32 $0xFFFFFC00, v15  }
0x388: {  	v14 =	vor.u32 v14, v15  }
0x389: {  	v15 =	vadd.s32 v10, v14;
	_ =	sdelay $0x4  }
0x38a: {  	v15 =	vld.idx.msk [tilespmem:v15+s17+$0x0], $0xffff  }
0x38b: {  	v16 =	vadd.s32 v11, v14;
	_ =	sdelay $0x2  }
0x38c: {  	s15 =	simm.s32 $0x19220  }
0x38d: {  	[tilespmem:s15+$0xFFFFFFE0] =	vst v15  }
0x38e: {  	v15 =	vld.idx.msk [tilespmem:v16+s17+$0x0], $0xffff  }
0x38f: {  	v63 =	vadd.s32 v12, v14;
	_ =	sdelay $0x3  }
0x390: {  	[tilespmem:s15+$0xFFFFFFF0] =	vst v15  }
0x391: {  	v15 =	vld.idx.msk [tilespmem:v63+s17+$0x0], $0xffff  }
0x392: {  	v14 =	vadd.s32 v13, v14;
	_ =	sdelay $0x3  }
0x393: {  	[tilespmem:s15+$0x0] =	vst v15  }
0x394: {  	s21 =	simm.s32 $0x2;
	s1 =	simm.s32 $0x1;
	v14 =	vld.idx.msk [tilespmem:v14+s17+$0x0], $0xffff  }
.LBB2_52:
0x395: {  	_ =	sdelay $0x2  }
0x396: {  	s5 =	sand.u32 $0x10, s1  }
0x397: {  	s26 =	smov.u32 s21;
	s28 =	sadd.s32 $0x1, s21;
	[tilespmem:s15+$0x10] =	vst v14;
	s15 =	sadd.s32 $0x80, s15  }
0x398: {  	p0 =	sne.s32 s21, $0x1F;
	v14 =	vld [tilespmem:s5+$0x3100];
	_ =	sdelay $0x4  }
0x399: {  	v15 =	vmov s1;
	s1 =	smov.u32 s26;
	v14 =	vsub.s32 v14, v4  }
0x39a: {  	v14 =	vperm.xlane v14, v15;
	_ =	sdelay $0x1  }
0x39b: {  	v15 =	vshll.u32 v14, $0x3  }
0x39c: {  	v14 =	vand.u32 $0x7F, v14;
	v15 =	vand.u32 $0xFFFFFC00, v15  }
0x39d: {  	v14 =	vor.u32 v14, v15  }
0x39e: {  	v15 =	vadd.s32 v10, v14;
	_ =	sdelay $0x4  }
0x39f: {  	v15 =	vld.idx.msk [tilespmem:v15+s17+$0x0], $0xffff;
	_ =	sdelay $0x1  }
0x3a0: {  	v16 =	vadd.s32 v11, v14;
	_ =	sdelay $0x3  }
0x3a1: {  	[tilespmem:s15+$0xFFFFFFE0] =	vst v15  }
0x3a2: {  	v15 =	vld.idx.msk [tilespmem:v16+s17+$0x0], $0xffff;
	_ =	sdelay $0x1  }
0x3a3: {  	v16 =	vadd.s32 v12, v14;
	_ =	sdelay $0x3  }
0x3a4: {  	[tilespmem:s15+$0xFFFFFFF0] =	vst v15  }
0x3a5: {  	v15 =	vld.idx.msk [tilespmem:v16+s17+$0x0], $0xffff;
	_ =	sdelay $0x1  }
0x3a6: {  	v14 =	vadd.s32 v13, v14  }
.Ltmp32:
0x3a7: {  	(pc) =	sbr.rel @p0 .LBB2_52-.Ltmp32, $3  }
0x3a8: {  	_ =	sdelay $0x1  }
0x3a9: {  	[tilespmem:s15+$0x0] =	vst v15  }
0x3aa: {  	s21 =	smov.u32 s28;
	v14 =	vld.idx.msk [tilespmem:v14+s17+$0x0], $0xffff  }
0x3ab: {  	_ =	sdelay $0x3  }
0x3ac: {  	s5 =	sand.u32 $0x10, s1;
	[tilespmem:s15+$0x10] =	vst v14  }
0x3ad: {  	v14 =	vld [tilespmem:s5+$0x3100];
	_ =	sdelay $0x4  }
0x3ae: {  	v15 =	vmov s1;
	v14 =	vsub.s32 v14, v4  }
0x3af: {  	v14 =	vperm.xlane v14, v15;
	_ =	sdelay $0x1  }
0x3b0: {  	v15 =	vshll.u32 v14, $0x3  }
0x3b1: {  	v14 =	vand.u32 $0x7F, v14;
	v15 =	vand.u32 $0xFFFFFC00, v15  }
0x3b2: {  	v14 =	vor.u32 v14, v15  }
0x3b3: {  	v15 =	vadd.s32 v10, v14;
	_ =	sdelay $0x4  }
0x3b4: {  	v15 =	vld.idx.msk [tilespmem:v15+s17+$0x0], $0xffff  }
0x3b5: {  	v16 =	vadd.s32 v11, v14;
	_ =	sdelay $0x2  }
0x3b6: {  	s21 =	sadd.s32 $0x80, s15  }
0x3b7: {  	[tilespmem:s21+$0xFFFFFFE0] =	vst v15  }
0x3b8: {  	v15 =	vld.idx.msk [tilespmem:v16+s17+$0x0], $0xffff  }
0x3b9: {  	v63 =	vadd.s32 v12, v14;
	_ =	sdelay $0x3  }
0x3ba: {  	[tilespmem:s21+$0xFFFFFFF0] =	vst v15  }
0x3bb: {  	v15 =	vld.idx.msk [tilespmem:v63+s17+$0x0], $0xffff  }
0x3bc: {  	s0 =	sadd.s32 $0x1F, s0;
	v14 =	vadd.s32 v13, v14  }
0x3bd: {  	s28 =	sand.u32 $0x1F, s0  }
0x3be: {  	s29 =	sshra.s32 s0, $0x1F;
	p0 =	slt.s32 s0, $0x1;
	p1 =	sne.s32 s28, $0x0  }
0x3bf: {  	s30 =	sshrl.u32 s29, $0x1B;
	p0 =	por !p0, !p1  }
0x3c0: {  	s1 =	simm.s32 $0x1;
	s0 =	sadd.s32 s30, s0;
	p0 =	por !p0, !p0;
	[tilespmem:s21+$0x0] =	vst v15  }
0x3c1: {  	s0 =	sshra.s32 s0, $0x5;
	s1 =	simm.s32 @!p0 $0x0;
	v14 =	vld.idx.msk [tilespmem:v14+s17+$0x0], $0xffff  }
0x3c2: {  	s0 =	ssub.s32 s0, s1  }
0x3c3: {  	p0 =	sgt.s32 s0, $0x1  }
.Ltmp33:
0x3c4: {  	_ = 	snop;
	(pc) =	sbr.rel @!p0 .LBB2_54-.Ltmp33, $4  }
0x3c5: {  	_ = 	snop  }
0x3c6: {  	[tilespmem:s21+$0x10] =	vst v14;
	(ifvalue) =	ssetifvalue $0xFFFFFFFF  }
0x3c7: {  	s26 =	simm.s32 $0x1B380;
	s15 =	simm.s32 $0x1;
	(ifvalue) =	ssetifvalue $0xFFFFFFFF  }
0x3c8: {  	[hbm4b:s4+s20] =	stream.indirect.scatter [tilespmem:s22], [sflag:$0x1], $0x80, s26, s20, $0x40b8;
	[tilespmem:$0x1F600] =	vst v63  }
.LBB2_57:
0x3c9: {  	s1 =	sshll.u32 s15, $0x5  }
0x3ca: {  	v14 =	vld [tilespmem:s1+$0x4180];
	_ =	sdelay $0x2  }
0x3cb: {  	s5 =	sshll.u32 s15, $0x9  }
0x3cc: {  	s5 =	sshra.s32 s5, $0x2  }
0x3cd: {  	[tilespmem:s5+$0x1B400] =	vst v14  }
0x3ce: {  	v15 =	vld [tilespmem:s1+$0x4190];
	s1 =	sadd.s32 $0x3100, s1  }
0x3cf: {  	v14 =	vmov s1;
	_ =	sdelay $0x2  }
0x3d0: {  	s30 =	simm.s32 $0x0  }
0x3d1: {  	s21 =	sand.u32 $0x10, s30;
	[tilespmem:s5+$0x1B410] =	vst v15  }
0x3d2: {  	v15 =	vld.idx.msk [tilespmem:v14+s21+$0x0 ss:$0x1], $0xffff;
	_ =	sdelay $0x4  }
0x3d3: {  	v16 =	vmov s30;
	v15 =	vsub.s32 v15, v4  }
0x3d4: {  	v15 =	vperm.xlane v15, v16;
	_ =	sdelay $0x1  }
0x3d5: {  	v16 =	vshll.u32 v15, $0x3  }
0x3d6: {  	v15 =	vand.u32 $0x7F, v15;
	v16 =	vand.u32 $0xFFFFFC00, v16  }
0x3d7: {  	v15 =	vor.u32 v15, v16  }
0x3d8: {  	v16 =	vadd.s32 v10, v15;
	_ =	sdelay $0x4  }
0x3d9: {  	v16 =	vld.idx.msk [tilespmem:v16+s17+$0x0], $0xffff  }
0x3da: {  	v17 =	vadd.s32 v11, v15;
	_ =	sdelay $0x2  }
0x3db: {  	s26 =	simm.s32 $0x1A220  }
0x3dc: {  	[tilespmem:s26+$0xFFFFFFE0] =	vst v16  }
0x3dd: {  	v16 =	vld.idx.msk [tilespmem:v17+s17+$0x0], $0xffff  }
0x3de: {  	v17 =	vadd.s32 v12, v15;
	_ =	sdelay $0x3  }
0x3df: {  	[tilespmem:s26+$0xFFFFFFF0] =	vst v16  }
0x3e0: {  	v16 =	vld.idx.msk [tilespmem:v17+s17+$0x0], $0xffff  }
0x3e1: {  	v15 =	vadd.s32 v13, v15;
	_ =	sdelay $0x3  }
0x3e2: {  	[tilespmem:s26+$0x0] =	vst v16  }
0x3e3: {  	s28 =	simm.s32 $0x2;
	s1 =	simm.s32 $0x1;
	s21 =	sadd.s32 $0x1B400, s5;
	v15 =	vld.idx.msk [tilespmem:v15+s17+$0x0], $0xffff  }
.LBB2_58:
0x3e4: {  	_ =	sdelay $0x2  }
0x3e5: {  	s5 =	sand.u32 $0x10, s1  }
0x3e6: {  	s29 =	smov.u32 s28;
	s30 =	sadd.s32 $0x1, s28;
	[tilespmem:s26+$0x10] =	vst v15;
	s26 =	sadd.s32 $0x80, s26  }
0x3e7: {  	p0 =	sne.s32 s28, $0x1F;
	v15 =	vld.idx.msk [tilespmem:v14+s5+$0x0 ss:$0x1], $0xffff;
	_ =	sdelay $0x5  }
0x3e8: {  	v16 =	vmov s1;
	s1 =	smov.u32 s29;
	v15 =	vsub.s32 v15, v4  }
0x3e9: {  	v15 =	vperm.xlane v15, v16;
	_ =	sdelay $0x1  }
0x3ea: {  	v16 =	vshll.u32 v15, $0x3  }
0x3eb: {  	v15 =	vand.u32 $0x7F, v15;
	v16 =	vand.u32 $0xFFFFFC00, v16  }
0x3ec: {  	v15 =	vor.u32 v15, v16  }
0x3ed: {  	v16 =	vadd.s32 v10, v15;
	_ =	sdelay $0x4  }
0x3ee: {  	v16 =	vld.idx.msk [tilespmem:v16+s17+$0x0], $0xffff;
	_ =	sdelay $0x1  }
0x3ef: {  	v17 =	vadd.s32 v11, v15;
	_ =	sdelay $0x3  }
0x3f0: {  	[tilespmem:s26+$0xFFFFFFE0] =	vst v16  }
0x3f1: {  	v16 =	vld.idx.msk [tilespmem:v17+s17+$0x0], $0xffff;
	_ =	sdelay $0x1  }
0x3f2: {  	v17 =	vadd.s32 v12, v15;
	_ =	sdelay $0x3  }
0x3f3: {  	[tilespmem:s26+$0xFFFFFFF0] =	vst v16  }
0x3f4: {  	v16 =	vld.idx.msk [tilespmem:v17+s17+$0x0], $0xffff;
	_ =	sdelay $0x1  }
0x3f5: {  	v15 =	vadd.s32 v13, v15  }
.Ltmp34:
0x3f6: {  	(pc) =	sbr.rel @p0 .LBB2_58-.Ltmp34, $3  }
0x3f7: {  	_ =	sdelay $0x1  }
0x3f8: {  	[tilespmem:s26+$0x0] =	vst v16  }
0x3f9: {  	s28 =	smov.u32 s30;
	v15 =	vld.idx.msk [tilespmem:v15+s17+$0x0], $0xffff  }
0x3fa: {  	_ =	sdelay $0x3  }
0x3fb: {  	s5 =	sand.u32 $0x10, s1;
	[tilespmem:s26+$0x10] =	vst v15  }
0x3fc: {  	v14 =	vld.idx.msk [tilespmem:v14+s5+$0x0 ss:$0x1], $0xffff;
	_ =	sdelay $0x4  }
0x3fd: {  	v15 =	vmov s1;
	v14 =	vsub.s32 v14, v4  }
0x3fe: {  	v14 =	vperm.xlane v14, v15;
	_ =	sdelay $0x1  }
0x3ff: {  	v15 =	vshll.u32 v14, $0x3  }
0x400: {  	v14 =	vand.u32 $0x7F, v14;
	v15 =	vand.u32 $0xFFFFFC00, v15  }
0x401: {  	v14 =	vor.u32 v14, v15  }
0x402: {  	v15 =	vadd.s32 v10, v14;
	_ =	sdelay $0x4  }
0x403: {  	v15 =	vld.idx.msk [tilespmem:v15+s17+$0x0], $0xffff  }
0x404: {  	v16 =	vadd.s32 v11, v14;
	_ =	sdelay $0x2  }
0x405: {  	s30 =	sadd.s32 $0x80, s26  }
0x406: {  	[tilespmem:s30+$0xFFFFFFE0] =	vst v15  }
0x407: {  	v15 =	vld.idx.msk [tilespmem:v16+s17+$0x0], $0xffff  }
0x408: {  	v63 =	vadd.s32 v12, v14;
	_ =	sdelay $0x3  }
0x409: {  	[tilespmem:s30+$0xFFFFFFF0] =	vst v15  }
0x40a: {  	v15 =	vld.idx.msk [tilespmem:v63+s17+$0x0], $0xffff  }
0x40b: {  	v14 =	vadd.s32 v13, v14;
	_ =	sdelay $0x3  }
0x40c: {  	[tilespmem:s30+$0x0] =	vst v15  }
0x40d: {  	v14 =	vld.idx.msk [tilespmem:v14+s17+$0x0], $0xffff;
	_ =	sdelay $0x3  }
0x40e: {  	s15 =	sadd.s32 $0x1, s15  }
0x40f: {  	p0 =	seq.s32 s15, s0;
	[tilespmem:s30+$0x10] =	vst v14;
	(ifvalue) =	ssetifvalue $0xFFFFFFFF  }
.Ltmp35:
0x410: {  	(ifvalue) =	ssetifvalue $0xFFFFFFFF;
	(pc) =	sbr.rel @!p0 .LBB2_57-.Ltmp35, $4  }
0x411: {  	[hbm4b:s4+s20] =	stream.indirect.scatter [tilespmem:s23], [sflag:$0x2], $0x80, s21, s20, $0x40b8;
	[tilespmem:$0x1F600] =	vst v63  }
0x412: {  	_ =	swait.ge [sflag:s24], $0x1000  }
0x413: {  	[sflag:s24] =	ssyncset.done $0x0  }
0x414: {  	[sflag:s24] =	ssyncadd.s32 $0xFFFFF000  }
.LBB2_54:
0x415: {  	p0 =	sgt.s32 s2, $0x0  }
.Ltmp36:
0x416: {  	_ = 	snop;
	(pc) =	sbr.rel @!p0 .LBB2_64-.Ltmp36, $2  }
0x417: {  	_ =	sdelay $0x2  }
0x418: {  	s15 =	simm.s32 $0x0;
	s0 =	simm.s32 $0x0  }
0x419: {  	p1 =	sne.s32 s2, $0x1  }
.Ltmp37:
0x41a: {  	_ = 	snop;
	(pc) =	sbr.rel @!p1 .LBB2_56-.Ltmp37, $3  }
0x41b: {  	_ =	sdelay $0x1  }
0x41c: {  	s1 =	simm.s32 $0x1000  }
0x41d: {  	s0 =	simm.s32 $0x2080;
	p0 =	por $0x0, $0x0;
	v14 =	vld [tilespmem:s1+$0x0];
	s1 =	sadd.s32 $0xFFFFFFFF, s2  }
0x41e: {  	_ =	sdelay $0x3  }
0x41f: {  	v15 =	vshrl.u32 v14, $0x7  }
0x420: {  	v15 =	vmul.u32 $0xCCCD, v15;
	_ =	sdelay $0x1  }
0x421: {  	v15 =	vand.u32 $0xFF800000, v15  }
0x422: {  	vm0 =	veq.s32 v15, $0x2000000  }
0x423: {  	v15 =	vsel vm0, $0x1, v7  }
0x424: {  	(xrf0) =	vadd.scan.msk.s32 $0xffff, v15;
	_ =	sdelay $0x1  }
0x425: {  	v15 =	vld [tilespmem:s0+$0x0]  }
0x426: {  	p1 =	sne.s32 s1, $0x1  }
.Ltmp38:
0x427: {  	_ = 	snop;
	(pc) =	sbr.rel @!p1 .LBB2_61-.Ltmp38, $4  }
0x428: {  	_ = 	snop  }
0x429: {  	[tilespmem:s15+$0x3100] =	vst.msk vm0, v14;
	v14, _, _ =	vpop (xrf0)  }
0x42a: {  	s21 =	simm.s32 $0x1010;
	s26 =	sadd.s32 $0xFFFFFFFF, s1;
	[tilespmem:s15+$0x4180] =	vst.msk vm0, v15;
	(v2sf) =	vpush v14, $0xF  }
0x42b: {  	p0 =	por $0x1, $0x1;
	s1 =	simm.s32 $0x2080;
	s2 =	simm.s32 $0x0;
	v14 =	vld [tilespmem:s21+$0x0]  }
.LBB2_62:
0x42c: {  	p1 =	sne.s32 s26, $0x1;
	_ =	sdelay $0x3  }
0x42d: {  	v15 =	vshrl.u32 v14, $0x7  }
0x42e: {  	v15 =	vmul.u32 $0xCCCD, v15;
	_ =	sdelay $0x1  }
0x42f: {  	v15 =	vand.u32 $0xFF800000, v15  }
0x430: {  	vm0 =	veq.s32 v15, $0x2000000  }
0x431: {  	v15 =	vsel vm0, $0x1, v7  }
0x432: {  	s1 =	sadd.s32 $0x10, s1;
	(xrf0) =	vadd.scan.msk.s32 $0xffff, v15  }
0x433: {  	v15 =	vld [tilespmem:s1+$0x0];
	_ =	sdelay $0x1  }
0x434: {  	s5 =	spop (v2sf)  }
.Ltmp39:
0x435: {  	s2 =	sadd.s32 s2, s5;
	(pc) =	sbr.rel @p1 .LBB2_62-.Ltmp39, $4  }
0x436: {  	[tilespmem:s2+$0x3100] =	vst.msk vm0, v14  }
0x437: {  	[tilespmem:s2+$0x4180] =	vst.msk vm0, v15;
	v14, _, _ =	vpop (xrf0)  }
0x438: {  	s21 =	sadd.s32 $0x10, s21;
	(v2sf) =	vpush v14, $0xF  }
0x439: {  	s26 =	sadd.s32 $0xFFFFFFFF, s26;
	v14 =	vld [tilespmem:s21+$0x0]  }
.LBB2_63:
0x43a: {  	_ =	sdelay $0x3  }
0x43b: {  	v15 =	vshrl.u32 v14, $0x7  }
0x43c: {  	v15 =	vmul.u32 $0xCCCD, v15;
	_ =	sdelay $0x1  }
0x43d: {  	v15 =	vand.u32 $0xFF800000, v15  }
0x43e: {  	vm0 =	veq.s32 v15, $0x2000000  }
0x43f: {  	v15 =	vsel vm0, $0x1, v7  }
0x440: {  	(xrf0) =	vadd.scan.msk.s32 $0xffff, v15;
	_ =	sdelay $0x5  }
0x441: {  	v15, _, _ =	vpop (xrf0)  }
0x442: {  	(v2sf) =	vpush v15, $0xF;
	_ =	sdelay $0x8  }
0x443: {  	s1 =	sadd.s32 @p0 $0x10, s1  }
0x444: {  	s0 =	smov.u32 @p0 s1  }
0x445: {  	v15 =	vld [tilespmem:s0+$0x0]  }
0x446: {  	s0 =	spop @p0 (v2sf)  }
0x447: {  	s1 =	simm.s32 $0x0;
	s0 =	sadd.s32 @p0 s2, s0  }
0x448: {  	s1 =	smov.u32 @p0 s0  }
0x449: {  	[tilespmem:s1+$0x3100] =	vst.msk vm0, v14;
	s30 =	spop (v2sf)  }
0x44a: {  	[tilespmem:s1+$0x4180] =	vst.msk vm0, v15;
	s0 =	sadd.s32 s1, s30  }
.LBB2_64:
0x44b: {  	[tilespmem:s0+$0x4180] =	vst v9  }
0x44c: {  	[tilespmem:s0+$0x3100] =	vst v5  }
0x44d: {  	[tilespmem:s0+$0x4190] =	vst v9  }
0x44e: {  	[tilespmem:s0+$0x3110] =	vst v5  }
0x44f: {  	_ =	swait.ge [sflag:s19], $0xA000  }
0x450: {  	[sflag:s19] =	ssyncset.done $0x0  }
0x451: {  	[sflag:s19] =	ssyncadd.s32 $0xFFFF6000  }
0x452: {  	_ =	swait.ge [sflag:s18], $0x1000  }
0x453: {  	[sflag:s18] =	ssyncset.done $0x0  }
0x454: {  	[sflag:s18] =	ssyncadd.s32 $0xFFFFF000  }
0x455: {  	v14 =	vld [tilespmem:$0x4180]  }
0x456: {  	v15 =	vld [tilespmem:$0x4190];
	_ =	sdelay $0x3  }
0x457: {  	[tilespmem:$0x1B400] =	vst v14  }
0x458: {  	s1 =	sand.u32 $0x10, s15;
	[tilespmem:$0x1B410] =	vst v15  }
0x459: {  	v14 =	vld [tilespmem:s1+$0x3100];
	_ =	sdelay $0x4  }
0x45a: {  	v15 =	vmov s15;
	v14 =	vsub.s32 v14, v5  }
0x45b: {  	v14 =	vperm.xlane v14, v15;
	_ =	sdelay $0x1  }
0x45c: {  	v15 =	vshll.u32 v14, $0x3  }
0x45d: {  	v14 =	vand.u32 $0x7F, v14;
	v15 =	vand.u32 $0xFFFFFC00, v15  }
0x45e: {  	v14 =	vor.u32 v14, v15  }
0x45f: {  	v15 =	vadd.s32 v10, v14;
	_ =	sdelay $0x4  }
0x460: {  	v15 =	vld.idx.msk [tilespmem:v15+s14+$0x0], $0xffff  }
0x461: {  	v16 =	vadd.s32 v11, v14;
	_ =	sdelay $0x2  }
0x462: {  	s2 =	simm.s32 $0x19220  }
0x463: {  	[tilespmem:s2+$0xFFFFFFE0] =	vst v15  }
0x464: {  	v15 =	vld.idx.msk [tilespmem:v16+s14+$0x0], $0xffff  }
0x465: {  	v63 =	vadd.s32 v12, v14;
	_ =	sdelay $0x3  }
0x466: {  	[tilespmem:s2+$0xFFFFFFF0] =	vst v15  }
0x467: {  	v15 =	vld.idx.msk [tilespmem:v63+s14+$0x0], $0xffff  }
0x468: {  	v14 =	vadd.s32 v13, v14;
	_ =	sdelay $0x3  }
0x469: {  	[tilespmem:s2+$0x0] =	vst v15  }
0x46a: {  	s15 =	simm.s32 $0x2;
	s1 =	simm.s32 $0x1;
	v14 =	vld.idx.msk [tilespmem:v14+s14+$0x0], $0xffff  }
.LBB2_65:
0x46b: {  	_ =	sdelay $0x2  }
0x46c: {  	s5 =	sand.u32 $0x10, s1  }
0x46d: {  	s21 =	smov.u32 s15;
	s26 =	sadd.s32 $0x1, s15;
	[tilespmem:s2+$0x10] =	vst v14;
	s2 =	sadd.s32 $0x80, s2  }
0x46e: {  	p0 =	sne.s32 s15, $0x1F;
	v14 =	vld [tilespmem:s5+$0x3100];
	_ =	sdelay $0x4  }
0x46f: {  	v15 =	vmov s1;
	s1 =	smov.u32 s21;
	v14 =	vsub.s32 v14, v5  }
0x470: {  	v14 =	vperm.xlane v14, v15;
	_ =	sdelay $0x1  }
0x471: {  	v15 =	vshll.u32 v14, $0x3  }
0x472: {  	v14 =	vand.u32 $0x7F, v14;
	v15 =	vand.u32 $0xFFFFFC00, v15  }
0x473: {  	v14 =	vor.u32 v14, v15  }
0x474: {  	v15 =	vadd.s32 v10, v14;
	_ =	sdelay $0x4  }
0x475: {  	v15 =	vld.idx.msk [tilespmem:v15+s14+$0x0], $0xffff;
	_ =	sdelay $0x1  }
0x476: {  	v16 =	vadd.s32 v11, v14;
	_ =	sdelay $0x3  }
0x477: {  	[tilespmem:s2+$0xFFFFFFE0] =	vst v15  }
0x478: {  	v15 =	vld.idx.msk [tilespmem:v16+s14+$0x0], $0xffff;
	_ =	sdelay $0x1  }
0x479: {  	v16 =	vadd.s32 v12, v14;
	_ =	sdelay $0x3  }
0x47a: {  	[tilespmem:s2+$0xFFFFFFF0] =	vst v15  }
0x47b: {  	v15 =	vld.idx.msk [tilespmem:v16+s14+$0x0], $0xffff;
	_ =	sdelay $0x1  }
0x47c: {  	v14 =	vadd.s32 v13, v14  }
.Ltmp40:
0x47d: {  	(pc) =	sbr.rel @p0 .LBB2_65-.Ltmp40, $3  }
0x47e: {  	_ =	sdelay $0x1  }
0x47f: {  	[tilespmem:s2+$0x0] =	vst v15  }
0x480: {  	s15 =	smov.u32 s26;
	v14 =	vld.idx.msk [tilespmem:v14+s14+$0x0], $0xffff  }
0x481: {  	_ =	sdelay $0x3  }
0x482: {  	s5 =	sand.u32 $0x10, s1;
	[tilespmem:s2+$0x10] =	vst v14  }
0x483: {  	v14 =	vld [tilespmem:s5+$0x3100];
	_ =	sdelay $0x4  }
0x484: {  	v15 =	vmov s1;
	v14 =	vsub.s32 v14, v5  }
0x485: {  	v14 =	vperm.xlane v14, v15;
	_ =	sdelay $0x1  }
0x486: {  	v15 =	vshll.u32 v14, $0x3  }
0x487: {  	v14 =	vand.u32 $0x7F, v14;
	v15 =	vand.u32 $0xFFFFFC00, v15  }
0x488: {  	v14 =	vor.u32 v14, v15  }
0x489: {  	v15 =	vadd.s32 v10, v14;
	_ =	sdelay $0x4  }
0x48a: {  	v15 =	vld.idx.msk [tilespmem:v15+s14+$0x0], $0xffff  }
0x48b: {  	v16 =	vadd.s32 v11, v14;
	_ =	sdelay $0x2  }
0x48c: {  	s21 =	sadd.s32 $0x80, s2  }
0x48d: {  	[tilespmem:s21+$0xFFFFFFE0] =	vst v15  }
0x48e: {  	v15 =	vld.idx.msk [tilespmem:v16+s14+$0x0], $0xffff  }
0x48f: {  	v63 =	vadd.s32 v12, v14;
	_ =	sdelay $0x3  }
0x490: {  	[tilespmem:s21+$0xFFFFFFF0] =	vst v15  }
0x491: {  	v15 =	vld.idx.msk [tilespmem:v63+s14+$0x0], $0xffff  }
0x492: {  	s0 =	sadd.s32 $0x1F, s0;
	v14 =	vadd.s32 v13, v14  }
0x493: {  	s28 =	sand.u32 $0x1F, s0  }
0x494: {  	s29 =	sshra.s32 s0, $0x1F;
	p0 =	slt.s32 s0, $0x1;
	p1 =	sne.s32 s28, $0x0  }
0x495: {  	s30 =	sshrl.u32 s29, $0x1B;
	p0 =	por !p0, !p1  }
0x496: {  	s1 =	simm.s32 $0x1;
	s0 =	sadd.s32 s30, s0;
	p0 =	por !p0, !p0;
	[tilespmem:s21+$0x0] =	vst v15  }
0x497: {  	s0 =	sshra.s32 s0, $0x5;
	s1 =	simm.s32 @!p0 $0x0;
	v14 =	vld.idx.msk [tilespmem:v14+s14+$0x0], $0xffff  }
0x498: {  	s0 =	ssub.s32 s0, s1  }
0x499: {  	p0 =	slt.s32 s0, $0x2  }
.Ltmp41:
0x49a: {  	_ = 	snop;
	(pc) =	sbr.rel @p0 .LBB2_70-.Ltmp41, $4  }
0x49b: {  	_ = 	snop  }
0x49c: {  	[tilespmem:s21+$0x10] =	vst v14;
	(ifvalue) =	ssetifvalue $0xFFFFFFFF  }
0x49d: {  	s26 =	simm.s32 $0x1B400;
	s2 =	simm.s32 $0x1;
	(ifvalue) =	ssetifvalue $0xFFFFFFFF  }
0x49e: {  	[hbm4b:s4+s20] =	stream.indirect.scatter [tilespmem:s22], [sflag:$0x1], $0x80, s26, s20, $0x40b8;
	[tilespmem:$0x1F600] =	vst v63  }
.LBB2_67:
0x49f: {  	s1 =	sshll.u32 s2, $0x5  }
0x4a0: {  	v14 =	vld [tilespmem:s1+$0x4180];
	_ =	sdelay $0x2  }
0x4a1: {  	s5 =	sshll.u32 s2, $0x9  }
0x4a2: {  	s5 =	sshra.s32 s5, $0x2  }
0x4a3: {  	[tilespmem:s5+$0x1B400] =	vst v14  }
0x4a4: {  	v15 =	vld [tilespmem:s1+$0x4190];
	s1 =	sadd.s32 $0x3100, s1  }
0x4a5: {  	v14 =	vmov s1;
	_ =	sdelay $0x2  }
0x4a6: {  	s30 =	simm.s32 $0x0  }
0x4a7: {  	s15 =	sand.u32 $0x10, s30;
	[tilespmem:s5+$0x1B410] =	vst v15  }
0x4a8: {  	v15 =	vld.idx.msk [tilespmem:v14+s15+$0x0 ss:$0x1], $0xffff;
	_ =	sdelay $0x4  }
0x4a9: {  	v16 =	vmov s30;
	v15 =	vsub.s32 v15, v5  }
0x4aa: {  	v15 =	vperm.xlane v15, v16;
	_ =	sdelay $0x1  }
0x4ab: {  	v16 =	vshll.u32 v15, $0x3  }
0x4ac: {  	v15 =	vand.u32 $0x7F, v15;
	v16 =	vand.u32 $0xFFFFFC00, v16  }
0x4ad: {  	v15 =	vor.u32 v15, v16  }
0x4ae: {  	v16 =	vadd.s32 v10, v15;
	_ =	sdelay $0x4  }
0x4af: {  	v16 =	vld.idx.msk [tilespmem:v16+s14+$0x0], $0xffff  }
0x4b0: {  	v17 =	vadd.s32 v11, v15;
	_ =	sdelay $0x2  }
0x4b1: {  	s21 =	simm.s32 $0x1A220  }
0x4b2: {  	[tilespmem:s21+$0xFFFFFFE0] =	vst v16  }
0x4b3: {  	v16 =	vld.idx.msk [tilespmem:v17+s14+$0x0], $0xffff  }
0x4b4: {  	v17 =	vadd.s32 v12, v15;
	_ =	sdelay $0x3  }
0x4b5: {  	[tilespmem:s21+$0xFFFFFFF0] =	vst v16  }
0x4b6: {  	v16 =	vld.idx.msk [tilespmem:v17+s14+$0x0], $0xffff  }
0x4b7: {  	v15 =	vadd.s32 v13, v15;
	_ =	sdelay $0x3  }
0x4b8: {  	[tilespmem:s21+$0x0] =	vst v16  }
0x4b9: {  	s26 =	simm.s32 $0x2;
	s1 =	simm.s32 $0x1;
	s15 =	sadd.s32 $0x1B400, s5;
	v15 =	vld.idx.msk [tilespmem:v15+s14+$0x0], $0xffff  }
.LBB2_68:
0x4ba: {  	_ =	sdelay $0x2  }
0x4bb: {  	s5 =	sand.u32 $0x10, s1  }
0x4bc: {  	s28 =	smov.u32 s26;
	s29 =	sadd.s32 $0x1, s26;
	[tilespmem:s21+$0x10] =	vst v15;
	s21 =	sadd.s32 $0x80, s21  }
0x4bd: {  	p0 =	sne.s32 s26, $0x1F;
	v15 =	vld.idx.msk [tilespmem:v14+s5+$0x0 ss:$0x1], $0xffff;
	_ =	sdelay $0x5  }
0x4be: {  	v16 =	vmov s1;
	s1 =	smov.u32 s28;
	v15 =	vsub.s32 v15, v5  }
0x4bf: {  	v15 =	vperm.xlane v15, v16;
	_ =	sdelay $0x1  }
0x4c0: {  	v16 =	vshll.u32 v15, $0x3  }
0x4c1: {  	v15 =	vand.u32 $0x7F, v15;
	v16 =	vand.u32 $0xFFFFFC00, v16  }
0x4c2: {  	v15 =	vor.u32 v15, v16  }
0x4c3: {  	v16 =	vadd.s32 v10, v15;
	_ =	sdelay $0x4  }
0x4c4: {  	v16 =	vld.idx.msk [tilespmem:v16+s14+$0x0], $0xffff;
	_ =	sdelay $0x1  }
0x4c5: {  	v17 =	vadd.s32 v11, v15;
	_ =	sdelay $0x3  }
0x4c6: {  	[tilespmem:s21+$0xFFFFFFE0] =	vst v16  }
0x4c7: {  	v16 =	vld.idx.msk [tilespmem:v17+s14+$0x0], $0xffff;
	_ =	sdelay $0x1  }
0x4c8: {  	v17 =	vadd.s32 v12, v15;
	_ =	sdelay $0x3  }
0x4c9: {  	[tilespmem:s21+$0xFFFFFFF0] =	vst v16  }
0x4ca: {  	v16 =	vld.idx.msk [tilespmem:v17+s14+$0x0], $0xffff;
	_ =	sdelay $0x1  }
0x4cb: {  	v15 =	vadd.s32 v13, v15  }
.Ltmp42:
0x4cc: {  	(pc) =	sbr.rel @p0 .LBB2_68-.Ltmp42, $3  }
0x4cd: {  	_ =	sdelay $0x1  }
0x4ce: {  	[tilespmem:s21+$0x0] =	vst v16  }
0x4cf: {  	s26 =	smov.u32 s29;
	v15 =	vld.idx.msk [tilespmem:v15+s14+$0x0], $0xffff  }
0x4d0: {  	_ =	sdelay $0x3  }
0x4d1: {  	s5 =	sand.u32 $0x10, s1;
	[tilespmem:s21+$0x10] =	vst v15  }
0x4d2: {  	v14 =	vld.idx.msk [tilespmem:v14+s5+$0x0 ss:$0x1], $0xffff;
	_ =	sdelay $0x4  }
0x4d3: {  	v15 =	vmov s1;
	v14 =	vsub.s32 v14, v5  }
0x4d4: {  	v14 =	vperm.xlane v14, v15;
	_ =	sdelay $0x1  }
0x4d5: {  	v15 =	vshll.u32 v14, $0x3  }
0x4d6: {  	v14 =	vand.u32 $0x7F, v14;
	v15 =	vand.u32 $0xFFFFFC00, v15  }
0x4d7: {  	v14 =	vor.u32 v14, v15  }
0x4d8: {  	v15 =	vadd.s32 v10, v14;
	_ =	sdelay $0x4  }
0x4d9: {  	v15 =	vld.idx.msk [tilespmem:v15+s14+$0x0], $0xffff  }
0x4da: {  	v16 =	vadd.s32 v11, v14;
	_ =	sdelay $0x2  }
0x4db: {  	s30 =	sadd.s32 $0x80, s21  }
0x4dc: {  	[tilespmem:s30+$0xFFFFFFE0] =	vst v15  }
0x4dd: {  	v15 =	vld.idx.msk [tilespmem:v16+s14+$0x0], $0xffff  }
0x4de: {  	v63 =	vadd.s32 v12, v14;
	_ =	sdelay $0x3  }
0x4df: {  	[tilespmem:s30+$0xFFFFFFF0] =	vst v15  }
0x4e0: {  	v15 =	vld.idx.msk [tilespmem:v63+s14+$0x0], $0xffff  }
0x4e1: {  	v14 =	vadd.s32 v13, v14;
	_ =	sdelay $0x3  }
0x4e2: {  	[tilespmem:s30+$0x0] =	vst v15  }
0x4e3: {  	v14 =	vld.idx.msk [tilespmem:v14+s14+$0x0], $0xffff;
	_ =	sdelay $0x4  }
0x4e4: {  	s2 =	sadd.s32 $0x1, s2;
	[tilespmem:s30+$0x10] =	vst v14;
	(ifvalue) =	ssetifvalue $0xFFFFFFFF  }
0x4e5: {  	p0 =	sne.s32 s2, s0;
	(ifvalue) =	ssetifvalue $0xFFFFFFFF  }
0x4e6: {  	[hbm4b:s4+s20] =	stream.indirect.scatter [tilespmem:s23], [sflag:$0x2], $0x80, s15, s20, $0x40b8;
	[tilespmem:$0x1F600] =	vst v63  }
.Ltmp43:
0x4e7: {  	_ = 	snop;
	(pc) =	sbr.rel @p0 .LBB2_67-.Ltmp43, $4  }
.Ltmp44:
0x4e8: {  	_ = 	snop;
	(pc) =	sbr.rel @!p0 .LBB2_70-.Ltmp44, $4  }
0x4e9: {  	_ =	swait.ge [sflag:s24], $0x1000  }
0x4ea: {  	[sflag:s24] =	ssyncset.done $0x0  }
0x4eb: {  	[sflag:s24] =	ssyncadd.s32 $0xFFFFF000  }
0x4ec: {  	_ = 	snop  }
.LBB2_7:
.Ltmp45:
0x4ed: {  	(pc) =	sbr.rel .LBB2_11-.Ltmp45, $2  }
0x4ee: {  	_ =	sdelay $0x2  }
0x4ef: {  	s1 =	simm.s32 $0x2080;
	s21 =	simm.s32 $0x0  }
.LBB2_20:
.Ltmp46:
0x4f0: {  	(pc) =	sbr.rel .LBB2_24-.Ltmp46, $2  }
0x4f1: {  	_ =	sdelay $0x2  }
0x4f2: {  	s1 =	simm.s32 $0x2080;
	s21 =	simm.s32 $0x0  }
.LBB2_33:
.Ltmp47:
0x4f3: {  	(pc) =	sbr.rel .LBB2_37-.Ltmp47, $2  }
0x4f4: {  	_ =	sdelay $0x2  }
0x4f5: {  	s1 =	simm.s32 $0x2080;
	s21 =	simm.s32 $0x0  }
.LBB2_46:
.Ltmp48:
0x4f6: {  	(pc) =	sbr.rel .LBB2_50-.Ltmp48, $2  }
0x4f7: {  	_ =	sdelay $0x2  }
0x4f8: {  	s1 =	simm.s32 $0x2080;
	s21 =	simm.s32 $0x0  }
.LBB2_56:
.Ltmp49:
0x4f9: {  	(pc) =	sbr.rel .LBB2_63-.Ltmp49, $2  }
0x4fa: {  	_ =	sdelay $0x2  }
0x4fb: {  	s1 =	simm.s32 $0x2080;
	s2 =	simm.s32 $0x0  }
.LBB2_9:
.Ltmp50:
0x4fc: {  	(pc) =	sbr.rel .LBB2_11-.Ltmp50, $2  }
0x4fd: {  	_ =	sdelay $0x2  }
0x4fe: {  	s1 =	simm.s32 $0x2080;
	s21 =	simm.s32 $0x0  }
.LBB2_22:
.Ltmp51:
0x4ff: {  	(pc) =	sbr.rel .LBB2_24-.Ltmp51, $2  }
0x500: {  	_ =	sdelay $0x2  }
0x501: {  	s1 =	simm.s32 $0x2080;
	s21 =	simm.s32 $0x0  }
.LBB2_35:
.Ltmp52:
0x502: {  	(pc) =	sbr.rel .LBB2_37-.Ltmp52, $2  }
0x503: {  	_ =	sdelay $0x2  }
0x504: {  	s1 =	simm.s32 $0x2080;
	s21 =	simm.s32 $0x0  }
.LBB2_48:
.Ltmp53:
0x505: {  	(pc) =	sbr.rel .LBB2_50-.Ltmp53, $2  }
0x506: {  	_ =	sdelay $0x2  }
0x507: {  	s1 =	simm.s32 $0x2080;
	s21 =	simm.s32 $0x0  }
.LBB2_61:
.Ltmp54:
0x508: {  	(pc) =	sbr.rel .LBB2_63-.Ltmp54, $2  }
0x509: {  	_ =	sdelay $0x2  }
0x50a: {  	s1 =	simm.s32 $0x2080;
	s2 =	simm.s32 $0x0  }
.LBB2_71:
0x50b: {  	_ =	sfence.sel $0x180000  }
0x50c: {  	[bflag:$0x0] =	sbarrier.arrive $0xFFFF  }
0x50d: {  	_ =	strace $0x90000047  }
0x50e: {  	s0 =	stileid.u32;
	[bflag:$0x2] =	sbarrier.arrive $0xFFFF  }
0x50f: {  	p0 =	sne.s32 s0, $0x0;
	s0 =	rddreg [dreg:$0x3]  }
0x510: {  	s0 =	sadd.s32 @!p0 $0x100000, s0  }
0x511: {  	[sflag:s0] =	ssyncadd.tile.s32 @!p0 $0x1;
	_ =	shalt  }
.Lfunc_end2:
_tile_overlayer_lowered:
.L_overlay_start_2:
0x512: {  	(tag) =	ssettag $0x2  }
0x513: {  	s0 =	rddreg [dreg:$0x0];
	s2 =	stileid.u32  }
0x514: {  	s1 =	rddreg [dreg:$0x1];
	p0 =	sne.s32 s2, $0x0  }
0x515: {  	s3 =	rddreg [dreg:$0x2];
	[bflag:$0x3] =	sbarrier.arrive $0xFFFF;
	s2 =	simm.s32 @!p0 $0x1C06  }
0x516: {  	[timem:s3], [sflag:s2] =	dma.local @!p0 [hbm:s0], s1  }
0x517: {  	s0 =	simm.s32 @!p0 $0x6  }
0x518: {  	_ =	swait.ge @!p0 [sflag:s0], s1  }
0x519: {  	s1 =	ssub.s32 @!p0 $0x0, s1;
	[sflag:s0] =	ssyncset.done @!p0 $0x0  }
0x51a: {  	[sflag:s0] =	ssyncadd.s32 @!p0 s1  }
0x51b: {  	[bflag:$0x3] =	sbarrier.arrive $0xFFFF  }
0x51c: {  	_ =	shalt  }

</sc_bundles>
